<compile_context>
chip_gen: v7x
topology: tpu7x:2x2x1
jax: 0.10.2.dev20260603
libtpu: 0.0.44.dev20260713+nightly
codegen_flags: <defaults>
</compile_context>

<pallas_src>
import functools

import jax
import jax.numpy as jnp
from jax import lax
from jax.experimental import pallas as pl
from jax.experimental.pallas import tpu as pltpu
from jax.experimental.pallas import tpu_sc as plsc

N = 10000
E = 320000
D = 128
NEG = 0.2

NC, NS, L = 2, 16, 16
NW = NC * NS
EPW = E // NW
K = 80
NCH = EPW // K
NACC = 10240
NPT = NACC // NS
NLAST = N - (NS - 1) * NPT
NDEN = 10112
DLAST = NDEN - (NS - 1) * NPT


def _prep_body(feat_ref, wt_ref, b_ref, al_ref, ar_ref,
               z_ref, el_ref, er_ref, c_ref):
    z = jnp.dot(feat_ref[...], wt_ref[...],
                preferred_element_type=jnp.float32) + b_ref[...]
    z_ref[...] = z
    el = jnp.dot(z, al_ref[...], preferred_element_type=jnp.float32)
    er = jnp.dot(z, ar_ref[...], preferred_element_type=jnp.float32)
    el_ref[...] = el
    er_ref[...] = er
    c = jnp.maximum(jnp.max(el) + jnp.max(er), 0.0)
    c_ref[...] = jnp.full((1, L), 0.0) + c


def _edge_body(row_hbm, col_hbm, elf_hbm, erf_hbm, cvec_hbm, z_hbm,
               num_hbm, den_hbm,
               row_v, col_v, rowsc_v, w_v, el_v, er_v, c_v, rows_v,
               accum, dacc, semi, semz, sems):
    cid = lax.axis_index("c")
    sid = lax.axis_index("s")
    wid = sid * NC + cid

    pltpu.sync_copy(elf_hbm, el_v)
    pltpu.sync_copy(erf_hbm, er_v)
    pltpu.sync_copy(cvec_hbm, c_v)

    cvec = c_v[...]

    zv = cvec * 0.0

    def zrow_body(e, carry):
        for q in range(D // L):
            rows_v[1, e, pl.ds(q * L, L)] = zv
        return carry

    lax.fori_loop(0, K, zrow_body, 0)
    for t in range(K // L):
        w_v[0, pl.ds(t * L, L)] = zv
    for q in range(NPT // K):
        pltpu.sync_copy(rows_v.at[1], accum.at[pl.ds(sid * NPT + q * K, K)])
        pltpu.sync_copy(w_v.at[0], dacc.at[pl.ds(sid * NPT + q * K, K)])

    def logit(s):
        for t in range(K // L):
            ridx = row_v[s, pl.ds(t * L, L)]
            cidx = col_v[s, pl.ds(t * L, L)]
            x = plsc.load_gather(el_v, [ridx]) + plsc.load_gather(er_v, [cidx])
            a = jnp.maximum(x, x * NEG) - cvec
            w_v[s, pl.ds(t * L, L)] = jnp.exp(a)

    def scale(s):
        for t in range(K // L):
            rowsc_v[s, pl.ds(t * L, L)] = row_v[s, pl.ds(t * L, L)]

        def scale_body(i, c2):
            for u in range(4):
                e = i * 4 + u
                wsp = plsc.load_gather(
                    w_v,
                    [jnp.full((L,), s, jnp.int32), jnp.full((L,), e, jnp.int32)])
                for q in range(D // L):
                    rows_v[s, e, pl.ds(q * L, L)] = (
                        rows_v[s, e, pl.ds(q * L, L)] * wsp)
            return c2

        lax.fori_loop(0, K // 4, scale_body, 0)

    def scatter(s):
        pltpu.async_copy(rows_v.at[s], accum.at[rowsc_v.at[s]], sems, add=True)
        pltpu.async_copy(w_v.at[s], dacc.at[rowsc_v.at[s]], sems, add=True)

    def drain_scatter(s):
        pltpu.make_async_copy(z_hbm.at[pl.ds(0, K)], rows_v.at[s], sems).wait()
        pltpu.make_async_copy(elf_hbm.at[pl.ds(0, K)], w_v.at[s], sems).wait()

    def drain_idx(s):
        pltpu.make_async_copy(row_hbm.at[0], row_v.at[s], semi).wait()
        pltpu.make_async_copy(col_hbm.at[0], col_v.at[s], semi).wait()

    def drain_z(s):
        pltpu.make_async_copy(z_hbm.at[pl.ds(0, K)], rows_v.at[s], semz).wait()

    plsc.subcore_barrier()

    base = wid * NCH
    pltpu.sync_copy(row_hbm.at[base], row_v.at[0])
    pltpu.sync_copy(col_hbm.at[base], col_v.at[0])
    logit(0)
    pltpu.async_copy(z_hbm.at[col_v.at[0]], rows_v.at[0], semz)
    pltpu.async_copy(row_hbm.at[base + 1], row_v.at[1], semi)
    pltpu.async_copy(col_hbm.at[base + 1], col_v.at[1], semi)

    def pipe_body(i, carry):
        for b in range(2):
            j = 2 * i + b

            @pl.when(j > 0)
            def _():
                drain_scatter(1 - b)

            drain_idx(1 - b)
            pltpu.async_copy(z_hbm.at[col_v.at[1 - b]], rows_v.at[1 - b], semz)
            drain_z(b)
            scale(b)
            scatter(b)
            nxt = base + jnp.minimum(j + 2, NCH - 1)
            pltpu.async_copy(row_hbm.at[nxt], row_v.at[b], semi)
            pltpu.async_copy(col_hbm.at[nxt], col_v.at[b], semi)
            logit(1 - b)
        return carry

    lax.fori_loop(0, (NCH - 1) // 2, pipe_body, 0)

    drain_z(0)
    scale(0)
    drain_scatter(1)
    scatter(0)
    drain_idx(1)
    drain_scatter(0)

    plsc.subcore_barrier()

    @pl.when(sid < NS - 1)
    def _():
        pltpu.sync_copy(accum.at[pl.ds(sid * NPT, NPT)],
                        num_hbm.at[cid, pl.ds(sid * NPT, NPT)])
        pltpu.sync_copy(dacc.at[pl.ds(sid * NPT, NPT)],
                        den_hbm.at[cid, pl.ds(sid * NPT, NPT)])

    @pl.when(sid == NS - 1)
    def _():
        pltpu.sync_copy(accum.at[pl.ds((NS - 1) * NPT, NLAST)],
                        num_hbm.at[cid, pl.ds((NS - 1) * NPT, NLAST)])
        pltpu.sync_copy(dacc.at[pl.ds((NS - 1) * NPT, DLAST)],
                        den_hbm.at[cid, pl.ds((NS - 1) * NPT, DLAST)])


_edge_kernel = functools.partial(
    pl.kernel,
    out_type=[
        jax.ShapeDtypeStruct((NC, N, D), jnp.float32),
        jax.ShapeDtypeStruct((NC, NDEN), jnp.float32),
    ],
    mesh=plsc.VectorSubcoreMesh(core_axis_name="c", subcore_axis_name="s"),
    compiler_params=pltpu.CompilerParams(needs_layout_passes=False,
                                         use_tc_tiling_on_sc=False),
    scratch_types=[
        pltpu.VMEM((2, K), jnp.int32),
        pltpu.VMEM((2, K), jnp.int32),
        pltpu.VMEM((2, K), jnp.int32),
        pltpu.VMEM((2, K), jnp.float32),
        pltpu.VMEM((N,), jnp.float32),
        pltpu.VMEM((N,), jnp.float32),
        pltpu.VMEM((L,), jnp.float32),
        pltpu.VMEM((2, K, D), jnp.float32),
        pltpu.VMEM_SHARED((NACC, D), jnp.float32),
        pltpu.VMEM_SHARED((NACC,), jnp.float32),
        pltpu.SemaphoreType.DMA,
        pltpu.SemaphoreType.DMA,
        pltpu.SemaphoreType.DMA,
    ],
)(_edge_body)


def _combine_body(p_ref, d_ref, o_ref):
    num = p_ref[0] + p_ref[1]
    den = d_ref[0] + d_ref[1]
    o_ref[...] = jnp.where(den > 0.0, num / den, 0.0)


@jax.jit
def kernel(feat, row, col, W, b, a_l, a_r):
    z, el, er, c = pl.pallas_call(
        _prep_body,
        out_shape=[
            jax.ShapeDtypeStruct((N, D), jnp.float32),
            jax.ShapeDtypeStruct((N, 1), jnp.float32),
            jax.ShapeDtypeStruct((N, 1), jnp.float32),
            jax.ShapeDtypeStruct((1, L), jnp.float32),
        ],
    )(feat, W.T, b.reshape(1, D), a_l.reshape(D, 1), a_r.reshape(D, 1))

    row2 = row.reshape(NW * NCH, K)
    col2 = col.reshape(NW * NCH, K)

    num, den = _edge_kernel(row2, col2, el.reshape(N), er.reshape(N),
                            c.reshape(L), z)

    out = pl.pallas_call(
        _combine_body,
        out_shape=jax.ShapeDtypeStruct((N, D), jnp.float32),
    )(num, den[:, :N].reshape(NC, N, 1))
    return out

# --- scband reference (transcript-rebuilt; emitter-appended) ---
"""Pipeline reference for scband-gatconv-dg-nn-7370163880453 (READ-ONLY COPY).

The authoritative reference and input builder live on the scoring server;
editing this copy changes nothing except your own understanding.
"""

import jax, jax.numpy as jnp
import numpy as np

N = 10000
E = 320000
D = 128
H = 1
NEG_SLOPE = 0.2


def setup_inputs(seed: int = 0) -> dict:
    key = jax.random.key(seed)
    ks = jax.random.split(key, 6)
    feat = jax.random.normal(ks[0], (N, D), dtype=jnp.float32)
    row = jax.random.randint(ks[1], (E,), 0, N, dtype=jnp.int32)
    col = jax.random.randint(ks[2], (E,), 0, N, dtype=jnp.int32)
    # Linear W: in_size=128 -> out_size*num_heads=128 (xavier-normal-ish scale)
    gain = float(np.sqrt(2.0))
    std_w = gain * float(np.sqrt(2.0 / (D + D * H)))
    W = jax.random.normal(ks[3], (D * H, D), dtype=jnp.float32) * std_w
    b = jnp.zeros((D * H,), dtype=jnp.float32)
    std_a = gain * float(np.sqrt(2.0 / (1 + D * H)))
    a_l = jax.random.normal(ks[4], (1, D, H), dtype=jnp.float32) * std_a
    a_r = jax.random.normal(ks[5], (1, D, H), dtype=jnp.float32) * std_a
    return {"feat": feat, "row": row, "col": col, "W": W, "b": b, "a_l": a_l, "a_r": a_r}


def reference(feat, row, col, W, b, a_l, a_r):
    n = feat.shape[0]
    # Z = self.W(feat).view(N, out_size, num_heads)
    Z = (feat @ W.T + b).reshape(n, D, H)
    # per-node attention logits
    e_l = (Z * a_l).sum(axis=1)  # [N, H]
    e_r = (Z * a_r).sum(axis=1)  # [N, H]
    # per-edge logits, gathered at src(row)/dst(col)
    e = e_l[row] + e_r[col]      # [E, H]
    a = jax.nn.leaky_relu(e, negative_slope=NEG_SLOPE)
    # sparse softmax over each row of A (segment softmax keyed by row)
    m = jax.ops.segment_max(a, row, num_segments=n)
    a_exp = jnp.exp(a - m[row])
    s = jax.ops.segment_sum(a_exp, row, num_segments=n)
    attn = a_exp / s[row]
    # bspmm: out[i, :, h] = sum_{edges e: row[e]=i} attn[e, h] * Z[col[e], :, h]
    msg = Z[col] * attn[:, None, :]          # [E, D, H]
    out = jax.ops.segment_sum(msg, row, num_segments=n)  # [N, D, H]
    return out.reshape(n, -1)

if __name__ == "__main__":
    import jax
    _d = setup_inputs()
    print(jax.jit(kernel)(*tuple(_d.values())))

</pallas_src>

<mosaic_0001>
#map = affine_map<(d0, d1) -> (0, 0)>
#map1 = affine_map<(d0, d1) -> (0)>
#map2 = affine_map<(d0, d1) -> (0, 0, 0)>
module attributes {stable_mosaic.version = 14 : i64} {
  func.func @_edge_body(%arg0: i32, %arg1: i32, %arg2: memref<4000x80xi32, #tpu.memory_space<hbm>>, %arg3: memref<4000x80xi32, #tpu.memory_space<hbm>>, %arg4: memref<10000xf32, #tpu.memory_space<hbm>>, %arg5: memref<10000xf32, #tpu.memory_space<hbm>>, %arg6: memref<16xf32, #tpu.memory_space<hbm>>, %arg7: memref<10000x128xf32, #tpu.memory_space<hbm>>, %arg8: memref<2x10000x128xf32, #tpu.memory_space<hbm>>, %arg9: memref<2x10112xf32, #tpu.memory_space<hbm>>, %arg10: memref<2x80xi32, #tpu.memory_space<vmem>>, %arg11: memref<2x80xi32, #tpu.memory_space<vmem>>, %arg12: memref<2x80xi32, #tpu.memory_space<vmem>>, %arg13: memref<2x80xf32, #tpu.memory_space<vmem>>, %arg14: memref<10000xf32, #tpu.memory_space<vmem>>, %arg15: memref<10000xf32, #tpu.memory_space<vmem>>, %arg16: memref<16xf32, #tpu.memory_space<vmem>>, %arg17: memref<2x80x128xf32, #tpu.memory_space<vmem>>, %arg18: memref<10240x128xf32, #tpu.memory_space<vmem_shared>>, %arg19: memref<10240xf32, #tpu.memory_space<vmem_shared>>, %arg20: memref<!tpu.dma_semaphore, #tpu.memory_space<semaphore_mem>>, %arg21: memref<!tpu.dma_semaphore, #tpu.memory_space<semaphore_mem>>, %arg22: memref<!tpu.dma_semaphore, #tpu.memory_space<semaphore_mem>>) attributes {dimension_semantics = [#tpu.dimension_semantics<core_parallel>, #tpu.dimension_semantics<subcore_parallel>], iteration_bounds = array<i64: 2, 16>, scalar_prefetch = 0 : i64, scratch_operands = 13 : i64, tpu.core_type = #tpu.core_type<sc_vector_subcore>, window_params = [{transform_indices = #map}, {transform_indices = #map}, {transform_indices = #map1}, {transform_indices = #map1}, {transform_indices = #map1}, {transform_indices = #map}, {transform_indices = #map2}, {transform_indices = #map}]} {
    %mul3A = arith.constant 2 : i32
    %mul3A_0 = arith.muli %arg1, %mul3A : i32
    %add3A = arith.addi %mul3A_0, %arg0 : i32
    "tpu.region"() ({
      %run_scoped3A_429 = tpu.sem_alloc : memref<!tpu.dma_semaphore, #tpu.memory_space<semaphore_mem>>
      tpu.enqueue_dma source(%arg4 : memref<10000xf32, #tpu.memory_space<hbm>>) target(%arg14 : memref<10000xf32, #tpu.memory_space<vmem>>) target_semaphore(%run_scoped3A_429 : memref<!tpu.dma_semaphore, #tpu.memory_space<semaphore_mem>>)
      tpu.wait_dma2 semaphore(%run_scoped3A_429 : memref<!tpu.dma_semaphore, #tpu.memory_space<semaphore_mem>>) src(%arg4 : memref<10000xf32, #tpu.memory_space<hbm>>) dst(%arg14 : memref<10000xf32, #tpu.memory_space<vmem>>)
      tpu.yield
    }) : () -> ()
    "tpu.region"() ({
      %run_scoped3A_429 = tpu.sem_alloc : memref<!tpu.dma_semaphore, #tpu.memory_space<semaphore_mem>>
      tpu.enqueue_dma source(%arg5 : memref<10000xf32, #tpu.memory_space<hbm>>) target(%arg15 : memref<10000xf32, #tpu.memory_space<vmem>>) target_semaphore(%run_scoped3A_429 : memref<!tpu.dma_semaphore, #tpu.memory_space<semaphore_mem>>)
      tpu.wait_dma2 semaphore(%run_scoped3A_429 : memref<!tpu.dma_semaphore, #tpu.memory_space<semaphore_mem>>) src(%arg5 : memref<10000xf32, #tpu.memory_space<hbm>>) dst(%arg15 : memref<10000xf32, #tpu.memory_space<vmem>>)
      tpu.yield
    }) : () -> ()
    "tpu.region"() ({
      %run_scoped3A_429 = tpu.sem_alloc : memref<!tpu.dma_semaphore, #tpu.memory_space<semaphore_mem>>
      tpu.enqueue_dma source(%arg6 : memref<16xf32, #tpu.memory_space<hbm>>) target(%arg16 : memref<16xf32, #tpu.memory_space<vmem>>) target_semaphore(%run_scoped3A_429 : memref<!tpu.dma_semaphore, #tpu.memory_space<semaphore_mem>>)
      tpu.wait_dma2 semaphore(%run_scoped3A_429 : memref<!tpu.dma_semaphore, #tpu.memory_space<semaphore_mem>>) src(%arg6 : memref<16xf32, #tpu.memory_space<hbm>>) dst(%arg16 : memref<16xf32, #tpu.memory_space<vmem>>)
      tpu.yield
    }) : () -> ()
    %get3A = arith.constant 0 : index
    %get3A_1 = tpu.vector_load %arg16[%get3A] {strides = array<i32>} : memref<16xf32, #tpu.memory_space<vmem>>, vector<16xf32>,
    %mul3A_2 = arith.constant 0.000000e+00 : f32
    %mul3A_3 = vector.broadcast %mul3A_2 : f32 to vector<16xf32>
    %mul3A_4 = arith.mulf %get3A_1, %mul3A_3 : vector<16xf32>
    %scan3A = arith.constant 0 : i32
    %scan3A_5 = arith.constant 0 : i32
    %scan3A_6 = arith.constant 80 : i32
    %scan3A_7 = arith.addi %scan3A_5, %scan3A_6 : i32
    %scan3A_8 = arith.constant 1 : i32
    scf.for %scan3A_429 = %scan3A_5 to %scan3A_7 step %scan3A_8  : i32 {
      %swap3A_430 = arith.constant 1 : i32
      %swap3A_431 = arith.index_cast %swap3A_430 : i32 to index
      %swap3A_432 = arith.index_cast %scan3A_429 : i32 to index
      %swap3A_433 = arith.constant 0 : index
      %swap3A_434 = tpu.vector_load %arg17[%swap3A_431, %swap3A_432, %swap3A_433] {strides = array<i32>} : memref<2x80x128xf32, #tpu.memory_space<vmem>>, vector<16xf32>,
      tpu.vector_store %arg17[%swap3A_431, %swap3A_432, %swap3A_433], %mul3A_4 {strides = array<i32>} : memref<2x80x128xf32, #tpu.memory_space<vmem>>, vector<16xf32>,
      %swap3A_435 = arith.constant 1 : i32
      %swap3A_436 = arith.index_cast %swap3A_435 : i32 to index
      %swap3A_437 = arith.index_cast %scan3A_429 : i32 to index
      %swap3A_438 = arith.constant 16 : index
      %swap3A_439 = tpu.vector_load %arg17[%swap3A_436, %swap3A_437, %swap3A_438] {strides = array<i32>} : memref<2x80x128xf32, #tpu.memory_space<vmem>>, vector<16xf32>,
      tpu.vector_store %arg17[%swap3A_436, %swap3A_437, %swap3A_438], %mul3A_4 {strides = array<i32>} : memref<2x80x128xf32, #tpu.memory_space<vmem>>, vector<16xf32>,
      %swap3A_440 = arith.constant 1 : i32
      %swap3A_441 = arith.index_cast %swap3A_440 : i32 to index
      %swap3A_442 = arith.index_cast %scan3A_429 : i32 to index
      %swap3A_443 = arith.constant 32 : index
      %swap3A_444 = tpu.vector_load %arg17[%swap3A_441, %swap3A_442, %swap3A_443] {strides = array<i32>} : memref<2x80x128xf32, #tpu.memory_space<vmem>>, vector<16xf32>,
      tpu.vector_store %arg17[%swap3A_441, %swap3A_442, %swap3A_443], %mul3A_4 {strides = array<i32>} : memref<2x80x128xf32, #tpu.memory_space<vmem>>, vector<16xf32>,
      %swap3A_445 = arith.constant 1 : i32
      %swap3A_446 = arith.index_cast %swap3A_445 : i32 to index
      %swap3A_447 = arith.index_cast %scan3A_429 : i32 to index
      %swap3A_448 = arith.constant 48 : index
      %swap3A_449 = tpu.vector_load %arg17[%swap3A_446, %swap3A_447, %swap3A_448] {strides = array<i32>} : memref<2x80x128xf32, #tpu.memory_space<vmem>>, vector<16xf32>,
      tpu.vector_store %arg17[%swap3A_446, %swap3A_447, %swap3A_448], %mul3A_4 {strides = array<i32>} : memref<2x80x128xf32, #tpu.memory_space<vmem>>, vector<16xf32>,
      %swap3A_450 = arith.constant 1 : i32
      %swap3A_451 = arith.index_cast %swap3A_450 : i32 to index
      %swap3A_452 = arith.index_cast %scan3A_429 : i32 to index
      %swap3A_453 = arith.constant 64 : index
      %swap3A_454 = tpu.vector_load %arg17[%swap3A_451, %swap3A_452, %swap3A_453] {strides = array<i32>} : memref<2x80x128xf32, #tpu.memory_space<vmem>>, vector<16xf32>,
      tpu.vector_store %arg17[%swap3A_451, %swap3A_452, %swap3A_453], %mul3A_4 {strides = array<i32>} : memref<2x80x128xf32, #tpu.memory_space<vmem>>, vector<16xf32>,
      %swap3A_455 = arith.constant 1 : i32
      %swap3A_456 = arith.index_cast %swap3A_455 : i32 to index
      %swap3A_457 = arith.index_cast %scan3A_429 : i32 to index
      %swap3A_458 = arith.constant 80 : index
      %swap3A_459 = tpu.vector_load %arg17[%swap3A_456, %swap3A_457, %swap3A_458] {strides = array<i32>} : memref<2x80x128xf32, #tpu.memory_space<vmem>>, vector<16xf32>,
      tpu.vector_store %arg17[%swap3A_456, %swap3A_457, %swap3A_458], %mul3A_4 {strides = array<i32>} : memref<2x80x128xf32, #tpu.memory_space<vmem>>, vector<16xf32>,
      %swap3A_460 = arith.constant 1 : i32
      %swap3A_461 = arith.index_cast %swap3A_460 : i32 to index
      %swap3A_462 = arith.index_cast %scan3A_429 : i32 to index
      %swap3A_463 = arith.constant 96 : index
      %swap3A_464 = tpu.vector_load %arg17[%swap3A_461, %swap3A_462, %swap3A_463] {strides = array<i32>} : memref<2x80x128xf32, #tpu.memory_space<vmem>>, vector<16xf32>,
      tpu.vector_store %arg17[%swap3A_461, %swap3A_462, %swap3A_463], %mul3A_4 {strides = array<i32>} : memref<2x80x128xf32, #tpu.memory_space<vmem>>, vector<16xf32>,
      %swap3A_465 = arith.constant 1 : i32
      %swap3A_466 = arith.index_cast %swap3A_465 : i32 to index
      %swap3A_467 = arith.index_cast %scan3A_429 : i32 to index
      %swap3A_468 = arith.constant 112 : index
      %swap3A_469 = tpu.vector_load %arg17[%swap3A_466, %swap3A_467, %swap3A_468] {strides = array<i32>} : memref<2x80x128xf32, #tpu.memory_space<vmem>>, vector<16xf32>,
      tpu.vector_store %arg17[%swap3A_466, %swap3A_467, %swap3A_468], %mul3A_4 {strides = array<i32>} : memref<2x80x128xf32, #tpu.memory_space<vmem>>, vector<16xf32>,
    }
    %scan3A_9 = arith.constant 80 : i32
    %swap3A = arith.constant 0 : i32
    %swap3A_10 = arith.index_cast %swap3A : i32 to index
    %swap3A_11 = arith.constant 0 : index
    %swap3A_12 = tpu.vector_load %arg13[%swap3A_10, %swap3A_11] {strides = array<i32>} : memref<2x80xf32, #tpu.memory_space<vmem>>, vector<16xf32>,
    tpu.vector_store %arg13[%swap3A_10, %swap3A_11], %mul3A_4 {strides = array<i32>} : memref<2x80xf32, #tpu.memory_space<vmem>>, vector<16xf32>,
    %swap3A_13 = arith.constant 0 : i32
    %swap3A_14 = arith.index_cast %swap3A_13 : i32 to index
    %swap3A_15 = arith.constant 16 : index
    %swap3A_16 = tpu.vector_load %arg13[%swap3A_14, %swap3A_15] {strides = array<i32>} : memref<2x80xf32, #tpu.memory_space<vmem>>, vector<16xf32>,
    tpu.vector_store %arg13[%swap3A_14, %swap3A_15], %mul3A_4 {strides = array<i32>} : memref<2x80xf32, #tpu.memory_space<vmem>>, vector<16xf32>,
    %swap3A_17 = arith.constant 0 : i32
    %swap3A_18 = arith.index_cast %swap3A_17 : i32 to index
    %swap3A_19 = arith.constant 32 : index
    %swap3A_20 = tpu.vector_load %arg13[%swap3A_18, %swap3A_19] {strides = array<i32>} : memref<2x80xf32, #tpu.memory_space<vmem>>, vector<16xf32>,
    tpu.vector_store %arg13[%swap3A_18, %swap3A_19], %mul3A_4 {strides = array<i32>} : memref<2x80xf32, #tpu.memory_space<vmem>>, vector<16xf32>,
    %swap3A_21 = arith.constant 0 : i32
    %swap3A_22 = arith.index_cast %swap3A_21 : i32 to index
    %swap3A_23 = arith.constant 48 : index
    %swap3A_24 = tpu.vector_load %arg13[%swap3A_22, %swap3A_23] {strides = array<i32>} : memref<2x80xf32, #tpu.memory_space<vmem>>, vector<16xf32>,
    tpu.vector_store %arg13[%swap3A_22, %swap3A_23], %mul3A_4 {strides = array<i32>} : memref<2x80xf32, #tpu.memory_space<vmem>>, vector<16xf32>,
    %swap3A_25 = arith.constant 0 : i32
    %swap3A_26 = arith.index_cast %swap3A_25 : i32 to index
    %swap3A_27 = arith.constant 64 : index
    %swap3A_28 = tpu.vector_load %arg13[%swap3A_26, %swap3A_27] {strides = array<i32>} : memref<2x80xf32, #tpu.memory_space<vmem>>, vector<16xf32>,
    tpu.vector_store %arg13[%swap3A_26, %swap3A_27], %mul3A_4 {strides = array<i32>} : memref<2x80xf32, #tpu.memory_space<vmem>>, vector<16xf32>,
    %mul3A_29 = arith.constant 640 : i32
    %mul3A_30 = arith.muli %arg1, %mul3A_29 : i32
    %add3A_31 = arith.constant 0 : i32
    %add3A_32 = arith.addi %mul3A_30, %add3A_31 : i32
    %run_scoped3A = arith.constant 1 : i32
    "tpu.region"() ({
      %run_scoped3A_429 = tpu.sem_alloc : memref<!tpu.dma_semaphore, #tpu.memory_space<semaphore_mem>>
      %dma_start3A_430 = arith.constant 0 : i32
      %dma_start3A_431 = arith.constant 0 : i32
      %dma_start3A_432 = tpu.memref_slice %arg17[%run_scoped3A, %dma_start3A_430, %dma_start3A_431] : memref<2x80x128xf32, #tpu.memory_space<vmem>> -> memref<1x80x128xf32, #tpu.memory_space<vmem>>
      %dma_start3A_433 = tpu.memref_squeeze %dma_start3A_432 : memref<1x80x128xf32, #tpu.memory_space<vmem>> -> memref<80x128xf32, #tpu.memory_space<vmem>>
      %dma_start3A_434 = arith.constant 0 : i32
      %dma_start3A_435 = tpu.memref_slice %arg18[%add3A_32, %dma_start3A_434] : memref<10240x128xf32, #tpu.memory_space<vmem_shared>> -> memref<80x128xf32, #tpu.memory_space<vmem_shared>>
      %dma_start3A_436 = arith.constant 0 : i32
      %dma_start3A_437 = tpu.memref_slice %arg18[%add3A_32, %dma_start3A_436] : memref<10240x128xf32, #tpu.memory_space<vmem_shared>> -> memref<80x128xf32, #tpu.memory_space<vmem_shared>>
      %dma_start3A_438 = arith.constant 0 : i32
      %dma_start3A_439 = arith.constant 0 : i32
      %dma_start3A_440 = tpu.memref_slice %arg17[%run_scoped3A, %dma_start3A_438, %dma_start3A_439] : memref<2x80x128xf32, #tpu.memory_space<vmem>> -> memref<1x80x128xf32, #tpu.memory_space<vmem>>
      %dma_start3A_441 = tpu.memref_squeeze %dma_start3A_440 : memref<1x80x128xf32, #tpu.memory_space<vmem>> -> memref<80x128xf32, #tpu.memory_space<vmem>>
      tpu.enqueue_dma source(%dma_start3A_441 : memref<80x128xf32, #tpu.memory_space<vmem>>) target(%dma_start3A_437 : memref<80x128xf32, #tpu.memory_space<vmem_shared>>) target_semaphore(%run_scoped3A_429 : memref<!tpu.dma_semaphore, #tpu.memory_space<semaphore_mem>>)
      %dma_wait3A_442 = arith.constant 0 : i32
      %dma_wait3A_443 = arith.constant 0 : i32
      %dma_wait3A_444 = tpu.memref_slice %arg17[%run_scoped3A, %dma_wait3A_442, %dma_wait3A_443] : memref<2x80x128xf32, #tpu.memory_space<vmem>> -> memref<1x80x128xf32, #tpu.memory_space<vmem>>
      %dma_wait3A_445 = tpu.memref_squeeze %dma_wait3A_444 : memref<1x80x128xf32, #tpu.memory_space<vmem>> -> memref<80x128xf32, #tpu.memory_space<vmem>>
      %dma_wait3A_446 = arith.constant 0 : i32
      %dma_wait3A_447 = tpu.memref_slice %arg18[%add3A_32, %dma_wait3A_446] : memref<10240x128xf32, #tpu.memory_space<vmem_shared>> -> memref<80x128xf32, #tpu.memory_space<vmem_shared>>
      %dma_wait3A_448 = arith.constant 0 : i32
      %dma_wait3A_449 = tpu.memref_slice %arg18[%add3A_32, %dma_wait3A_448] : memref<10240x128xf32, #tpu.memory_space<vmem_shared>> -> memref<80x128xf32, #tpu.memory_space<vmem_shared>>
      %dma_wait3A_450 = arith.constant 0 : i32
      %dma_wait3A_451 = arith.constant 0 : i32
      %dma_wait3A_452 = tpu.memref_slice %arg17[%run_scoped3A, %dma_wait3A_450, %dma_wait3A_451] : memref<2x80x128xf32, #tpu.memory_space<vmem>> -> memref<1x80x128xf32, #tpu.memory_space<vmem>>
      %dma_wait3A_453 = tpu.memref_squeeze %dma_wait3A_452 : memref<1x80x128xf32, #tpu.memory_space<vmem>> -> memref<80x128xf32, #tpu.memory_space<vmem>>
      tpu.wait_dma2 semaphore(%run_scoped3A_429 : memref<!tpu.dma_semaphore, #tpu.memory_space<semaphore_mem>>) src(%dma_wait3A_453 : memref<80x128xf32, #tpu.memory_space<vmem>>) dst(%dma_wait3A_449 : memref<80x128xf32, #tpu.memory_space<vmem_shared>>)
      tpu.yield
    }) : () -> ()
    %mul3A_33 = arith.constant 640 : i32
    %mul3A_34 = arith.muli %arg1, %mul3A_33 : i32
    %add3A_35 = arith.constant 0 : i32
    %add3A_36 = arith.addi %mul3A_34, %add3A_35 : i32
    %run_scoped3A_37 = arith.constant 0 : i32
    "tpu.region"() ({
      %run_scoped3A_429 = tpu.sem_alloc : memref<!tpu.dma_semaphore, #tpu.memory_space<semaphore_mem>>
      %dma_start3A_430 = arith.constant 0 : i32
      %dma_start3A_431 = tpu.memref_slice %arg13[%run_scoped3A_37, %dma_start3A_430] : memref<2x80xf32, #tpu.memory_space<vmem>> -> memref<1x80xf32, #tpu.memory_space<vmem>>
      %dma_start3A_432 = tpu.memref_squeeze %dma_start3A_431 : memref<1x80xf32, #tpu.memory_space<vmem>> -> memref<80xf32, #tpu.memory_space<vmem>>
      %dma_start3A_433 = tpu.memref_slice %arg19[%add3A_36] : memref<10240xf32, #tpu.memory_space<vmem_shared>> -> memref<80xf32, #tpu.memory_space<vmem_shared>>
      %dma_start3A_434 = tpu.memref_slice %arg19[%add3A_36] : memref<10240xf32, #tpu.memory_space<vmem_shared>> -> memref<80xf32, #tpu.memory_space<vmem_shared>>
      %dma_start3A_435 = arith.constant 0 : i32
      %dma_start3A_436 = tpu.memref_slice %arg13[%run_scoped3A_37, %dma_start3A_435] : memref<2x80xf32, #tpu.memory_space<vmem>> -> memref<1x80xf32, #tpu.memory_space<vmem>>
      %dma_start3A_437 = tpu.memref_squeeze %dma_start3A_436 : memref<1x80xf32, #tpu.memory_space<vmem>> -> memref<80xf32, #tpu.memory_space<vmem>>
      tpu.enqueue_dma source(%dma_start3A_437 : memref<80xf32, #tpu.memory_space<vmem>>) target(%dma_start3A_434 : memref<80xf32, #tpu.memory_space<vmem_shared>>) target_semaphore(%run_scoped3A_429 : memref<!tpu.dma_semaphore, #tpu.memory_space<semaphore_mem>>)
      %dma_wait3A_438 = arith.constant 0 : i32
      %dma_wait3A_439 = tpu.memref_slice %arg13[%run_scoped3A_37, %dma_wait3A_438] : memref<2x80xf32, #tpu.memory_space<vmem>> -> memref<1x80xf32, #tpu.memory_space<vmem>>
      %dma_wait3A_440 = tpu.memref_squeeze %dma_wait3A_439 : memref<1x80xf32, #tpu.memory_space<vmem>> -> memref<80xf32, #tpu.memory_space<vmem>>
      %dma_wait3A_441 = tpu.memref_slice %arg19[%add3A_36] : memref<10240xf32, #tpu.memory_space<vmem_shared>> -> memref<80xf32, #tpu.memory_space<vmem_shared>>
      %dma_wait3A_442 = tpu.memref_slice %arg19[%add3A_36] : memref<10240xf32, #tpu.memory_space<vmem_shared>> -> memref<80xf32, #tpu.memory_space<vmem_shared>>
      %dma_wait3A_443 = arith.constant 0 : i32
      %dma_wait3A_444 = tpu.memref_slice %arg13[%run_scoped3A_37, %dma_wait3A_443] : memref<2x80xf32, #tpu.memory_space<vmem>> -> memref<1x80xf32, #tpu.memory_space<vmem>>
      %dma_wait3A_445 = tpu.memref_squeeze %dma_wait3A_444 : memref<1x80xf32, #tpu.memory_space<vmem>> -> memref<80xf32, #tpu.memory_space<vmem>>
      tpu.wait_dma2 semaphore(%run_scoped3A_429 : memref<!tpu.dma_semaphore, #tpu.memory_space<semaphore_mem>>) src(%dma_wait3A_445 : memref<80xf32, #tpu.memory_space<vmem>>) dst(%dma_wait3A_442 : memref<80xf32, #tpu.memory_space<vmem_shared>>)
      tpu.yield
    }) : () -> ()
    %mul3A_38 = arith.constant 640 : i32
    %mul3A_39 = arith.muli %arg1, %mul3A_38 : i32
    %add3A_40 = arith.constant 80 : i32
    %add3A_41 = arith.addi %mul3A_39, %add3A_40 : i32
    %run_scoped3A_42 = arith.constant 1 : i32
    "tpu.region"() ({
      %run_scoped3A_429 = tpu.sem_alloc : memref<!tpu.dma_semaphore, #tpu.memory_space<semaphore_mem>>
      %dma_start3A_430 = arith.constant 0 : i32
      %dma_start3A_431 = arith.constant 0 : i32
      %dma_start3A_432 = tpu.memref_slice %arg17[%run_scoped3A_42, %dma_start3A_430, %dma_start3A_431] : memref<2x80x128xf32, #tpu.memory_space<vmem>> -> memref<1x80x128xf32, #tpu.memory_space<vmem>>
      %dma_start3A_433 = tpu.memref_squeeze %dma_start3A_432 : memref<1x80x128xf32, #tpu.memory_space<vmem>> -> memref<80x128xf32, #tpu.memory_space<vmem>>
      %dma_start3A_434 = arith.constant 0 : i32
      %dma_start3A_435 = tpu.memref_slice %arg18[%add3A_41, %dma_start3A_434] : memref<10240x128xf32, #tpu.memory_space<vmem_shared>> -> memref<80x128xf32, #tpu.memory_space<vmem_shared>>
      %dma_start3A_436 = arith.constant 0 : i32
      %dma_start3A_437 = tpu.memref_slice %arg18[%add3A_41, %dma_start3A_436] : memref<10240x128xf32, #tpu.memory_space<vmem_shared>> -> memref<80x128xf32, #tpu.memory_space<vmem_shared>>
      %dma_start3A_438 = arith.constant 0 : i32
      %dma_start3A_439 = arith.constant 0 : i32
      %dma_start3A_440 = tpu.memref_slice %arg17[%run_scoped3A_42, %dma_start3A_438, %dma_start3A_439] : memref<2x80x128xf32, #tpu.memory_space<vmem>> -> memref<1x80x128xf32, #tpu.memory_space<vmem>>
      %dma_start3A_441 = tpu.memref_squeeze %dma_start3A_440 : memref<1x80x128xf32, #tpu.memory_space<vmem>> -> memref<80x128xf32, #tpu.memory_space<vmem>>
      tpu.enqueue_dma source(%dma_start3A_441 : memref<80x128xf32, #tpu.memory_space<vmem>>) target(%dma_start3A_437 : memref<80x128xf32, #tpu.memory_space<vmem_shared>>) target_semaphore(%run_scoped3A_429 : memref<!tpu.dma_semaphore, #tpu.memory_space<semaphore_mem>>)
      %dma_wait3A_442 = arith.constant 0 : i32
      %dma_wait3A_443 = arith.constant 0 : i32
      %dma_wait3A_444 = tpu.memref_slice %arg17[%run_scoped3A_42, %dma_wait3A_442, %dma_wait3A_443] : memref<2x80x128xf32, #tpu.memory_space<vmem>> -> memref<1x80x128xf32, #tpu.memory_space<vmem>>
      %dma_wait3A_445 = tpu.memref_squeeze %dma_wait3A_444 : memref<1x80x128xf32, #tpu.memory_space<vmem>> -> memref<80x128xf32, #tpu.memory_space<vmem>>
      %dma_wait3A_446 = arith.constant 0 : i32
      %dma_wait3A_447 = tpu.memref_slice %arg18[%add3A_41, %dma_wait3A_446] : memref<10240x128xf32, #tpu.memory_space<vmem_shared>> -> memref<80x128xf32, #tpu.memory_space<vmem_shared>>
      %dma_wait3A_448 = arith.constant 0 : i32
      %dma_wait3A_449 = tpu.memref_slice %arg18[%add3A_41, %dma_wait3A_448] : memref<10240x128xf32, #tpu.memory_space<vmem_shared>> -> memref<80x128xf32, #tpu.memory_space<vmem_shared>>
      %dma_wait3A_450 = arith.constant 0 : i32
      %dma_wait3A_451 = arith.constant 0 : i32
      %dma_wait3A_452 = tpu.memref_slice %arg17[%run_scoped3A_42, %dma_wait3A_450, %dma_wait3A_451] : memref<2x80x128xf32, #tpu.memory_space<vmem>> -> memref<1x80x128xf32, #tpu.memory_space<vmem>>
      %dma_wait3A_453 = tpu.memref_squeeze %dma_wait3A_452 : memref<1x80x128xf32, #tpu.memory_space<vmem>> -> memref<80x128xf32, #tpu.memory_space<vmem>>
      tpu.wait_dma2 semaphore(%run_scoped3A_429 : memref<!tpu.dma_semaphore, #tpu.memory_space<semaphore_mem>>) src(%dma_wait3A_453 : memref<80x128xf32, #tpu.memory_space<vmem>>) dst(%dma_wait3A_449 : memref<80x128xf32, #tpu.memory_space<vmem_shared>>)
      tpu.yield
    }) : () -> ()
    %mul3A_43 = arith.constant 640 : i32
    %mul3A_44 = arith.muli %arg1, %mul3A_43 : i32
    %add3A_45 = arith.constant 80 : i32
    %add3A_46 = arith.addi %mul3A_44, %add3A_45 : i32
    %run_scoped3A_47 = arith.constant 0 : i32
    "tpu.region"() ({
      %run_scoped3A_429 = tpu.sem_alloc : memref<!tpu.dma_semaphore, #tpu.memory_space<semaphore_mem>>
      %dma_start3A_430 = arith.constant 0 : i32
      %dma_start3A_431 = tpu.memref_slice %arg13[%run_scoped3A_47, %dma_start3A_430] : memref<2x80xf32, #tpu.memory_space<vmem>> -> memref<1x80xf32, #tpu.memory_space<vmem>>
      %dma_start3A_432 = tpu.memref_squeeze %dma_start3A_431 : memref<1x80xf32, #tpu.memory_space<vmem>> -> memref<80xf32, #tpu.memory_space<vmem>>
      %dma_start3A_433 = tpu.memref_slice %arg19[%add3A_46] : memref<10240xf32, #tpu.memory_space<vmem_shared>> -> memref<80xf32, #tpu.memory_space<vmem_shared>>
      %dma_start3A_434 = tpu.memref_slice %arg19[%add3A_46] : memref<10240xf32, #tpu.memory_space<vmem_shared>> -> memref<80xf32, #tpu.memory_space<vmem_shared>>
      %dma_start3A_435 = arith.constant 0 : i32
      %dma_start3A_436 = tpu.memref_slice %arg13[%run_scoped3A_47, %dma_start3A_435] : memref<2x80xf32, #tpu.memory_space<vmem>> -> memref<1x80xf32, #tpu.memory_space<vmem>>
      %dma_start3A_437 = tpu.memref_squeeze %dma_start3A_436 : memref<1x80xf32, #tpu.memory_space<vmem>> -> memref<80xf32, #tpu.memory_space<vmem>>
      tpu.enqueue_dma source(%dma_start3A_437 : memref<80xf32, #tpu.memory_space<vmem>>) target(%dma_start3A_434 : memref<80xf32, #tpu.memory_space<vmem_shared>>) target_semaphore(%run_scoped3A_429 : memref<!tpu.dma_semaphore, #tpu.memory_space<semaphore_mem>>)
      %dma_wait3A_438 = arith.constant 0 : i32
      %dma_wait3A_439 = tpu.memref_slice %arg13[%run_scoped3A_47, %dma_wait3A_438] : memref<2x80xf32, #tpu.memory_space<vmem>> -> memref<1x80xf32, #tpu.memory_space<vmem>>
      %dma_wait3A_440 = tpu.memref_squeeze %dma_wait3A_439 : memref<1x80xf32, #tpu.memory_space<vmem>> -> memref<80xf32, #tpu.memory_space<vmem>>
      %dma_wait3A_441 = tpu.memref_slice %arg19[%add3A_46] : memref<10240xf32, #tpu.memory_space<vmem_shared>> -> memref<80xf32, #tpu.memory_space<vmem_shared>>
      %dma_wait3A_442 = tpu.memref_slice %arg19[%add3A_46] : memref<10240xf32, #tpu.memory_space<vmem_shared>> -> memref<80xf32, #tpu.memory_space<vmem_shared>>
      %dma_wait3A_443 = arith.constant 0 : i32
      %dma_wait3A_444 = tpu.memref_slice %arg13[%run_scoped3A_47, %dma_wait3A_443] : memref<2x80xf32, #tpu.memory_space<vmem>> -> memref<1x80xf32, #tpu.memory_space<vmem>>
      %dma_wait3A_445 = tpu.memref_squeeze %dma_wait3A_444 : memref<1x80xf32, #tpu.memory_space<vmem>> -> memref<80xf32, #tpu.memory_space<vmem>>
      tpu.wait_dma2 semaphore(%run_scoped3A_429 : memref<!tpu.dma_semaphore, #tpu.memory_space<semaphore_mem>>) src(%dma_wait3A_445 : memref<80xf32, #tpu.memory_space<vmem>>) dst(%dma_wait3A_442 : memref<80xf32, #tpu.memory_space<vmem_shared>>)
      tpu.yield
    }) : () -> ()
    %mul3A_48 = arith.constant 640 : i32
    %mul3A_49 = arith.muli %arg1, %mul3A_48 : i32
    %add3A_50 = arith.constant 160 : i32
    %add3A_51 = arith.addi %mul3A_49, %add3A_50 : i32
    %run_scoped3A_52 = arith.constant 1 : i32
    "tpu.region"() ({
      %run_scoped3A_429 = tpu.sem_alloc : memref<!tpu.dma_semaphore, #tpu.memory_space<semaphore_mem>>
      %dma_start3A_430 = arith.constant 0 : i32
      %dma_start3A_431 = arith.constant 0 : i32
      %dma_start3A_432 = tpu.memref_slice %arg17[%run_scoped3A_52, %dma_start3A_430, %dma_start3A_431] : memref<2x80x128xf32, #tpu.memory_space<vmem>> -> memref<1x80x128xf32, #tpu.memory_space<vmem>>
      %dma_start3A_433 = tpu.memref_squeeze %dma_start3A_432 : memref<1x80x128xf32, #tpu.memory_space<vmem>> -> memref<80x128xf32, #tpu.memory_space<vmem>>
      %dma_start3A_434 = arith.constant 0 : i32
      %dma_start3A_435 = tpu.memref_slice %arg18[%add3A_51, %dma_start3A_434] : memref<10240x128xf32, #tpu.memory_space<vmem_shared>> -> memref<80x128xf32, #tpu.memory_space<vmem_shared>>
      %dma_start3A_436 = arith.constant 0 : i32
      %dma_start3A_437 = tpu.memref_slice %arg18[%add3A_51, %dma_start3A_436] : memref<10240x128xf32, #tpu.memory_space<vmem_shared>> -> memref<80x128xf32, #tpu.memory_space<vmem_shared>>
      %dma_start3A_438 = arith.constant 0 : i32
      %dma_start3A_439 = arith.constant 0 : i32
      %dma_start3A_440 = tpu.memref_slice %arg17[%run_scoped3A_52, %dma_start3A_438, %dma_start3A_439] : memref<2x80x128xf32, #tpu.memory_space<vmem>> -> memref<1x80x128xf32, #tpu.memory_space<vmem>>
      %dma_start3A_441 = tpu.memref_squeeze %dma_start3A_440 : memref<1x80x128xf32, #tpu.memory_space<vmem>> -> memref<80x128xf32, #tpu.memory_space<vmem>>
      tpu.enqueue_dma source(%dma_start3A_441 : memref<80x128xf32, #tpu.memory_space<vmem>>) target(%dma_start3A_437 : memref<80x128xf32, #tpu.memory_space<vmem_shared>>) target_semaphore(%run_scoped3A_429 : memref<!tpu.dma_semaphore, #tpu.memory_space<semaphore_mem>>)
      %dma_wait3A_442 = arith.constant 0 : i32
      %dma_wait3A_443 = arith.constant 0 : i32
      %dma_wait3A_444 = tpu.memref_slice %arg17[%run_scoped3A_52, %dma_wait3A_442, %dma_wait3A_443] : memref<2x80x128xf32, #tpu.memory_space<vmem>> -> memref<1x80x128xf32, #tpu.memory_space<vmem>>
      %dma_wait3A_445 = tpu.memref_squeeze %dma_wait3A_444 : memref<1x80x128xf32, #tpu.memory_space<vmem>> -> memref<80x128xf32, #tpu.memory_space<vmem>>
      %dma_wait3A_446 = arith.constant 0 : i32
      %dma_wait3A_447 = tpu.memref_slice %arg18[%add3A_51, %dma_wait3A_446] : memref<10240x128xf32, #tpu.memory_space<vmem_shared>> -> memref<80x128xf32, #tpu.memory_space<vmem_shared>>
      %dma_wait3A_448 = arith.constant 0 : i32
      %dma_wait3A_449 = tpu.memref_slice %arg18[%add3A_51, %dma_wait3A_448] : memref<10240x128xf32, #tpu.memory_space<vmem_shared>> -> memref<80x128xf32, #tpu.memory_space<vmem_shared>>
      %dma_wait3A_450 = arith.constant 0 : i32
      %dma_wait3A_451 = arith.constant 0 : i32
      %dma_wait3A_452 = tpu.memref_slice %arg17[%run_scoped3A_52, %dma_wait3A_450, %dma_wait3A_451] : memref<2x80x128xf32, #tpu.memory_space<vmem>> -> memref<1x80x128xf32, #tpu.memory_space<vmem>>
      %dma_wait3A_453 = tpu.memref_squeeze %dma_wait3A_452 : memref<1x80x128xf32, #tpu.memory_space<vmem>> -> memref<80x128xf32, #tpu.memory_space<vmem>>
      tpu.wait_dma2 semaphore(%run_scoped3A_429 : memref<!tpu.dma_semaphore, #tpu.memory_space<semaphore_mem>>) src(%dma_wait3A_453 : memref<80x128xf32, #tpu.memory_space<vmem>>) dst(%dma_wait3A_449 : memref<80x128xf32, #tpu.memory_space<vmem_shared>>)
      tpu.yield
    }) : () -> ()
    %mul3A_53 = arith.constant 640 : i32
    %mul3A_54 = arith.muli %arg1, %mul3A_53 : i32
    %add3A_55 = arith.constant 160 : i32
    %add3A_56 = arith.addi %mul3A_54, %add3A_55 : i32
    %run_scoped3A_57 = arith.constant 0 : i32
    "tpu.region"() ({
      %run_scoped3A_429 = tpu.sem_alloc : memref<!tpu.dma_semaphore, #tpu.memory_space<semaphore_mem>>
      %dma_start3A_430 = arith.constant 0 : i32
      %dma_start3A_431 = tpu.memref_slice %arg13[%run_scoped3A_57, %dma_start3A_430] : memref<2x80xf32, #tpu.memory_space<vmem>> -> memref<1x80xf32, #tpu.memory_space<vmem>>
      %dma_start3A_432 = tpu.memref_squeeze %dma_start3A_431 : memref<1x80xf32, #tpu.memory_space<vmem>> -> memref<80xf32, #tpu.memory_space<vmem>>
      %dma_start3A_433 = tpu.memref_slice %arg19[%add3A_56] : memref<10240xf32, #tpu.memory_space<vmem_shared>> -> memref<80xf32, #tpu.memory_space<vmem_shared>>
      %dma_start3A_434 = tpu.memref_slice %arg19[%add3A_56] : memref<10240xf32, #tpu.memory_space<vmem_shared>> -> memref<80xf32, #tpu.memory_space<vmem_shared>>
      %dma_start3A_435 = arith.constant 0 : i32
      %dma_start3A_436 = tpu.memref_slice %arg13[%run_scoped3A_57, %dma_start3A_435] : memref<2x80xf32, #tpu.memory_space<vmem>> -> memref<1x80xf32, #tpu.memory_space<vmem>>
      %dma_start3A_437 = tpu.memref_squeeze %dma_start3A_436 : memref<1x80xf32, #tpu.memory_space<vmem>> -> memref<80xf32, #tpu.memory_space<vmem>>
      tpu.enqueue_dma source(%dma_start3A_437 : memref<80xf32, #tpu.memory_space<vmem>>) target(%dma_start3A_434 : memref<80xf32, #tpu.memory_space<vmem_shared>>) target_semaphore(%run_scoped3A_429 : memref<!tpu.dma_semaphore, #tpu.memory_space<semaphore_mem>>)
      %dma_wait3A_438 = arith.constant 0 : i32
      %dma_wait3A_439 = tpu.memref_slice %arg13[%run_scoped3A_57, %dma_wait3A_438] : memref<2x80xf32, #tpu.memory_space<vmem>> -> memref<1x80xf32, #tpu.memory_space<vmem>>
      %dma_wait3A_440 = tpu.memref_squeeze %dma_wait3A_439 : memref<1x80xf32, #tpu.memory_space<vmem>> -> memref<80xf32, #tpu.memory_space<vmem>>
      %dma_wait3A_441 = tpu.memref_slice %arg19[%add3A_56] : memref<10240xf32, #tpu.memory_space<vmem_shared>> -> memref<80xf32, #tpu.memory_space<vmem_shared>>
      %dma_wait3A_442 = tpu.memref_slice %arg19[%add3A_56] : memref<10240xf32, #tpu.memory_space<vmem_shared>> -> memref<80xf32, #tpu.memory_space<vmem_shared>>
      %dma_wait3A_443 = arith.constant 0 : i32
      %dma_wait3A_444 = tpu.memref_slice %arg13[%run_scoped3A_57, %dma_wait3A_443] : memref<2x80xf32, #tpu.memory_space<vmem>> -> memref<1x80xf32, #tpu.memory_space<vmem>>
      %dma_wait3A_445 = tpu.memref_squeeze %dma_wait3A_444 : memref<1x80xf32, #tpu.memory_space<vmem>> -> memref<80xf32, #tpu.memory_space<vmem>>
      tpu.wait_dma2 semaphore(%run_scoped3A_429 : memref<!tpu.dma_semaphore, #tpu.memory_space<semaphore_mem>>) src(%dma_wait3A_445 : memref<80xf32, #tpu.memory_space<vmem>>) dst(%dma_wait3A_442 : memref<80xf32, #tpu.memory_space<vmem_shared>>)
      tpu.yield
    }) : () -> ()
    %mul3A_58 = arith.constant 640 : i32
    %mul3A_59 = arith.muli %arg1, %mul3A_58 : i32
    %add3A_60 = arith.constant 240 : i32
    %add3A_61 = arith.addi %mul3A_59, %add3A_60 : i32
    %run_scoped3A_62 = arith.constant 1 : i32
    "tpu.region"() ({
      %run_scoped3A_429 = tpu.sem_alloc : memref<!tpu.dma_semaphore, #tpu.memory_space<semaphore_mem>>
      %dma_start3A_430 = arith.constant 0 : i32
      %dma_start3A_431 = arith.constant 0 : i32
      %dma_start3A_432 = tpu.memref_slice %arg17[%run_scoped3A_62, %dma_start3A_430, %dma_start3A_431] : memref<2x80x128xf32, #tpu.memory_space<vmem>> -> memref<1x80x128xf32, #tpu.memory_space<vmem>>
      %dma_start3A_433 = tpu.memref_squeeze %dma_start3A_432 : memref<1x80x128xf32, #tpu.memory_space<vmem>> -> memref<80x128xf32, #tpu.memory_space<vmem>>
      %dma_start3A_434 = arith.constant 0 : i32
      %dma_start3A_435 = tpu.memref_slice %arg18[%add3A_61, %dma_start3A_434] : memref<10240x128xf32, #tpu.memory_space<vmem_shared>> -> memref<80x128xf32, #tpu.memory_space<vmem_shared>>
      %dma_start3A_436 = arith.constant 0 : i32
      %dma_start3A_437 = tpu.memref_slice %arg18[%add3A_61, %dma_start3A_436] : memref<10240x128xf32, #tpu.memory_space<vmem_shared>> -> memref<80x128xf32, #tpu.memory_space<vmem_shared>>
      %dma_start3A_438 = arith.constant 0 : i32
      %dma_start3A_439 = arith.constant 0 : i32
      %dma_start3A_440 = tpu.memref_slice %arg17[%run_scoped3A_62, %dma_start3A_438, %dma_start3A_439] : memref<2x80x128xf32, #tpu.memory_space<vmem>> -> memref<1x80x128xf32, #tpu.memory_space<vmem>>
      %dma_start3A_441 = tpu.memref_squeeze %dma_start3A_440 : memref<1x80x128xf32, #tpu.memory_space<vmem>> -> memref<80x128xf32, #tpu.memory_space<vmem>>
      tpu.enqueue_dma source(%dma_start3A_441 : memref<80x128xf32, #tpu.memory_space<vmem>>) target(%dma_start3A_437 : memref<80x128xf32, #tpu.memory_space<vmem_shared>>) target_semaphore(%run_scoped3A_429 : memref<!tpu.dma_semaphore, #tpu.memory_space<semaphore_mem>>)
      %dma_wait3A_442 = arith.constant 0 : i32
      %dma_wait3A_443 = arith.constant 0 : i32
      %dma_wait3A_444 = tpu.memref_slice %arg17[%run_scoped3A_62, %dma_wait3A_442, %dma_wait3A_443] : memref<2x80x128xf32, #tpu.memory_space<vmem>> -> memref<1x80x128xf32, #tpu.memory_space<vmem>>
      %dma_wait3A_445 = tpu.memref_squeeze %dma_wait3A_444 : memref<1x80x128xf32, #tpu.memory_space<vmem>> -> memref<80x128xf32, #tpu.memory_space<vmem>>
      %dma_wait3A_446 = arith.constant 0 : i32
      %dma_wait3A_447 = tpu.memref_slice %arg18[%add3A_61, %dma_wait3A_446] : memref<10240x128xf32, #tpu.memory_space<vmem_shared>> -> memref<80x128xf32, #tpu.memory_space<vmem_shared>>
      %dma_wait3A_448 = arith.constant 0 : i32
      %dma_wait3A_449 = tpu.memref_slice %arg18[%add3A_61, %dma_wait3A_448] : memref<10240x128xf32, #tpu.memory_space<vmem_shared>> -> memref<80x128xf32, #tpu.memory_space<vmem_shared>>
      %dma_wait3A_450 = arith.constant 0 : i32
      %dma_wait3A_451 = arith.constant 0 : i32
      %dma_wait3A_452 = tpu.memref_slice %arg17[%run_scoped3A_62, %dma_wait3A_450, %dma_wait3A_451] : memref<2x80x128xf32, #tpu.memory_space<vmem>> -> memref<1x80x128xf32, #tpu.memory_space<vmem>>
      %dma_wait3A_453 = tpu.memref_squeeze %dma_wait3A_452 : memref<1x80x128xf32, #tpu.memory_space<vmem>> -> memref<80x128xf32, #tpu.memory_space<vmem>>
      tpu.wait_dma2 semaphore(%run_scoped3A_429 : memref<!tpu.dma_semaphore, #tpu.memory_space<semaphore_mem>>) src(%dma_wait3A_453 : memref<80x128xf32, #tpu.memory_space<vmem>>) dst(%dma_wait3A_449 : memref<80x128xf32, #tpu.memory_space<vmem_shared>>)
      tpu.yield
    }) : () -> ()
    %mul3A_63 = arith.constant 640 : i32
    %mul3A_64 = arith.muli %arg1, %mul3A_63 : i32
    %add3A_65 = arith.constant 240 : i32
    %add3A_66 = arith.addi %mul3A_64, %add3A_65 : i32
    %run_scoped3A_67 = arith.constant 0 : i32
    "tpu.region"() ({
      %run_scoped3A_429 = tpu.sem_alloc : memref<!tpu.dma_semaphore, #tpu.memory_space<semaphore_mem>>
      %dma_start3A_430 = arith.constant 0 : i32
      %dma_start3A_431 = tpu.memref_slice %arg13[%run_scoped3A_67, %dma_start3A_430] : memref<2x80xf32, #tpu.memory_space<vmem>> -> memref<1x80xf32, #tpu.memory_space<vmem>>
      %dma_start3A_432 = tpu.memref_squeeze %dma_start3A_431 : memref<1x80xf32, #tpu.memory_space<vmem>> -> memref<80xf32, #tpu.memory_space<vmem>>
      %dma_start3A_433 = tpu.memref_slice %arg19[%add3A_66] : memref<10240xf32, #tpu.memory_space<vmem_shared>> -> memref<80xf32, #tpu.memory_space<vmem_shared>>
      %dma_start3A_434 = tpu.memref_slice %arg19[%add3A_66] : memref<10240xf32, #tpu.memory_space<vmem_shared>> -> memref<80xf32, #tpu.memory_space<vmem_shared>>
      %dma_start3A_435 = arith.constant 0 : i32
      %dma_start3A_436 = tpu.memref_slice %arg13[%run_scoped3A_67, %dma_start3A_435] : memref<2x80xf32, #tpu.memory_space<vmem>> -> memref<1x80xf32, #tpu.memory_space<vmem>>
      %dma_start3A_437 = tpu.memref_squeeze %dma_start3A_436 : memref<1x80xf32, #tpu.memory_space<vmem>> -> memref<80xf32, #tpu.memory_space<vmem>>
      tpu.enqueue_dma source(%dma_start3A_437 : memref<80xf32, #tpu.memory_space<vmem>>) target(%dma_start3A_434 : memref<80xf32, #tpu.memory_space<vmem_shared>>) target_semaphore(%run_scoped3A_429 : memref<!tpu.dma_semaphore, #tpu.memory_space<semaphore_mem>>)
      %dma_wait3A_438 = arith.constant 0 : i32
      %dma_wait3A_439 = tpu.memref_slice %arg13[%run_scoped3A_67, %dma_wait3A_438] : memref<2x80xf32, #tpu.memory_space<vmem>> -> memref<1x80xf32, #tpu.memory_space<vmem>>
      %dma_wait3A_440 = tpu.memref_squeeze %dma_wait3A_439 : memref<1x80xf32, #tpu.memory_space<vmem>> -> memref<80xf32, #tpu.memory_space<vmem>>
      %dma_wait3A_441 = tpu.memref_slice %arg19[%add3A_66] : memref<10240xf32, #tpu.memory_space<vmem_shared>> -> memref<80xf32, #tpu.memory_space<vmem_shared>>
      %dma_wait3A_442 = tpu.memref_slice %arg19[%add3A_66] : memref<10240xf32, #tpu.memory_space<vmem_shared>> -> memref<80xf32, #tpu.memory_space<vmem_shared>>
      %dma_wait3A_443 = arith.constant 0 : i32
      %dma_wait3A_444 = tpu.memref_slice %arg13[%run_scoped3A_67, %dma_wait3A_443] : memref<2x80xf32, #tpu.memory_space<vmem>> -> memref<1x80xf32, #tpu.memory_space<vmem>>
      %dma_wait3A_445 = tpu.memref_squeeze %dma_wait3A_444 : memref<1x80xf32, #tpu.memory_space<vmem>> -> memref<80xf32, #tpu.memory_space<vmem>>
      tpu.wait_dma2 semaphore(%run_scoped3A_429 : memref<!tpu.dma_semaphore, #tpu.memory_space<semaphore_mem>>) src(%dma_wait3A_445 : memref<80xf32, #tpu.memory_space<vmem>>) dst(%dma_wait3A_442 : memref<80xf32, #tpu.memory_space<vmem_shared>>)
      tpu.yield
    }) : () -> ()
    %mul3A_68 = arith.constant 640 : i32
    %mul3A_69 = arith.muli %arg1, %mul3A_68 : i32
    %add3A_70 = arith.constant 320 : i32
    %add3A_71 = arith.addi %mul3A_69, %add3A_70 : i32
    %run_scoped3A_72 = arith.constant 1 : i32
    "tpu.region"() ({
      %run_scoped3A_429 = tpu.sem_alloc : memref<!tpu.dma_semaphore, #tpu.memory_space<semaphore_mem>>
      %dma_start3A_430 = arith.constant 0 : i32
      %dma_start3A_431 = arith.constant 0 : i32
      %dma_start3A_432 = tpu.memref_slice %arg17[%run_scoped3A_72, %dma_start3A_430, %dma_start3A_431] : memref<2x80x128xf32, #tpu.memory_space<vmem>> -> memref<1x80x128xf32, #tpu.memory_space<vmem>>
      %dma_start3A_433 = tpu.memref_squeeze %dma_start3A_432 : memref<1x80x128xf32, #tpu.memory_space<vmem>> -> memref<80x128xf32, #tpu.memory_space<vmem>>
      %dma_start3A_434 = arith.constant 0 : i32
      %dma_start3A_435 = tpu.memref_slice %arg18[%add3A_71, %dma_start3A_434] : memref<10240x128xf32, #tpu.memory_space<vmem_shared>> -> memref<80x128xf32, #tpu.memory_space<vmem_shared>>
      %dma_start3A_436 = arith.constant 0 : i32
      %dma_start3A_437 = tpu.memref_slice %arg18[%add3A_71, %dma_start3A_436] : memref<10240x128xf32, #tpu.memory_space<vmem_shared>> -> memref<80x128xf32, #tpu.memory_space<vmem_shared>>
      %dma_start3A_438 = arith.constant 0 : i32
      %dma_start3A_439 = arith.constant 0 : i32
      %dma_start3A_440 = tpu.memref_slice %arg17[%run_scoped3A_72, %dma_start3A_438, %dma_start3A_439] : memref<2x80x128xf32, #tpu.memory_space<vmem>> -> memref<1x80x128xf32, #tpu.memory_space<vmem>>
      %dma_start3A_441 = tpu.memref_squeeze %dma_start3A_440 : memref<1x80x128xf32, #tpu.memory_space<vmem>> -> memref<80x128xf32, #tpu.memory_space<vmem>>
      tpu.enqueue_dma source(%dma_start3A_441 : memref<80x128xf32, #tpu.memory_space<vmem>>) target(%dma_start3A_437 : memref<80x128xf32, #tpu.memory_space<vmem_shared>>) target_semaphore(%run_scoped3A_429 : memref<!tpu.dma_semaphore, #tpu.memory_space<semaphore_mem>>)
      %dma_wait3A_442 = arith.constant 0 : i32
      %dma_wait3A_443 = arith.constant 0 : i32
      %dma_wait3A_444 = tpu.memref_slice %arg17[%run_scoped3A_72, %dma_wait3A_442, %dma_wait3A_443] : memref<2x80x128xf32, #tpu.memory_space<vmem>> -> memref<1x80x128xf32, #tpu.memory_space<vmem>>
      %dma_wait3A_445 = tpu.memref_squeeze %dma_wait3A_444 : memref<1x80x128xf32, #tpu.memory_space<vmem>> -> memref<80x128xf32, #tpu.memory_space<vmem>>
      %dma_wait3A_446 = arith.constant 0 : i32
      %dma_wait3A_447 = tpu.memref_slice %arg18[%add3A_71, %dma_wait3A_446] : memref<10240x128xf32, #tpu.memory_space<vmem_shared>> -> memref<80x128xf32, #tpu.memory_space<vmem_shared>>
      %dma_wait3A_448 = arith.constant 0 : i32
      %dma_wait3A_449 = tpu.memref_slice %arg18[%add3A_71, %dma_wait3A_448] : memref<10240x128xf32, #tpu.memory_space<vmem_shared>> -> memref<80x128xf32, #tpu.memory_space<vmem_shared>>
      %dma_wait3A_450 = arith.constant 0 : i32
      %dma_wait3A_451 = arith.constant 0 : i32
      %dma_wait3A_452 = tpu.memref_slice %arg17[%run_scoped3A_72, %dma_wait3A_450, %dma_wait3A_451] : memref<2x80x128xf32, #tpu.memory_space<vmem>> -> memref<1x80x128xf32, #tpu.memory_space<vmem>>
      %dma_wait3A_453 = tpu.memref_squeeze %dma_wait3A_452 : memref<1x80x128xf32, #tpu.memory_space<vmem>> -> memref<80x128xf32, #tpu.memory_space<vmem>>
      tpu.wait_dma2 semaphore(%run_scoped3A_429 : memref<!tpu.dma_semaphore, #tpu.memory_space<semaphore_mem>>) src(%dma_wait3A_453 : memref<80x128xf32, #tpu.memory_space<vmem>>) dst(%dma_wait3A_449 : memref<80x128xf32, #tpu.memory_space<vmem_shared>>)
      tpu.yield
    }) : () -> ()
    %mul3A_73 = arith.constant 640 : i32
    %mul3A_74 = arith.muli %arg1, %mul3A_73 : i32
    %add3A_75 = arith.constant 320 : i32
    %add3A_76 = arith.addi %mul3A_74, %add3A_75 : i32
    %run_scoped3A_77 = arith.constant 0 : i32
    "tpu.region"() ({
      %run_scoped3A_429 = tpu.sem_alloc : memref<!tpu.dma_semaphore, #tpu.memory_space<semaphore_mem>>
      %dma_start3A_430 = arith.constant 0 : i32
      %dma_start3A_431 = tpu.memref_slice %arg13[%run_scoped3A_77, %dma_start3A_430] : memref<2x80xf32, #tpu.memory_space<vmem>> -> memref<1x80xf32, #tpu.memory_space<vmem>>
      %dma_start3A_432 = tpu.memref_squeeze %dma_start3A_431 : memref<1x80xf32, #tpu.memory_space<vmem>> -> memref<80xf32, #tpu.memory_space<vmem>>
      %dma_start3A_433 = tpu.memref_slice %arg19[%add3A_76] : memref<10240xf32, #tpu.memory_space<vmem_shared>> -> memref<80xf32, #tpu.memory_space<vmem_shared>>
      %dma_start3A_434 = tpu.memref_slice %arg19[%add3A_76] : memref<10240xf32, #tpu.memory_space<vmem_shared>> -> memref<80xf32, #tpu.memory_space<vmem_shared>>
      %dma_start3A_435 = arith.constant 0 : i32
      %dma_start3A_436 = tpu.memref_slice %arg13[%run_scoped3A_77, %dma_start3A_435] : memref<2x80xf32, #tpu.memory_space<vmem>> -> memref<1x80xf32, #tpu.memory_space<vmem>>
      %dma_start3A_437 = tpu.memref_squeeze %dma_start3A_436 : memref<1x80xf32, #tpu.memory_space<vmem>> -> memref<80xf32, #tpu.memory_space<vmem>>
      tpu.enqueue_dma source(%dma_start3A_437 : memref<80xf32, #tpu.memory_space<vmem>>) target(%dma_start3A_434 : memref<80xf32, #tpu.memory_space<vmem_shared>>) target_semaphore(%run_scoped3A_429 : memref<!tpu.dma_semaphore, #tpu.memory_space<semaphore_mem>>)
      %dma_wait3A_438 = arith.constant 0 : i32
      %dma_wait3A_439 = tpu.memref_slice %arg13[%run_scoped3A_77, %dma_wait3A_438] : memref<2x80xf32, #tpu.memory_space<vmem>> -> memref<1x80xf32, #tpu.memory_space<vmem>>
      %dma_wait3A_440 = tpu.memref_squeeze %dma_wait3A_439 : memref<1x80xf32, #tpu.memory_space<vmem>> -> memref<80xf32, #tpu.memory_space<vmem>>
      %dma_wait3A_441 = tpu.memref_slice %arg19[%add3A_76] : memref<10240xf32, #tpu.memory_space<vmem_shared>> -> memref<80xf32, #tpu.memory_space<vmem_shared>>
      %dma_wait3A_442 = tpu.memref_slice %arg19[%add3A_76] : memref<10240xf32, #tpu.memory_space<vmem_shared>> -> memref<80xf32, #tpu.memory_space<vmem_shared>>
      %dma_wait3A_443 = arith.constant 0 : i32
      %dma_wait3A_444 = tpu.memref_slice %arg13[%run_scoped3A_77, %dma_wait3A_443] : memref<2x80xf32, #tpu.memory_space<vmem>> -> memref<1x80xf32, #tpu.memory_space<vmem>>
      %dma_wait3A_445 = tpu.memref_squeeze %dma_wait3A_444 : memref<1x80xf32, #tpu.memory_space<vmem>> -> memref<80xf32, #tpu.memory_space<vmem>>
      tpu.wait_dma2 semaphore(%run_scoped3A_429 : memref<!tpu.dma_semaphore, #tpu.memory_space<semaphore_mem>>) src(%dma_wait3A_445 : memref<80xf32, #tpu.memory_space<vmem>>) dst(%dma_wait3A_442 : memref<80xf32, #tpu.memory_space<vmem_shared>>)
      tpu.yield
    }) : () -> ()
    %mul3A_78 = arith.constant 640 : i32
    %mul3A_79 = arith.muli %arg1, %mul3A_78 : i32
    %add3A_80 = arith.constant 400 : i32
    %add3A_81 = arith.addi %mul3A_79, %add3A_80 : i32
    %run_scoped3A_82 = arith.constant 1 : i32
    "tpu.region"() ({
      %run_scoped3A_429 = tpu.sem_alloc : memref<!tpu.dma_semaphore, #tpu.memory_space<semaphore_mem>>
      %dma_start3A_430 = arith.constant 0 : i32
      %dma_start3A_431 = arith.constant 0 : i32
      %dma_start3A_432 = tpu.memref_slice %arg17[%run_scoped3A_82, %dma_start3A_430, %dma_start3A_431] : memref<2x80x128xf32, #tpu.memory_space<vmem>> -> memref<1x80x128xf32, #tpu.memory_space<vmem>>
      %dma_start3A_433 = tpu.memref_squeeze %dma_start3A_432 : memref<1x80x128xf32, #tpu.memory_space<vmem>> -> memref<80x128xf32, #tpu.memory_space<vmem>>
      %dma_start3A_434 = arith.constant 0 : i32
      %dma_start3A_435 = tpu.memref_slice %arg18[%add3A_81, %dma_start3A_434] : memref<10240x128xf32, #tpu.memory_space<vmem_shared>> -> memref<80x128xf32, #tpu.memory_space<vmem_shared>>
      %dma_start3A_436 = arith.constant 0 : i32
      %dma_start3A_437 = tpu.memref_slice %arg18[%add3A_81, %dma_start3A_436] : memref<10240x128xf32, #tpu.memory_space<vmem_shared>> -> memref<80x128xf32, #tpu.memory_space<vmem_shared>>
      %dma_start3A_438 = arith.constant 0 : i32
      %dma_start3A_439 = arith.constant 0 : i32
      %dma_start3A_440 = tpu.memref_slice %arg17[%run_scoped3A_82, %dma_start3A_438, %dma_start3A_439] : memref<2x80x128xf32, #tpu.memory_space<vmem>> -> memref<1x80x128xf32, #tpu.memory_space<vmem>>
      %dma_start3A_441 = tpu.memref_squeeze %dma_start3A_440 : memref<1x80x128xf32, #tpu.memory_space<vmem>> -> memref<80x128xf32, #tpu.memory_space<vmem>>
      tpu.enqueue_dma source(%dma_start3A_441 : memref<80x128xf32, #tpu.memory_space<vmem>>) target(%dma_start3A_437 : memref<80x128xf32, #tpu.memory_space<vmem_shared>>) target_semaphore(%run_scoped3A_429 : memref<!tpu.dma_semaphore, #tpu.memory_space<semaphore_mem>>)
      %dma_wait3A_442 = arith.constant 0 : i32
      %dma_wait3A_443 = arith.constant 0 : i32
      %dma_wait3A_444 = tpu.memref_slice %arg17[%run_scoped3A_82, %dma_wait3A_442, %dma_wait3A_443] : memref<2x80x128xf32, #tpu.memory_space<vmem>> -> memref<1x80x128xf32, #tpu.memory_space<vmem>>
      %dma_wait3A_445 = tpu.memref_squeeze %dma_wait3A_444 : memref<1x80x128xf32, #tpu.memory_space<vmem>> -> memref<80x128xf32, #tpu.memory_space<vmem>>
      %dma_wait3A_446 = arith.constant 0 : i32
      %dma_wait3A_447 = tpu.memref_slice %arg18[%add3A_81, %dma_wait3A_446] : memref<10240x128xf32, #tpu.memory_space<vmem_shared>> -> memref<80x128xf32, #tpu.memory_space<vmem_shared>>
      %dma_wait3A_448 = arith.constant 0 : i32
      %dma_wait3A_449 = tpu.memref_slice %arg18[%add3A_81, %dma_wait3A_448] : memref<10240x128xf32, #tpu.memory_space<vmem_shared>> -> memref<80x128xf32, #tpu.memory_space<vmem_shared>>
      %dma_wait3A_450 = arith.constant 0 : i32
      %dma_wait3A_451 = arith.constant 0 : i32
      %dma_wait3A_452 = tpu.memref_slice %arg17[%run_scoped3A_82, %dma_wait3A_450, %dma_wait3A_451] : memref<2x80x128xf32, #tpu.memory_space<vmem>> -> memref<1x80x128xf32, #tpu.memory_space<vmem>>
      %dma_wait3A_453 = tpu.memref_squeeze %dma_wait3A_452 : memref<1x80x128xf32, #tpu.memory_space<vmem>> -> memref<80x128xf32, #tpu.memory_space<vmem>>
      tpu.wait_dma2 semaphore(%run_scoped3A_429 : memref<!tpu.dma_semaphore, #tpu.memory_space<semaphore_mem>>) src(%dma_wait3A_453 : memref<80x128xf32, #tpu.memory_space<vmem>>) dst(%dma_wait3A_449 : memref<80x128xf32, #tpu.memory_space<vmem_shared>>)
      tpu.yield
    }) : () -> ()
    %mul3A_83 = arith.constant 640 : i32
    %mul3A_84 = arith.muli %arg1, %mul3A_83 : i32
    %add3A_85 = arith.constant 400 : i32
    %add3A_86 = arith.addi %mul3A_84, %add3A_85 : i32
    %run_scoped3A_87 = arith.constant 0 : i32
    "tpu.region"() ({
      %run_scoped3A_429 = tpu.sem_alloc : memref<!tpu.dma_semaphore, #tpu.memory_space<semaphore_mem>>
      %dma_start3A_430 = arith.constant 0 : i32
      %dma_start3A_431 = tpu.memref_slice %arg13[%run_scoped3A_87, %dma_start3A_430] : memref<2x80xf32, #tpu.memory_space<vmem>> -> memref<1x80xf32, #tpu.memory_space<vmem>>
      %dma_start3A_432 = tpu.memref_squeeze %dma_start3A_431 : memref<1x80xf32, #tpu.memory_space<vmem>> -> memref<80xf32, #tpu.memory_space<vmem>>
      %dma_start3A_433 = tpu.memref_slice %arg19[%add3A_86] : memref<10240xf32, #tpu.memory_space<vmem_shared>> -> memref<80xf32, #tpu.memory_space<vmem_shared>>
      %dma_start3A_434 = tpu.memref_slice %arg19[%add3A_86] : memref<10240xf32, #tpu.memory_space<vmem_shared>> -> memref<80xf32, #tpu.memory_space<vmem_shared>>
      %dma_start3A_435 = arith.constant 0 : i32
      %dma_start3A_436 = tpu.memref_slice %arg13[%run_scoped3A_87, %dma_start3A_435] : memref<2x80xf32, #tpu.memory_space<vmem>> -> memref<1x80xf32, #tpu.memory_space<vmem>>
      %dma_start3A_437 = tpu.memref_squeeze %dma_start3A_436 : memref<1x80xf32, #tpu.memory_space<vmem>> -> memref<80xf32, #tpu.memory_space<vmem>>
      tpu.enqueue_dma source(%dma_start3A_437 : memref<80xf32, #tpu.memory_space<vmem>>) target(%dma_start3A_434 : memref<80xf32, #tpu.memory_space<vmem_shared>>) target_semaphore(%run_scoped3A_429 : memref<!tpu.dma_semaphore, #tpu.memory_space<semaphore_mem>>)
      %dma_wait3A_438 = arith.constant 0 : i32
      %dma_wait3A_439 = tpu.memref_slice %arg13[%run_scoped3A_87, %dma_wait3A_438] : memref<2x80xf32, #tpu.memory_space<vmem>> -> memref<1x80xf32, #tpu.memory_space<vmem>>
      %dma_wait3A_440 = tpu.memref_squeeze %dma_wait3A_439 : memref<1x80xf32, #tpu.memory_space<vmem>> -> memref<80xf32, #tpu.memory_space<vmem>>
      %dma_wait3A_441 = tpu.memref_slice %arg19[%add3A_86] : memref<10240xf32, #tpu.memory_space<vmem_shared>> -> memref<80xf32, #tpu.memory_space<vmem_shared>>
      %dma_wait3A_442 = tpu.memref_slice %arg19[%add3A_86] : memref<10240xf32, #tpu.memory_space<vmem_shared>> -> memref<80xf32, #tpu.memory_space<vmem_shared>>
      %dma_wait3A_443 = arith.constant 0 : i32
      %dma_wait3A_444 = tpu.memref_slice %arg13[%run_scoped3A_87, %dma_wait3A_443] : memref<2x80xf32, #tpu.memory_space<vmem>> -> memref<1x80xf32, #tpu.memory_space<vmem>>
      %dma_wait3A_445 = tpu.memref_squeeze %dma_wait3A_444 : memref<1x80xf32, #tpu.memory_space<vmem>> -> memref<80xf32, #tpu.memory_space<vmem>>
      tpu.wait_dma2 semaphore(%run_scoped3A_429 : memref<!tpu.dma_semaphore, #tpu.memory_space<semaphore_mem>>) src(%dma_wait3A_445 : memref<80xf32, #tpu.memory_space<vmem>>) dst(%dma_wait3A_442 : memref<80xf32, #tpu.memory_space<vmem_shared>>)
      tpu.yield
    }) : () -> ()
    %mul3A_88 = arith.constant 640 : i32
    %mul3A_89 = arith.muli %arg1, %mul3A_88 : i32
    %add3A_90 = arith.constant 480 : i32
    %add3A_91 = arith.addi %mul3A_89, %add3A_90 : i32
    %run_scoped3A_92 = arith.constant 1 : i32
    "tpu.region"() ({
      %run_scoped3A_429 = tpu.sem_alloc : memref<!tpu.dma_semaphore, #tpu.memory_space<semaphore_mem>>
      %dma_start3A_430 = arith.constant 0 : i32
      %dma_start3A_431 = arith.constant 0 : i32
      %dma_start3A_432 = tpu.memref_slice %arg17[%run_scoped3A_92, %dma_start3A_430, %dma_start3A_431] : memref<2x80x128xf32, #tpu.memory_space<vmem>> -> memref<1x80x128xf32, #tpu.memory_space<vmem>>
      %dma_start3A_433 = tpu.memref_squeeze %dma_start3A_432 : memref<1x80x128xf32, #tpu.memory_space<vmem>> -> memref<80x128xf32, #tpu.memory_space<vmem>>
      %dma_start3A_434 = arith.constant 0 : i32
      %dma_start3A_435 = tpu.memref_slice %arg18[%add3A_91, %dma_start3A_434] : memref<10240x128xf32, #tpu.memory_space<vmem_shared>> -> memref<80x128xf32, #tpu.memory_space<vmem_shared>>
      %dma_start3A_436 = arith.constant 0 : i32
      %dma_start3A_437 = tpu.memref_slice %arg18[%add3A_91, %dma_start3A_436] : memref<10240x128xf32, #tpu.memory_space<vmem_shared>> -> memref<80x128xf32, #tpu.memory_space<vmem_shared>>
      %dma_start3A_438 = arith.constant 0 : i32
      %dma_start3A_439 = arith.constant 0 : i32
      %dma_start3A_440 = tpu.memref_slice %arg17[%run_scoped3A_92, %dma_start3A_438, %dma_start3A_439] : memref<2x80x128xf32, #tpu.memory_space<vmem>> -> memref<1x80x128xf32, #tpu.memory_space<vmem>>
      %dma_start3A_441 = tpu.memref_squeeze %dma_start3A_440 : memref<1x80x128xf32, #tpu.memory_space<vmem>> -> memref<80x128xf32, #tpu.memory_space<vmem>>
      tpu.enqueue_dma source(%dma_start3A_441 : memref<80x128xf32, #tpu.memory_space<vmem>>) target(%dma_start3A_437 : memref<80x128xf32, #tpu.memory_space<vmem_shared>>) target_semaphore(%run_scoped3A_429 : memref<!tpu.dma_semaphore, #tpu.memory_space<semaphore_mem>>)
      %dma_wait3A_442 = arith.constant 0 : i32
      %dma_wait3A_443 = arith.constant 0 : i32
      %dma_wait3A_444 = tpu.memref_slice %arg17[%run_scoped3A_92, %dma_wait3A_442, %dma_wait3A_443] : memref<2x80x128xf32, #tpu.memory_space<vmem>> -> memref<1x80x128xf32, #tpu.memory_space<vmem>>
      %dma_wait3A_445 = tpu.memref_squeeze %dma_wait3A_444 : memref<1x80x128xf32, #tpu.memory_space<vmem>> -> memref<80x128xf32, #tpu.memory_space<vmem>>
      %dma_wait3A_446 = arith.constant 0 : i32
      %dma_wait3A_447 = tpu.memref_slice %arg18[%add3A_91, %dma_wait3A_446] : memref<10240x128xf32, #tpu.memory_space<vmem_shared>> -> memref<80x128xf32, #tpu.memory_space<vmem_shared>>
      %dma_wait3A_448 = arith.constant 0 : i32
      %dma_wait3A_449 = tpu.memref_slice %arg18[%add3A_91, %dma_wait3A_448] : memref<10240x128xf32, #tpu.memory_space<vmem_shared>> -> memref<80x128xf32, #tpu.memory_space<vmem_shared>>
      %dma_wait3A_450 = arith.constant 0 : i32
      %dma_wait3A_451 = arith.constant 0 : i32
      %dma_wait3A_452 = tpu.memref_slice %arg17[%run_scoped3A_92, %dma_wait3A_450, %dma_wait3A_451] : memref<2x80x128xf32, #tpu.memory_space<vmem>> -> memref<1x80x128xf32, #tpu.memory_space<vmem>>
      %dma_wait3A_453 = tpu.memref_squeeze %dma_wait3A_452 : memref<1x80x128xf32, #tpu.memory_space<vmem>> -> memref<80x128xf32, #tpu.memory_space<vmem>>
      tpu.wait_dma2 semaphore(%run_scoped3A_429 : memref<!tpu.dma_semaphore, #tpu.memory_space<semaphore_mem>>) src(%dma_wait3A_453 : memref<80x128xf32, #tpu.memory_space<vmem>>) dst(%dma_wait3A_449 : memref<80x128xf32, #tpu.memory_space<vmem_shared>>)
      tpu.yield
    }) : () -> ()
    %mul3A_93 = arith.constant 640 : i32
    %mul3A_94 = arith.muli %arg1, %mul3A_93 : i32
    %add3A_95 = arith.constant 480 : i32
    %add3A_96 = arith.addi %mul3A_94, %add3A_95 : i32
    %run_scoped3A_97 = arith.constant 0 : i32
    "tpu.region"() ({
      %run_scoped3A_429 = tpu.sem_alloc : memref<!tpu.dma_semaphore, #tpu.memory_space<semaphore_mem>>
      %dma_start3A_430 = arith.constant 0 : i32
      %dma_start3A_431 = tpu.memref_slice %arg13[%run_scoped3A_97, %dma_start3A_430] : memref<2x80xf32, #tpu.memory_space<vmem>> -> memref<1x80xf32, #tpu.memory_space<vmem>>
      %dma_start3A_432 = tpu.memref_squeeze %dma_start3A_431 : memref<1x80xf32, #tpu.memory_space<vmem>> -> memref<80xf32, #tpu.memory_space<vmem>>
      %dma_start3A_433 = tpu.memref_slice %arg19[%add3A_96] : memref<10240xf32, #tpu.memory_space<vmem_shared>> -> memref<80xf32, #tpu.memory_space<vmem_shared>>
      %dma_start3A_434 = tpu.memref_slice %arg19[%add3A_96] : memref<10240xf32, #tpu.memory_space<vmem_shared>> -> memref<80xf32, #tpu.memory_space<vmem_shared>>
      %dma_start3A_435 = arith.constant 0 : i32
      %dma_start3A_436 = tpu.memref_slice %arg13[%run_scoped3A_97, %dma_start3A_435] : memref<2x80xf32, #tpu.memory_space<vmem>> -> memref<1x80xf32, #tpu.memory_space<vmem>>
      %dma_start3A_437 = tpu.memref_squeeze %dma_start3A_436 : memref<1x80xf32, #tpu.memory_space<vmem>> -> memref<80xf32, #tpu.memory_space<vmem>>
      tpu.enqueue_dma source(%dma_start3A_437 : memref<80xf32, #tpu.memory_space<vmem>>) target(%dma_start3A_434 : memref<80xf32, #tpu.memory_space<vmem_shared>>) target_semaphore(%run_scoped3A_429 : memref<!tpu.dma_semaphore, #tpu.memory_space<semaphore_mem>>)
      %dma_wait3A_438 = arith.constant 0 : i32
      %dma_wait3A_439 = tpu.memref_slice %arg13[%run_scoped3A_97, %dma_wait3A_438] : memref<2x80xf32, #tpu.memory_space<vmem>> -> memref<1x80xf32, #tpu.memory_space<vmem>>
      %dma_wait3A_440 = tpu.memref_squeeze %dma_wait3A_439 : memref<1x80xf32, #tpu.memory_space<vmem>> -> memref<80xf32, #tpu.memory_space<vmem>>
      %dma_wait3A_441 = tpu.memref_slice %arg19[%add3A_96] : memref<10240xf32, #tpu.memory_space<vmem_shared>> -> memref<80xf32, #tpu.memory_space<vmem_shared>>
      %dma_wait3A_442 = tpu.memref_slice %arg19[%add3A_96] : memref<10240xf32, #tpu.memory_space<vmem_shared>> -> memref<80xf32, #tpu.memory_space<vmem_shared>>
      %dma_wait3A_443 = arith.constant 0 : i32
      %dma_wait3A_444 = tpu.memref_slice %arg13[%run_scoped3A_97, %dma_wait3A_443] : memref<2x80xf32, #tpu.memory_space<vmem>> -> memref<1x80xf32, #tpu.memory_space<vmem>>
      %dma_wait3A_445 = tpu.memref_squeeze %dma_wait3A_444 : memref<1x80xf32, #tpu.memory_space<vmem>> -> memref<80xf32, #tpu.memory_space<vmem>>
      tpu.wait_dma2 semaphore(%run_scoped3A_429 : memref<!tpu.dma_semaphore, #tpu.memory_space<semaphore_mem>>) src(%dma_wait3A_445 : memref<80xf32, #tpu.memory_space<vmem>>) dst(%dma_wait3A_442 : memref<80xf32, #tpu.memory_space<vmem_shared>>)
      tpu.yield
    }) : () -> ()
    %mul3A_98 = arith.constant 640 : i32
    %mul3A_99 = arith.muli %arg1, %mul3A_98 : i32
    %add3A_100 = arith.constant 560 : i32
    %add3A_101 = arith.addi %mul3A_99, %add3A_100 : i32
    %run_scoped3A_102 = arith.constant 1 : i32
    "tpu.region"() ({
      %run_scoped3A_429 = tpu.sem_alloc : memref<!tpu.dma_semaphore, #tpu.memory_space<semaphore_mem>>
      %dma_start3A_430 = arith.constant 0 : i32
      %dma_start3A_431 = arith.constant 0 : i32
      %dma_start3A_432 = tpu.memref_slice %arg17[%run_scoped3A_102, %dma_start3A_430, %dma_start3A_431] : memref<2x80x128xf32, #tpu.memory_space<vmem>> -> memref<1x80x128xf32, #tpu.memory_space<vmem>>
      %dma_start3A_433 = tpu.memref_squeeze %dma_start3A_432 : memref<1x80x128xf32, #tpu.memory_space<vmem>> -> memref<80x128xf32, #tpu.memory_space<vmem>>
      %dma_start3A_434 = arith.constant 0 : i32
      %dma_start3A_435 = tpu.memref_slice %arg18[%add3A_101, %dma_start3A_434] : memref<10240x128xf32, #tpu.memory_space<vmem_shared>> -> memref<80x128xf32, #tpu.memory_space<vmem_shared>>
      %dma_start3A_436 = arith.constant 0 : i32
      %dma_start3A_437 = tpu.memref_slice %arg18[%add3A_101, %dma_start3A_436] : memref<10240x128xf32, #tpu.memory_space<vmem_shared>> -> memref<80x128xf32, #tpu.memory_space<vmem_shared>>
      %dma_start3A_438 = arith.constant 0 : i32
      %dma_start3A_439 = arith.constant 0 : i32
      %dma_start3A_440 = tpu.memref_slice %arg17[%run_scoped3A_102, %dma_start3A_438, %dma_start3A_439] : memref<2x80x128xf32, #tpu.memory_space<vmem>> -> memref<1x80x128xf32, #tpu.memory_space<vmem>>
      %dma_start3A_441 = tpu.memref_squeeze %dma_start3A_440 : memref<1x80x128xf32, #tpu.memory_space<vmem>> -> memref<80x128xf32, #tpu.memory_space<vmem>>
      tpu.enqueue_dma source(%dma_start3A_441 : memref<80x128xf32, #tpu.memory_space<vmem>>) target(%dma_start3A_437 : memref<80x128xf32, #tpu.memory_space<vmem_shared>>) target_semaphore(%run_scoped3A_429 : memref<!tpu.dma_semaphore, #tpu.memory_space<semaphore_mem>>)
      %dma_wait3A_442 = arith.constant 0 : i32
      %dma_wait3A_443 = arith.constant 0 : i32
      %dma_wait3A_444 = tpu.memref_slice %arg17[%run_scoped3A_102, %dma_wait3A_442, %dma_wait3A_443] : memref<2x80x128xf32, #tpu.memory_space<vmem>> -> memref<1x80x128xf32, #tpu.memory_space<vmem>>
      %dma_wait3A_445 = tpu.memref_squeeze %dma_wait3A_444 : memref<1x80x128xf32, #tpu.memory_space<vmem>> -> memref<80x128xf32, #tpu.memory_space<vmem>>
      %dma_wait3A_446 = arith.constant 0 : i32
      %dma_wait3A_447 = tpu.memref_slice %arg18[%add3A_101, %dma_wait3A_446] : memref<10240x128xf32, #tpu.memory_space<vmem_shared>> -> memref<80x128xf32, #tpu.memory_space<vmem_shared>>
      %dma_wait3A_448 = arith.constant 0 : i32
      %dma_wait3A_449 = tpu.memref_slice %arg18[%add3A_101, %dma_wait3A_448] : memref<10240x128xf32, #tpu.memory_space<vmem_shared>> -> memref<80x128xf32, #tpu.memory_space<vmem_shared>>
      %dma_wait3A_450 = arith.constant 0 : i32
      %dma_wait3A_451 = arith.constant 0 : i32
      %dma_wait3A_452 = tpu.memref_slice %arg17[%run_scoped3A_102, %dma_wait3A_450, %dma_wait3A_451] : memref<2x80x128xf32, #tpu.memory_space<vmem>> -> memref<1x80x128xf32, #tpu.memory_space<vmem>>
      %dma_wait3A_453 = tpu.memref_squeeze %dma_wait3A_452 : memref<1x80x128xf32, #tpu.memory_space<vmem>> -> memref<80x128xf32, #tpu.memory_space<vmem>>
      tpu.wait_dma2 semaphore(%run_scoped3A_429 : memref<!tpu.dma_semaphore, #tpu.memory_space<semaphore_mem>>) src(%dma_wait3A_453 : memref<80x128xf32, #tpu.memory_space<vmem>>) dst(%dma_wait3A_449 : memref<80x128xf32, #tpu.memory_space<vmem_shared>>)
      tpu.yield
    }) : () -> ()
    %mul3A_103 = arith.constant 640 : i32
    %mul3A_104 = arith.muli %arg1, %mul3A_103 : i32
    %add3A_105 = arith.constant 560 : i32
    %add3A_106 = arith.addi %mul3A_104, %add3A_105 : i32
    %run_scoped3A_107 = arith.constant 0 : i32
    "tpu.region"() ({
      %run_scoped3A_429 = tpu.sem_alloc : memref<!tpu.dma_semaphore, #tpu.memory_space<semaphore_mem>>
      %dma_start3A_430 = arith.constant 0 : i32
      %dma_start3A_431 = tpu.memref_slice %arg13[%run_scoped3A_107, %dma_start3A_430] : memref<2x80xf32, #tpu.memory_space<vmem>> -> memref<1x80xf32, #tpu.memory_space<vmem>>
      %dma_start3A_432 = tpu.memref_squeeze %dma_start3A_431 : memref<1x80xf32, #tpu.memory_space<vmem>> -> memref<80xf32, #tpu.memory_space<vmem>>
      %dma_start3A_433 = tpu.memref_slice %arg19[%add3A_106] : memref<10240xf32, #tpu.memory_space<vmem_shared>> -> memref<80xf32, #tpu.memory_space<vmem_shared>>
      %dma_start3A_434 = tpu.memref_slice %arg19[%add3A_106] : memref<10240xf32, #tpu.memory_space<vmem_shared>> -> memref<80xf32, #tpu.memory_space<vmem_shared>>
      %dma_start3A_435 = arith.constant 0 : i32
      %dma_start3A_436 = tpu.memref_slice %arg13[%run_scoped3A_107, %dma_start3A_435] : memref<2x80xf32, #tpu.memory_space<vmem>> -> memref<1x80xf32, #tpu.memory_space<vmem>>
      %dma_start3A_437 = tpu.memref_squeeze %dma_start3A_436 : memref<1x80xf32, #tpu.memory_space<vmem>> -> memref<80xf32, #tpu.memory_space<vmem>>
      tpu.enqueue_dma source(%dma_start3A_437 : memref<80xf32, #tpu.memory_space<vmem>>) target(%dma_start3A_434 : memref<80xf32, #tpu.memory_space<vmem_shared>>) target_semaphore(%run_scoped3A_429 : memref<!tpu.dma_semaphore, #tpu.memory_space<semaphore_mem>>)
      %dma_wait3A_438 = arith.constant 0 : i32
      %dma_wait3A_439 = tpu.memref_slice %arg13[%run_scoped3A_107, %dma_wait3A_438] : memref<2x80xf32, #tpu.memory_space<vmem>> -> memref<1x80xf32, #tpu.memory_space<vmem>>
      %dma_wait3A_440 = tpu.memref_squeeze %dma_wait3A_439 : memref<1x80xf32, #tpu.memory_space<vmem>> -> memref<80xf32, #tpu.memory_space<vmem>>
      %dma_wait3A_441 = tpu.memref_slice %arg19[%add3A_106] : memref<10240xf32, #tpu.memory_space<vmem_shared>> -> memref<80xf32, #tpu.memory_space<vmem_shared>>
      %dma_wait3A_442 = tpu.memref_slice %arg19[%add3A_106] : memref<10240xf32, #tpu.memory_space<vmem_shared>> -> memref<80xf32, #tpu.memory_space<vmem_shared>>
      %dma_wait3A_443 = arith.constant 0 : i32
      %dma_wait3A_444 = tpu.memref_slice %arg13[%run_scoped3A_107, %dma_wait3A_443] : memref<2x80xf32, #tpu.memory_space<vmem>> -> memref<1x80xf32, #tpu.memory_space<vmem>>
      %dma_wait3A_445 = tpu.memref_squeeze %dma_wait3A_444 : memref<1x80xf32, #tpu.memory_space<vmem>> -> memref<80xf32, #tpu.memory_space<vmem>>
      tpu.wait_dma2 semaphore(%run_scoped3A_429 : memref<!tpu.dma_semaphore, #tpu.memory_space<semaphore_mem>>) src(%dma_wait3A_445 : memref<80xf32, #tpu.memory_space<vmem>>) dst(%dma_wait3A_442 : memref<80xf32, #tpu.memory_space<vmem_shared>>)
      tpu.yield
    }) : () -> ()
    %barrier3A = arith.constant 0 : index
    tpu.barrier barrier_id(%barrier3A)
    %mul3A_108 = arith.constant 125 : i32
    %mul3A_109 = arith.muli %add3A, %mul3A_108 : i32
    %run_scoped3A_110 = arith.constant 0 : i32
    "tpu.region"() ({
      %run_scoped3A_429 = tpu.sem_alloc : memref<!tpu.dma_semaphore, #tpu.memory_space<semaphore_mem>>
      %dma_start3A_430 = arith.constant 0 : i32
      %dma_start3A_431 = tpu.memref_slice %arg10[%run_scoped3A_110, %dma_start3A_430] : memref<2x80xi32, #tpu.memory_space<vmem>> -> memref<1x80xi32, #tpu.memory_space<vmem>>
      %dma_start3A_432 = tpu.memref_squeeze %dma_start3A_431 : memref<1x80xi32, #tpu.memory_space<vmem>> -> memref<80xi32, #tpu.memory_space<vmem>>
      %dma_start3A_433 = arith.constant 0 : i32
      %dma_start3A_434 = tpu.memref_slice %arg2[%mul3A_109, %dma_start3A_433] : memref<4000x80xi32, #tpu.memory_space<hbm>> -> memref<1x80xi32, #tpu.memory_space<hbm>>
      %dma_start3A_435 = tpu.memref_squeeze %dma_start3A_434 : memref<1x80xi32, #tpu.memory_space<hbm>> -> memref<80xi32, #tpu.memory_space<hbm>>
      %dma_start3A_436 = arith.constant 0 : i32
      %dma_start3A_437 = tpu.memref_slice %arg10[%run_scoped3A_110, %dma_start3A_436] : memref<2x80xi32, #tpu.memory_space<vmem>> -> memref<1x80xi32, #tpu.memory_space<vmem>>
      %dma_start3A_438 = tpu.memref_squeeze %dma_start3A_437 : memref<1x80xi32, #tpu.memory_space<vmem>> -> memref<80xi32, #tpu.memory_space<vmem>>
      %dma_start3A_439 = arith.constant 0 : i32
      %dma_start3A_440 = tpu.memref_slice %arg2[%mul3A_109, %dma_start3A_439] : memref<4000x80xi32, #tpu.memory_space<hbm>> -> memref<1x80xi32, #tpu.memory_space<hbm>>
      %dma_start3A_441 = tpu.memref_squeeze %dma_start3A_440 : memref<1x80xi32, #tpu.memory_space<hbm>> -> memref<80xi32, #tpu.memory_space<hbm>>
      tpu.enqueue_dma source(%dma_start3A_441 : memref<80xi32, #tpu.memory_space<hbm>>) target(%dma_start3A_438 : memref<80xi32, #tpu.memory_space<vmem>>) target_semaphore(%run_scoped3A_429 : memref<!tpu.dma_semaphore, #tpu.memory_space<semaphore_mem>>)
      %dma_wait3A_442 = arith.constant 0 : i32
      %dma_wait3A_443 = tpu.memref_slice %arg10[%run_scoped3A_110, %dma_wait3A_442] : memref<2x80xi32, #tpu.memory_space<vmem>> -> memref<1x80xi32, #tpu.memory_space<vmem>>
      %dma_wait3A_444 = tpu.memref_squeeze %dma_wait3A_443 : memref<1x80xi32, #tpu.memory_space<vmem>> -> memref<80xi32, #tpu.memory_space<vmem>>
      %dma_wait3A_445 = arith.constant 0 : i32
      %dma_wait3A_446 = tpu.memref_slice %arg2[%mul3A_109, %dma_wait3A_445] : memref<4000x80xi32, #tpu.memory_space<hbm>> -> memref<1x80xi32, #tpu.memory_space<hbm>>
      %dma_wait3A_447 = tpu.memref_squeeze %dma_wait3A_446 : memref<1x80xi32, #tpu.memory_space<hbm>> -> memref<80xi32, #tpu.memory_space<hbm>>
      %dma_wait3A_448 = arith.constant 0 : i32
      %dma_wait3A_449 = tpu.memref_slice %arg10[%run_scoped3A_110, %dma_wait3A_448] : memref<2x80xi32, #tpu.memory_space<vmem>> -> memref<1x80xi32, #tpu.memory_space<vmem>>
      %dma_wait3A_450 = tpu.memref_squeeze %dma_wait3A_449 : memref<1x80xi32, #tpu.memory_space<vmem>> -> memref<80xi32, #tpu.memory_space<vmem>>
      %dma_wait3A_451 = arith.constant 0 : i32
      %dma_wait3A_452 = tpu.memref_slice %arg2[%mul3A_109, %dma_wait3A_451] : memref<4000x80xi32, #tpu.memory_space<hbm>> -> memref<1x80xi32, #tpu.memory_space<hbm>>
      %dma_wait3A_453 = tpu.memref_squeeze %dma_wait3A_452 : memref<1x80xi32, #tpu.memory_space<hbm>> -> memref<80xi32, #tpu.memory_space<hbm>>
      tpu.wait_dma2 semaphore(%run_scoped3A_429 : memref<!tpu.dma_semaphore, #tpu.memory_space<semaphore_mem>>) src(%dma_wait3A_453 : memref<80xi32, #tpu.memory_space<hbm>>) dst(%dma_wait3A_450 : memref<80xi32, #tpu.memory_space<vmem>>)
      tpu.yield
    }) : () -> ()
    %run_scoped3A_111 = arith.constant 0 : i32
    "tpu.region"() ({
      %run_scoped3A_429 = tpu.sem_alloc : memref<!tpu.dma_semaphore, #tpu.memory_space<semaphore_mem>>
      %dma_start3A_430 = arith.constant 0 : i32
      %dma_start3A_431 = tpu.memref_slice %arg11[%run_scoped3A_111, %dma_start3A_430] : memref<2x80xi32, #tpu.memory_space<vmem>> -> memref<1x80xi32, #tpu.memory_space<vmem>>
      %dma_start3A_432 = tpu.memref_squeeze %dma_start3A_431 : memref<1x80xi32, #tpu.memory_space<vmem>> -> memref<80xi32, #tpu.memory_space<vmem>>
      %dma_start3A_433 = arith.constant 0 : i32
      %dma_start3A_434 = tpu.memref_slice %arg3[%mul3A_109, %dma_start3A_433] : memref<4000x80xi32, #tpu.memory_space<hbm>> -> memref<1x80xi32, #tpu.memory_space<hbm>>
      %dma_start3A_435 = tpu.memref_squeeze %dma_start3A_434 : memref<1x80xi32, #tpu.memory_space<hbm>> -> memref<80xi32, #tpu.memory_space<hbm>>
      %dma_start3A_436 = arith.constant 0 : i32
      %dma_start3A_437 = tpu.memref_slice %arg11[%run_scoped3A_111, %dma_start3A_436] : memref<2x80xi32, #tpu.memory_space<vmem>> -> memref<1x80xi32, #tpu.memory_space<vmem>>
      %dma_start3A_438 = tpu.memref_squeeze %dma_start3A_437 : memref<1x80xi32, #tpu.memory_space<vmem>> -> memref<80xi32, #tpu.memory_space<vmem>>
      %dma_start3A_439 = arith.constant 0 : i32
      %dma_start3A_440 = tpu.memref_slice %arg3[%mul3A_109, %dma_start3A_439] : memref<4000x80xi32, #tpu.memory_space<hbm>> -> memref<1x80xi32, #tpu.memory_space<hbm>>
      %dma_start3A_441 = tpu.memref_squeeze %dma_start3A_440 : memref<1x80xi32, #tpu.memory_space<hbm>> -> memref<80xi32, #tpu.memory_space<hbm>>
      tpu.enqueue_dma source(%dma_start3A_441 : memref<80xi32, #tpu.memory_space<hbm>>) target(%dma_start3A_438 : memref<80xi32, #tpu.memory_space<vmem>>) target_semaphore(%run_scoped3A_429 : memref<!tpu.dma_semaphore, #tpu.memory_space<semaphore_mem>>)
      %dma_wait3A_442 = arith.constant 0 : i32
      %dma_wait3A_443 = tpu.memref_slice %arg11[%run_scoped3A_111, %dma_wait3A_442] : memref<2x80xi32, #tpu.memory_space<vmem>> -> memref<1x80xi32, #tpu.memory_space<vmem>>
      %dma_wait3A_444 = tpu.memref_squeeze %dma_wait3A_443 : memref<1x80xi32, #tpu.memory_space<vmem>> -> memref<80xi32, #tpu.memory_space<vmem>>
      %dma_wait3A_445 = arith.constant 0 : i32
      %dma_wait3A_446 = tpu.memref_slice %arg3[%mul3A_109, %dma_wait3A_445] : memref<4000x80xi32, #tpu.memory_space<hbm>> -> memref<1x80xi32, #tpu.memory_space<hbm>>
      %dma_wait3A_447 = tpu.memref_squeeze %dma_wait3A_446 : memref<1x80xi32, #tpu.memory_space<hbm>> -> memref<80xi32, #tpu.memory_space<hbm>>
      %dma_wait3A_448 = arith.constant 0 : i32
      %dma_wait3A_449 = tpu.memref_slice %arg11[%run_scoped3A_111, %dma_wait3A_448] : memref<2x80xi32, #tpu.memory_space<vmem>> -> memref<1x80xi32, #tpu.memory_space<vmem>>
      %dma_wait3A_450 = tpu.memref_squeeze %dma_wait3A_449 : memref<1x80xi32, #tpu.memory_space<vmem>> -> memref<80xi32, #tpu.memory_space<vmem>>
      %dma_wait3A_451 = arith.constant 0 : i32
      %dma_wait3A_452 = tpu.memref_slice %arg3[%mul3A_109, %dma_wait3A_451] : memref<4000x80xi32, #tpu.memory_space<hbm>> -> memref<1x80xi32, #tpu.memory_space<hbm>>
      %dma_wait3A_453 = tpu.memref_squeeze %dma_wait3A_452 : memref<1x80xi32, #tpu.memory_space<hbm>> -> memref<80xi32, #tpu.memory_space<hbm>>
      tpu.wait_dma2 semaphore(%run_scoped3A_429 : memref<!tpu.dma_semaphore, #tpu.memory_space<semaphore_mem>>) src(%dma_wait3A_453 : memref<80xi32, #tpu.memory_space<hbm>>) dst(%dma_wait3A_450 : memref<80xi32, #tpu.memory_space<vmem>>)
      tpu.yield
    }) : () -> ()
    %get3A_112 = arith.constant 0 : i32
    %get3A_113 = arith.index_cast %get3A_112 : i32 to index
    %get3A_114 = arith.constant 0 : index
    %get3A_115 = tpu.vector_load %arg10[%get3A_113, %get3A_114] {strides = array<i32>} : memref<2x80xi32, #tpu.memory_space<vmem>>, vector<16xi32>,
    %get3A_116 = arith.constant 0 : i32
    %get3A_117 = arith.index_cast %get3A_116 : i32 to index
    %get3A_118 = arith.constant 0 : index
    %get3A_119 = tpu.vector_load %arg11[%get3A_117, %get3A_118] {strides = array<i32>} : memref<2x80xi32, #tpu.memory_space<vmem>>, vector<16xi32>,
    %gather3A = tpu.vector_load_idx %arg14[%get3A_115] : memref<10000xf32, #tpu.memory_space<vmem>>[vector<16xi32>], vector<16xf32>,
    %gather3A_120 = tpu.vector_load_idx %arg15[%get3A_119] : memref<10000xf32, #tpu.memory_space<vmem>>[vector<16xi32>], vector<16xf32>,
    %add3A_121 = arith.addf %gather3A, %gather3A_120 : vector<16xf32>
    %mul3A_122 = arith.constant 2.000000e-01 : f32
    %mul3A_123 = vector.broadcast %mul3A_122 : f32 to vector<16xf32>
    %mul3A_124 = arith.mulf %add3A_121, %mul3A_123 : vector<16xf32>
    %max3A = arith.maximumf %add3A_121, %mul3A_124 : vector<16xf32>
    %sub3A = arith.subf %max3A, %get3A_1 : vector<16xf32>
    %exp3A = math.exp %sub3A : vector<16xf32>
    %swap3A_125 = arith.constant 0 : i32
    %swap3A_126 = arith.index_cast %swap3A_125 : i32 to index
    %swap3A_127 = arith.constant 0 : index
    %swap3A_128 = tpu.vector_load %arg13[%swap3A_126, %swap3A_127] {strides = array<i32>} : memref<2x80xf32, #tpu.memory_space<vmem>>, vector<16xf32>,
    tpu.vector_store %arg13[%swap3A_126, %swap3A_127], %exp3A {strides = array<i32>} : memref<2x80xf32, #tpu.memory_space<vmem>>, vector<16xf32>,
    %get3A_129 = arith.constant 0 : i32
    %get3A_130 = arith.index_cast %get3A_129 : i32 to index
    %get3A_131 = arith.constant 16 : index
    %get3A_132 = tpu.vector_load %arg10[%get3A_130, %get3A_131] {strides = array<i32>} : memref<2x80xi32, #tpu.memory_space<vmem>>, vector<16xi32>,
    %get3A_133 = arith.constant 0 : i32
    %get3A_134 = arith.index_cast %get3A_133 : i32 to index
    %get3A_135 = arith.constant 16 : index
    %get3A_136 = tpu.vector_load %arg11[%get3A_134, %get3A_135] {strides = array<i32>} : memref<2x80xi32, #tpu.memory_space<vmem>>, vector<16xi32>,
    %gather3A_137 = tpu.vector_load_idx %arg14[%get3A_132] : memref<10000xf32, #tpu.memory_space<vmem>>[vector<16xi32>], vector<16xf32>,
    %gather3A_138 = tpu.vector_load_idx %arg15[%get3A_136] : memref<10000xf32, #tpu.memory_space<vmem>>[vector<16xi32>], vector<16xf32>,
    %add3A_139 = arith.addf %gather3A_137, %gather3A_138 : vector<16xf32>
    %mul3A_140 = arith.constant 2.000000e-01 : f32
    %mul3A_141 = vector.broadcast %mul3A_140 : f32 to vector<16xf32>
    %mul3A_142 = arith.mulf %add3A_139, %mul3A_141 : vector<16xf32>
    %max3A_143 = arith.maximumf %add3A_139, %mul3A_142 : vector<16xf32>
    %sub3A_144 = arith.subf %max3A_143, %get3A_1 : vector<16xf32>
    %exp3A_145 = math.exp %sub3A_144 : vector<16xf32>
    %swap3A_146 = arith.constant 0 : i32
    %swap3A_147 = arith.index_cast %swap3A_146 : i32 to index
    %swap3A_148 = arith.constant 16 : index
    %swap3A_149 = tpu.vector_load %arg13[%swap3A_147, %swap3A_148] {strides = array<i32>} : memref<2x80xf32, #tpu.memory_space<vmem>>, vector<16xf32>,
    tpu.vector_store %arg13[%swap3A_147, %swap3A_148], %exp3A_145 {strides = array<i32>} : memref<2x80xf32, #tpu.memory_space<vmem>>, vector<16xf32>,
    %get3A_150 = arith.constant 0 : i32
    %get3A_151 = arith.index_cast %get3A_150 : i32 to index
    %get3A_152 = arith.constant 32 : index
    %get3A_153 = tpu.vector_load %arg10[%get3A_151, %get3A_152] {strides = array<i32>} : memref<2x80xi32, #tpu.memory_space<vmem>>, vector<16xi32>,
    %get3A_154 = arith.constant 0 : i32
    %get3A_155 = arith.index_cast %get3A_154 : i32 to index
    %get3A_156 = arith.constant 32 : index
    %get3A_157 = tpu.vector_load %arg11[%get3A_155, %get3A_156] {strides = array<i32>} : memref<2x80xi32, #tpu.memory_space<vmem>>, vector<16xi32>,
    %gather3A_158 = tpu.vector_load_idx %arg14[%get3A_153] : memref<10000xf32, #tpu.memory_space<vmem>>[vector<16xi32>], vector<16xf32>,
    %gather3A_159 = tpu.vector_load_idx %arg15[%get3A_157] : memref<10000xf32, #tpu.memory_space<vmem>>[vector<16xi32>], vector<16xf32>,
    %add3A_160 = arith.addf %gather3A_158, %gather3A_159 : vector<16xf32>
    %mul3A_161 = arith.constant 2.000000e-01 : f32
    %mul3A_162 = vector.broadcast %mul3A_161 : f32 to vector<16xf32>
    %mul3A_163 = arith.mulf %add3A_160, %mul3A_162 : vector<16xf32>
    %max3A_164 = arith.maximumf %add3A_160, %mul3A_163 : vector<16xf32>
    %sub3A_165 = arith.subf %max3A_164, %get3A_1 : vector<16xf32>
    %exp3A_166 = math.exp %sub3A_165 : vector<16xf32>
    %swap3A_167 = arith.constant 0 : i32
    %swap3A_168 = arith.index_cast %swap3A_167 : i32 to index
    %swap3A_169 = arith.constant 32 : index
    %swap3A_170 = tpu.vector_load %arg13[%swap3A_168, %swap3A_169] {strides = array<i32>} : memref<2x80xf32, #tpu.memory_space<vmem>>, vector<16xf32>,
    tpu.vector_store %arg13[%swap3A_168, %swap3A_169], %exp3A_166 {strides = array<i32>} : memref<2x80xf32, #tpu.memory_space<vmem>>, vector<16xf32>,
    %get3A_171 = arith.constant 0 : i32
    %get3A_172 = arith.index_cast %get3A_171 : i32 to index
    %get3A_173 = arith.constant 48 : index
    %get3A_174 = tpu.vector_load %arg10[%get3A_172, %get3A_173] {strides = array<i32>} : memref<2x80xi32, #tpu.memory_space<vmem>>, vector<16xi32>,
    %get3A_175 = arith.constant 0 : i32
    %get3A_176 = arith.index_cast %get3A_175 : i32 to index
    %get3A_177 = arith.constant 48 : index
    %get3A_178 = tpu.vector_load %arg11[%get3A_176, %get3A_177] {strides = array<i32>} : memref<2x80xi32, #tpu.memory_space<vmem>>, vector<16xi32>,
    %gather3A_179 = tpu.vector_load_idx %arg14[%get3A_174] : memref<10000xf32, #tpu.memory_space<vmem>>[vector<16xi32>], vector<16xf32>,
    %gather3A_180 = tpu.vector_load_idx %arg15[%get3A_178] : memref<10000xf32, #tpu.memory_space<vmem>>[vector<16xi32>], vector<16xf32>,
    %add3A_181 = arith.addf %gather3A_179, %gather3A_180 : vector<16xf32>
    %mul3A_182 = arith.constant 2.000000e-01 : f32
    %mul3A_183 = vector.broadcast %mul3A_182 : f32 to vector<16xf32>
    %mul3A_184 = arith.mulf %add3A_181, %mul3A_183 : vector<16xf32>
    %max3A_185 = arith.maximumf %add3A_181, %mul3A_184 : vector<16xf32>
    %sub3A_186 = arith.subf %max3A_185, %get3A_1 : vector<16xf32>
    %exp3A_187 = math.exp %sub3A_186 : vector<16xf32>
    %swap3A_188 = arith.constant 0 : i32
    %swap3A_189 = arith.index_cast %swap3A_188 : i32 to index
    %swap3A_190 = arith.constant 48 : index
    %swap3A_191 = tpu.vector_load %arg13[%swap3A_189, %swap3A_190] {strides = array<i32>} : memref<2x80xf32, #tpu.memory_space<vmem>>, vector<16xf32>,
    tpu.vector_store %arg13[%swap3A_189, %swap3A_190], %exp3A_187 {strides = array<i32>} : memref<2x80xf32, #tpu.memory_space<vmem>>, vector<16xf32>,
    %get3A_192 = arith.constant 0 : i32
    %get3A_193 = arith.index_cast %get3A_192 : i32 to index
    %get3A_194 = arith.constant 64 : index
    %get3A_195 = tpu.vector_load %arg10[%get3A_193, %get3A_194] {strides = array<i32>} : memref<2x80xi32, #tpu.memory_space<vmem>>, vector<16xi32>,
    %get3A_196 = arith.constant 0 : i32
    %get3A_197 = arith.index_cast %get3A_196 : i32 to index
    %get3A_198 = arith.constant 64 : index
    %get3A_199 = tpu.vector_load %arg11[%get3A_197, %get3A_198] {strides = array<i32>} : memref<2x80xi32, #tpu.memory_space<vmem>>, vector<16xi32>,
    %gather3A_200 = tpu.vector_load_idx %arg14[%get3A_195] : memref<10000xf32, #tpu.memory_space<vmem>>[vector<16xi32>], vector<16xf32>,
    %gather3A_201 = tpu.vector_load_idx %arg15[%get3A_199] : memref<10000xf32, #tpu.memory_space<vmem>>[vector<16xi32>], vector<16xf32>,
    %add3A_202 = arith.addf %gather3A_200, %gather3A_201 : vector<16xf32>
    %mul3A_203 = arith.constant 2.000000e-01 : f32
    %mul3A_204 = vector.broadcast %mul3A_203 : f32 to vector<16xf32>
    %mul3A_205 = arith.mulf %add3A_202, %mul3A_204 : vector<16xf32>
    %max3A_206 = arith.maximumf %add3A_202, %mul3A_205 : vector<16xf32>
    %sub3A_207 = arith.subf %max3A_206, %get3A_1 : vector<16xf32>
    %exp3A_208 = math.exp %sub3A_207 : vector<16xf32>
    %swap3A_209 = arith.constant 0 : i32
    %swap3A_210 = arith.index_cast %swap3A_209 : i32 to index
    %swap3A_211 = arith.constant 64 : index
    %swap3A_212 = tpu.vector_load %arg13[%swap3A_210, %swap3A_211] {strides = array<i32>} : memref<2x80xf32, #tpu.memory_space<vmem>>, vector<16xf32>,
    tpu.vector_store %arg13[%swap3A_210, %swap3A_211], %exp3A_208 {strides = array<i32>} : memref<2x80xf32, #tpu.memory_space<vmem>>, vector<16xf32>,
    %dma_start3A = arith.constant 0 : i32
    %dma_start3A_213 = arith.constant 0 : i32
    %dma_start3A_214 = arith.constant 0 : i32
    %dma_start3A_215 = arith.constant 0 : i32
    %dma_start3A_216 = tpu.memref_slice %arg17[%dma_start3A_213, %dma_start3A_214, %dma_start3A_215] : memref<2x80x128xf32, #tpu.memory_space<vmem>> -> memref<1x80x128xf32, #tpu.memory_space<vmem>>
    %dma_start3A_217 = tpu.memref_squeeze %dma_start3A_216 : memref<1x80x128xf32, #tpu.memory_space<vmem>> -> memref<80x128xf32, #tpu.memory_space<vmem>>
    %dma_start3A_218 = arith.constant 0 : i32
    %dma_start3A_219 = tpu.memref_slice %arg11[%dma_start3A, %dma_start3A_218] : memref<2x80xi32, #tpu.memory_space<vmem>> -> memref<1x80xi32, #tpu.memory_space<vmem>>
    %dma_start3A_220 = tpu.memref_squeeze %dma_start3A_219 : memref<1x80xi32, #tpu.memory_space<vmem>> -> memref<80xi32, #tpu.memory_space<vmem>>
    %dma_start3A_221 = arith.constant 0 : i32
    %dma_start3A_222 = arith.constant 0 : i32
    %dma_start3A_223 = tpu.memref_slice %arg7[%dma_start3A_221, %dma_start3A_222] : memref<10000x128xf32, #tpu.memory_space<hbm>> -> memref<10000x128xf32, #tpu.memory_space<hbm>>
    tpu.enqueue_indirect_dma source(%dma_start3A_223 : memref<10000x128xf32, #tpu.memory_space<hbm>>) target(%dma_start3A_217 : memref<80x128xf32, #tpu.memory_space<vmem>>) offsets(%dma_start3A_220 : memref<80xi32, #tpu.memory_space<vmem>>) semaphore(%arg21 : memref<!tpu.dma_semaphore, #tpu.memory_space<semaphore_mem>>)
    %add3A_224 = arith.constant 1 : i32
    %add3A_225 = arith.addi %mul3A_109, %add3A_224 : i32
    %dma_start3A_226 = arith.constant 1 : i32
    %dma_start3A_227 = arith.constant 0 : i32
    %dma_start3A_228 = tpu.memref_slice %arg10[%dma_start3A_226, %dma_start3A_227] : memref<2x80xi32, #tpu.memory_space<vmem>> -> memref<1x80xi32, #tpu.memory_space<vmem>>
    %dma_start3A_229 = tpu.memref_squeeze %dma_start3A_228 : memref<1x80xi32, #tpu.memory_space<vmem>> -> memref<80xi32, #tpu.memory_space<vmem>>
    %dma_start3A_230 = arith.constant 0 : i32
    %dma_start3A_231 = tpu.memref_slice %arg2[%add3A_225, %dma_start3A_230] : memref<4000x80xi32, #tpu.memory_space<hbm>> -> memref<1x80xi32, #tpu.memory_space<hbm>>
    %dma_start3A_232 = tpu.memref_squeeze %dma_start3A_231 : memref<1x80xi32, #tpu.memory_space<hbm>> -> memref<80xi32, #tpu.memory_space<hbm>>
    %dma_start3A_233 = arith.constant 0 : i32
    %dma_start3A_234 = tpu.memref_slice %arg10[%dma_start3A_226, %dma_start3A_233] : memref<2x80xi32, #tpu.memory_space<vmem>> -> memref<1x80xi32, #tpu.memory_space<vmem>>
    %dma_start3A_235 = tpu.memref_squeeze %dma_start3A_234 : memref<1x80xi32, #tpu.memory_space<vmem>> -> memref<80xi32, #tpu.memory_space<vmem>>
    %dma_start3A_236 = arith.constant 0 : i32
    %dma_start3A_237 = tpu.memref_slice %arg2[%add3A_225, %dma_start3A_236] : memref<4000x80xi32, #tpu.memory_space<hbm>> -> memref<1x80xi32, #tpu.memory_space<hbm>>
    %dma_start3A_238 = tpu.memref_squeeze %dma_start3A_237 : memref<1x80xi32, #tpu.memory_space<hbm>> -> memref<80xi32, #tpu.memory_space<hbm>>
    tpu.enqueue_dma source(%dma_start3A_238 : memref<80xi32, #tpu.memory_space<hbm>>) target(%dma_start3A_235 : memref<80xi32, #tpu.memory_space<vmem>>) target_semaphore(%arg20 : memref<!tpu.dma_semaphore, #tpu.memory_space<semaphore_mem>>)
    %add3A_239 = arith.constant 1 : i32
    %add3A_240 = arith.addi %mul3A_109, %add3A_239 : i32
    %dma_start3A_241 = arith.constant 1 : i32
    %dma_start3A_242 = arith.constant 0 : i32
    %dma_start3A_243 = tpu.memref_slice %arg11[%dma_start3A_241, %dma_start3A_242] : memref<2x80xi32, #tpu.memory_space<vmem>> -> memref<1x80xi32, #tpu.memory_space<vmem>>
    %dma_start3A_244 = tpu.memref_squeeze %dma_start3A_243 : memref<1x80xi32, #tpu.memory_space<vmem>> -> memref<80xi32, #tpu.memory_space<vmem>>
    %dma_start3A_245 = arith.constant 0 : i32
    %dma_start3A_246 = tpu.memref_slice %arg3[%add3A_240, %dma_start3A_245] : memref<4000x80xi32, #tpu.memory_space<hbm>> -> memref<1x80xi32, #tpu.memory_space<hbm>>
    %dma_start3A_247 = tpu.memref_squeeze %dma_start3A_246 : memref<1x80xi32, #tpu.memory_space<hbm>> -> memref<80xi32, #tpu.memory_space<hbm>>
    %dma_start3A_248 = arith.constant 0 : i32
    %dma_start3A_249 = tpu.memref_slice %arg11[%dma_start3A_241, %dma_start3A_248] : memref<2x80xi32, #tpu.memory_space<vmem>> -> memref<1x80xi32, #tpu.memory_space<vmem>>
    %dma_start3A_250 = tpu.memref_squeeze %dma_start3A_249 : memref<1x80xi32, #tpu.memory_space<vmem>> -> memref<80xi32, #tpu.memory_space<vmem>>
    %dma_start3A_251 = arith.constant 0 : i32
    %dma_start3A_252 = tpu.memref_slice %arg3[%add3A_240, %dma_start3A_251] : memref<4000x80xi32, #tpu.memory_space<hbm>> -> memref<1x80xi32, #tpu.memory_space<hbm>>
    %dma_start3A_253 = tpu.memref_squeeze %dma_start3A_252 : memref<1x80xi32, #tpu.memory_space<hbm>> -> memref<80xi32, #tpu.memory_space<hbm>>
    tpu.enqueue_dma source(%dma_start3A_253 : memref<80xi32, #tpu.memory_space<hbm>>) target(%dma_start3A_250 : memref<80xi32, #tpu.memory_space<vmem>>) target_semaphore(%arg20 : memref<!tpu.dma_semaphore, #tpu.memory_space<semaphore_mem>>)
    %scan3A_254 = arith.constant 0 : i32
    %scan3A_255 = arith.constant 0 : i32
    %scan3A_256 = arith.constant 62 : i32
    %scan3A_257 = arith.addi %scan3A_255, %scan3A_256 : i32
    %scan3A_258 = arith.constant 1 : i32
    scf.for %scan3A_429 = %scan3A_255 to %scan3A_257 step %scan3A_258  : i32 {
      %mul3A_430 = arith.constant 2 : i32
      %mul3A_431 = arith.muli %mul3A_430, %scan3A_429 : i32
      %add3A_432 = arith.constant 0 : i32
      %add3A_433 = arith.addi %mul3A_431, %add3A_432 : i32
      %gt3A = arith.constant 0 : i32
      %gt3A_434 = arith.cmpi sgt, %add3A_433, %gt3A : i32
      %convert_element_type3A_435 = arith.extui %gt3A_434 : i1 to i32
      %cond3A_436 = arith.constant 0 : i32
      %cond3A_437 = arith.cmpi ne, %convert_element_type3A_435, %cond3A_436 : i32
      scf.if %cond3A_437 {
        %dma_wait3A_964 = arith.constant 1 : i32
        %dma_wait3A_965 = arith.constant 0 : i32
        %dma_wait3A_966 = arith.constant 0 : i32
        %dma_wait3A_967 = tpu.memref_slice %arg17[%dma_wait3A_964, %dma_wait3A_965, %dma_wait3A_966] : memref<2x80x128xf32, #tpu.memory_space<vmem>> -> memref<1x80x128xf32, #tpu.memory_space<vmem>>
        %dma_wait3A_968 = tpu.memref_squeeze %dma_wait3A_967 : memref<1x80x128xf32, #tpu.memory_space<vmem>> -> memref<80x128xf32, #tpu.memory_space<vmem>>
        %dma_wait3A_969 = arith.constant 0 : i32
        %dma_wait3A_970 = arith.constant 0 : i32
        %dma_wait3A_971 = tpu.memref_slice %arg7[%dma_wait3A_969, %dma_wait3A_970] : memref<10000x128xf32, #tpu.memory_space<hbm>> -> memref<80x128xf32, #tpu.memory_space<hbm>>
        %dma_wait3A_972 = arith.constant 0 : i32
        %dma_wait3A_973 = arith.constant 0 : i32
        %dma_wait3A_974 = tpu.memref_slice %arg17[%dma_wait3A_964, %dma_wait3A_972, %dma_wait3A_973] : memref<2x80x128xf32, #tpu.memory_space<vmem>> -> memref<1x80x128xf32, #tpu.memory_space<vmem>>
        %dma_wait3A_975 = tpu.memref_squeeze %dma_wait3A_974 : memref<1x80x128xf32, #tpu.memory_space<vmem>> -> memref<80x128xf32, #tpu.memory_space<vmem>>
        %dma_wait3A_976 = arith.constant 0 : i32
        %dma_wait3A_977 = arith.constant 0 : i32
        %dma_wait3A_978 = tpu.memref_slice %arg7[%dma_wait3A_976, %dma_wait3A_977] : memref<10000x128xf32, #tpu.memory_space<hbm>> -> memref<80x128xf32, #tpu.memory_space<hbm>>
        tpu.wait_dma2 semaphore(%arg22 : memref<!tpu.dma_semaphore, #tpu.memory_space<semaphore_mem>>) src(%dma_wait3A_978 : memref<80x128xf32, #tpu.memory_space<hbm>>) dst(%dma_wait3A_975 : memref<80x128xf32, #tpu.memory_space<vmem>>)
        %dma_wait3A_979 = arith.constant 1 : i32
        %dma_wait3A_980 = arith.constant 0 : i32
        %dma_wait3A_981 = tpu.memref_slice %arg13[%dma_wait3A_979, %dma_wait3A_980] : memref<2x80xf32, #tpu.memory_space<vmem>> -> memref<1x80xf32, #tpu.memory_space<vmem>>
        %dma_wait3A_982 = tpu.memref_squeeze %dma_wait3A_981 : memref<1x80xf32, #tpu.memory_space<vmem>> -> memref<80xf32, #tpu.memory_space<vmem>>
        %dma_wait3A_983 = arith.constant 0 : i32
        %dma_wait3A_984 = tpu.memref_slice %arg4[%dma_wait3A_983] : memref<10000xf32, #tpu.memory_space<hbm>> -> memref<80xf32, #tpu.memory_space<hbm>>
        %dma_wait3A_985 = arith.constant 0 : i32
        %dma_wait3A_986 = tpu.memref_slice %arg13[%dma_wait3A_979, %dma_wait3A_985] : memref<2x80xf32, #tpu.memory_space<vmem>> -> memref<1x80xf32, #tpu.memory_space<vmem>>
        %dma_wait3A_987 = tpu.memref_squeeze %dma_wait3A_986 : memref<1x80xf32, #tpu.memory_space<vmem>> -> memref<80xf32, #tpu.memory_space<vmem>>
        %dma_wait3A_988 = arith.constant 0 : i32
        %dma_wait3A_989 = tpu.memref_slice %arg4[%dma_wait3A_988] : memref<10000xf32, #tpu.memory_space<hbm>> -> memref<80xf32, #tpu.memory_space<hbm>>
        tpu.wait_dma2 semaphore(%arg22 : memref<!tpu.dma_semaphore, #tpu.memory_space<semaphore_mem>>) src(%dma_wait3A_989 : memref<80xf32, #tpu.memory_space<hbm>>) dst(%dma_wait3A_987 : memref<80xf32, #tpu.memory_space<vmem>>)
      } else {
      }
      %dma_wait3A_438 = arith.constant 0 : i32
      %dma_wait3A_439 = arith.constant 1 : i32
      %dma_wait3A_440 = arith.constant 0 : i32
      %dma_wait3A_441 = tpu.memref_slice %arg10[%dma_wait3A_439, %dma_wait3A_440] : memref<2x80xi32, #tpu.memory_space<vmem>> -> memref<1x80xi32, #tpu.memory_space<vmem>>
      %dma_wait3A_442 = tpu.memref_squeeze %dma_wait3A_441 : memref<1x80xi32, #tpu.memory_space<vmem>> -> memref<80xi32, #tpu.memory_space<vmem>>
      %dma_wait3A_443 = arith.constant 0 : i32
      %dma_wait3A_444 = tpu.memref_slice %arg2[%dma_wait3A_438, %dma_wait3A_443] : memref<4000x80xi32, #tpu.memory_space<hbm>> -> memref<1x80xi32, #tpu.memory_space<hbm>>
      %dma_wait3A_445 = tpu.memref_squeeze %dma_wait3A_444 : memref<1x80xi32, #tpu.memory_space<hbm>> -> memref<80xi32, #tpu.memory_space<hbm>>
      %dma_wait3A_446 = arith.constant 0 : i32
      %dma_wait3A_447 = tpu.memref_slice %arg10[%dma_wait3A_439, %dma_wait3A_446] : memref<2x80xi32, #tpu.memory_space<vmem>> -> memref<1x80xi32, #tpu.memory_space<vmem>>
      %dma_wait3A_448 = tpu.memref_squeeze %dma_wait3A_447 : memref<1x80xi32, #tpu.memory_space<vmem>> -> memref<80xi32, #tpu.memory_space<vmem>>
      %dma_wait3A_449 = arith.constant 0 : i32
      %dma_wait3A_450 = tpu.memref_slice %arg2[%dma_wait3A_438, %dma_wait3A_449] : memref<4000x80xi32, #tpu.memory_space<hbm>> -> memref<1x80xi32, #tpu.memory_space<hbm>>
      %dma_wait3A_451 = tpu.memref_squeeze %dma_wait3A_450 : memref<1x80xi32, #tpu.memory_space<hbm>> -> memref<80xi32, #tpu.memory_space<hbm>>
      tpu.wait_dma2 semaphore(%arg20 : memref<!tpu.dma_semaphore, #tpu.memory_space<semaphore_mem>>) src(%dma_wait3A_451 : memref<80xi32, #tpu.memory_space<hbm>>) dst(%dma_wait3A_448 : memref<80xi32, #tpu.memory_space<vmem>>)
      %dma_wait3A_452 = arith.constant 0 : i32
      %dma_wait3A_453 = arith.constant 1 : i32
      %dma_wait3A_454 = arith.constant 0 : i32
      %dma_wait3A_455 = tpu.memref_slice %arg11[%dma_wait3A_453, %dma_wait3A_454] : memref<2x80xi32, #tpu.memory_space<vmem>> -> memref<1x80xi32, #tpu.memory_space<vmem>>
      %dma_wait3A_456 = tpu.memref_squeeze %dma_wait3A_455 : memref<1x80xi32, #tpu.memory_space<vmem>> -> memref<80xi32, #tpu.memory_space<vmem>>
      %dma_wait3A_457 = arith.constant 0 : i32
      %dma_wait3A_458 = tpu.memref_slice %arg3[%dma_wait3A_452, %dma_wait3A_457] : memref<4000x80xi32, #tpu.memory_space<hbm>> -> memref<1x80xi32, #tpu.memory_space<hbm>>
      %dma_wait3A_459 = tpu.memref_squeeze %dma_wait3A_458 : memref<1x80xi32, #tpu.memory_space<hbm>> -> memref<80xi32, #tpu.memory_space<hbm>>
      %dma_wait3A_460 = arith.constant 0 : i32
      %dma_wait3A_461 = tpu.memref_slice %arg11[%dma_wait3A_453, %dma_wait3A_460] : memref<2x80xi32, #tpu.memory_space<vmem>> -> memref<1x80xi32, #tpu.memory_space<vmem>>
      %dma_wait3A_462 = tpu.memref_squeeze %dma_wait3A_461 : memref<1x80xi32, #tpu.memory_space<vmem>> -> memref<80xi32, #tpu.memory_space<vmem>>
      %dma_wait3A_463 = arith.constant 0 : i32
      %dma_wait3A_464 = tpu.memref_slice %arg3[%dma_wait3A_452, %dma_wait3A_463] : memref<4000x80xi32, #tpu.memory_space<hbm>> -> memref<1x80xi32, #tpu.memory_space<hbm>>
      %dma_wait3A_465 = tpu.memref_squeeze %dma_wait3A_464 : memref<1x80xi32, #tpu.memory_space<hbm>> -> memref<80xi32, #tpu.memory_space<hbm>>
      tpu.wait_dma2 semaphore(%arg20 : memref<!tpu.dma_semaphore, #tpu.memory_space<semaphore_mem>>) src(%dma_wait3A_465 : memref<80xi32, #tpu.memory_space<hbm>>) dst(%dma_wait3A_462 : memref<80xi32, #tpu.memory_space<vmem>>)
      %dma_start3A_466 = arith.constant 1 : i32
      %dma_start3A_467 = arith.constant 1 : i32
      %dma_start3A_468 = arith.constant 0 : i32
      %dma_start3A_469 = arith.constant 0 : i32
      %dma_start3A_470 = tpu.memref_slice %arg17[%dma_start3A_467, %dma_start3A_468, %dma_start3A_469] : memref<2x80x128xf32, #tpu.memory_space<vmem>> -> memref<1x80x128xf32, #tpu.memory_space<vmem>>
      %dma_start3A_471 = tpu.memref_squeeze %dma_start3A_470 : memref<1x80x128xf32, #tpu.memory_space<vmem>> -> memref<80x128xf32, #tpu.memory_space<vmem>>
      %dma_start3A_472 = arith.constant 0 : i32
      %dma_start3A_473 = tpu.memref_slice %arg11[%dma_start3A_466, %dma_start3A_472] : memref<2x80xi32, #tpu.memory_space<vmem>> -> memref<1x80xi32, #tpu.memory_space<vmem>>
      %dma_start3A_474 = tpu.memref_squeeze %dma_start3A_473 : memref<1x80xi32, #tpu.memory_space<vmem>> -> memref<80xi32, #tpu.memory_space<vmem>>
      %dma_start3A_475 = arith.constant 0 : i32
      %dma_start3A_476 = arith.constant 0 : i32
      %dma_start3A_477 = tpu.memref_slice %arg7[%dma_start3A_475, %dma_start3A_476] : memref<10000x128xf32, #tpu.memory_space<hbm>> -> memref<10000x128xf32, #tpu.memory_space<hbm>>
      tpu.enqueue_indirect_dma source(%dma_start3A_477 : memref<10000x128xf32, #tpu.memory_space<hbm>>) target(%dma_start3A_471 : memref<80x128xf32, #tpu.memory_space<vmem>>) offsets(%dma_start3A_474 : memref<80xi32, #tpu.memory_space<vmem>>) semaphore(%arg21 : memref<!tpu.dma_semaphore, #tpu.memory_space<semaphore_mem>>)
      %dma_wait3A_478 = arith.constant 0 : i32
      %dma_wait3A_479 = arith.constant 0 : i32
      %dma_wait3A_480 = arith.constant 0 : i32
      %dma_wait3A_481 = tpu.memref_slice %arg17[%dma_wait3A_478, %dma_wait3A_479, %dma_wait3A_480] : memref<2x80x128xf32, #tpu.memory_space<vmem>> -> memref<1x80x128xf32, #tpu.memory_space<vmem>>
      %dma_wait3A_482 = tpu.memref_squeeze %dma_wait3A_481 : memref<1x80x128xf32, #tpu.memory_space<vmem>> -> memref<80x128xf32, #tpu.memory_space<vmem>>
      %dma_wait3A_483 = arith.constant 0 : i32
      %dma_wait3A_484 = arith.constant 0 : i32
      %dma_wait3A_485 = tpu.memref_slice %arg7[%dma_wait3A_483, %dma_wait3A_484] : memref<10000x128xf32, #tpu.memory_space<hbm>> -> memref<80x128xf32, #tpu.memory_space<hbm>>
      %dma_wait3A_486 = arith.constant 0 : i32
      %dma_wait3A_487 = arith.constant 0 : i32
      %dma_wait3A_488 = tpu.memref_slice %arg17[%dma_wait3A_478, %dma_wait3A_486, %dma_wait3A_487] : memref<2x80x128xf32, #tpu.memory_space<vmem>> -> memref<1x80x128xf32, #tpu.memory_space<vmem>>
      %dma_wait3A_489 = tpu.memref_squeeze %dma_wait3A_488 : memref<1x80x128xf32, #tpu.memory_space<vmem>> -> memref<80x128xf32, #tpu.memory_space<vmem>>
      %dma_wait3A_490 = arith.constant 0 : i32
      %dma_wait3A_491 = arith.constant 0 : i32
      %dma_wait3A_492 = tpu.memref_slice %arg7[%dma_wait3A_490, %dma_wait3A_491] : memref<10000x128xf32, #tpu.memory_space<hbm>> -> memref<80x128xf32, #tpu.memory_space<hbm>>
      tpu.wait_dma2 semaphore(%arg21 : memref<!tpu.dma_semaphore, #tpu.memory_space<semaphore_mem>>) src(%dma_wait3A_492 : memref<80x128xf32, #tpu.memory_space<hbm>>) dst(%dma_wait3A_489 : memref<80x128xf32, #tpu.memory_space<vmem>>)
      %get3A_493 = arith.constant 0 : i32
      %get3A_494 = arith.index_cast %get3A_493 : i32 to index
      %get3A_495 = arith.constant 0 : index
      %get3A_496 = tpu.vector_load %arg10[%get3A_494, %get3A_495] {strides = array<i32>} : memref<2x80xi32, #tpu.memory_space<vmem>>, vector<16xi32>,
      %swap3A_497 = arith.constant 0 : i32
      %swap3A_498 = arith.index_cast %swap3A_497 : i32 to index
      %swap3A_499 = arith.constant 0 : index
      %swap3A_500 = tpu.vector_load %arg12[%swap3A_498, %swap3A_499] {strides = array<i32>} : memref<2x80xi32, #tpu.memory_space<vmem>>, vector<16xi32>,
      tpu.vector_store %arg12[%swap3A_498, %swap3A_499], %get3A_496 {strides = array<i32>} : memref<2x80xi32, #tpu.memory_space<vmem>>, vector<16xi32>,
      %get3A_501 = arith.constant 0 : i32
      %get3A_502 = arith.index_cast %get3A_501 : i32 to index
      %get3A_503 = arith.constant 16 : index
      %get3A_504 = tpu.vector_load %arg10[%get3A_502, %get3A_503] {strides = array<i32>} : memref<2x80xi32, #tpu.memory_space<vmem>>, vector<16xi32>,
      %swap3A_505 = arith.constant 0 : i32
      %swap3A_506 = arith.index_cast %swap3A_505 : i32 to index
      %swap3A_507 = arith.constant 16 : index
      %swap3A_508 = tpu.vector_load %arg12[%swap3A_506, %swap3A_507] {strides = array<i32>} : memref<2x80xi32, #tpu.memory_space<vmem>>, vector<16xi32>,
      tpu.vector_store %arg12[%swap3A_506, %swap3A_507], %get3A_504 {strides = array<i32>} : memref<2x80xi32, #tpu.memory_space<vmem>>, vector<16xi32>,
      %get3A_509 = arith.constant 0 : i32
      %get3A_510 = arith.index_cast %get3A_509 : i32 to index
      %get3A_511 = arith.constant 32 : index
      %get3A_512 = tpu.vector_load %arg10[%get3A_510, %get3A_511] {strides = array<i32>} : memref<2x80xi32, #tpu.memory_space<vmem>>, vector<16xi32>,
      %swap3A_513 = arith.constant 0 : i32
      %swap3A_514 = arith.index_cast %swap3A_513 : i32 to index
      %swap3A_515 = arith.constant 32 : index
      %swap3A_516 = tpu.vector_load %arg12[%swap3A_514, %swap3A_515] {strides = array<i32>} : memref<2x80xi32, #tpu.memory_space<vmem>>, vector<16xi32>,
      tpu.vector_store %arg12[%swap3A_514, %swap3A_515], %get3A_512 {strides = array<i32>} : memref<2x80xi32, #tpu.memory_space<vmem>>, vector<16xi32>,
      %get3A_517 = arith.constant 0 : i32
      %get3A_518 = arith.index_cast %get3A_517 : i32 to index
      %get3A_519 = arith.constant 48 : index
      %get3A_520 = tpu.vector_load %arg10[%get3A_518, %get3A_519] {strides = array<i32>} : memref<2x80xi32, #tpu.memory_space<vmem>>, vector<16xi32>,
      %swap3A_521 = arith.constant 0 : i32
      %swap3A_522 = arith.index_cast %swap3A_521 : i32 to index
      %swap3A_523 = arith.constant 48 : index
      %swap3A_524 = tpu.vector_load %arg12[%swap3A_522, %swap3A_523] {strides = array<i32>} : memref<2x80xi32, #tpu.memory_space<vmem>>, vector<16xi32>,
      tpu.vector_store %arg12[%swap3A_522, %swap3A_523], %get3A_520 {strides = array<i32>} : memref<2x80xi32, #tpu.memory_space<vmem>>, vector<16xi32>,
      %get3A_525 = arith.constant 0 : i32
      %get3A_526 = arith.index_cast %get3A_525 : i32 to index
      %get3A_527 = arith.constant 64 : index
      %get3A_528 = tpu.vector_load %arg10[%get3A_526, %get3A_527] {strides = array<i32>} : memref<2x80xi32, #tpu.memory_space<vmem>>, vector<16xi32>,
      %swap3A_529 = arith.constant 0 : i32
      %swap3A_530 = arith.index_cast %swap3A_529 : i32 to index
      %swap3A_531 = arith.constant 64 : index
      %swap3A_532 = tpu.vector_load %arg12[%swap3A_530, %swap3A_531] {strides = array<i32>} : memref<2x80xi32, #tpu.memory_space<vmem>>, vector<16xi32>,
      tpu.vector_store %arg12[%swap3A_530, %swap3A_531], %get3A_528 {strides = array<i32>} : memref<2x80xi32, #tpu.memory_space<vmem>>, vector<16xi32>,
      %scan3A_533 = arith.constant 0 : i32
      %scan3A_534 = arith.constant 0 : i32
      %scan3A_535 = arith.constant 20 : i32
      %scan3A_536 = arith.addi %scan3A_534, %scan3A_535 : i32
      %scan3A_537 = arith.constant 1 : i32
      scf.for %scan3A_964 = %scan3A_534 to %scan3A_536 step %scan3A_537  : i32 {
        %mul3A_965 = arith.constant 4 : i32
        %mul3A_966 = arith.muli %scan3A_964, %mul3A_965 : i32
        %add3A_967 = arith.constant 0 : i32
        %add3A_968 = arith.addi %mul3A_966, %add3A_967 : i32
        %broadcast_in_dim3A = arith.constant 0 : i32
        %broadcast_in_dim3A_969 = vector.broadcast %broadcast_in_dim3A : i32 to vector<16xi32>
        %broadcast_in_dim3A_970 = vector.broadcast %add3A_968 : i32 to vector<16xi32>
        %gather3A_971 = tpu.vector_load_idx %arg13[%broadcast_in_dim3A_969, %broadcast_in_dim3A_970] : memref<2x80xf32, #tpu.memory_space<vmem>>[vector<16xi32>, vector<16xi32>], vector<16xf32>,
        %get3A_972 = arith.constant 0 : i32
        %get3A_973 = arith.index_cast %get3A_972 : i32 to index
        %get3A_974 = arith.index_cast %add3A_968 : i32 to index
        %get3A_975 = arith.constant 0 : index
        %get3A_976 = tpu.vector_load %arg17[%get3A_973, %get3A_974, %get3A_975] {strides = array<i32>} : memref<2x80x128xf32, #tpu.memory_space<vmem>>, vector<16xf32>,
        %mul3A_977 = arith.mulf %get3A_976, %gather3A_971 : vector<16xf32>
        %swap3A_978 = arith.constant 0 : i32
        %swap3A_979 = arith.index_cast %swap3A_978 : i32 to index
        %swap3A_980 = arith.index_cast %add3A_968 : i32 to index
        %swap3A_981 = arith.constant 0 : index
        %swap3A_982 = tpu.vector_load %arg17[%swap3A_979, %swap3A_980, %swap3A_981] {strides = array<i32>} : memref<2x80x128xf32, #tpu.memory_space<vmem>>, vector<16xf32>,
        tpu.vector_store %arg17[%swap3A_979, %swap3A_980, %swap3A_981], %mul3A_977 {strides = array<i32>} : memref<2x80x128xf32, #tpu.memory_space<vmem>>, vector<16xf32>,
        %get3A_983 = arith.constant 0 : i32
        %get3A_984 = arith.index_cast %get3A_983 : i32 to index
        %get3A_985 = arith.index_cast %add3A_968 : i32 to index
        %get3A_986 = arith.constant 16 : index
        %get3A_987 = tpu.vector_load %arg17[%get3A_984, %get3A_985, %get3A_986] {strides = array<i32>} : memref<2x80x128xf32, #tpu.memory_space<vmem>>, vector<16xf32>,
        %mul3A_988 = arith.mulf %get3A_987, %gather3A_971 : vector<16xf32>
        %swap3A_989 = arith.constant 0 : i32
        %swap3A_990 = arith.index_cast %swap3A_989 : i32 to index
        %swap3A_991 = arith.index_cast %add3A_968 : i32 to index
        %swap3A_992 = arith.constant 16 : index
        %swap3A_993 = tpu.vector_load %arg17[%swap3A_990, %swap3A_991, %swap3A_992] {strides = array<i32>} : memref<2x80x128xf32, #tpu.memory_space<vmem>>, vector<16xf32>,
        tpu.vector_store %arg17[%swap3A_990, %swap3A_991, %swap3A_992], %mul3A_988 {strides = array<i32>} : memref<2x80x128xf32, #tpu.memory_space<vmem>>, vector<16xf32>,
        %get3A_994 = arith.constant 0 : i32
        %get3A_995 = arith.index_cast %get3A_994 : i32 to index
        %get3A_996 = arith.index_cast %add3A_968 : i32 to index
        %get3A_997 = arith.constant 32 : index
        %get3A_998 = tpu.vector_load %arg17[%get3A_995, %get3A_996, %get3A_997] {strides = array<i32>} : memref<2x80x128xf32, #tpu.memory_space<vmem>>, vector<16xf32>,
        %mul3A_999 = arith.mulf %get3A_998, %gather3A_971 : vector<16xf32>
        %swap3A_1000 = arith.constant 0 : i32
        %swap3A_1001 = arith.index_cast %swap3A_1000 : i32 to index
        %swap3A_1002 = arith.index_cast %add3A_968 : i32 to index
        %swap3A_1003 = arith.constant 32 : index
        %swap3A_1004 = tpu.vector_load %arg17[%swap3A_1001, %swap3A_1002, %swap3A_1003] {strides = array<i32>} : memref<2x80x128xf32, #tpu.memory_space<vmem>>, vector<16xf32>,
        tpu.vector_store %arg17[%swap3A_1001, %swap3A_1002, %swap3A_1003], %mul3A_999 {strides = array<i32>} : memref<2x80x128xf32, #tpu.memory_space<vmem>>, vector<16xf32>,
        %get3A_1005 = arith.constant 0 : i32
        %get3A_1006 = arith.index_cast %get3A_1005 : i32 to index
        %get3A_1007 = arith.index_cast %add3A_968 : i32 to index
        %get3A_1008 = arith.constant 48 : index
        %get3A_1009 = tpu.vector_load %arg17[%get3A_1006, %get3A_1007, %get3A_1008] {strides = array<i32>} : memref<2x80x128xf32, #tpu.memory_space<vmem>>, vector<16xf32>,
        %mul3A_1010 = arith.mulf %get3A_1009, %gather3A_971 : vector<16xf32>
        %swap3A_1011 = arith.constant 0 : i32
        %swap3A_1012 = arith.index_cast %swap3A_1011 : i32 to index
        %swap3A_1013 = arith.index_cast %add3A_968 : i32 to index
        %swap3A_1014 = arith.constant 48 : index
        %swap3A_1015 = tpu.vector_load %arg17[%swap3A_1012, %swap3A_1013, %swap3A_1014] {strides = array<i32>} : memref<2x80x128xf32, #tpu.memory_space<vmem>>, vector<16xf32>,
        tpu.vector_store %arg17[%swap3A_1012, %swap3A_1013, %swap3A_1014], %mul3A_1010 {strides = array<i32>} : memref<2x80x128xf32, #tpu.memory_space<vmem>>, vector<16xf32>,
        %get3A_1016 = arith.constant 0 : i32
        %get3A_1017 = arith.index_cast %get3A_1016 : i32 to index
        %get3A_1018 = arith.index_cast %add3A_968 : i32 to index
        %get3A_1019 = arith.constant 64 : index
        %get3A_1020 = tpu.vector_load %arg17[%get3A_1017, %get3A_1018, %get3A_1019] {strides = array<i32>} : memref<2x80x128xf32, #tpu.memory_space<vmem>>, vector<16xf32>,
        %mul3A_1021 = arith.mulf %get3A_1020, %gather3A_971 : vector<16xf32>
        %swap3A_1022 = arith.constant 0 : i32
        %swap3A_1023 = arith.index_cast %swap3A_1022 : i32 to index
        %swap3A_1024 = arith.index_cast %add3A_968 : i32 to index
        %swap3A_1025 = arith.constant 64 : index
        %swap3A_1026 = tpu.vector_load %arg17[%swap3A_1023, %swap3A_1024, %swap3A_1025] {strides = array<i32>} : memref<2x80x128xf32, #tpu.memory_space<vmem>>, vector<16xf32>,
        tpu.vector_store %arg17[%swap3A_1023, %swap3A_1024, %swap3A_1025], %mul3A_1021 {strides = array<i32>} : memref<2x80x128xf32, #tpu.memory_space<vmem>>, vector<16xf32>,
        %get3A_1027 = arith.constant 0 : i32
        %get3A_1028 = arith.index_cast %get3A_1027 : i32 to index
        %get3A_1029 = arith.index_cast %add3A_968 : i32 to index
        %get3A_1030 = arith.constant 80 : index
        %get3A_1031 = tpu.vector_load %arg17[%get3A_1028, %get3A_1029, %get3A_1030] {strides = array<i32>} : memref<2x80x128xf32, #tpu.memory_space<vmem>>, vector<16xf32>,
        %mul3A_1032 = arith.mulf %get3A_1031, %gather3A_971 : vector<16xf32>
        %swap3A_1033 = arith.constant 0 : i32
        %swap3A_1034 = arith.index_cast %swap3A_1033 : i32 to index
        %swap3A_1035 = arith.index_cast %add3A_968 : i32 to index
        %swap3A_1036 = arith.constant 80 : index
        %swap3A_1037 = tpu.vector_load %arg17[%swap3A_1034, %swap3A_1035, %swap3A_1036] {strides = array<i32>} : memref<2x80x128xf32, #tpu.memory_space<vmem>>, vector<16xf32>,
        tpu.vector_store %arg17[%swap3A_1034, %swap3A_1035, %swap3A_1036], %mul3A_1032 {strides = array<i32>} : memref<2x80x128xf32, #tpu.memory_space<vmem>>, vector<16xf32>,
        %get3A_1038 = arith.constant 0 : i32
        %get3A_1039 = arith.index_cast %get3A_1038 : i32 to index
        %get3A_1040 = arith.index_cast %add3A_968 : i32 to index
        %get3A_1041 = arith.constant 96 : index
        %get3A_1042 = tpu.vector_load %arg17[%get3A_1039, %get3A_1040, %get3A_1041] {strides = array<i32>} : memref<2x80x128xf32, #tpu.memory_space<vmem>>, vector<16xf32>,
        %mul3A_1043 = arith.mulf %get3A_1042, %gather3A_971 : vector<16xf32>
        %swap3A_1044 = arith.constant 0 : i32
        %swap3A_1045 = arith.index_cast %swap3A_1044 : i32 to index
        %swap3A_1046 = arith.index_cast %add3A_968 : i32 to index
        %swap3A_1047 = arith.constant 96 : index
        %swap3A_1048 = tpu.vector_load %arg17[%swap3A_1045, %swap3A_1046, %swap3A_1047] {strides = array<i32>} : memref<2x80x128xf32, #tpu.memory_space<vmem>>, vector<16xf32>,
        tpu.vector_store %arg17[%swap3A_1045, %swap3A_1046, %swap3A_1047], %mul3A_1043 {strides = array<i32>} : memref<2x80x128xf32, #tpu.memory_space<vmem>>, vector<16xf32>,
        %get3A_1049 = arith.constant 0 : i32
        %get3A_1050 = arith.index_cast %get3A_1049 : i32 to index
        %get3A_1051 = arith.index_cast %add3A_968 : i32 to index
        %get3A_1052 = arith.constant 112 : index
        %get3A_1053 = tpu.vector_load %arg17[%get3A_1050, %get3A_1051, %get3A_1052] {strides = array<i32>} : memref<2x80x128xf32, #tpu.memory_space<vmem>>, vector<16xf32>,
        %mul3A_1054 = arith.mulf %get3A_1053, %gather3A_971 : vector<16xf32>
        %swap3A_1055 = arith.constant 0 : i32
        %swap3A_1056 = arith.index_cast %swap3A_1055 : i32 to index
        %swap3A_1057 = arith.index_cast %add3A_968 : i32 to index
        %swap3A_1058 = arith.constant 112 : index
        %swap3A_1059 = tpu.vector_load %arg17[%swap3A_1056, %swap3A_1057, %swap3A_1058] {strides = array<i32>} : memref<2x80x128xf32, #tpu.memory_space<vmem>>, vector<16xf32>,
        tpu.vector_store %arg17[%swap3A_1056, %swap3A_1057, %swap3A_1058], %mul3A_1054 {strides = array<i32>} : memref<2x80x128xf32, #tpu.memory_space<vmem>>, vector<16xf32>,
        %mul3A_1060 = arith.constant 4 : i32
        %mul3A_1061 = arith.muli %scan3A_964, %mul3A_1060 : i32
        %add3A_1062 = arith.constant 1 : i32
        %add3A_1063 = arith.addi %mul3A_1061, %add3A_1062 : i32
        %broadcast_in_dim3A_1064 = arith.constant 0 : i32
        %broadcast_in_dim3A_1065 = vector.broadcast %broadcast_in_dim3A_1064 : i32 to vector<16xi32>
        %broadcast_in_dim3A_1066 = vector.broadcast %add3A_1063 : i32 to vector<16xi32>
        %gather3A_1067 = tpu.vector_load_idx %arg13[%broadcast_in_dim3A_1065, %broadcast_in_dim3A_1066] : memref<2x80xf32, #tpu.memory_space<vmem>>[vector<16xi32>, vector<16xi32>], vector<16xf32>,
        %get3A_1068 = arith.constant 0 : i32
        %get3A_1069 = arith.index_cast %get3A_1068 : i32 to index
        %get3A_1070 = arith.index_cast %add3A_1063 : i32 to index
        %get3A_1071 = arith.constant 0 : index
        %get3A_1072 = tpu.vector_load %arg17[%get3A_1069, %get3A_1070, %get3A_1071] {strides = array<i32>} : memref<2x80x128xf32, #tpu.memory_space<vmem>>, vector<16xf32>,
        %mul3A_1073 = arith.mulf %get3A_1072, %gather3A_1067 : vector<16xf32>
        %swap3A_1074 = arith.constant 0 : i32
        %swap3A_1075 = arith.index_cast %swap3A_1074 : i32 to index
        %swap3A_1076 = arith.index_cast %add3A_1063 : i32 to index
        %swap3A_1077 = arith.constant 0 : index
        %swap3A_1078 = tpu.vector_load %arg17[%swap3A_1075, %swap3A_1076, %swap3A_1077] {strides = array<i32>} : memref<2x80x128xf32, #tpu.memory_space<vmem>>, vector<16xf32>,
        tpu.vector_store %arg17[%swap3A_1075, %swap3A_1076, %swap3A_1077], %mul3A_1073 {strides = array<i32>} : memref<2x80x128xf32, #tpu.memory_space<vmem>>, vector<16xf32>,
        %get3A_1079 = arith.constant 0 : i32
        %get3A_1080 = arith.index_cast %get3A_1079 : i32 to index
        %get3A_1081 = arith.index_cast %add3A_1063 : i32 to index
        %get3A_1082 = arith.constant 16 : index
        %get3A_1083 = tpu.vector_load %arg17[%get3A_1080, %get3A_1081, %get3A_1082] {strides = array<i32>} : memref<2x80x128xf32, #tpu.memory_space<vmem>>, vector<16xf32>,
        %mul3A_1084 = arith.mulf %get3A_1083, %gather3A_1067 : vector<16xf32>
        %swap3A_1085 = arith.constant 0 : i32
        %swap3A_1086 = arith.index_cast %swap3A_1085 : i32 to index
        %swap3A_1087 = arith.index_cast %add3A_1063 : i32 to index
        %swap3A_1088 = arith.constant 16 : index
        %swap3A_1089 = tpu.vector_load %arg17[%swap3A_1086, %swap3A_1087, %swap3A_1088] {strides = array<i32>} : memref<2x80x128xf32, #tpu.memory_space<vmem>>, vector<16xf32>,
        tpu.vector_store %arg17[%swap3A_1086, %swap3A_1087, %swap3A_1088], %mul3A_1084 {strides = array<i32>} : memref<2x80x128xf32, #tpu.memory_space<vmem>>, vector<16xf32>,
        %get3A_1090 = arith.constant 0 : i32
        %get3A_1091 = arith.index_cast %get3A_1090 : i32 to index
        %get3A_1092 = arith.index_cast %add3A_1063 : i32 to index
        %get3A_1093 = arith.constant 32 : index
        %get3A_1094 = tpu.vector_load %arg17[%get3A_1091, %get3A_1092, %get3A_1093] {strides = array<i32>} : memref<2x80x128xf32, #tpu.memory_space<vmem>>, vector<16xf32>,
        %mul3A_1095 = arith.mulf %get3A_1094, %gather3A_1067 : vector<16xf32>
        %swap3A_1096 = arith.constant 0 : i32
        %swap3A_1097 = arith.index_cast %swap3A_1096 : i32 to index
        %swap3A_1098 = arith.index_cast %add3A_1063 : i32 to index
        %swap3A_1099 = arith.constant 32 : index
        %swap3A_1100 = tpu.vector_load %arg17[%swap3A_1097, %swap3A_1098, %swap3A_1099] {strides = array<i32>} : memref<2x80x128xf32, #tpu.memory_space<vmem>>, vector<16xf32>,
        tpu.vector_store %arg17[%swap3A_1097, %swap3A_1098, %swap3A_1099], %mul3A_1095 {strides = array<i32>} : memref<2x80x128xf32, #tpu.memory_space<vmem>>, vector<16xf32>,
        %get3A_1101 = arith.constant 0 : i32
        %get3A_1102 = arith.index_cast %get3A_1101 : i32 to index
        %get3A_1103 = arith.index_cast %add3A_1063 : i32 to index
        %get3A_1104 = arith.constant 48 : index
        %get3A_1105 = tpu.vector_load %arg17[%get3A_1102, %get3A_1103, %get3A_1104] {strides = array<i32>} : memref<2x80x128xf32, #tpu.memory_space<vmem>>, vector<16xf32>,
        %mul3A_1106 = arith.mulf %get3A_1105, %gather3A_1067 : vector<16xf32>
        %swap3A_1107 = arith.constant 0 : i32
        %swap3A_1108 = arith.index_cast %swap3A_1107 : i32 to index
        %swap3A_1109 = arith.index_cast %add3A_1063 : i32 to index
        %swap3A_1110 = arith.constant 48 : index
        %swap3A_1111 = tpu.vector_load %arg17[%swap3A_1108, %swap3A_1109, %swap3A_1110] {strides = array<i32>} : memref<2x80x128xf32, #tpu.memory_space<vmem>>, vector<16xf32>,
        tpu.vector_store %arg17[%swap3A_1108, %swap3A_1109, %swap3A_1110], %mul3A_1106 {strides = array<i32>} : memref<2x80x128xf32, #tpu.memory_space<vmem>>, vector<16xf32>,
        %get3A_1112 = arith.constant 0 : i32
        %get3A_1113 = arith.index_cast %get3A_1112 : i32 to index
        %get3A_1114 = arith.index_cast %add3A_1063 : i32 to index
        %get3A_1115 = arith.constant 64 : index
        %get3A_1116 = tpu.vector_load %arg17[%get3A_1113, %get3A_1114, %get3A_1115] {strides = array<i32>} : memref<2x80x128xf32, #tpu.memory_space<vmem>>, vector<16xf32>,
        %mul3A_1117 = arith.mulf %get3A_1116, %gather3A_1067 : vector<16xf32>
        %swap3A_1118 = arith.constant 0 : i32
        %swap3A_1119 = arith.index_cast %swap3A_1118 : i32 to index
        %swap3A_1120 = arith.index_cast %add3A_1063 : i32 to index
        %swap3A_1121 = arith.constant 64 : index
        %swap3A_1122 = tpu.vector_load %arg17[%swap3A_1119, %swap3A_1120, %swap3A_1121] {strides = array<i32>} : memref<2x80x128xf32, #tpu.memory_space<vmem>>, vector<16xf32>,
        tpu.vector_store %arg17[%swap3A_1119, %swap3A_1120, %swap3A_1121], %mul3A_1117 {strides = array<i32>} : memref<2x80x128xf32, #tpu.memory_space<vmem>>, vector<16xf32>,
        %get3A_1123 = arith.constant 0 : i32
        %get3A_1124 = arith.index_cast %get3A_1123 : i32 to index
        %get3A_1125 = arith.index_cast %add3A_1063 : i32 to index
        %get3A_1126 = arith.constant 80 : index
        %get3A_1127 = tpu.vector_load %arg17[%get3A_1124, %get3A_1125, %get3A_1126] {strides = array<i32>} : memref<2x80x128xf32, #tpu.memory_space<vmem>>, vector<16xf32>,
        %mul3A_1128 = arith.mulf %get3A_1127, %gather3A_1067 : vector<16xf32>
        %swap3A_1129 = arith.constant 0 : i32
        %swap3A_1130 = arith.index_cast %swap3A_1129 : i32 to index
        %swap3A_1131 = arith.index_cast %add3A_1063 : i32 to index
        %swap3A_1132 = arith.constant 80 : index
        %swap3A_1133 = tpu.vector_load %arg17[%swap3A_1130, %swap3A_1131, %swap3A_1132] {strides = array<i32>} : memref<2x80x128xf32, #tpu.memory_space<vmem>>, vector<16xf32>,
        tpu.vector_store %arg17[%swap3A_1130, %swap3A_1131, %swap3A_1132], %mul3A_1128 {strides = array<i32>} : memref<2x80x128xf32, #tpu.memory_space<vmem>>, vector<16xf32>,
        %get3A_1134 = arith.constant 0 : i32
        %get3A_1135 = arith.index_cast %get3A_1134 : i32 to index
        %get3A_1136 = arith.index_cast %add3A_1063 : i32 to index
        %get3A_1137 = arith.constant 96 : index
        %get3A_1138 = tpu.vector_load %arg17[%get3A_1135, %get3A_1136, %get3A_1137] {strides = array<i32>} : memref<2x80x128xf32, #tpu.memory_space<vmem>>, vector<16xf32>,
        %mul3A_1139 = arith.mulf %get3A_1138, %gather3A_1067 : vector<16xf32>
        %swap3A_1140 = arith.constant 0 : i32
        %swap3A_1141 = arith.index_cast %swap3A_1140 : i32 to index
        %swap3A_1142 = arith.index_cast %add3A_1063 : i32 to index
        %swap3A_1143 = arith.constant 96 : index
        %swap3A_1144 = tpu.vector_load %arg17[%swap3A_1141, %swap3A_1142, %swap3A_1143] {strides = array<i32>} : memref<2x80x128xf32, #tpu.memory_space<vmem>>, vector<16xf32>,
        tpu.vector_store %arg17[%swap3A_1141, %swap3A_1142, %swap3A_1143], %mul3A_1139 {strides = array<i32>} : memref<2x80x128xf32, #tpu.memory_space<vmem>>, vector<16xf32>,
        %get3A_1145 = arith.constant 0 : i32
        %get3A_1146 = arith.index_cast %get3A_1145 : i32 to index
        %get3A_1147 = arith.index_cast %add3A_1063 : i32 to index
        %get3A_1148 = arith.constant 112 : index
        %get3A_1149 = tpu.vector_load %arg17[%get3A_1146, %get3A_1147, %get3A_1148] {strides = array<i32>} : memref<2x80x128xf32, #tpu.memory_space<vmem>>, vector<16xf32>,
        %mul3A_1150 = arith.mulf %get3A_1149, %gather3A_1067 : vector<16xf32>
        %swap3A_1151 = arith.constant 0 : i32
        %swap3A_1152 = arith.index_cast %swap3A_1151 : i32 to index
        %swap3A_1153 = arith.index_cast %add3A_1063 : i32 to index
        %swap3A_1154 = arith.constant 112 : index
        %swap3A_1155 = tpu.vector_load %arg17[%swap3A_1152, %swap3A_1153, %swap3A_1154] {strides = array<i32>} : memref<2x80x128xf32, #tpu.memory_space<vmem>>, vector<16xf32>,
        tpu.vector_store %arg17[%swap3A_1152, %swap3A_1153, %swap3A_1154], %mul3A_1150 {strides = array<i32>} : memref<2x80x128xf32, #tpu.memory_space<vmem>>, vector<16xf32>,
        %mul3A_1156 = arith.constant 4 : i32
        %mul3A_1157 = arith.muli %scan3A_964, %mul3A_1156 : i32
        %add3A_1158 = arith.constant 2 : i32
        %add3A_1159 = arith.addi %mul3A_1157, %add3A_1158 : i32
        %broadcast_in_dim3A_1160 = arith.constant 0 : i32
        %broadcast_in_dim3A_1161 = vector.broadcast %broadcast_in_dim3A_1160 : i32 to vector<16xi32>
        %broadcast_in_dim3A_1162 = vector.broadcast %add3A_1159 : i32 to vector<16xi32>
        %gather3A_1163 = tpu.vector_load_idx %arg13[%broadcast_in_dim3A_1161, %broadcast_in_dim3A_1162] : memref<2x80xf32, #tpu.memory_space<vmem>>[vector<16xi32>, vector<16xi32>], vector<16xf32>,
        %get3A_1164 = arith.constant 0 : i32
        %get3A_1165 = arith.index_cast %get3A_1164 : i32 to index
        %get3A_1166 = arith.index_cast %add3A_1159 : i32 to index
        %get3A_1167 = arith.constant 0 : index
        %get3A_1168 = tpu.vector_load %arg17[%get3A_1165, %get3A_1166, %get3A_1167] {strides = array<i32>} : memref<2x80x128xf32, #tpu.memory_space<vmem>>, vector<16xf32>,
        %mul3A_1169 = arith.mulf %get3A_1168, %gather3A_1163 : vector<16xf32>
        %swap3A_1170 = arith.constant 0 : i32
        %swap3A_1171 = arith.index_cast %swap3A_1170 : i32 to index
        %swap3A_1172 = arith.index_cast %add3A_1159 : i32 to index
        %swap3A_1173 = arith.constant 0 : index
        %swap3A_1174 = tpu.vector_load %arg17[%swap3A_1171, %swap3A_1172, %swap3A_1173] {strides = array<i32>} : memref<2x80x128xf32, #tpu.memory_space<vmem>>, vector<16xf32>,
        tpu.vector_store %arg17[%swap3A_1171, %swap3A_1172, %swap3A_1173], %mul3A_1169 {strides = array<i32>} : memref<2x80x128xf32, #tpu.memory_space<vmem>>, vector<16xf32>,
        %get3A_1175 = arith.constant 0 : i32
        %get3A_1176 = arith.index_cast %get3A_1175 : i32 to index
        %get3A_1177 = arith.index_cast %add3A_1159 : i32 to index
        %get3A_1178 = arith.constant 16 : index
        %get3A_1179 = tpu.vector_load %arg17[%get3A_1176, %get3A_1177, %get3A_1178] {strides = array<i32>} : memref<2x80x128xf32, #tpu.memory_space<vmem>>, vector<16xf32>,
        %mul3A_1180 = arith.mulf %get3A_1179, %gather3A_1163 : vector<16xf32>
        %swap3A_1181 = arith.constant 0 : i32
        %swap3A_1182 = arith.index_cast %swap3A_1181 : i32 to index
        %swap3A_1183 = arith.index_cast %add3A_1159 : i32 to index
        %swap3A_1184 = arith.constant 16 : index
        %swap3A_1185 = tpu.vector_load %arg17[%swap3A_1182, %swap3A_1183, %swap3A_1184] {strides = array<i32>} : memref<2x80x128xf32, #tpu.memory_space<vmem>>, vector<16xf32>,
        tpu.vector_store %arg17[%swap3A_1182, %swap3A_1183, %swap3A_1184], %mul3A_1180 {strides = array<i32>} : memref<2x80x128xf32, #tpu.memory_space<vmem>>, vector<16xf32>,
        %get3A_1186 = arith.constant 0 : i32
        %get3A_1187 = arith.index_cast %get3A_1186 : i32 to index
        %get3A_1188 = arith.index_cast %add3A_1159 : i32 to index
        %get3A_1189 = arith.constant 32 : index
        %get3A_1190 = tpu.vector_load %arg17[%get3A_1187, %get3A_1188, %get3A_1189] {strides = array<i32>} : memref<2x80x128xf32, #tpu.memory_space<vmem>>, vector<16xf32>,
        %mul3A_1191 = arith.mulf %get3A_1190, %gather3A_1163 : vector<16xf32>
        %swap3A_1192 = arith.constant 0 : i32
        %swap3A_1193 = arith.index_cast %swap3A_1192 : i32 to index
        %swap3A_1194 = arith.index_cast %add3A_1159 : i32 to index
        %swap3A_1195 = arith.constant 32 : index
        %swap3A_1196 = tpu.vector_load %arg17[%swap3A_1193, %swap3A_1194, %swap3A_1195] {strides = array<i32>} : memref<2x80x128xf32, #tpu.memory_space<vmem>>, vector<16xf32>,
        tpu.vector_store %arg17[%swap3A_1193, %swap3A_1194, %swap3A_1195], %mul3A_1191 {strides = array<i32>} : memref<2x80x128xf32, #tpu.memory_space<vmem>>, vector<16xf32>,
        %get3A_1197 = arith.constant 0 : i32
        %get3A_1198 = arith.index_cast %get3A_1197 : i32 to index
        %get3A_1199 = arith.index_cast %add3A_1159 : i32 to index
        %get3A_1200 = arith.constant 48 : index
        %get3A_1201 = tpu.vector_load %arg17[%get3A_1198, %get3A_1199, %get3A_1200] {strides = array<i32>} : memref<2x80x128xf32, #tpu.memory_space<vmem>>, vector<16xf32>,
        %mul3A_1202 = arith.mulf %get3A_1201, %gather3A_1163 : vector<16xf32>
        %swap3A_1203 = arith.constant 0 : i32
        %swap3A_1204 = arith.index_cast %swap3A_1203 : i32 to index
        %swap3A_1205 = arith.index_cast %add3A_1159 : i32 to index
        %swap3A_1206 = arith.constant 48 : index
        %swap3A_1207 = tpu.vector_load %arg17[%swap3A_1204, %swap3A_1205, %swap3A_1206] {strides = array<i32>} : memref<2x80x128xf32, #tpu.memory_space<vmem>>, vector<16xf32>,
        tpu.vector_store %arg17[%swap3A_1204, %swap3A_1205, %swap3A_1206], %mul3A_1202 {strides = array<i32>} : memref<2x80x128xf32, #tpu.memory_space<vmem>>, vector<16xf32>,
        %get3A_1208 = arith.constant 0 : i32
        %get3A_1209 = arith.index_cast %get3A_1208 : i32 to index
        %get3A_1210 = arith.index_cast %add3A_1159 : i32 to index
        %get3A_1211 = arith.constant 64 : index
        %get3A_1212 = tpu.vector_load %arg17[%get3A_1209, %get3A_1210, %get3A_1211] {strides = array<i32>} : memref<2x80x128xf32, #tpu.memory_space<vmem>>, vector<16xf32>,
        %mul3A_1213 = arith.mulf %get3A_1212, %gather3A_1163 : vector<16xf32>
        %swap3A_1214 = arith.constant 0 : i32
        %swap3A_1215 = arith.index_cast %swap3A_1214 : i32 to index
        %swap3A_1216 = arith.index_cast %add3A_1159 : i32 to index
        %swap3A_1217 = arith.constant 64 : index
        %swap3A_1218 = tpu.vector_load %arg17[%swap3A_1215, %swap3A_1216, %swap3A_1217] {strides = array<i32>} : memref<2x80x128xf32, #tpu.memory_space<vmem>>, vector<16xf32>,
        tpu.vector_store %arg17[%swap3A_1215, %swap3A_1216, %swap3A_1217], %mul3A_1213 {strides = array<i32>} : memref<2x80x128xf32, #tpu.memory_space<vmem>>, vector<16xf32>,
        %get3A_1219 = arith.constant 0 : i32
        %get3A_1220 = arith.index_cast %get3A_1219 : i32 to index
        %get3A_1221 = arith.index_cast %add3A_1159 : i32 to index
        %get3A_1222 = arith.constant 80 : index
        %get3A_1223 = tpu.vector_load %arg17[%get3A_1220, %get3A_1221, %get3A_1222] {strides = array<i32>} : memref<2x80x128xf32, #tpu.memory_space<vmem>>, vector<16xf32>,
        %mul3A_1224 = arith.mulf %get3A_1223, %gather3A_1163 : vector<16xf32>
        %swap3A_1225 = arith.constant 0 : i32
        %swap3A_1226 = arith.index_cast %swap3A_1225 : i32 to index
        %swap3A_1227 = arith.index_cast %add3A_1159 : i32 to index
        %swap3A_1228 = arith.constant 80 : index
        %swap3A_1229 = tpu.vector_load %arg17[%swap3A_1226, %swap3A_1227, %swap3A_1228] {strides = array<i32>} : memref<2x80x128xf32, #tpu.memory_space<vmem>>, vector<16xf32>,
        tpu.vector_store %arg17[%swap3A_1226, %swap3A_1227, %swap3A_1228], %mul3A_1224 {strides = array<i32>} : memref<2x80x128xf32, #tpu.memory_space<vmem>>, vector<16xf32>,
        %get3A_1230 = arith.constant 0 : i32
        %get3A_1231 = arith.index_cast %get3A_1230 : i32 to index
        %get3A_1232 = arith.index_cast %add3A_1159 : i32 to index
        %get3A_1233 = arith.constant 96 : index
        %get3A_1234 = tpu.vector_load %arg17[%get3A_1231, %get3A_1232, %get3A_1233] {strides = array<i32>} : memref<2x80x128xf32, #tpu.memory_space<vmem>>, vector<16xf32>,
        %mul3A_1235 = arith.mulf %get3A_1234, %gather3A_1163 : vector<16xf32>
        %swap3A_1236 = arith.constant 0 : i32
        %swap3A_1237 = arith.index_cast %swap3A_1236 : i32 to index
        %swap3A_1238 = arith.index_cast %add3A_1159 : i32 to index
        %swap3A_1239 = arith.constant 96 : index
        %swap3A_1240 = tpu.vector_load %arg17[%swap3A_1237, %swap3A_1238, %swap3A_1239] {strides = array<i32>} : memref<2x80x128xf32, #tpu.memory_space<vmem>>, vector<16xf32>,
        tpu.vector_store %arg17[%swap3A_1237, %swap3A_1238, %swap3A_1239], %mul3A_1235 {strides = array<i32>} : memref<2x80x128xf32, #tpu.memory_space<vmem>>, vector<16xf32>,
        %get3A_1241 = arith.constant 0 : i32
        %get3A_1242 = arith.index_cast %get3A_1241 : i32 to index
        %get3A_1243 = arith.index_cast %add3A_1159 : i32 to index
        %get3A_1244 = arith.constant 112 : index
        %get3A_1245 = tpu.vector_load %arg17[%get3A_1242, %get3A_1243, %get3A_1244] {strides = array<i32>} : memref<2x80x128xf32, #tpu.memory_space<vmem>>, vector<16xf32>,
        %mul3A_1246 = arith.mulf %get3A_1245, %gather3A_1163 : vector<16xf32>
        %swap3A_1247 = arith.constant 0 : i32
        %swap3A_1248 = arith.index_cast %swap3A_1247 : i32 to index
        %swap3A_1249 = arith.index_cast %add3A_1159 : i32 to index
        %swap3A_1250 = arith.constant 112 : index
        %swap3A_1251 = tpu.vector_load %arg17[%swap3A_1248, %swap3A_1249, %swap3A_1250] {strides = array<i32>} : memref<2x80x128xf32, #tpu.memory_space<vmem>>, vector<16xf32>,
        tpu.vector_store %arg17[%swap3A_1248, %swap3A_1249, %swap3A_1250], %mul3A_1246 {strides = array<i32>} : memref<2x80x128xf32, #tpu.memory_space<vmem>>, vector<16xf32>,
        %mul3A_1252 = arith.constant 4 : i32
        %mul3A_1253 = arith.muli %scan3A_964, %mul3A_1252 : i32
        %add3A_1254 = arith.constant 3 : i32
        %add3A_1255 = arith.addi %mul3A_1253, %add3A_1254 : i32
        %broadcast_in_dim3A_1256 = arith.constant 0 : i32
        %broadcast_in_dim3A_1257 = vector.broadcast %broadcast_in_dim3A_1256 : i32 to vector<16xi32>
        %broadcast_in_dim3A_1258 = vector.broadcast %add3A_1255 : i32 to vector<16xi32>
        %gather3A_1259 = tpu.vector_load_idx %arg13[%broadcast_in_dim3A_1257, %broadcast_in_dim3A_1258] : memref<2x80xf32, #tpu.memory_space<vmem>>[vector<16xi32>, vector<16xi32>], vector<16xf32>,
        %get3A_1260 = arith.constant 0 : i32
        %get3A_1261 = arith.index_cast %get3A_1260 : i32 to index
        %get3A_1262 = arith.index_cast %add3A_1255 : i32 to index
        %get3A_1263 = arith.constant 0 : index
        %get3A_1264 = tpu.vector_load %arg17[%get3A_1261, %get3A_1262, %get3A_1263] {strides = array<i32>} : memref<2x80x128xf32, #tpu.memory_space<vmem>>, vector<16xf32>,
        %mul3A_1265 = arith.mulf %get3A_1264, %gather3A_1259 : vector<16xf32>
        %swap3A_1266 = arith.constant 0 : i32
        %swap3A_1267 = arith.index_cast %swap3A_1266 : i32 to index
        %swap3A_1268 = arith.index_cast %add3A_1255 : i32 to index
        %swap3A_1269 = arith.constant 0 : index
        %swap3A_1270 = tpu.vector_load %arg17[%swap3A_1267, %swap3A_1268, %swap3A_1269] {strides = array<i32>} : memref<2x80x128xf32, #tpu.memory_space<vmem>>, vector<16xf32>,
        tpu.vector_store %arg17[%swap3A_1267, %swap3A_1268, %swap3A_1269], %mul3A_1265 {strides = array<i32>} : memref<2x80x128xf32, #tpu.memory_space<vmem>>, vector<16xf32>,
        %get3A_1271 = arith.constant 0 : i32
        %get3A_1272 = arith.index_cast %get3A_1271 : i32 to index
        %get3A_1273 = arith.index_cast %add3A_1255 : i32 to index
        %get3A_1274 = arith.constant 16 : index
        %get3A_1275 = tpu.vector_load %arg17[%get3A_1272, %get3A_1273, %get3A_1274] {strides = array<i32>} : memref<2x80x128xf32, #tpu.memory_space<vmem>>, vector<16xf32>,
        %mul3A_1276 = arith.mulf %get3A_1275, %gather3A_1259 : vector<16xf32>
        %swap3A_1277 = arith.constant 0 : i32
        %swap3A_1278 = arith.index_cast %swap3A_1277 : i32 to index
        %swap3A_1279 = arith.index_cast %add3A_1255 : i32 to index
        %swap3A_1280 = arith.constant 16 : index
        %swap3A_1281 = tpu.vector_load %arg17[%swap3A_1278, %swap3A_1279, %swap3A_1280] {strides = array<i32>} : memref<2x80x128xf32, #tpu.memory_space<vmem>>, vector<16xf32>,
        tpu.vector_store %arg17[%swap3A_1278, %swap3A_1279, %swap3A_1280], %mul3A_1276 {strides = array<i32>} : memref<2x80x128xf32, #tpu.memory_space<vmem>>, vector<16xf32>,
        %get3A_1282 = arith.constant 0 : i32
        %get3A_1283 = arith.index_cast %get3A_1282 : i32 to index
        %get3A_1284 = arith.index_cast %add3A_1255 : i32 to index
        %get3A_1285 = arith.constant 32 : index
        %get3A_1286 = tpu.vector_load %arg17[%get3A_1283, %get3A_1284, %get3A_1285] {strides = array<i32>} : memref<2x80x128xf32, #tpu.memory_space<vmem>>, vector<16xf32>,
        %mul3A_1287 = arith.mulf %get3A_1286, %gather3A_1259 : vector<16xf32>
        %swap3A_1288 = arith.constant 0 : i32
        %swap3A_1289 = arith.index_cast %swap3A_1288 : i32 to index
        %swap3A_1290 = arith.index_cast %add3A_1255 : i32 to index
        %swap3A_1291 = arith.constant 32 : index
        %swap3A_1292 = tpu.vector_load %arg17[%swap3A_1289, %swap3A_1290, %swap3A_1291] {strides = array<i32>} : memref<2x80x128xf32, #tpu.memory_space<vmem>>, vector<16xf32>,
        tpu.vector_store %arg17[%swap3A_1289, %swap3A_1290, %swap3A_1291], %mul3A_1287 {strides = array<i32>} : memref<2x80x128xf32, #tpu.memory_space<vmem>>, vector<16xf32>,
        %get3A_1293 = arith.constant 0 : i32
        %get3A_1294 = arith.index_cast %get3A_1293 : i32 to index
        %get3A_1295 = arith.index_cast %add3A_1255 : i32 to index
        %get3A_1296 = arith.constant 48 : index
        %get3A_1297 = tpu.vector_load %arg17[%get3A_1294, %get3A_1295, %get3A_1296] {strides = array<i32>} : memref<2x80x128xf32, #tpu.memory_space<vmem>>, vector<16xf32>,
        %mul3A_1298 = arith.mulf %get3A_1297, %gather3A_1259 : vector<16xf32>
        %swap3A_1299 = arith.constant 0 : i32
        %swap3A_1300 = arith.index_cast %swap3A_1299 : i32 to index
        %swap3A_1301 = arith.index_cast %add3A_1255 : i32 to index
        %swap3A_1302 = arith.constant 48 : index
        %swap3A_1303 = tpu.vector_load %arg17[%swap3A_1300, %swap3A_1301, %swap3A_1302] {strides = array<i32>} : memref<2x80x128xf32, #tpu.memory_space<vmem>>, vector<16xf32>,
        tpu.vector_store %arg17[%swap3A_1300, %swap3A_1301, %swap3A_1302], %mul3A_1298 {strides = array<i32>} : memref<2x80x128xf32, #tpu.memory_space<vmem>>, vector<16xf32>,
        %get3A_1304 = arith.constant 0 : i32
        %get3A_1305 = arith.index_cast %get3A_1304 : i32 to index
        %get3A_1306 = arith.index_cast %add3A_1255 : i32 to index
        %get3A_1307 = arith.constant 64 : index
        %get3A_1308 = tpu.vector_load %arg17[%get3A_1305, %get3A_1306, %get3A_1307] {strides = array<i32>} : memref<2x80x128xf32, #tpu.memory_space<vmem>>, vector<16xf32>,
        %mul3A_1309 = arith.mulf %get3A_1308, %gather3A_1259 : vector<16xf32>
        %swap3A_1310 = arith.constant 0 : i32
        %swap3A_1311 = arith.index_cast %swap3A_1310 : i32 to index
        %swap3A_1312 = arith.index_cast %add3A_1255 : i32 to index
        %swap3A_1313 = arith.constant 64 : index
        %swap3A_1314 = tpu.vector_load %arg17[%swap3A_1311, %swap3A_1312, %swap3A_1313] {strides = array<i32>} : memref<2x80x128xf32, #tpu.memory_space<vmem>>, vector<16xf32>,
        tpu.vector_store %arg17[%swap3A_1311, %swap3A_1312, %swap3A_1313], %mul3A_1309 {strides = array<i32>} : memref<2x80x128xf32, #tpu.memory_space<vmem>>, vector<16xf32>,
        %get3A_1315 = arith.constant 0 : i32
        %get3A_1316 = arith.index_cast %get3A_1315 : i32 to index
        %get3A_1317 = arith.index_cast %add3A_1255 : i32 to index
        %get3A_1318 = arith.constant 80 : index
        %get3A_1319 = tpu.vector_load %arg17[%get3A_1316, %get3A_1317, %get3A_1318] {strides = array<i32>} : memref<2x80x128xf32, #tpu.memory_space<vmem>>, vector<16xf32>,
        %mul3A_1320 = arith.mulf %get3A_1319, %gather3A_1259 : vector<16xf32>
        %swap3A_1321 = arith.constant 0 : i32
        %swap3A_1322 = arith.index_cast %swap3A_1321 : i32 to index
        %swap3A_1323 = arith.index_cast %add3A_1255 : i32 to index
        %swap3A_1324 = arith.constant 80 : index
        %swap3A_1325 = tpu.vector_load %arg17[%swap3A_1322, %swap3A_1323, %swap3A_1324] {strides = array<i32>} : memref<2x80x128xf32, #tpu.memory_space<vmem>>, vector<16xf32>,
        tpu.vector_store %arg17[%swap3A_1322, %swap3A_1323, %swap3A_1324], %mul3A_1320 {strides = array<i32>} : memref<2x80x128xf32, #tpu.memory_space<vmem>>, vector<16xf32>,
        %get3A_1326 = arith.constant 0 : i32
        %get3A_1327 = arith.index_cast %get3A_1326 : i32 to index
        %get3A_1328 = arith.index_cast %add3A_1255 : i32 to index
        %get3A_1329 = arith.constant 96 : index
        %get3A_1330 = tpu.vector_load %arg17[%get3A_1327, %get3A_1328, %get3A_1329] {strides = array<i32>} : memref<2x80x128xf32, #tpu.memory_space<vmem>>, vector<16xf32>,
        %mul3A_1331 = arith.mulf %get3A_1330, %gather3A_1259 : vector<16xf32>
        %swap3A_1332 = arith.constant 0 : i32
        %swap3A_1333 = arith.index_cast %swap3A_1332 : i32 to index
        %swap3A_1334 = arith.index_cast %add3A_1255 : i32 to index
        %swap3A_1335 = arith.constant 96 : index
        %swap3A_1336 = tpu.vector_load %arg17[%swap3A_1333, %swap3A_1334, %swap3A_1335] {strides = array<i32>} : memref<2x80x128xf32, #tpu.memory_space<vmem>>, vector<16xf32>,
        tpu.vector_store %arg17[%swap3A_1333, %swap3A_1334, %swap3A_1335], %mul3A_1331 {strides = array<i32>} : memref<2x80x128xf32, #tpu.memory_space<vmem>>, vector<16xf32>,
        %get3A_1337 = arith.constant 0 : i32
        %get3A_1338 = arith.index_cast %get3A_1337 : i32 to index
        %get3A_1339 = arith.index_cast %add3A_1255 : i32 to index
        %get3A_1340 = arith.constant 112 : index
        %get3A_1341 = tpu.vector_load %arg17[%get3A_1338, %get3A_1339, %get3A_1340] {strides = array<i32>} : memref<2x80x128xf32, #tpu.memory_space<vmem>>, vector<16xf32>,
        %mul3A_1342 = arith.mulf %get3A_1341, %gather3A_1259 : vector<16xf32>
        %swap3A_1343 = arith.constant 0 : i32
        %swap3A_1344 = arith.index_cast %swap3A_1343 : i32 to index
        %swap3A_1345 = arith.index_cast %add3A_1255 : i32 to index
        %swap3A_1346 = arith.constant 112 : index
        %swap3A_1347 = tpu.vector_load %arg17[%swap3A_1344, %swap3A_1345, %swap3A_1346] {strides = array<i32>} : memref<2x80x128xf32, #tpu.memory_space<vmem>>, vector<16xf32>,
        tpu.vector_store %arg17[%swap3A_1344, %swap3A_1345, %swap3A_1346], %mul3A_1342 {strides = array<i32>} : memref<2x80x128xf32, #tpu.memory_space<vmem>>, vector<16xf32>,
      }
      %scan3A_538 = arith.constant 20 : i32
      %dma_start3A_539 = arith.constant 0 : i32
      %dma_start3A_540 = arith.constant 0 : i32
      %dma_start3A_541 = arith.constant 0 : i32
      %dma_start3A_542 = arith.constant 0 : i32
      %dma_start3A_543 = tpu.memref_slice %arg17[%dma_start3A_539, %dma_start3A_541, %dma_start3A_542] : memref<2x80x128xf32, #tpu.memory_space<vmem>> -> memref<1x80x128xf32, #tpu.memory_space<vmem>>
      %dma_start3A_544 = tpu.memref_squeeze %dma_start3A_543 : memref<1x80x128xf32, #tpu.memory_space<vmem>> -> memref<80x128xf32, #tpu.memory_space<vmem>>
      %dma_start3A_545 = arith.constant 0 : i32
      %dma_start3A_546 = tpu.memref_slice %arg12[%dma_start3A_540, %dma_start3A_545] : memref<2x80xi32, #tpu.memory_space<vmem>> -> memref<1x80xi32, #tpu.memory_space<vmem>>
      %dma_start3A_547 = tpu.memref_squeeze %dma_start3A_546 : memref<1x80xi32, #tpu.memory_space<vmem>> -> memref<80xi32, #tpu.memory_space<vmem>>
      %dma_start3A_548 = arith.constant 0 : i32
      %dma_start3A_549 = arith.constant 0 : i32
      %dma_start3A_550 = tpu.memref_slice %arg18[%dma_start3A_548, %dma_start3A_549] : memref<10240x128xf32, #tpu.memory_space<vmem_shared>> -> memref<10240x128xf32, #tpu.memory_space<vmem_shared>>
      tpu.enqueue_indirect_dma source(%dma_start3A_544 : memref<80x128xf32, #tpu.memory_space<vmem>>) target(%dma_start3A_550 : memref<10240x128xf32, #tpu.memory_space<vmem_shared>>) offsets(%dma_start3A_547 : memref<80xi32, #tpu.memory_space<vmem>>) semaphore(%arg22 : memref<!tpu.dma_semaphore, #tpu.memory_space<semaphore_mem>>) {add = true}
      %dma_start3A_551 = arith.constant 0 : i32
      %dma_start3A_552 = arith.constant 0 : i32
      %dma_start3A_553 = arith.constant 0 : i32
      %dma_start3A_554 = tpu.memref_slice %arg13[%dma_start3A_551, %dma_start3A_553] : memref<2x80xf32, #tpu.memory_space<vmem>> -> memref<1x80xf32, #tpu.memory_space<vmem>>
      %dma_start3A_555 = tpu.memref_squeeze %dma_start3A_554 : memref<1x80xf32, #tpu.memory_space<vmem>> -> memref<80xf32, #tpu.memory_space<vmem>>
      %dma_start3A_556 = arith.constant 0 : i32
      %dma_start3A_557 = tpu.memref_slice %arg12[%dma_start3A_552, %dma_start3A_556] : memref<2x80xi32, #tpu.memory_space<vmem>> -> memref<1x80xi32, #tpu.memory_space<vmem>>
      %dma_start3A_558 = tpu.memref_squeeze %dma_start3A_557 : memref<1x80xi32, #tpu.memory_space<vmem>> -> memref<80xi32, #tpu.memory_space<vmem>>
      %dma_start3A_559 = arith.constant 0 : i32
      %dma_start3A_560 = tpu.memref_slice %arg19[%dma_start3A_559] : memref<10240xf32, #tpu.memory_space<vmem_shared>> -> memref<10240xf32, #tpu.memory_space<vmem_shared>>
      tpu.enqueue_indirect_dma source(%dma_start3A_555 : memref<80xf32, #tpu.memory_space<vmem>>) target(%dma_start3A_560 : memref<10240xf32, #tpu.memory_space<vmem_shared>>) offsets(%dma_start3A_558 : memref<80xi32, #tpu.memory_space<vmem>>) semaphore(%arg22 : memref<!tpu.dma_semaphore, #tpu.memory_space<semaphore_mem>>) {add = true}
      %add3A_561 = arith.constant 2 : i32
      %add3A_562 = arith.addi %add3A_433, %add3A_561 : i32
      %min3A = arith.constant 124 : i32
      %min3A_563 = arith.minsi %add3A_562, %min3A : i32
      %add3A_564 = arith.addi %mul3A_109, %min3A_563 : i32
      %dma_start3A_565 = arith.constant 0 : i32
      %dma_start3A_566 = arith.constant 0 : i32
      %dma_start3A_567 = tpu.memref_slice %arg10[%dma_start3A_565, %dma_start3A_566] : memref<2x80xi32, #tpu.memory_space<vmem>> -> memref<1x80xi32, #tpu.memory_space<vmem>>
      %dma_start3A_568 = tpu.memref_squeeze %dma_start3A_567 : memref<1x80xi32, #tpu.memory_space<vmem>> -> memref<80xi32, #tpu.memory_space<vmem>>
      %dma_start3A_569 = arith.constant 0 : i32
      %dma_start3A_570 = tpu.memref_slice %arg2[%add3A_564, %dma_start3A_569] : memref<4000x80xi32, #tpu.memory_space<hbm>> -> memref<1x80xi32, #tpu.memory_space<hbm>>
      %dma_start3A_571 = tpu.memref_squeeze %dma_start3A_570 : memref<1x80xi32, #tpu.memory_space<hbm>> -> memref<80xi32, #tpu.memory_space<hbm>>
      %dma_start3A_572 = arith.constant 0 : i32
      %dma_start3A_573 = tpu.memref_slice %arg10[%dma_start3A_565, %dma_start3A_572] : memref<2x80xi32, #tpu.memory_space<vmem>> -> memref<1x80xi32, #tpu.memory_space<vmem>>
      %dma_start3A_574 = tpu.memref_squeeze %dma_start3A_573 : memref<1x80xi32, #tpu.memory_space<vmem>> -> memref<80xi32, #tpu.memory_space<vmem>>
      %dma_start3A_575 = arith.constant 0 : i32
      %dma_start3A_576 = tpu.memref_slice %arg2[%add3A_564, %dma_start3A_575] : memref<4000x80xi32, #tpu.memory_space<hbm>> -> memref<1x80xi32, #tpu.memory_space<hbm>>
      %dma_start3A_577 = tpu.memref_squeeze %dma_start3A_576 : memref<1x80xi32, #tpu.memory_space<hbm>> -> memref<80xi32, #tpu.memory_space<hbm>>
      tpu.enqueue_dma source(%dma_start3A_577 : memref<80xi32, #tpu.memory_space<hbm>>) target(%dma_start3A_574 : memref<80xi32, #tpu.memory_space<vmem>>) target_semaphore(%arg20 : memref<!tpu.dma_semaphore, #tpu.memory_space<semaphore_mem>>)
      %dma_start3A_578 = arith.constant 0 : i32
      %dma_start3A_579 = arith.constant 0 : i32
      %dma_start3A_580 = tpu.memref_slice %arg11[%dma_start3A_578, %dma_start3A_579] : memref<2x80xi32, #tpu.memory_space<vmem>> -> memref<1x80xi32, #tpu.memory_space<vmem>>
      %dma_start3A_581 = tpu.memref_squeeze %dma_start3A_580 : memref<1x80xi32, #tpu.memory_space<vmem>> -> memref<80xi32, #tpu.memory_space<vmem>>
      %dma_start3A_582 = arith.constant 0 : i32
      %dma_start3A_583 = tpu.memref_slice %arg3[%add3A_564, %dma_start3A_582] : memref<4000x80xi32, #tpu.memory_space<hbm>> -> memref<1x80xi32, #tpu.memory_space<hbm>>
      %dma_start3A_584 = tpu.memref_squeeze %dma_start3A_583 : memref<1x80xi32, #tpu.memory_space<hbm>> -> memref<80xi32, #tpu.memory_space<hbm>>
      %dma_start3A_585 = arith.constant 0 : i32
      %dma_start3A_586 = tpu.memref_slice %arg11[%dma_start3A_578, %dma_start3A_585] : memref<2x80xi32, #tpu.memory_space<vmem>> -> memref<1x80xi32, #tpu.memory_space<vmem>>
      %dma_start3A_587 = tpu.memref_squeeze %dma_start3A_586 : memref<1x80xi32, #tpu.memory_space<vmem>> -> memref<80xi32, #tpu.memory_space<vmem>>
      %dma_start3A_588 = arith.constant 0 : i32
      %dma_start3A_589 = tpu.memref_slice %arg3[%add3A_564, %dma_start3A_588] : memref<4000x80xi32, #tpu.memory_space<hbm>> -> memref<1x80xi32, #tpu.memory_space<hbm>>
      %dma_start3A_590 = tpu.memref_squeeze %dma_start3A_589 : memref<1x80xi32, #tpu.memory_space<hbm>> -> memref<80xi32, #tpu.memory_space<hbm>>
      tpu.enqueue_dma source(%dma_start3A_590 : memref<80xi32, #tpu.memory_space<hbm>>) target(%dma_start3A_587 : memref<80xi32, #tpu.memory_space<vmem>>) target_semaphore(%arg20 : memref<!tpu.dma_semaphore, #tpu.memory_space<semaphore_mem>>)
      %get3A_591 = arith.constant 1 : i32
      %get3A_592 = arith.index_cast %get3A_591 : i32 to index
      %get3A_593 = arith.constant 0 : index
      %get3A_594 = tpu.vector_load %arg10[%get3A_592, %get3A_593] {strides = array<i32>} : memref<2x80xi32, #tpu.memory_space<vmem>>, vector<16xi32>,
      %get3A_595 = arith.constant 1 : i32
      %get3A_596 = arith.index_cast %get3A_595 : i32 to index
      %get3A_597 = arith.constant 0 : index
      %get3A_598 = tpu.vector_load %arg11[%get3A_596, %get3A_597] {strides = array<i32>} : memref<2x80xi32, #tpu.memory_space<vmem>>, vector<16xi32>,
      %gather3A_599 = tpu.vector_load_idx %arg14[%get3A_594] : memref<10000xf32, #tpu.memory_space<vmem>>[vector<16xi32>], vector<16xf32>,
      %gather3A_600 = tpu.vector_load_idx %arg15[%get3A_598] : memref<10000xf32, #tpu.memory_space<vmem>>[vector<16xi32>], vector<16xf32>,
      %add3A_601 = arith.addf %gather3A_599, %gather3A_600 : vector<16xf32>
      %mul3A_602 = arith.constant 2.000000e-01 : f32
      %mul3A_603 = vector.broadcast %mul3A_602 : f32 to vector<16xf32>
      %mul3A_604 = arith.mulf %add3A_601, %mul3A_603 : vector<16xf32>
      %max3A_605 = arith.maximumf %add3A_601, %mul3A_604 : vector<16xf32>
      %sub3A_606 = arith.subf %max3A_605, %get3A_1 : vector<16xf32>
      %exp3A_607 = math.exp %sub3A_606 : vector<16xf32>
      %swap3A_608 = arith.constant 1 : i32
      %swap3A_609 = arith.index_cast %swap3A_608 : i32 to index
      %swap3A_610 = arith.constant 0 : index
      %swap3A_611 = tpu.vector_load %arg13[%swap3A_609, %swap3A_610] {strides = array<i32>} : memref<2x80xf32, #tpu.memory_space<vmem>>, vector<16xf32>,
      tpu.vector_store %arg13[%swap3A_609, %swap3A_610], %exp3A_607 {strides = array<i32>} : memref<2x80xf32, #tpu.memory_space<vmem>>, vector<16xf32>,
      %get3A_612 = arith.constant 1 : i32
      %get3A_613 = arith.index_cast %get3A_612 : i32 to index
      %get3A_614 = arith.constant 16 : index
      %get3A_615 = tpu.vector_load %arg10[%get3A_613, %get3A_614] {strides = array<i32>} : memref<2x80xi32, #tpu.memory_space<vmem>>, vector<16xi32>,
      %get3A_616 = arith.constant 1 : i32
      %get3A_617 = arith.index_cast %get3A_616 : i32 to index
      %get3A_618 = arith.constant 16 : index
      %get3A_619 = tpu.vector_load %arg11[%get3A_617, %get3A_618] {strides = array<i32>} : memref<2x80xi32, #tpu.memory_space<vmem>>, vector<16xi32>,
      %gather3A_620 = tpu.vector_load_idx %arg14[%get3A_615] : memref<10000xf32, #tpu.memory_space<vmem>>[vector<16xi32>], vector<16xf32>,
      %gather3A_621 = tpu.vector_load_idx %arg15[%get3A_619] : memref<10000xf32, #tpu.memory_space<vmem>>[vector<16xi32>], vector<16xf32>,
      %add3A_622 = arith.addf %gather3A_620, %gather3A_621 : vector<16xf32>
      %mul3A_623 = arith.constant 2.000000e-01 : f32
      %mul3A_624 = vector.broadcast %mul3A_623 : f32 to vector<16xf32>
      %mul3A_625 = arith.mulf %add3A_622, %mul3A_624 : vector<16xf32>
      %max3A_626 = arith.maximumf %add3A_622, %mul3A_625 : vector<16xf32>
      %sub3A_627 = arith.subf %max3A_626, %get3A_1 : vector<16xf32>
      %exp3A_628 = math.exp %sub3A_627 : vector<16xf32>
      %swap3A_629 = arith.constant 1 : i32
      %swap3A_630 = arith.index_cast %swap3A_629 : i32 to index
      %swap3A_631 = arith.constant 16 : index
      %swap3A_632 = tpu.vector_load %arg13[%swap3A_630, %swap3A_631] {strides = array<i32>} : memref<2x80xf32, #tpu.memory_space<vmem>>, vector<16xf32>,
      tpu.vector_store %arg13[%swap3A_630, %swap3A_631], %exp3A_628 {strides = array<i32>} : memref<2x80xf32, #tpu.memory_space<vmem>>, vector<16xf32>,
      %get3A_633 = arith.constant 1 : i32
      %get3A_634 = arith.index_cast %get3A_633 : i32 to index
      %get3A_635 = arith.constant 32 : index
      %get3A_636 = tpu.vector_load %arg10[%get3A_634, %get3A_635] {strides = array<i32>} : memref<2x80xi32, #tpu.memory_space<vmem>>, vector<16xi32>,
      %get3A_637 = arith.constant 1 : i32
      %get3A_638 = arith.index_cast %get3A_637 : i32 to index
      %get3A_639 = arith.constant 32 : index
      %get3A_640 = tpu.vector_load %arg11[%get3A_638, %get3A_639] {strides = array<i32>} : memref<2x80xi32, #tpu.memory_space<vmem>>, vector<16xi32>,
      %gather3A_641 = tpu.vector_load_idx %arg14[%get3A_636] : memref<10000xf32, #tpu.memory_space<vmem>>[vector<16xi32>], vector<16xf32>,
      %gather3A_642 = tpu.vector_load_idx %arg15[%get3A_640] : memref<10000xf32, #tpu.memory_space<vmem>>[vector<16xi32>], vector<16xf32>,
      %add3A_643 = arith.addf %gather3A_641, %gather3A_642 : vector<16xf32>
      %mul3A_644 = arith.constant 2.000000e-01 : f32
      %mul3A_645 = vector.broadcast %mul3A_644 : f32 to vector<16xf32>
      %mul3A_646 = arith.mulf %add3A_643, %mul3A_645 : vector<16xf32>
      %max3A_647 = arith.maximumf %add3A_643, %mul3A_646 : vector<16xf32>
      %sub3A_648 = arith.subf %max3A_647, %get3A_1 : vector<16xf32>
      %exp3A_649 = math.exp %sub3A_648 : vector<16xf32>
      %swap3A_650 = arith.constant 1 : i32
      %swap3A_651 = arith.index_cast %swap3A_650 : i32 to index
      %swap3A_652 = arith.constant 32 : index
      %swap3A_653 = tpu.vector_load %arg13[%swap3A_651, %swap3A_652] {strides = array<i32>} : memref<2x80xf32, #tpu.memory_space<vmem>>, vector<16xf32>,
      tpu.vector_store %arg13[%swap3A_651, %swap3A_652], %exp3A_649 {strides = array<i32>} : memref<2x80xf32, #tpu.memory_space<vmem>>, vector<16xf32>,
      %get3A_654 = arith.constant 1 : i32
      %get3A_655 = arith.index_cast %get3A_654 : i32 to index
      %get3A_656 = arith.constant 48 : index
      %get3A_657 = tpu.vector_load %arg10[%get3A_655, %get3A_656] {strides = array<i32>} : memref<2x80xi32, #tpu.memory_space<vmem>>, vector<16xi32>,
      %get3A_658 = arith.constant 1 : i32
      %get3A_659 = arith.index_cast %get3A_658 : i32 to index
      %get3A_660 = arith.constant 48 : index
      %get3A_661 = tpu.vector_load %arg11[%get3A_659, %get3A_660] {strides = array<i32>} : memref<2x80xi32, #tpu.memory_space<vmem>>, vector<16xi32>,
      %gather3A_662 = tpu.vector_load_idx %arg14[%get3A_657] : memref<10000xf32, #tpu.memory_space<vmem>>[vector<16xi32>], vector<16xf32>,
      %gather3A_663 = tpu.vector_load_idx %arg15[%get3A_661] : memref<10000xf32, #tpu.memory_space<vmem>>[vector<16xi32>], vector<16xf32>,
      %add3A_664 = arith.addf %gather3A_662, %gather3A_663 : vector<16xf32>
      %mul3A_665 = arith.constant 2.000000e-01 : f32
      %mul3A_666 = vector.broadcast %mul3A_665 : f32 to vector<16xf32>
      %mul3A_667 = arith.mulf %add3A_664, %mul3A_666 : vector<16xf32>
      %max3A_668 = arith.maximumf %add3A_664, %mul3A_667 : vector<16xf32>
      %sub3A_669 = arith.subf %max3A_668, %get3A_1 : vector<16xf32>
      %exp3A_670 = math.exp %sub3A_669 : vector<16xf32>
      %swap3A_671 = arith.constant 1 : i32
      %swap3A_672 = arith.index_cast %swap3A_671 : i32 to index
      %swap3A_673 = arith.constant 48 : index
      %swap3A_674 = tpu.vector_load %arg13[%swap3A_672, %swap3A_673] {strides = array<i32>} : memref<2x80xf32, #tpu.memory_space<vmem>>, vector<16xf32>,
      tpu.vector_store %arg13[%swap3A_672, %swap3A_673], %exp3A_670 {strides = array<i32>} : memref<2x80xf32, #tpu.memory_space<vmem>>, vector<16xf32>,
      %get3A_675 = arith.constant 1 : i32
      %get3A_676 = arith.index_cast %get3A_675 : i32 to index
      %get3A_677 = arith.constant 64 : index
      %get3A_678 = tpu.vector_load %arg10[%get3A_676, %get3A_677] {strides = array<i32>} : memref<2x80xi32, #tpu.memory_space<vmem>>, vector<16xi32>,
      %get3A_679 = arith.constant 1 : i32
      %get3A_680 = arith.index_cast %get3A_679 : i32 to index
      %get3A_681 = arith.constant 64 : index
      %get3A_682 = tpu.vector_load %arg11[%get3A_680, %get3A_681] {strides = array<i32>} : memref<2x80xi32, #tpu.memory_space<vmem>>, vector<16xi32>,
      %gather3A_683 = tpu.vector_load_idx %arg14[%get3A_678] : memref<10000xf32, #tpu.memory_space<vmem>>[vector<16xi32>], vector<16xf32>,
      %gather3A_684 = tpu.vector_load_idx %arg15[%get3A_682] : memref<10000xf32, #tpu.memory_space<vmem>>[vector<16xi32>], vector<16xf32>,
      %add3A_685 = arith.addf %gather3A_683, %gather3A_684 : vector<16xf32>
      %mul3A_686 = arith.constant 2.000000e-01 : f32
      %mul3A_687 = vector.broadcast %mul3A_686 : f32 to vector<16xf32>
      %mul3A_688 = arith.mulf %add3A_685, %mul3A_687 : vector<16xf32>
      %max3A_689 = arith.maximumf %add3A_685, %mul3A_688 : vector<16xf32>
      %sub3A_690 = arith.subf %max3A_689, %get3A_1 : vector<16xf32>
      %exp3A_691 = math.exp %sub3A_690 : vector<16xf32>
      %swap3A_692 = arith.constant 1 : i32
      %swap3A_693 = arith.index_cast %swap3A_692 : i32 to index
      %swap3A_694 = arith.constant 64 : index
      %swap3A_695 = tpu.vector_load %arg13[%swap3A_693, %swap3A_694] {strides = array<i32>} : memref<2x80xf32, #tpu.memory_space<vmem>>, vector<16xf32>,
      tpu.vector_store %arg13[%swap3A_693, %swap3A_694], %exp3A_691 {strides = array<i32>} : memref<2x80xf32, #tpu.memory_space<vmem>>, vector<16xf32>,
      %mul3A_696 = arith.constant 2 : i32
      %mul3A_697 = arith.muli %mul3A_696, %scan3A_429 : i32
      %add3A_698 = arith.constant 1 : i32
      %add3A_699 = arith.addi %mul3A_697, %add3A_698 : i32
      %gt3A_700 = arith.constant 0 : i32
      %gt3A_701 = arith.cmpi sgt, %add3A_699, %gt3A_700 : i32
      %convert_element_type3A_702 = arith.extui %gt3A_701 : i1 to i32
      %cond3A_703 = arith.constant 0 : i32
      %cond3A_704 = arith.cmpi ne, %convert_element_type3A_702, %cond3A_703 : i32
      scf.if %cond3A_704 {
        %dma_wait3A_964 = arith.constant 0 : i32
        %dma_wait3A_965 = arith.constant 0 : i32
        %dma_wait3A_966 = arith.constant 0 : i32
        %dma_wait3A_967 = tpu.memref_slice %arg17[%dma_wait3A_964, %dma_wait3A_965, %dma_wait3A_966] : memref<2x80x128xf32, #tpu.memory_space<vmem>> -> memref<1x80x128xf32, #tpu.memory_space<vmem>>
        %dma_wait3A_968 = tpu.memref_squeeze %dma_wait3A_967 : memref<1x80x128xf32, #tpu.memory_space<vmem>> -> memref<80x128xf32, #tpu.memory_space<vmem>>
        %dma_wait3A_969 = arith.constant 0 : i32
        %dma_wait3A_970 = arith.constant 0 : i32
        %dma_wait3A_971 = tpu.memref_slice %arg7[%dma_wait3A_969, %dma_wait3A_970] : memref<10000x128xf32, #tpu.memory_space<hbm>> -> memref<80x128xf32, #tpu.memory_space<hbm>>
        %dma_wait3A_972 = arith.constant 0 : i32
        %dma_wait3A_973 = arith.constant 0 : i32
        %dma_wait3A_974 = tpu.memref_slice %arg17[%dma_wait3A_964, %dma_wait3A_972, %dma_wait3A_973] : memref<2x80x128xf32, #tpu.memory_space<vmem>> -> memref<1x80x128xf32, #tpu.memory_space<vmem>>
        %dma_wait3A_975 = tpu.memref_squeeze %dma_wait3A_974 : memref<1x80x128xf32, #tpu.memory_space<vmem>> -> memref<80x128xf32, #tpu.memory_space<vmem>>
        %dma_wait3A_976 = arith.constant 0 : i32
        %dma_wait3A_977 = arith.constant 0 : i32
        %dma_wait3A_978 = tpu.memref_slice %arg7[%dma_wait3A_976, %dma_wait3A_977] : memref<10000x128xf32, #tpu.memory_space<hbm>> -> memref<80x128xf32, #tpu.memory_space<hbm>>
        tpu.wait_dma2 semaphore(%arg22 : memref<!tpu.dma_semaphore, #tpu.memory_space<semaphore_mem>>) src(%dma_wait3A_978 : memref<80x128xf32, #tpu.memory_space<hbm>>) dst(%dma_wait3A_975 : memref<80x128xf32, #tpu.memory_space<vmem>>)
        %dma_wait3A_979 = arith.constant 0 : i32
        %dma_wait3A_980 = arith.constant 0 : i32
        %dma_wait3A_981 = tpu.memref_slice %arg13[%dma_wait3A_979, %dma_wait3A_980] : memref<2x80xf32, #tpu.memory_space<vmem>> -> memref<1x80xf32, #tpu.memory_space<vmem>>
        %dma_wait3A_982 = tpu.memref_squeeze %dma_wait3A_981 : memref<1x80xf32, #tpu.memory_space<vmem>> -> memref<80xf32, #tpu.memory_space<vmem>>
        %dma_wait3A_983 = arith.constant 0 : i32
        %dma_wait3A_984 = tpu.memref_slice %arg4[%dma_wait3A_983] : memref<10000xf32, #tpu.memory_space<hbm>> -> memref<80xf32, #tpu.memory_space<hbm>>
        %dma_wait3A_985 = arith.constant 0 : i32
        %dma_wait3A_986 = tpu.memref_slice %arg13[%dma_wait3A_979, %dma_wait3A_985] : memref<2x80xf32, #tpu.memory_space<vmem>> -> memref<1x80xf32, #tpu.memory_space<vmem>>
        %dma_wait3A_987 = tpu.memref_squeeze %dma_wait3A_986 : memref<1x80xf32, #tpu.memory_space<vmem>> -> memref<80xf32, #tpu.memory_space<vmem>>
        %dma_wait3A_988 = arith.constant 0 : i32
        %dma_wait3A_989 = tpu.memref_slice %arg4[%dma_wait3A_988] : memref<10000xf32, #tpu.memory_space<hbm>> -> memref<80xf32, #tpu.memory_space<hbm>>
        tpu.wait_dma2 semaphore(%arg22 : memref<!tpu.dma_semaphore, #tpu.memory_space<semaphore_mem>>) src(%dma_wait3A_989 : memref<80xf32, #tpu.memory_space<hbm>>) dst(%dma_wait3A_987 : memref<80xf32, #tpu.memory_space<vmem>>)
      } else {
      }
      %dma_wait3A_705 = arith.constant 0 : i32
      %dma_wait3A_706 = arith.constant 0 : i32
      %dma_wait3A_707 = arith.constant 0 : i32
      %dma_wait3A_708 = tpu.memref_slice %arg10[%dma_wait3A_706, %dma_wait3A_707] : memref<2x80xi32, #tpu.memory_space<vmem>> -> memref<1x80xi32, #tpu.memory_space<vmem>>
      %dma_wait3A_709 = tpu.memref_squeeze %dma_wait3A_708 : memref<1x80xi32, #tpu.memory_space<vmem>> -> memref<80xi32, #tpu.memory_space<vmem>>
      %dma_wait3A_710 = arith.constant 0 : i32
      %dma_wait3A_711 = tpu.memref_slice %arg2[%dma_wait3A_705, %dma_wait3A_710] : memref<4000x80xi32, #tpu.memory_space<hbm>> -> memref<1x80xi32, #tpu.memory_space<hbm>>
      %dma_wait3A_712 = tpu.memref_squeeze %dma_wait3A_711 : memref<1x80xi32, #tpu.memory_space<hbm>> -> memref<80xi32, #tpu.memory_space<hbm>>
      %dma_wait3A_713 = arith.constant 0 : i32
      %dma_wait3A_714 = tpu.memref_slice %arg10[%dma_wait3A_706, %dma_wait3A_713] : memref<2x80xi32, #tpu.memory_space<vmem>> -> memref<1x80xi32, #tpu.memory_space<vmem>>
      %dma_wait3A_715 = tpu.memref_squeeze %dma_wait3A_714 : memref<1x80xi32, #tpu.memory_space<vmem>> -> memref<80xi32, #tpu.memory_space<vmem>>
      %dma_wait3A_716 = arith.constant 0 : i32
      %dma_wait3A_717 = tpu.memref_slice %arg2[%dma_wait3A_705, %dma_wait3A_716] : memref<4000x80xi32, #tpu.memory_space<hbm>> -> memref<1x80xi32, #tpu.memory_space<hbm>>
      %dma_wait3A_718 = tpu.memref_squeeze %dma_wait3A_717 : memref<1x80xi32, #tpu.memory_space<hbm>> -> memref<80xi32, #tpu.memory_space<hbm>>
      tpu.wait_dma2 semaphore(%arg20 : memref<!tpu.dma_semaphore, #tpu.memory_space<semaphore_mem>>) src(%dma_wait3A_718 : memref<80xi32, #tpu.memory_space<hbm>>) dst(%dma_wait3A_715 : memref<80xi32, #tpu.memory_space<vmem>>)
      %dma_wait3A_719 = arith.constant 0 : i32
      %dma_wait3A_720 = arith.constant 0 : i32
      %dma_wait3A_721 = arith.constant 0 : i32
      %dma_wait3A_722 = tpu.memref_slice %arg11[%dma_wait3A_720, %dma_wait3A_721] : memref<2x80xi32, #tpu.memory_space<vmem>> -> memref<1x80xi32, #tpu.memory_space<vmem>>
      %dma_wait3A_723 = tpu.memref_squeeze %dma_wait3A_722 : memref<1x80xi32, #tpu.memory_space<vmem>> -> memref<80xi32, #tpu.memory_space<vmem>>
      %dma_wait3A_724 = arith.constant 0 : i32
      %dma_wait3A_725 = tpu.memref_slice %arg3[%dma_wait3A_719, %dma_wait3A_724] : memref<4000x80xi32, #tpu.memory_space<hbm>> -> memref<1x80xi32, #tpu.memory_space<hbm>>
      %dma_wait3A_726 = tpu.memref_squeeze %dma_wait3A_725 : memref<1x80xi32, #tpu.memory_space<hbm>> -> memref<80xi32, #tpu.memory_space<hbm>>
      %dma_wait3A_727 = arith.constant 0 : i32
      %dma_wait3A_728 = tpu.memref_slice %arg11[%dma_wait3A_720, %dma_wait3A_727] : memref<2x80xi32, #tpu.memory_space<vmem>> -> memref<1x80xi32, #tpu.memory_space<vmem>>
      %dma_wait3A_729 = tpu.memref_squeeze %dma_wait3A_728 : memref<1x80xi32, #tpu.memory_space<vmem>> -> memref<80xi32, #tpu.memory_space<vmem>>
      %dma_wait3A_730 = arith.constant 0 : i32
      %dma_wait3A_731 = tpu.memref_slice %arg3[%dma_wait3A_719, %dma_wait3A_730] : memref<4000x80xi32, #tpu.memory_space<hbm>> -> memref<1x80xi32, #tpu.memory_space<hbm>>
      %dma_wait3A_732 = tpu.memref_squeeze %dma_wait3A_731 : memref<1x80xi32, #tpu.memory_space<hbm>> -> memref<80xi32, #tpu.memory_space<hbm>>
      tpu.wait_dma2 semaphore(%arg20 : memref<!tpu.dma_semaphore, #tpu.memory_space<semaphore_mem>>) src(%dma_wait3A_732 : memref<80xi32, #tpu.memory_space<hbm>>) dst(%dma_wait3A_729 : memref<80xi32, #tpu.memory_space<vmem>>)
      %dma_start3A_733 = arith.constant 0 : i32
      %dma_start3A_734 = arith.constant 0 : i32
      %dma_start3A_735 = arith.constant 0 : i32
      %dma_start3A_736 = arith.constant 0 : i32
      %dma_start3A_737 = tpu.memref_slice %arg17[%dma_start3A_734, %dma_start3A_735, %dma_start3A_736] : memref<2x80x128xf32, #tpu.memory_space<vmem>> -> memref<1x80x128xf32, #tpu.memory_space<vmem>>
      %dma_start3A_738 = tpu.memref_squeeze %dma_start3A_737 : memref<1x80x128xf32, #tpu.memory_space<vmem>> -> memref<80x128xf32, #tpu.memory_space<vmem>>
      %dma_start3A_739 = arith.constant 0 : i32
      %dma_start3A_740 = tpu.memref_slice %arg11[%dma_start3A_733, %dma_start3A_739] : memref<2x80xi32, #tpu.memory_space<vmem>> -> memref<1x80xi32, #tpu.memory_space<vmem>>
      %dma_start3A_741 = tpu.memref_squeeze %dma_start3A_740 : memref<1x80xi32, #tpu.memory_space<vmem>> -> memref<80xi32, #tpu.memory_space<vmem>>
      %dma_start3A_742 = arith.constant 0 : i32
      %dma_start3A_743 = arith.constant 0 : i32
      %dma_start3A_744 = tpu.memref_slice %arg7[%dma_start3A_742, %dma_start3A_743] : memref<10000x128xf32, #tpu.memory_space<hbm>> -> memref<10000x128xf32, #tpu.memory_space<hbm>>
      tpu.enqueue_indirect_dma source(%dma_start3A_744 : memref<10000x128xf32, #tpu.memory_space<hbm>>) target(%dma_start3A_738 : memref<80x128xf32, #tpu.memory_space<vmem>>) offsets(%dma_start3A_741 : memref<80xi32, #tpu.memory_space<vmem>>) semaphore(%arg21 : memref<!tpu.dma_semaphore, #tpu.memory_space<semaphore_mem>>)
      %dma_wait3A_745 = arith.constant 1 : i32
      %dma_wait3A_746 = arith.constant 0 : i32
      %dma_wait3A_747 = arith.constant 0 : i32
      %dma_wait3A_748 = tpu.memref_slice %arg17[%dma_wait3A_745, %dma_wait3A_746, %dma_wait3A_747] : memref<2x80x128xf32, #tpu.memory_space<vmem>> -> memref<1x80x128xf32, #tpu.memory_space<vmem>>
      %dma_wait3A_749 = tpu.memref_squeeze %dma_wait3A_748 : memref<1x80x128xf32, #tpu.memory_space<vmem>> -> memref<80x128xf32, #tpu.memory_space<vmem>>
      %dma_wait3A_750 = arith.constant 0 : i32
      %dma_wait3A_751 = arith.constant 0 : i32
      %dma_wait3A_752 = tpu.memref_slice %arg7[%dma_wait3A_750, %dma_wait3A_751] : memref<10000x128xf32, #tpu.memory_space<hbm>> -> memref<80x128xf32, #tpu.memory_space<hbm>>
      %dma_wait3A_753 = arith.constant 0 : i32
      %dma_wait3A_754 = arith.constant 0 : i32
      %dma_wait3A_755 = tpu.memref_slice %arg17[%dma_wait3A_745, %dma_wait3A_753, %dma_wait3A_754] : memref<2x80x128xf32, #tpu.memory_space<vmem>> -> memref<1x80x128xf32, #tpu.memory_space<vmem>>
      %dma_wait3A_756 = tpu.memref_squeeze %dma_wait3A_755 : memref<1x80x128xf32, #tpu.memory_space<vmem>> -> memref<80x128xf32, #tpu.memory_space<vmem>>
      %dma_wait3A_757 = arith.constant 0 : i32
      %dma_wait3A_758 = arith.constant 0 : i32
      %dma_wait3A_759 = tpu.memref_slice %arg7[%dma_wait3A_757, %dma_wait3A_758] : memref<10000x128xf32, #tpu.memory_space<hbm>> -> memref<80x128xf32, #tpu.memory_space<hbm>>
      tpu.wait_dma2 semaphore(%arg21 : memref<!tpu.dma_semaphore, #tpu.memory_space<semaphore_mem>>) src(%dma_wait3A_759 : memref<80x128xf32, #tpu.memory_space<hbm>>) dst(%dma_wait3A_756 : memref<80x128xf32, #tpu.memory_space<vmem>>)
      %get3A_760 = arith.constant 1 : i32
      %get3A_761 = arith.index_cast %get3A_760 : i32 to index
      %get3A_762 = arith.constant 0 : index
      %get3A_763 = tpu.vector_load %arg10[%get3A_761, %get3A_762] {strides = array<i32>} : memref<2x80xi32, #tpu.memory_space<vmem>>, vector<16xi32>,
      %swap3A_764 = arith.constant 1 : i32
      %swap3A_765 = arith.index_cast %swap3A_764 : i32 to index
      %swap3A_766 = arith.constant 0 : index
      %swap3A_767 = tpu.vector_load %arg12[%swap3A_765, %swap3A_766] {strides = array<i32>} : memref<2x80xi32, #tpu.memory_space<vmem>>, vector<16xi32>,
      tpu.vector_store %arg12[%swap3A_765, %swap3A_766], %get3A_763 {strides = array<i32>} : memref<2x80xi32, #tpu.memory_space<vmem>>, vector<16xi32>,
      %get3A_768 = arith.constant 1 : i32
      %get3A_769 = arith.index_cast %get3A_768 : i32 to index
      %get3A_770 = arith.constant 16 : index
      %get3A_771 = tpu.vector_load %arg10[%get3A_769, %get3A_770] {strides = array<i32>} : memref<2x80xi32, #tpu.memory_space<vmem>>, vector<16xi32>,
      %swap3A_772 = arith.constant 1 : i32
      %swap3A_773 = arith.index_cast %swap3A_772 : i32 to index
      %swap3A_774 = arith.constant 16 : index
      %swap3A_775 = tpu.vector_load %arg12[%swap3A_773, %swap3A_774] {strides = array<i32>} : memref<2x80xi32, #tpu.memory_space<vmem>>, vector<16xi32>,
      tpu.vector_store %arg12[%swap3A_773, %swap3A_774], %get3A_771 {strides = array<i32>} : memref<2x80xi32, #tpu.memory_space<vmem>>, vector<16xi32>,
      %get3A_776 = arith.constant 1 : i32
      %get3A_777 = arith.index_cast %get3A_776 : i32 to index
      %get3A_778 = arith.constant 32 : index
      %get3A_779 = tpu.vector_load %arg10[%get3A_777, %get3A_778] {strides = array<i32>} : memref<2x80xi32, #tpu.memory_space<vmem>>, vector<16xi32>,
      %swap3A_780 = arith.constant 1 : i32
      %swap3A_781 = arith.index_cast %swap3A_780 : i32 to index
      %swap3A_782 = arith.constant 32 : index
      %swap3A_783 = tpu.vector_load %arg12[%swap3A_781, %swap3A_782] {strides = array<i32>} : memref<2x80xi32, #tpu.memory_space<vmem>>, vector<16xi32>,
      tpu.vector_store %arg12[%swap3A_781, %swap3A_782], %get3A_779 {strides = array<i32>} : memref<2x80xi32, #tpu.memory_space<vmem>>, vector<16xi32>,
      %get3A_784 = arith.constant 1 : i32
      %get3A_785 = arith.index_cast %get3A_784 : i32 to index
      %get3A_786 = arith.constant 48 : index
      %get3A_787 = tpu.vector_load %arg10[%get3A_785, %get3A_786] {strides = array<i32>} : memref<2x80xi32, #tpu.memory_space<vmem>>, vector<16xi32>,
      %swap3A_788 = arith.constant 1 : i32
      %swap3A_789 = arith.index_cast %swap3A_788 : i32 to index
      %swap3A_790 = arith.constant 48 : index
      %swap3A_791 = tpu.vector_load %arg12[%swap3A_789, %swap3A_790] {strides = array<i32>} : memref<2x80xi32, #tpu.memory_space<vmem>>, vector<16xi32>,
      tpu.vector_store %arg12[%swap3A_789, %swap3A_790], %get3A_787 {strides = array<i32>} : memref<2x80xi32, #tpu.memory_space<vmem>>, vector<16xi32>,
      %get3A_792 = arith.constant 1 : i32
      %get3A_793 = arith.index_cast %get3A_792 : i32 to index
      %get3A_794 = arith.constant 64 : index
      %get3A_795 = tpu.vector_load %arg10[%get3A_793, %get3A_794] {strides = array<i32>} : memref<2x80xi32, #tpu.memory_space<vmem>>, vector<16xi32>,
      %swap3A_796 = arith.constant 1 : i32
      %swap3A_797 = arith.index_cast %swap3A_796 : i32 to index
      %swap3A_798 = arith.constant 64 : index
      %swap3A_799 = tpu.vector_load %arg12[%swap3A_797, %swap3A_798] {strides = array<i32>} : memref<2x80xi32, #tpu.memory_space<vmem>>, vector<16xi32>,
      tpu.vector_store %arg12[%swap3A_797, %swap3A_798], %get3A_795 {strides = array<i32>} : memref<2x80xi32, #tpu.memory_space<vmem>>, vector<16xi32>,
      %scan3A_800 = arith.constant 0 : i32
      %scan3A_801 = arith.constant 0 : i32
      %scan3A_802 = arith.constant 20 : i32
      %scan3A_803 = arith.addi %scan3A_801, %scan3A_802 : i32
      %scan3A_804 = arith.constant 1 : i32
      scf.for %scan3A_964 = %scan3A_801 to %scan3A_803 step %scan3A_804  : i32 {
        %mul3A_965 = arith.constant 4 : i32
        %mul3A_966 = arith.muli %scan3A_964, %mul3A_965 : i32
        %add3A_967 = arith.constant 0 : i32
        %add3A_968 = arith.addi %mul3A_966, %add3A_967 : i32
        %broadcast_in_dim3A = arith.constant 1 : i32
        %broadcast_in_dim3A_969 = vector.broadcast %broadcast_in_dim3A : i32 to vector<16xi32>
        %broadcast_in_dim3A_970 = vector.broadcast %add3A_968 : i32 to vector<16xi32>
        %gather3A_971 = tpu.vector_load_idx %arg13[%broadcast_in_dim3A_969, %broadcast_in_dim3A_970] : memref<2x80xf32, #tpu.memory_space<vmem>>[vector<16xi32>, vector<16xi32>], vector<16xf32>,
        %get3A_972 = arith.constant 1 : i32
        %get3A_973 = arith.index_cast %get3A_972 : i32 to index
        %get3A_974 = arith.index_cast %add3A_968 : i32 to index
        %get3A_975 = arith.constant 0 : index
        %get3A_976 = tpu.vector_load %arg17[%get3A_973, %get3A_974, %get3A_975] {strides = array<i32>} : memref<2x80x128xf32, #tpu.memory_space<vmem>>, vector<16xf32>,
        %mul3A_977 = arith.mulf %get3A_976, %gather3A_971 : vector<16xf32>
        %swap3A_978 = arith.constant 1 : i32
        %swap3A_979 = arith.index_cast %swap3A_978 : i32 to index
        %swap3A_980 = arith.index_cast %add3A_968 : i32 to index
        %swap3A_981 = arith.constant 0 : index
        %swap3A_982 = tpu.vector_load %arg17[%swap3A_979, %swap3A_980, %swap3A_981] {strides = array<i32>} : memref<2x80x128xf32, #tpu.memory_space<vmem>>, vector<16xf32>,
        tpu.vector_store %arg17[%swap3A_979, %swap3A_980, %swap3A_981], %mul3A_977 {strides = array<i32>} : memref<2x80x128xf32, #tpu.memory_space<vmem>>, vector<16xf32>,
        %get3A_983 = arith.constant 1 : i32
        %get3A_984 = arith.index_cast %get3A_983 : i32 to index
        %get3A_985 = arith.index_cast %add3A_968 : i32 to index
        %get3A_986 = arith.constant 16 : index
        %get3A_987 = tpu.vector_load %arg17[%get3A_984, %get3A_985, %get3A_986] {strides = array<i32>} : memref<2x80x128xf32, #tpu.memory_space<vmem>>, vector<16xf32>,
        %mul3A_988 = arith.mulf %get3A_987, %gather3A_971 : vector<16xf32>
        %swap3A_989 = arith.constant 1 : i32
        %swap3A_990 = arith.index_cast %swap3A_989 : i32 to index
        %swap3A_991 = arith.index_cast %add3A_968 : i32 to index
        %swap3A_992 = arith.constant 16 : index
        %swap3A_993 = tpu.vector_load %arg17[%swap3A_990, %swap3A_991, %swap3A_992] {strides = array<i32>} : memref<2x80x128xf32, #tpu.memory_space<vmem>>, vector<16xf32>,
        tpu.vector_store %arg17[%swap3A_990, %swap3A_991, %swap3A_992], %mul3A_988 {strides = array<i32>} : memref<2x80x128xf32, #tpu.memory_space<vmem>>, vector<16xf32>,
        %get3A_994 = arith.constant 1 : i32
        %get3A_995 = arith.index_cast %get3A_994 : i32 to index
        %get3A_996 = arith.index_cast %add3A_968 : i32 to index
        %get3A_997 = arith.constant 32 : index
        %get3A_998 = tpu.vector_load %arg17[%get3A_995, %get3A_996, %get3A_997] {strides = array<i32>} : memref<2x80x128xf32, #tpu.memory_space<vmem>>, vector<16xf32>,
        %mul3A_999 = arith.mulf %get3A_998, %gather3A_971 : vector<16xf32>
        %swap3A_1000 = arith.constant 1 : i32
        %swap3A_1001 = arith.index_cast %swap3A_1000 : i32 to index
        %swap3A_1002 = arith.index_cast %add3A_968 : i32 to index
        %swap3A_1003 = arith.constant 32 : index
        %swap3A_1004 = tpu.vector_load %arg17[%swap3A_1001, %swap3A_1002, %swap3A_1003] {strides = array<i32>} : memref<2x80x128xf32, #tpu.memory_space<vmem>>, vector<16xf32>,
        tpu.vector_store %arg17[%swap3A_1001, %swap3A_1002, %swap3A_1003], %mul3A_999 {strides = array<i32>} : memref<2x80x128xf32, #tpu.memory_space<vmem>>, vector<16xf32>,
        %get3A_1005 = arith.constant 1 : i32
        %get3A_1006 = arith.index_cast %get3A_1005 : i32 to index
        %get3A_1007 = arith.index_cast %add3A_968 : i32 to index
        %get3A_1008 = arith.constant 48 : index
        %get3A_1009 = tpu.vector_load %arg17[%get3A_1006, %get3A_1007, %get3A_1008] {strides = array<i32>} : memref<2x80x128xf32, #tpu.memory_space<vmem>>, vector<16xf32>,
        %mul3A_1010 = arith.mulf %get3A_1009, %gather3A_971 : vector<16xf32>
        %swap3A_1011 = arith.constant 1 : i32
        %swap3A_1012 = arith.index_cast %swap3A_1011 : i32 to index
        %swap3A_1013 = arith.index_cast %add3A_968 : i32 to index
        %swap3A_1014 = arith.constant 48 : index
        %swap3A_1015 = tpu.vector_load %arg17[%swap3A_1012, %swap3A_1013, %swap3A_1014] {strides = array<i32>} : memref<2x80x128xf32, #tpu.memory_space<vmem>>, vector<16xf32>,
        tpu.vector_store %arg17[%swap3A_1012, %swap3A_1013, %swap3A_1014], %mul3A_1010 {strides = array<i32>} : memref<2x80x128xf32, #tpu.memory_space<vmem>>, vector<16xf32>,
        %get3A_1016 = arith.constant 1 : i32
        %get3A_1017 = arith.index_cast %get3A_1016 : i32 to index
        %get3A_1018 = arith.index_cast %add3A_968 : i32 to index
        %get3A_1019 = arith.constant 64 : index
        %get3A_1020 = tpu.vector_load %arg17[%get3A_1017, %get3A_1018, %get3A_1019] {strides = array<i32>} : memref<2x80x128xf32, #tpu.memory_space<vmem>>, vector<16xf32>,
        %mul3A_1021 = arith.mulf %get3A_1020, %gather3A_971 : vector<16xf32>
        %swap3A_1022 = arith.constant 1 : i32
        %swap3A_1023 = arith.index_cast %swap3A_1022 : i32 to index
        %swap3A_1024 = arith.index_cast %add3A_968 : i32 to index
        %swap3A_1025 = arith.constant 64 : index
        %swap3A_1026 = tpu.vector_load %arg17[%swap3A_1023, %swap3A_1024, %swap3A_1025] {strides = array<i32>} : memref<2x80x128xf32, #tpu.memory_space<vmem>>, vector<16xf32>,
        tpu.vector_store %arg17[%swap3A_1023, %swap3A_1024, %swap3A_1025], %mul3A_1021 {strides = array<i32>} : memref<2x80x128xf32, #tpu.memory_space<vmem>>, vector<16xf32>,
        %get3A_1027 = arith.constant 1 : i32
        %get3A_1028 = arith.index_cast %get3A_1027 : i32 to index
        %get3A_1029 = arith.index_cast %add3A_968 : i32 to index
        %get3A_1030 = arith.constant 80 : index
        %get3A_1031 = tpu.vector_load %arg17[%get3A_1028, %get3A_1029, %get3A_1030] {strides = array<i32>} : memref<2x80x128xf32, #tpu.memory_space<vmem>>, vector<16xf32>,
        %mul3A_1032 = arith.mulf %get3A_1031, %gather3A_971 : vector<16xf32>
        %swap3A_1033 = arith.constant 1 : i32
        %swap3A_1034 = arith.index_cast %swap3A_1033 : i32 to index
        %swap3A_1035 = arith.index_cast %add3A_968 : i32 to index
        %swap3A_1036 = arith.constant 80 : index
        %swap3A_1037 = tpu.vector_load %arg17[%swap3A_1034, %swap3A_1035, %swap3A_1036] {strides = array<i32>} : memref<2x80x128xf32, #tpu.memory_space<vmem>>, vector<16xf32>,
        tpu.vector_store %arg17[%swap3A_1034, %swap3A_1035, %swap3A_1036], %mul3A_1032 {strides = array<i32>} : memref<2x80x128xf32, #tpu.memory_space<vmem>>, vector<16xf32>,
        %get3A_1038 = arith.constant 1 : i32
        %get3A_1039 = arith.index_cast %get3A_1038 : i32 to index
        %get3A_1040 = arith.index_cast %add3A_968 : i32 to index
        %get3A_1041 = arith.constant 96 : index
        %get3A_1042 = tpu.vector_load %arg17[%get3A_1039, %get3A_1040, %get3A_1041] {strides = array<i32>} : memref<2x80x128xf32, #tpu.memory_space<vmem>>, vector<16xf32>,
        %mul3A_1043 = arith.mulf %get3A_1042, %gather3A_971 : vector<16xf32>
        %swap3A_1044 = arith.constant 1 : i32
        %swap3A_1045 = arith.index_cast %swap3A_1044 : i32 to index
        %swap3A_1046 = arith.index_cast %add3A_968 : i32 to index
        %swap3A_1047 = arith.constant 96 : index
        %swap3A_1048 = tpu.vector_load %arg17[%swap3A_1045, %swap3A_1046, %swap3A_1047] {strides = array<i32>} : memref<2x80x128xf32, #tpu.memory_space<vmem>>, vector<16xf32>,
        tpu.vector_store %arg17[%swap3A_1045, %swap3A_1046, %swap3A_1047], %mul3A_1043 {strides = array<i32>} : memref<2x80x128xf32, #tpu.memory_space<vmem>>, vector<16xf32>,
        %get3A_1049 = arith.constant 1 : i32
        %get3A_1050 = arith.index_cast %get3A_1049 : i32 to index
        %get3A_1051 = arith.index_cast %add3A_968 : i32 to index
        %get3A_1052 = arith.constant 112 : index
        %get3A_1053 = tpu.vector_load %arg17[%get3A_1050, %get3A_1051, %get3A_1052] {strides = array<i32>} : memref<2x80x128xf32, #tpu.memory_space<vmem>>, vector<16xf32>,
        %mul3A_1054 = arith.mulf %get3A_1053, %gather3A_971 : vector<16xf32>
        %swap3A_1055 = arith.constant 1 : i32
        %swap3A_1056 = arith.index_cast %swap3A_1055 : i32 to index
        %swap3A_1057 = arith.index_cast %add3A_968 : i32 to index
        %swap3A_1058 = arith.constant 112 : index
        %swap3A_1059 = tpu.vector_load %arg17[%swap3A_1056, %swap3A_1057, %swap3A_1058] {strides = array<i32>} : memref<2x80x128xf32, #tpu.memory_space<vmem>>, vector<16xf32>,
        tpu.vector_store %arg17[%swap3A_1056, %swap3A_1057, %swap3A_1058], %mul3A_1054 {strides = array<i32>} : memref<2x80x128xf32, #tpu.memory_space<vmem>>, vector<16xf32>,
        %mul3A_1060 = arith.constant 4 : i32
        %mul3A_1061 = arith.muli %scan3A_964, %mul3A_1060 : i32
        %add3A_1062 = arith.constant 1 : i32
        %add3A_1063 = arith.addi %mul3A_1061, %add3A_1062 : i32
        %broadcast_in_dim3A_1064 = arith.constant 1 : i32
        %broadcast_in_dim3A_1065 = vector.broadcast %broadcast_in_dim3A_1064 : i32 to vector<16xi32>
        %broadcast_in_dim3A_1066 = vector.broadcast %add3A_1063 : i32 to vector<16xi32>
        %gather3A_1067 = tpu.vector_load_idx %arg13[%broadcast_in_dim3A_1065, %broadcast_in_dim3A_1066] : memref<2x80xf32, #tpu.memory_space<vmem>>[vector<16xi32>, vector<16xi32>], vector<16xf32>,
        %get3A_1068 = arith.constant 1 : i32
        %get3A_1069 = arith.index_cast %get3A_1068 : i32 to index
        %get3A_1070 = arith.index_cast %add3A_1063 : i32 to index
        %get3A_1071 = arith.constant 0 : index
        %get3A_1072 = tpu.vector_load %arg17[%get3A_1069, %get3A_1070, %get3A_1071] {strides = array<i32>} : memref<2x80x128xf32, #tpu.memory_space<vmem>>, vector<16xf32>,
        %mul3A_1073 = arith.mulf %get3A_1072, %gather3A_1067 : vector<16xf32>
        %swap3A_1074 = arith.constant 1 : i32
        %swap3A_1075 = arith.index_cast %swap3A_1074 : i32 to index
        %swap3A_1076 = arith.index_cast %add3A_1063 : i32 to index
        %swap3A_1077 = arith.constant 0 : index
        %swap3A_1078 = tpu.vector_load %arg17[%swap3A_1075, %swap3A_1076, %swap3A_1077] {strides = array<i32>} : memref<2x80x128xf32, #tpu.memory_space<vmem>>, vector<16xf32>,
        tpu.vector_store %arg17[%swap3A_1075, %swap3A_1076, %swap3A_1077], %mul3A_1073 {strides = array<i32>} : memref<2x80x128xf32, #tpu.memory_space<vmem>>, vector<16xf32>,
        %get3A_1079 = arith.constant 1 : i32
        %get3A_1080 = arith.index_cast %get3A_1079 : i32 to index
        %get3A_1081 = arith.index_cast %add3A_1063 : i32 to index
        %get3A_1082 = arith.constant 16 : index
        %get3A_1083 = tpu.vector_load %arg17[%get3A_1080, %get3A_1081, %get3A_1082] {strides = array<i32>} : memref<2x80x128xf32, #tpu.memory_space<vmem>>, vector<16xf32>,
        %mul3A_1084 = arith.mulf %get3A_1083, %gather3A_1067 : vector<16xf32>
        %swap3A_1085 = arith.constant 1 : i32
        %swap3A_1086 = arith.index_cast %swap3A_1085 : i32 to index
        %swap3A_1087 = arith.index_cast %add3A_1063 : i32 to index
        %swap3A_1088 = arith.constant 16 : index
        %swap3A_1089 = tpu.vector_load %arg17[%swap3A_1086, %swap3A_1087, %swap3A_1088] {strides = array<i32>} : memref<2x80x128xf32, #tpu.memory_space<vmem>>, vector<16xf32>,
        tpu.vector_store %arg17[%swap3A_1086, %swap3A_1087, %swap3A_1088], %mul3A_1084 {strides = array<i32>} : memref<2x80x128xf32, #tpu.memory_space<vmem>>, vector<16xf32>,
        %get3A_1090 = arith.constant 1 : i32
        %get3A_1091 = arith.index_cast %get3A_1090 : i32 to index
        %get3A_1092 = arith.index_cast %add3A_1063 : i32 to index
        %get3A_1093 = arith.constant 32 : index
        %get3A_1094 = tpu.vector_load %arg17[%get3A_1091, %get3A_1092, %get3A_1093] {strides = array<i32>} : memref<2x80x128xf32, #tpu.memory_space<vmem>>, vector<16xf32>,
        %mul3A_1095 = arith.mulf %get3A_1094, %gather3A_1067 : vector<16xf32>
        %swap3A_1096 = arith.constant 1 : i32
        %swap3A_1097 = arith.index_cast %swap3A_1096 : i32 to index
        %swap3A_1098 = arith.index_cast %add3A_1063 : i32 to index
        %swap3A_1099 = arith.constant 32 : index
        %swap3A_1100 = tpu.vector_load %arg17[%swap3A_1097, %swap3A_1098, %swap3A_1099] {strides = array<i32>} : memref<2x80x128xf32, #tpu.memory_space<vmem>>, vector<16xf32>,
        tpu.vector_store %arg17[%swap3A_1097, %swap3A_1098, %swap3A_1099], %mul3A_1095 {strides = array<i32>} : memref<2x80x128xf32, #tpu.memory_space<vmem>>, vector<16xf32>,
        %get3A_1101 = arith.constant 1 : i32
        %get3A_1102 = arith.index_cast %get3A_1101 : i32 to index
        %get3A_1103 = arith.index_cast %add3A_1063 : i32 to index
        %get3A_1104 = arith.constant 48 : index
        %get3A_1105 = tpu.vector_load %arg17[%get3A_1102, %get3A_1103, %get3A_1104] {strides = array<i32>} : memref<2x80x128xf32, #tpu.memory_space<vmem>>, vector<16xf32>,
        %mul3A_1106 = arith.mulf %get3A_1105, %gather3A_1067 : vector<16xf32>
        %swap3A_1107 = arith.constant 1 : i32
        %swap3A_1108 = arith.index_cast %swap3A_1107 : i32 to index
        %swap3A_1109 = arith.index_cast %add3A_1063 : i32 to index
        %swap3A_1110 = arith.constant 48 : index
        %swap3A_1111 = tpu.vector_load %arg17[%swap3A_1108, %swap3A_1109, %swap3A_1110] {strides = array<i32>} : memref<2x80x128xf32, #tpu.memory_space<vmem>>, vector<16xf32>,
        tpu.vector_store %arg17[%swap3A_1108, %swap3A_1109, %swap3A_1110], %mul3A_1106 {strides = array<i32>} : memref<2x80x128xf32, #tpu.memory_space<vmem>>, vector<16xf32>,
        %get3A_1112 = arith.constant 1 : i32
        %get3A_1113 = arith.index_cast %get3A_1112 : i32 to index
        %get3A_1114 = arith.index_cast %add3A_1063 : i32 to index
        %get3A_1115 = arith.constant 64 : index
        %get3A_1116 = tpu.vector_load %arg17[%get3A_1113, %get3A_1114, %get3A_1115] {strides = array<i32>} : memref<2x80x128xf32, #tpu.memory_space<vmem>>, vector<16xf32>,
        %mul3A_1117 = arith.mulf %get3A_1116, %gather3A_1067 : vector<16xf32>
        %swap3A_1118 = arith.constant 1 : i32
        %swap3A_1119 = arith.index_cast %swap3A_1118 : i32 to index
        %swap3A_1120 = arith.index_cast %add3A_1063 : i32 to index
        %swap3A_1121 = arith.constant 64 : index
        %swap3A_1122 = tpu.vector_load %arg17[%swap3A_1119, %swap3A_1120, %swap3A_1121] {strides = array<i32>} : memref<2x80x128xf32, #tpu.memory_space<vmem>>, vector<16xf32>,
        tpu.vector_store %arg17[%swap3A_1119, %swap3A_1120, %swap3A_1121], %mul3A_1117 {strides = array<i32>} : memref<2x80x128xf32, #tpu.memory_space<vmem>>, vector<16xf32>,
        %get3A_1123 = arith.constant 1 : i32
        %get3A_1124 = arith.index_cast %get3A_1123 : i32 to index
        %get3A_1125 = arith.index_cast %add3A_1063 : i32 to index
        %get3A_1126 = arith.constant 80 : index
        %get3A_1127 = tpu.vector_load %arg17[%get3A_1124, %get3A_1125, %get3A_1126] {strides = array<i32>} : memref<2x80x128xf32, #tpu.memory_space<vmem>>, vector<16xf32>,
        %mul3A_1128 = arith.mulf %get3A_1127, %gather3A_1067 : vector<16xf32>
        %swap3A_1129 = arith.constant 1 : i32
        %swap3A_1130 = arith.index_cast %swap3A_1129 : i32 to index
        %swap3A_1131 = arith.index_cast %add3A_1063 : i32 to index
        %swap3A_1132 = arith.constant 80 : index
        %swap3A_1133 = tpu.vector_load %arg17[%swap3A_1130, %swap3A_1131, %swap3A_1132] {strides = array<i32>} : memref<2x80x128xf32, #tpu.memory_space<vmem>>, vector<16xf32>,
        tpu.vector_store %arg17[%swap3A_1130, %swap3A_1131, %swap3A_1132], %mul3A_1128 {strides = array<i32>} : memref<2x80x128xf32, #tpu.memory_space<vmem>>, vector<16xf32>,
        %get3A_1134 = arith.constant 1 : i32
        %get3A_1135 = arith.index_cast %get3A_1134 : i32 to index
        %get3A_1136 = arith.index_cast %add3A_1063 : i32 to index
        %get3A_1137 = arith.constant 96 : index
        %get3A_1138 = tpu.vector_load %arg17[%get3A_1135, %get3A_1136, %get3A_1137] {strides = array<i32>} : memref<2x80x128xf32, #tpu.memory_space<vmem>>, vector<16xf32>,
        %mul3A_1139 = arith.mulf %get3A_1138, %gather3A_1067 : vector<16xf32>
        %swap3A_1140 = arith.constant 1 : i32
        %swap3A_1141 = arith.index_cast %swap3A_1140 : i32 to index
        %swap3A_1142 = arith.index_cast %add3A_1063 : i32 to index
        %swap3A_1143 = arith.constant 96 : index
        %swap3A_1144 = tpu.vector_load %arg17[%swap3A_1141, %swap3A_1142, %swap3A_1143] {strides = array<i32>} : memref<2x80x128xf32, #tpu.memory_space<vmem>>, vector<16xf32>,
        tpu.vector_store %arg17[%swap3A_1141, %swap3A_1142, %swap3A_1143], %mul3A_1139 {strides = array<i32>} : memref<2x80x128xf32, #tpu.memory_space<vmem>>, vector<16xf32>,
        %get3A_1145 = arith.constant 1 : i32
        %get3A_1146 = arith.index_cast %get3A_1145 : i32 to index
        %get3A_1147 = arith.index_cast %add3A_1063 : i32 to index
        %get3A_1148 = arith.constant 112 : index
        %get3A_1149 = tpu.vector_load %arg17[%get3A_1146, %get3A_1147, %get3A_1148] {strides = array<i32>} : memref<2x80x128xf32, #tpu.memory_space<vmem>>, vector<16xf32>,
        %mul3A_1150 = arith.mulf %get3A_1149, %gather3A_1067 : vector<16xf32>
        %swap3A_1151 = arith.constant 1 : i32
        %swap3A_1152 = arith.index_cast %swap3A_1151 : i32 to index
        %swap3A_1153 = arith.index_cast %add3A_1063 : i32 to index
        %swap3A_1154 = arith.constant 112 : index
        %swap3A_1155 = tpu.vector_load %arg17[%swap3A_1152, %swap3A_1153, %swap3A_1154] {strides = array<i32>} : memref<2x80x128xf32, #tpu.memory_space<vmem>>, vector<16xf32>,
        tpu.vector_store %arg17[%swap3A_1152, %swap3A_1153, %swap3A_1154], %mul3A_1150 {strides = array<i32>} : memref<2x80x128xf32, #tpu.memory_space<vmem>>, vector<16xf32>,
        %mul3A_1156 = arith.constant 4 : i32
        %mul3A_1157 = arith.muli %scan3A_964, %mul3A_1156 : i32
        %add3A_1158 = arith.constant 2 : i32
        %add3A_1159 = arith.addi %mul3A_1157, %add3A_1158 : i32
        %broadcast_in_dim3A_1160 = arith.constant 1 : i32
        %broadcast_in_dim3A_1161 = vector.broadcast %broadcast_in_dim3A_1160 : i32 to vector<16xi32>
        %broadcast_in_dim3A_1162 = vector.broadcast %add3A_1159 : i32 to vector<16xi32>
        %gather3A_1163 = tpu.vector_load_idx %arg13[%broadcast_in_dim3A_1161, %broadcast_in_dim3A_1162] : memref<2x80xf32, #tpu.memory_space<vmem>>[vector<16xi32>, vector<16xi32>], vector<16xf32>,
        %get3A_1164 = arith.constant 1 : i32
        %get3A_1165 = arith.index_cast %get3A_1164 : i32 to index
        %get3A_1166 = arith.index_cast %add3A_1159 : i32 to index
        %get3A_1167 = arith.constant 0 : index
        %get3A_1168 = tpu.vector_load %arg17[%get3A_1165, %get3A_1166, %get3A_1167] {strides = array<i32>} : memref<2x80x128xf32, #tpu.memory_space<vmem>>, vector<16xf32>,
        %mul3A_1169 = arith.mulf %get3A_1168, %gather3A_1163 : vector<16xf32>
        %swap3A_1170 = arith.constant 1 : i32
        %swap3A_1171 = arith.index_cast %swap3A_1170 : i32 to index
        %swap3A_1172 = arith.index_cast %add3A_1159 : i32 to index
        %swap3A_1173 = arith.constant 0 : index
        %swap3A_1174 = tpu.vector_load %arg17[%swap3A_1171, %swap3A_1172, %swap3A_1173] {strides = array<i32>} : memref<2x80x128xf32, #tpu.memory_space<vmem>>, vector<16xf32>,
        tpu.vector_store %arg17[%swap3A_1171, %swap3A_1172, %swap3A_1173], %mul3A_1169 {strides = array<i32>} : memref<2x80x128xf32, #tpu.memory_space<vmem>>, vector<16xf32>,
        %get3A_1175 = arith.constant 1 : i32
        %get3A_1176 = arith.index_cast %get3A_1175 : i32 to index
        %get3A_1177 = arith.index_cast %add3A_1159 : i32 to index
        %get3A_1178 = arith.constant 16 : index
        %get3A_1179 = tpu.vector_load %arg17[%get3A_1176, %get3A_1177, %get3A_1178] {strides = array<i32>} : memref<2x80x128xf32, #tpu.memory_space<vmem>>, vector<16xf32>,
        %mul3A_1180 = arith.mulf %get3A_1179, %gather3A_1163 : vector<16xf32>
        %swap3A_1181 = arith.constant 1 : i32
        %swap3A_1182 = arith.index_cast %swap3A_1181 : i32 to index
        %swap3A_1183 = arith.index_cast %add3A_1159 : i32 to index
        %swap3A_1184 = arith.constant 16 : index
        %swap3A_1185 = tpu.vector_load %arg17[%swap3A_1182, %swap3A_1183, %swap3A_1184] {strides = array<i32>} : memref<2x80x128xf32, #tpu.memory_space<vmem>>, vector<16xf32>,
        tpu.vector_store %arg17[%swap3A_1182, %swap3A_1183, %swap3A_1184], %mul3A_1180 {strides = array<i32>} : memref<2x80x128xf32, #tpu.memory_space<vmem>>, vector<16xf32>,
        %get3A_1186 = arith.constant 1 : i32
        %get3A_1187 = arith.index_cast %get3A_1186 : i32 to index
        %get3A_1188 = arith.index_cast %add3A_1159 : i32 to index
        %get3A_1189 = arith.constant 32 : index
        %get3A_1190 = tpu.vector_load %arg17[%get3A_1187, %get3A_1188, %get3A_1189] {strides = array<i32>} : memref<2x80x128xf32, #tpu.memory_space<vmem>>, vector<16xf32>,
        %mul3A_1191 = arith.mulf %get3A_1190, %gather3A_1163 : vector<16xf32>
        %swap3A_1192 = arith.constant 1 : i32
        %swap3A_1193 = arith.index_cast %swap3A_1192 : i32 to index
        %swap3A_1194 = arith.index_cast %add3A_1159 : i32 to index
        %swap3A_1195 = arith.constant 32 : index
        %swap3A_1196 = tpu.vector_load %arg17[%swap3A_1193, %swap3A_1194, %swap3A_1195] {strides = array<i32>} : memref<2x80x128xf32, #tpu.memory_space<vmem>>, vector<16xf32>,
        tpu.vector_store %arg17[%swap3A_1193, %swap3A_1194, %swap3A_1195], %mul3A_1191 {strides = array<i32>} : memref<2x80x128xf32, #tpu.memory_space<vmem>>, vector<16xf32>,
        %get3A_1197 = arith.constant 1 : i32
        %get3A_1198 = arith.index_cast %get3A_1197 : i32 to index
        %get3A_1199 = arith.index_cast %add3A_1159 : i32 to index
        %get3A_1200 = arith.constant 48 : index
        %get3A_1201 = tpu.vector_load %arg17[%get3A_1198, %get3A_1199, %get3A_1200] {strides = array<i32>} : memref<2x80x128xf32, #tpu.memory_space<vmem>>, vector<16xf32>,
        %mul3A_1202 = arith.mulf %get3A_1201, %gather3A_1163 : vector<16xf32>
        %swap3A_1203 = arith.constant 1 : i32
        %swap3A_1204 = arith.index_cast %swap3A_1203 : i32 to index
        %swap3A_1205 = arith.index_cast %add3A_1159 : i32 to index
        %swap3A_1206 = arith.constant 48 : index
        %swap3A_1207 = tpu.vector_load %arg17[%swap3A_1204, %swap3A_1205, %swap3A_1206] {strides = array<i32>} : memref<2x80x128xf32, #tpu.memory_space<vmem>>, vector<16xf32>,
        tpu.vector_store %arg17[%swap3A_1204, %swap3A_1205, %swap3A_1206], %mul3A_1202 {strides = array<i32>} : memref<2x80x128xf32, #tpu.memory_space<vmem>>, vector<16xf32>,
        %get3A_1208 = arith.constant 1 : i32
        %get3A_1209 = arith.index_cast %get3A_1208 : i32 to index
        %get3A_1210 = arith.index_cast %add3A_1159 : i32 to index
        %get3A_1211 = arith.constant 64 : index
        %get3A_1212 = tpu.vector_load %arg17[%get3A_1209, %get3A_1210, %get3A_1211] {strides = array<i32>} : memref<2x80x128xf32, #tpu.memory_space<vmem>>, vector<16xf32>,
        %mul3A_1213 = arith.mulf %get3A_1212, %gather3A_1163 : vector<16xf32>
        %swap3A_1214 = arith.constant 1 : i32
        %swap3A_1215 = arith.index_cast %swap3A_1214 : i32 to index
        %swap3A_1216 = arith.index_cast %add3A_1159 : i32 to index
        %swap3A_1217 = arith.constant 64 : index
        %swap3A_1218 = tpu.vector_load %arg17[%swap3A_1215, %swap3A_1216, %swap3A_1217] {strides = array<i32>} : memref<2x80x128xf32, #tpu.memory_space<vmem>>, vector<16xf32>,
        tpu.vector_store %arg17[%swap3A_1215, %swap3A_1216, %swap3A_1217], %mul3A_1213 {strides = array<i32>} : memref<2x80x128xf32, #tpu.memory_space<vmem>>, vector<16xf32>,
        %get3A_1219 = arith.constant 1 : i32
        %get3A_1220 = arith.index_cast %get3A_1219 : i32 to index
        %get3A_1221 = arith.index_cast %add3A_1159 : i32 to index
        %get3A_1222 = arith.constant 80 : index
        %get3A_1223 = tpu.vector_load %arg17[%get3A_1220, %get3A_1221, %get3A_1222] {strides = array<i32>} : memref<2x80x128xf32, #tpu.memory_space<vmem>>, vector<16xf32>,
        %mul3A_1224 = arith.mulf %get3A_1223, %gather3A_1163 : vector<16xf32>
        %swap3A_1225 = arith.constant 1 : i32
        %swap3A_1226 = arith.index_cast %swap3A_1225 : i32 to index
        %swap3A_1227 = arith.index_cast %add3A_1159 : i32 to index
        %swap3A_1228 = arith.constant 80 : index
        %swap3A_1229 = tpu.vector_load %arg17[%swap3A_1226, %swap3A_1227, %swap3A_1228] {strides = array<i32>} : memref<2x80x128xf32, #tpu.memory_space<vmem>>, vector<16xf32>,
        tpu.vector_store %arg17[%swap3A_1226, %swap3A_1227, %swap3A_1228], %mul3A_1224 {strides = array<i32>} : memref<2x80x128xf32, #tpu.memory_space<vmem>>, vector<16xf32>,
        %get3A_1230 = arith.constant 1 : i32
        %get3A_1231 = arith.index_cast %get3A_1230 : i32 to index
        %get3A_1232 = arith.index_cast %add3A_1159 : i32 to index
        %get3A_1233 = arith.constant 96 : index
        %get3A_1234 = tpu.vector_load %arg17[%get3A_1231, %get3A_1232, %get3A_1233] {strides = array<i32>} : memref<2x80x128xf32, #tpu.memory_space<vmem>>, vector<16xf32>,
        %mul3A_1235 = arith.mulf %get3A_1234, %gather3A_1163 : vector<16xf32>
        %swap3A_1236 = arith.constant 1 : i32
        %swap3A_1237 = arith.index_cast %swap3A_1236 : i32 to index
        %swap3A_1238 = arith.index_cast %add3A_1159 : i32 to index
        %swap3A_1239 = arith.constant 96 : index
        %swap3A_1240 = tpu.vector_load %arg17[%swap3A_1237, %swap3A_1238, %swap3A_1239] {strides = array<i32>} : memref<2x80x128xf32, #tpu.memory_space<vmem>>, vector<16xf32>,
        tpu.vector_store %arg17[%swap3A_1237, %swap3A_1238, %swap3A_1239], %mul3A_1235 {strides = array<i32>} : memref<2x80x128xf32, #tpu.memory_space<vmem>>, vector<16xf32>,
        %get3A_1241 = arith.constant 1 : i32
        %get3A_1242 = arith.index_cast %get3A_1241 : i32 to index
        %get3A_1243 = arith.index_cast %add3A_1159 : i32 to index
        %get3A_1244 = arith.constant 112 : index
        %get3A_1245 = tpu.vector_load %arg17[%get3A_1242, %get3A_1243, %get3A_1244] {strides = array<i32>} : memref<2x80x128xf32, #tpu.memory_space<vmem>>, vector<16xf32>,
        %mul3A_1246 = arith.mulf %get3A_1245, %gather3A_1163 : vector<16xf32>
        %swap3A_1247 = arith.constant 1 : i32
        %swap3A_1248 = arith.index_cast %swap3A_1247 : i32 to index
        %swap3A_1249 = arith.index_cast %add3A_1159 : i32 to index
        %swap3A_1250 = arith.constant 112 : index
        %swap3A_1251 = tpu.vector_load %arg17[%swap3A_1248, %swap3A_1249, %swap3A_1250] {strides = array<i32>} : memref<2x80x128xf32, #tpu.memory_space<vmem>>, vector<16xf32>,
        tpu.vector_store %arg17[%swap3A_1248, %swap3A_1249, %swap3A_1250], %mul3A_1246 {strides = array<i32>} : memref<2x80x128xf32, #tpu.memory_space<vmem>>, vector<16xf32>,
        %mul3A_1252 = arith.constant 4 : i32
        %mul3A_1253 = arith.muli %scan3A_964, %mul3A_1252 : i32
        %add3A_1254 = arith.constant 3 : i32
        %add3A_1255 = arith.addi %mul3A_1253, %add3A_1254 : i32
        %broadcast_in_dim3A_1256 = arith.constant 1 : i32
        %broadcast_in_dim3A_1257 = vector.broadcast %broadcast_in_dim3A_1256 : i32 to vector<16xi32>
        %broadcast_in_dim3A_1258 = vector.broadcast %add3A_1255 : i32 to vector<16xi32>
        %gather3A_1259 = tpu.vector_load_idx %arg13[%broadcast_in_dim3A_1257, %broadcast_in_dim3A_1258] : memref<2x80xf32, #tpu.memory_space<vmem>>[vector<16xi32>, vector<16xi32>], vector<16xf32>,
        %get3A_1260 = arith.constant 1 : i32
        %get3A_1261 = arith.index_cast %get3A_1260 : i32 to index
        %get3A_1262 = arith.index_cast %add3A_1255 : i32 to index
        %get3A_1263 = arith.constant 0 : index
        %get3A_1264 = tpu.vector_load %arg17[%get3A_1261, %get3A_1262, %get3A_1263] {strides = array<i32>} : memref<2x80x128xf32, #tpu.memory_space<vmem>>, vector<16xf32>,
        %mul3A_1265 = arith.mulf %get3A_1264, %gather3A_1259 : vector<16xf32>
        %swap3A_1266 = arith.constant 1 : i32
        %swap3A_1267 = arith.index_cast %swap3A_1266 : i32 to index
        %swap3A_1268 = arith.index_cast %add3A_1255 : i32 to index
        %swap3A_1269 = arith.constant 0 : index
        %swap3A_1270 = tpu.vector_load %arg17[%swap3A_1267, %swap3A_1268, %swap3A_1269] {strides = array<i32>} : memref<2x80x128xf32, #tpu.memory_space<vmem>>, vector<16xf32>,
        tpu.vector_store %arg17[%swap3A_1267, %swap3A_1268, %swap3A_1269], %mul3A_1265 {strides = array<i32>} : memref<2x80x128xf32, #tpu.memory_space<vmem>>, vector<16xf32>,
        %get3A_1271 = arith.constant 1 : i32
        %get3A_1272 = arith.index_cast %get3A_1271 : i32 to index
        %get3A_1273 = arith.index_cast %add3A_1255 : i32 to index
        %get3A_1274 = arith.constant 16 : index
        %get3A_1275 = tpu.vector_load %arg17[%get3A_1272, %get3A_1273, %get3A_1274] {strides = array<i32>} : memref<2x80x128xf32, #tpu.memory_space<vmem>>, vector<16xf32>,
        %mul3A_1276 = arith.mulf %get3A_1275, %gather3A_1259 : vector<16xf32>
        %swap3A_1277 = arith.constant 1 : i32
        %swap3A_1278 = arith.index_cast %swap3A_1277 : i32 to index
        %swap3A_1279 = arith.index_cast %add3A_1255 : i32 to index
        %swap3A_1280 = arith.constant 16 : index
        %swap3A_1281 = tpu.vector_load %arg17[%swap3A_1278, %swap3A_1279, %swap3A_1280] {strides = array<i32>} : memref<2x80x128xf32, #tpu.memory_space<vmem>>, vector<16xf32>,
        tpu.vector_store %arg17[%swap3A_1278, %swap3A_1279, %swap3A_1280], %mul3A_1276 {strides = array<i32>} : memref<2x80x128xf32, #tpu.memory_space<vmem>>, vector<16xf32>,
        %get3A_1282 = arith.constant 1 : i32
        %get3A_1283 = arith.index_cast %get3A_1282 : i32 to index
        %get3A_1284 = arith.index_cast %add3A_1255 : i32 to index
        %get3A_1285 = arith.constant 32 : index
        %get3A_1286 = tpu.vector_load %arg17[%get3A_1283, %get3A_1284, %get3A_1285] {strides = array<i32>} : memref<2x80x128xf32, #tpu.memory_space<vmem>>, vector<16xf32>,
        %mul3A_1287 = arith.mulf %get3A_1286, %gather3A_1259 : vector<16xf32>
        %swap3A_1288 = arith.constant 1 : i32
        %swap3A_1289 = arith.index_cast %swap3A_1288 : i32 to index
        %swap3A_1290 = arith.index_cast %add3A_1255 : i32 to index
        %swap3A_1291 = arith.constant 32 : index
        %swap3A_1292 = tpu.vector_load %arg17[%swap3A_1289, %swap3A_1290, %swap3A_1291] {strides = array<i32>} : memref<2x80x128xf32, #tpu.memory_space<vmem>>, vector<16xf32>,
        tpu.vector_store %arg17[%swap3A_1289, %swap3A_1290, %swap3A_1291], %mul3A_1287 {strides = array<i32>} : memref<2x80x128xf32, #tpu.memory_space<vmem>>, vector<16xf32>,
        %get3A_1293 = arith.constant 1 : i32
        %get3A_1294 = arith.index_cast %get3A_1293 : i32 to index
        %get3A_1295 = arith.index_cast %add3A_1255 : i32 to index
        %get3A_1296 = arith.constant 48 : index
        %get3A_1297 = tpu.vector_load %arg17[%get3A_1294, %get3A_1295, %get3A_1296] {strides = array<i32>} : memref<2x80x128xf32, #tpu.memory_space<vmem>>, vector<16xf32>,
        %mul3A_1298 = arith.mulf %get3A_1297, %gather3A_1259 : vector<16xf32>
        %swap3A_1299 = arith.constant 1 : i32
        %swap3A_1300 = arith.index_cast %swap3A_1299 : i32 to index
        %swap3A_1301 = arith.index_cast %add3A_1255 : i32 to index
        %swap3A_1302 = arith.constant 48 : index
        %swap3A_1303 = tpu.vector_load %arg17[%swap3A_1300, %swap3A_1301, %swap3A_1302] {strides = array<i32>} : memref<2x80x128xf32, #tpu.memory_space<vmem>>, vector<16xf32>,
        tpu.vector_store %arg17[%swap3A_1300, %swap3A_1301, %swap3A_1302], %mul3A_1298 {strides = array<i32>} : memref<2x80x128xf32, #tpu.memory_space<vmem>>, vector<16xf32>,
        %get3A_1304 = arith.constant 1 : i32
        %get3A_1305 = arith.index_cast %get3A_1304 : i32 to index
        %get3A_1306 = arith.index_cast %add3A_1255 : i32 to index
        %get3A_1307 = arith.constant 64 : index
        %get3A_1308 = tpu.vector_load %arg17[%get3A_1305, %get3A_1306, %get3A_1307] {strides = array<i32>} : memref<2x80x128xf32, #tpu.memory_space<vmem>>, vector<16xf32>,
        %mul3A_1309 = arith.mulf %get3A_1308, %gather3A_1259 : vector<16xf32>
        %swap3A_1310 = arith.constant 1 : i32
        %swap3A_1311 = arith.index_cast %swap3A_1310 : i32 to index
        %swap3A_1312 = arith.index_cast %add3A_1255 : i32 to index
        %swap3A_1313 = arith.constant 64 : index
        %swap3A_1314 = tpu.vector_load %arg17[%swap3A_1311, %swap3A_1312, %swap3A_1313] {strides = array<i32>} : memref<2x80x128xf32, #tpu.memory_space<vmem>>, vector<16xf32>,
        tpu.vector_store %arg17[%swap3A_1311, %swap3A_1312, %swap3A_1313], %mul3A_1309 {strides = array<i32>} : memref<2x80x128xf32, #tpu.memory_space<vmem>>, vector<16xf32>,
        %get3A_1315 = arith.constant 1 : i32
        %get3A_1316 = arith.index_cast %get3A_1315 : i32 to index
        %get3A_1317 = arith.index_cast %add3A_1255 : i32 to index
        %get3A_1318 = arith.constant 80 : index
        %get3A_1319 = tpu.vector_load %arg17[%get3A_1316, %get3A_1317, %get3A_1318] {strides = array<i32>} : memref<2x80x128xf32, #tpu.memory_space<vmem>>, vector<16xf32>,
        %mul3A_1320 = arith.mulf %get3A_1319, %gather3A_1259 : vector<16xf32>
        %swap3A_1321 = arith.constant 1 : i32
        %swap3A_1322 = arith.index_cast %swap3A_1321 : i32 to index
        %swap3A_1323 = arith.index_cast %add3A_1255 : i32 to index
        %swap3A_1324 = arith.constant 80 : index
        %swap3A_1325 = tpu.vector_load %arg17[%swap3A_1322, %swap3A_1323, %swap3A_1324] {strides = array<i32>} : memref<2x80x128xf32, #tpu.memory_space<vmem>>, vector<16xf32>,
        tpu.vector_store %arg17[%swap3A_1322, %swap3A_1323, %swap3A_1324], %mul3A_1320 {strides = array<i32>} : memref<2x80x128xf32, #tpu.memory_space<vmem>>, vector<16xf32>,
        %get3A_1326 = arith.constant 1 : i32
        %get3A_1327 = arith.index_cast %get3A_1326 : i32 to index
        %get3A_1328 = arith.index_cast %add3A_1255 : i32 to index
        %get3A_1329 = arith.constant 96 : index
        %get3A_1330 = tpu.vector_load %arg17[%get3A_1327, %get3A_1328, %get3A_1329] {strides = array<i32>} : memref<2x80x128xf32, #tpu.memory_space<vmem>>, vector<16xf32>,
        %mul3A_1331 = arith.mulf %get3A_1330, %gather3A_1259 : vector<16xf32>
        %swap3A_1332 = arith.constant 1 : i32
        %swap3A_1333 = arith.index_cast %swap3A_1332 : i32 to index
        %swap3A_1334 = arith.index_cast %add3A_1255 : i32 to index
        %swap3A_1335 = arith.constant 96 : index
        %swap3A_1336 = tpu.vector_load %arg17[%swap3A_1333, %swap3A_1334, %swap3A_1335] {strides = array<i32>} : memref<2x80x128xf32, #tpu.memory_space<vmem>>, vector<16xf32>,
        tpu.vector_store %arg17[%swap3A_1333, %swap3A_1334, %swap3A_1335], %mul3A_1331 {strides = array<i32>} : memref<2x80x128xf32, #tpu.memory_space<vmem>>, vector<16xf32>,
        %get3A_1337 = arith.constant 1 : i32
        %get3A_1338 = arith.index_cast %get3A_1337 : i32 to index
        %get3A_1339 = arith.index_cast %add3A_1255 : i32 to index
        %get3A_1340 = arith.constant 112 : index
        %get3A_1341 = tpu.vector_load %arg17[%get3A_1338, %get3A_1339, %get3A_1340] {strides = array<i32>} : memref<2x80x128xf32, #tpu.memory_space<vmem>>, vector<16xf32>,
        %mul3A_1342 = arith.mulf %get3A_1341, %gather3A_1259 : vector<16xf32>
        %swap3A_1343 = arith.constant 1 : i32
        %swap3A_1344 = arith.index_cast %swap3A_1343 : i32 to index
        %swap3A_1345 = arith.index_cast %add3A_1255 : i32 to index
        %swap3A_1346 = arith.constant 112 : index
        %swap3A_1347 = tpu.vector_load %arg17[%swap3A_1344, %swap3A_1345, %swap3A_1346] {strides = array<i32>} : memref<2x80x128xf32, #tpu.memory_space<vmem>>, vector<16xf32>,
        tpu.vector_store %arg17[%swap3A_1344, %swap3A_1345, %swap3A_1346], %mul3A_1342 {strides = array<i32>} : memref<2x80x128xf32, #tpu.memory_space<vmem>>, vector<16xf32>,
      }
      %scan3A_805 = arith.constant 20 : i32
      %dma_start3A_806 = arith.constant 1 : i32
      %dma_start3A_807 = arith.constant 1 : i32
      %dma_start3A_808 = arith.constant 0 : i32
      %dma_start3A_809 = arith.constant 0 : i32
      %dma_start3A_810 = tpu.memref_slice %arg17[%dma_start3A_806, %dma_start3A_808, %dma_start3A_809] : memref<2x80x128xf32, #tpu.memory_space<vmem>> -> memref<1x80x128xf32, #tpu.memory_space<vmem>>
      %dma_start3A_811 = tpu.memref_squeeze %dma_start3A_810 : memref<1x80x128xf32, #tpu.memory_space<vmem>> -> memref<80x128xf32, #tpu.memory_space<vmem>>
      %dma_start3A_812 = arith.constant 0 : i32
      %dma_start3A_813 = tpu.memref_slice %arg12[%dma_start3A_807, %dma_start3A_812] : memref<2x80xi32, #tpu.memory_space<vmem>> -> memref<1x80xi32, #tpu.memory_space<vmem>>
      %dma_start3A_814 = tpu.memref_squeeze %dma_start3A_813 : memref<1x80xi32, #tpu.memory_space<vmem>> -> memref<80xi32, #tpu.memory_space<vmem>>
      %dma_start3A_815 = arith.constant 0 : i32
      %dma_start3A_816 = arith.constant 0 : i32
      %dma_start3A_817 = tpu.memref_slice %arg18[%dma_start3A_815, %dma_start3A_816] : memref<10240x128xf32, #tpu.memory_space<vmem_shared>> -> memref<10240x128xf32, #tpu.memory_space<vmem_shared>>
      tpu.enqueue_indirect_dma source(%dma_start3A_811 : memref<80x128xf32, #tpu.memory_space<vmem>>) target(%dma_start3A_817 : memref<10240x128xf32, #tpu.memory_space<vmem_shared>>) offsets(%dma_start3A_814 : memref<80xi32, #tpu.memory_space<vmem>>) semaphore(%arg22 : memref<!tpu.dma_semaphore, #tpu.memory_space<semaphore_mem>>) {add = true}
      %dma_start3A_818 = arith.constant 1 : i32
      %dma_start3A_819 = arith.constant 1 : i32
      %dma_start3A_820 = arith.constant 0 : i32
      %dma_start3A_821 = tpu.memref_slice %arg13[%dma_start3A_818, %dma_start3A_820] : memref<2x80xf32, #tpu.memory_space<vmem>> -> memref<1x80xf32, #tpu.memory_space<vmem>>
      %dma_start3A_822 = tpu.memref_squeeze %dma_start3A_821 : memref<1x80xf32, #tpu.memory_space<vmem>> -> memref<80xf32, #tpu.memory_space<vmem>>
      %dma_start3A_823 = arith.constant 0 : i32
      %dma_start3A_824 = tpu.memref_slice %arg12[%dma_start3A_819, %dma_start3A_823] : memref<2x80xi32, #tpu.memory_space<vmem>> -> memref<1x80xi32, #tpu.memory_space<vmem>>
      %dma_start3A_825 = tpu.memref_squeeze %dma_start3A_824 : memref<1x80xi32, #tpu.memory_space<vmem>> -> memref<80xi32, #tpu.memory_space<vmem>>
      %dma_start3A_826 = arith.constant 0 : i32
      %dma_start3A_827 = tpu.memref_slice %arg19[%dma_start3A_826] : memref<10240xf32, #tpu.memory_space<vmem_shared>> -> memref<10240xf32, #tpu.memory_space<vmem_shared>>
      tpu.enqueue_indirect_dma source(%dma_start3A_822 : memref<80xf32, #tpu.memory_space<vmem>>) target(%dma_start3A_827 : memref<10240xf32, #tpu.memory_space<vmem_shared>>) offsets(%dma_start3A_825 : memref<80xi32, #tpu.memory_space<vmem>>) semaphore(%arg22 : memref<!tpu.dma_semaphore, #tpu.memory_space<semaphore_mem>>) {add = true}
      %add3A_828 = arith.constant 2 : i32
      %add3A_829 = arith.addi %add3A_699, %add3A_828 : i32
      %min3A_830 = arith.constant 124 : i32
      %min3A_831 = arith.minsi %add3A_829, %min3A_830 : i32
      %add3A_832 = arith.addi %mul3A_109, %min3A_831 : i32
      %dma_start3A_833 = arith.constant 1 : i32
      %dma_start3A_834 = arith.constant 0 : i32
      %dma_start3A_835 = tpu.memref_slice %arg10[%dma_start3A_833, %dma_start3A_834] : memref<2x80xi32, #tpu.memory_space<vmem>> -> memref<1x80xi32, #tpu.memory_space<vmem>>
      %dma_start3A_836 = tpu.memref_squeeze %dma_start3A_835 : memref<1x80xi32, #tpu.memory_space<vmem>> -> memref<80xi32, #tpu.memory_space<vmem>>
      %dma_start3A_837 = arith.constant 0 : i32
      %dma_start3A_838 = tpu.memref_slice %arg2[%add3A_832, %dma_start3A_837] : memref<4000x80xi32, #tpu.memory_space<hbm>> -> memref<1x80xi32, #tpu.memory_space<hbm>>
      %dma_start3A_839 = tpu.memref_squeeze %dma_start3A_838 : memref<1x80xi32, #tpu.memory_space<hbm>> -> memref<80xi32, #tpu.memory_space<hbm>>
      %dma_start3A_840 = arith.constant 0 : i32
      %dma_start3A_841 = tpu.memref_slice %arg10[%dma_start3A_833, %dma_start3A_840] : memref<2x80xi32, #tpu.memory_space<vmem>> -> memref<1x80xi32, #tpu.memory_space<vmem>>
      %dma_start3A_842 = tpu.memref_squeeze %dma_start3A_841 : memref<1x80xi32, #tpu.memory_space<vmem>> -> memref<80xi32, #tpu.memory_space<vmem>>
      %dma_start3A_843 = arith.constant 0 : i32
      %dma_start3A_844 = tpu.memref_slice %arg2[%add3A_832, %dma_start3A_843] : memref<4000x80xi32, #tpu.memory_space<hbm>> -> memref<1x80xi32, #tpu.memory_space<hbm>>
      %dma_start3A_845 = tpu.memref_squeeze %dma_start3A_844 : memref<1x80xi32, #tpu.memory_space<hbm>> -> memref<80xi32, #tpu.memory_space<hbm>>
      tpu.enqueue_dma source(%dma_start3A_845 : memref<80xi32, #tpu.memory_space<hbm>>) target(%dma_start3A_842 : memref<80xi32, #tpu.memory_space<vmem>>) target_semaphore(%arg20 : memref<!tpu.dma_semaphore, #tpu.memory_space<semaphore_mem>>)
      %dma_start3A_846 = arith.constant 1 : i32
      %dma_start3A_847 = arith.constant 0 : i32
      %dma_start3A_848 = tpu.memref_slice %arg11[%dma_start3A_846, %dma_start3A_847] : memref<2x80xi32, #tpu.memory_space<vmem>> -> memref<1x80xi32, #tpu.memory_space<vmem>>
      %dma_start3A_849 = tpu.memref_squeeze %dma_start3A_848 : memref<1x80xi32, #tpu.memory_space<vmem>> -> memref<80xi32, #tpu.memory_space<vmem>>
      %dma_start3A_850 = arith.constant 0 : i32
      %dma_start3A_851 = tpu.memref_slice %arg3[%add3A_832, %dma_start3A_850] : memref<4000x80xi32, #tpu.memory_space<hbm>> -> memref<1x80xi32, #tpu.memory_space<hbm>>
      %dma_start3A_852 = tpu.memref_squeeze %dma_start3A_851 : memref<1x80xi32, #tpu.memory_space<hbm>> -> memref<80xi32, #tpu.memory_space<hbm>>
      %dma_start3A_853 = arith.constant 0 : i32
      %dma_start3A_854 = tpu.memref_slice %arg11[%dma_start3A_846, %dma_start3A_853] : memref<2x80xi32, #tpu.memory_space<vmem>> -> memref<1x80xi32, #tpu.memory_space<vmem>>
      %dma_start3A_855 = tpu.memref_squeeze %dma_start3A_854 : memref<1x80xi32, #tpu.memory_space<vmem>> -> memref<80xi32, #tpu.memory_space<vmem>>
      %dma_start3A_856 = arith.constant 0 : i32
      %dma_start3A_857 = tpu.memref_slice %arg3[%add3A_832, %dma_start3A_856] : memref<4000x80xi32, #tpu.memory_space<hbm>> -> memref<1x80xi32, #tpu.memory_space<hbm>>
      %dma_start3A_858 = tpu.memref_squeeze %dma_start3A_857 : memref<1x80xi32, #tpu.memory_space<hbm>> -> memref<80xi32, #tpu.memory_space<hbm>>
      tpu.enqueue_dma source(%dma_start3A_858 : memref<80xi32, #tpu.memory_space<hbm>>) target(%dma_start3A_855 : memref<80xi32, #tpu.memory_space<vmem>>) target_semaphore(%arg20 : memref<!tpu.dma_semaphore, #tpu.memory_space<semaphore_mem>>)
      %get3A_859 = arith.constant 0 : i32
      %get3A_860 = arith.index_cast %get3A_859 : i32 to index
      %get3A_861 = arith.constant 0 : index
      %get3A_862 = tpu.vector_load %arg10[%get3A_860, %get3A_861] {strides = array<i32>} : memref<2x80xi32, #tpu.memory_space<vmem>>, vector<16xi32>,
      %get3A_863 = arith.constant 0 : i32
      %get3A_864 = arith.index_cast %get3A_863 : i32 to index
      %get3A_865 = arith.constant 0 : index
      %get3A_866 = tpu.vector_load %arg11[%get3A_864, %get3A_865] {strides = array<i32>} : memref<2x80xi32, #tpu.memory_space<vmem>>, vector<16xi32>,
      %gather3A_867 = tpu.vector_load_idx %arg14[%get3A_862] : memref<10000xf32, #tpu.memory_space<vmem>>[vector<16xi32>], vector<16xf32>,
      %gather3A_868 = tpu.vector_load_idx %arg15[%get3A_866] : memref<10000xf32, #tpu.memory_space<vmem>>[vector<16xi32>], vector<16xf32>,
      %add3A_869 = arith.addf %gather3A_867, %gather3A_868 : vector<16xf32>
      %mul3A_870 = arith.constant 2.000000e-01 : f32
      %mul3A_871 = vector.broadcast %mul3A_870 : f32 to vector<16xf32>
      %mul3A_872 = arith.mulf %add3A_869, %mul3A_871 : vector<16xf32>
      %max3A_873 = arith.maximumf %add3A_869, %mul3A_872 : vector<16xf32>
      %sub3A_874 = arith.subf %max3A_873, %get3A_1 : vector<16xf32>
      %exp3A_875 = math.exp %sub3A_874 : vector<16xf32>
      %swap3A_876 = arith.constant 0 : i32
      %swap3A_877 = arith.index_cast %swap3A_876 : i32 to index
      %swap3A_878 = arith.constant 0 : index
      %swap3A_879 = tpu.vector_load %arg13[%swap3A_877, %swap3A_878] {strides = array<i32>} : memref<2x80xf32, #tpu.memory_space<vmem>>, vector<16xf32>,
      tpu.vector_store %arg13[%swap3A_877, %swap3A_878], %exp3A_875 {strides = array<i32>} : memref<2x80xf32, #tpu.memory_space<vmem>>, vector<16xf32>,
      %get3A_880 = arith.constant 0 : i32
      %get3A_881 = arith.index_cast %get3A_880 : i32 to index
      %get3A_882 = arith.constant 16 : index
      %get3A_883 = tpu.vector_load %arg10[%get3A_881, %get3A_882] {strides = array<i32>} : memref<2x80xi32, #tpu.memory_space<vmem>>, vector<16xi32>,
      %get3A_884 = arith.constant 0 : i32
      %get3A_885 = arith.index_cast %get3A_884 : i32 to index
      %get3A_886 = arith.constant 16 : index
      %get3A_887 = tpu.vector_load %arg11[%get3A_885, %get3A_886] {strides = array<i32>} : memref<2x80xi32, #tpu.memory_space<vmem>>, vector<16xi32>,
      %gather3A_888 = tpu.vector_load_idx %arg14[%get3A_883] : memref<10000xf32, #tpu.memory_space<vmem>>[vector<16xi32>], vector<16xf32>,
      %gather3A_889 = tpu.vector_load_idx %arg15[%get3A_887] : memref<10000xf32, #tpu.memory_space<vmem>>[vector<16xi32>], vector<16xf32>,
      %add3A_890 = arith.addf %gather3A_888, %gather3A_889 : vector<16xf32>
      %mul3A_891 = arith.constant 2.000000e-01 : f32
      %mul3A_892 = vector.broadcast %mul3A_891 : f32 to vector<16xf32>
      %mul3A_893 = arith.mulf %add3A_890, %mul3A_892 : vector<16xf32>
      %max3A_894 = arith.maximumf %add3A_890, %mul3A_893 : vector<16xf32>
      %sub3A_895 = arith.subf %max3A_894, %get3A_1 : vector<16xf32>
      %exp3A_896 = math.exp %sub3A_895 : vector<16xf32>
      %swap3A_897 = arith.constant 0 : i32
      %swap3A_898 = arith.index_cast %swap3A_897 : i32 to index
      %swap3A_899 = arith.constant 16 : index
      %swap3A_900 = tpu.vector_load %arg13[%swap3A_898, %swap3A_899] {strides = array<i32>} : memref<2x80xf32, #tpu.memory_space<vmem>>, vector<16xf32>,
      tpu.vector_store %arg13[%swap3A_898, %swap3A_899], %exp3A_896 {strides = array<i32>} : memref<2x80xf32, #tpu.memory_space<vmem>>, vector<16xf32>,
      %get3A_901 = arith.constant 0 : i32
      %get3A_902 = arith.index_cast %get3A_901 : i32 to index
      %get3A_903 = arith.constant 32 : index
      %get3A_904 = tpu.vector_load %arg10[%get3A_902, %get3A_903] {strides = array<i32>} : memref<2x80xi32, #tpu.memory_space<vmem>>, vector<16xi32>,
      %get3A_905 = arith.constant 0 : i32
      %get3A_906 = arith.index_cast %get3A_905 : i32 to index
      %get3A_907 = arith.constant 32 : index
      %get3A_908 = tpu.vector_load %arg11[%get3A_906, %get3A_907] {strides = array<i32>} : memref<2x80xi32, #tpu.memory_space<vmem>>, vector<16xi32>,
      %gather3A_909 = tpu.vector_load_idx %arg14[%get3A_904] : memref<10000xf32, #tpu.memory_space<vmem>>[vector<16xi32>], vector<16xf32>,
      %gather3A_910 = tpu.vector_load_idx %arg15[%get3A_908] : memref<10000xf32, #tpu.memory_space<vmem>>[vector<16xi32>], vector<16xf32>,
      %add3A_911 = arith.addf %gather3A_909, %gather3A_910 : vector<16xf32>
      %mul3A_912 = arith.constant 2.000000e-01 : f32
      %mul3A_913 = vector.broadcast %mul3A_912 : f32 to vector<16xf32>
      %mul3A_914 = arith.mulf %add3A_911, %mul3A_913 : vector<16xf32>
      %max3A_915 = arith.maximumf %add3A_911, %mul3A_914 : vector<16xf32>
      %sub3A_916 = arith.subf %max3A_915, %get3A_1 : vector<16xf32>
      %exp3A_917 = math.exp %sub3A_916 : vector<16xf32>
      %swap3A_918 = arith.constant 0 : i32
      %swap3A_919 = arith.index_cast %swap3A_918 : i32 to index
      %swap3A_920 = arith.constant 32 : index
      %swap3A_921 = tpu.vector_load %arg13[%swap3A_919, %swap3A_920] {strides = array<i32>} : memref<2x80xf32, #tpu.memory_space<vmem>>, vector<16xf32>,
      tpu.vector_store %arg13[%swap3A_919, %swap3A_920], %exp3A_917 {strides = array<i32>} : memref<2x80xf32, #tpu.memory_space<vmem>>, vector<16xf32>,
      %get3A_922 = arith.constant 0 : i32
      %get3A_923 = arith.index_cast %get3A_922 : i32 to index
      %get3A_924 = arith.constant 48 : index
      %get3A_925 = tpu.vector_load %arg10[%get3A_923, %get3A_924] {strides = array<i32>} : memref<2x80xi32, #tpu.memory_space<vmem>>, vector<16xi32>,
      %get3A_926 = arith.constant 0 : i32
      %get3A_927 = arith.index_cast %get3A_926 : i32 to index
      %get3A_928 = arith.constant 48 : index
      %get3A_929 = tpu.vector_load %arg11[%get3A_927, %get3A_928] {strides = array<i32>} : memref<2x80xi32, #tpu.memory_space<vmem>>, vector<16xi32>,
      %gather3A_930 = tpu.vector_load_idx %arg14[%get3A_925] : memref<10000xf32, #tpu.memory_space<vmem>>[vector<16xi32>], vector<16xf32>,
      %gather3A_931 = tpu.vector_load_idx %arg15[%get3A_929] : memref<10000xf32, #tpu.memory_space<vmem>>[vector<16xi32>], vector<16xf32>,
      %add3A_932 = arith.addf %gather3A_930, %gather3A_931 : vector<16xf32>
      %mul3A_933 = arith.constant 2.000000e-01 : f32
      %mul3A_934 = vector.broadcast %mul3A_933 : f32 to vector<16xf32>
      %mul3A_935 = arith.mulf %add3A_932, %mul3A_934 : vector<16xf32>
      %max3A_936 = arith.maximumf %add3A_932, %mul3A_935 : vector<16xf32>
      %sub3A_937 = arith.subf %max3A_936, %get3A_1 : vector<16xf32>
      %exp3A_938 = math.exp %sub3A_937 : vector<16xf32>
      %swap3A_939 = arith.constant 0 : i32
      %swap3A_940 = arith.index_cast %swap3A_939 : i32 to index
      %swap3A_941 = arith.constant 48 : index
      %swap3A_942 = tpu.vector_load %arg13[%swap3A_940, %swap3A_941] {strides = array<i32>} : memref<2x80xf32, #tpu.memory_space<vmem>>, vector<16xf32>,
      tpu.vector_store %arg13[%swap3A_940, %swap3A_941], %exp3A_938 {strides = array<i32>} : memref<2x80xf32, #tpu.memory_space<vmem>>, vector<16xf32>,
      %get3A_943 = arith.constant 0 : i32
      %get3A_944 = arith.index_cast %get3A_943 : i32 to index
      %get3A_945 = arith.constant 64 : index
      %get3A_946 = tpu.vector_load %arg10[%get3A_944, %get3A_945] {strides = array<i32>} : memref<2x80xi32, #tpu.memory_space<vmem>>, vector<16xi32>,
      %get3A_947 = arith.constant 0 : i32
      %get3A_948 = arith.index_cast %get3A_947 : i32 to index
      %get3A_949 = arith.constant 64 : index
      %get3A_950 = tpu.vector_load %arg11[%get3A_948, %get3A_949] {strides = array<i32>} : memref<2x80xi32, #tpu.memory_space<vmem>>, vector<16xi32>,
      %gather3A_951 = tpu.vector_load_idx %arg14[%get3A_946] : memref<10000xf32, #tpu.memory_space<vmem>>[vector<16xi32>], vector<16xf32>,
      %gather3A_952 = tpu.vector_load_idx %arg15[%get3A_950] : memref<10000xf32, #tpu.memory_space<vmem>>[vector<16xi32>], vector<16xf32>,
      %add3A_953 = arith.addf %gather3A_951, %gather3A_952 : vector<16xf32>
      %mul3A_954 = arith.constant 2.000000e-01 : f32
      %mul3A_955 = vector.broadcast %mul3A_954 : f32 to vector<16xf32>
      %mul3A_956 = arith.mulf %add3A_953, %mul3A_955 : vector<16xf32>
      %max3A_957 = arith.maximumf %add3A_953, %mul3A_956 : vector<16xf32>
      %sub3A_958 = arith.subf %max3A_957, %get3A_1 : vector<16xf32>
      %exp3A_959 = math.exp %sub3A_958 : vector<16xf32>
      %swap3A_960 = arith.constant 0 : i32
      %swap3A_961 = arith.index_cast %swap3A_960 : i32 to index
      %swap3A_962 = arith.constant 64 : index
      %swap3A_963 = tpu.vector_load %arg13[%swap3A_961, %swap3A_962] {strides = array<i32>} : memref<2x80xf32, #tpu.memory_space<vmem>>, vector<16xf32>,
      tpu.vector_store %arg13[%swap3A_961, %swap3A_962], %exp3A_959 {strides = array<i32>} : memref<2x80xf32, #tpu.memory_space<vmem>>, vector<16xf32>,
    }
    %scan3A_259 = arith.constant 62 : i32
    %dma_wait3A = arith.constant 0 : i32
    %dma_wait3A_260 = arith.constant 0 : i32
    %dma_wait3A_261 = arith.constant 0 : i32
    %dma_wait3A_262 = tpu.memref_slice %arg17[%dma_wait3A, %dma_wait3A_260, %dma_wait3A_261] : memref<2x80x128xf32, #tpu.memory_space<vmem>> -> memref<1x80x128xf32, #tpu.memory_space<vmem>>
    %dma_wait3A_263 = tpu.memref_squeeze %dma_wait3A_262 : memref<1x80x128xf32, #tpu.memory_space<vmem>> -> memref<80x128xf32, #tpu.memory_space<vmem>>
    %dma_wait3A_264 = arith.constant 0 : i32
    %dma_wait3A_265 = arith.constant 0 : i32
    %dma_wait3A_266 = tpu.memref_slice %arg7[%dma_wait3A_264, %dma_wait3A_265] : memref<10000x128xf32, #tpu.memory_space<hbm>> -> memref<80x128xf32, #tpu.memory_space<hbm>>
    %dma_wait3A_267 = arith.constant 0 : i32
    %dma_wait3A_268 = arith.constant 0 : i32
    %dma_wait3A_269 = tpu.memref_slice %arg17[%dma_wait3A, %dma_wait3A_267, %dma_wait3A_268] : memref<2x80x128xf32, #tpu.memory_space<vmem>> -> memref<1x80x128xf32, #tpu.memory_space<vmem>>
    %dma_wait3A_270 = tpu.memref_squeeze %dma_wait3A_269 : memref<1x80x128xf32, #tpu.memory_space<vmem>> -> memref<80x128xf32, #tpu.memory_space<vmem>>
    %dma_wait3A_271 = arith.constant 0 : i32
    %dma_wait3A_272 = arith.constant 0 : i32
    %dma_wait3A_273 = tpu.memref_slice %arg7[%dma_wait3A_271, %dma_wait3A_272] : memref<10000x128xf32, #tpu.memory_space<hbm>> -> memref<80x128xf32, #tpu.memory_space<hbm>>
    tpu.wait_dma2 semaphore(%arg21 : memref<!tpu.dma_semaphore, #tpu.memory_space<semaphore_mem>>) src(%dma_wait3A_273 : memref<80x128xf32, #tpu.memory_space<hbm>>) dst(%dma_wait3A_270 : memref<80x128xf32, #tpu.memory_space<vmem>>)
    %get3A_274 = arith.constant 0 : i32
    %get3A_275 = arith.index_cast %get3A_274 : i32 to index
    %get3A_276 = arith.constant 0 : index
    %get3A_277 = tpu.vector_load %arg10[%get3A_275, %get3A_276] {strides = array<i32>} : memref<2x80xi32, #tpu.memory_space<vmem>>, vector<16xi32>,
    %swap3A_278 = arith.constant 0 : i32
    %swap3A_279 = arith.index_cast %swap3A_278 : i32 to index
    %swap3A_280 = arith.constant 0 : index
    %swap3A_281 = tpu.vector_load %arg12[%swap3A_279, %swap3A_280] {strides = array<i32>} : memref<2x80xi32, #tpu.memory_space<vmem>>, vector<16xi32>,
    tpu.vector_store %arg12[%swap3A_279, %swap3A_280], %get3A_277 {strides = array<i32>} : memref<2x80xi32, #tpu.memory_space<vmem>>, vector<16xi32>,
    %get3A_282 = arith.constant 0 : i32
    %get3A_283 = arith.index_cast %get3A_282 : i32 to index
    %get3A_284 = arith.constant 16 : index
    %get3A_285 = tpu.vector_load %arg10[%get3A_283, %get3A_284] {strides = array<i32>} : memref<2x80xi32, #tpu.memory_space<vmem>>, vector<16xi32>,
    %swap3A_286 = arith.constant 0 : i32
    %swap3A_287 = arith.index_cast %swap3A_286 : i32 to index
    %swap3A_288 = arith.constant 16 : index
    %swap3A_289 = tpu.vector_load %arg12[%swap3A_287, %swap3A_288] {strides = array<i32>} : memref<2x80xi32, #tpu.memory_space<vmem>>, vector<16xi32>,
    tpu.vector_store %arg12[%swap3A_287, %swap3A_288], %get3A_285 {strides = array<i32>} : memref<2x80xi32, #tpu.memory_space<vmem>>, vector<16xi32>,
    %get3A_290 = arith.constant 0 : i32
    %get3A_291 = arith.index_cast %get3A_290 : i32 to index
    %get3A_292 = arith.constant 32 : index
    %get3A_293 = tpu.vector_load %arg10[%get3A_291, %get3A_292] {strides = array<i32>} : memref<2x80xi32, #tpu.memory_space<vmem>>, vector<16xi32>,
    %swap3A_294 = arith.constant 0 : i32
    %swap3A_295 = arith.index_cast %swap3A_294 : i32 to index
    %swap3A_296 = arith.constant 32 : index
    %swap3A_297 = tpu.vector_load %arg12[%swap3A_295, %swap3A_296] {strides = array<i32>} : memref<2x80xi32, #tpu.memory_space<vmem>>, vector<16xi32>,
    tpu.vector_store %arg12[%swap3A_295, %swap3A_296], %get3A_293 {strides = array<i32>} : memref<2x80xi32, #tpu.memory_space<vmem>>, vector<16xi32>,
    %get3A_298 = arith.constant 0 : i32
    %get3A_299 = arith.index_cast %get3A_298 : i32 to index
    %get3A_300 = arith.constant 48 : index
    %get3A_301 = tpu.vector_load %arg10[%get3A_299, %get3A_300] {strides = array<i32>} : memref<2x80xi32, #tpu.memory_space<vmem>>, vector<16xi32>,
    %swap3A_302 = arith.constant 0 : i32
    %swap3A_303 = arith.index_cast %swap3A_302 : i32 to index
    %swap3A_304 = arith.constant 48 : index
    %swap3A_305 = tpu.vector_load %arg12[%swap3A_303, %swap3A_304] {strides = array<i32>} : memref<2x80xi32, #tpu.memory_space<vmem>>, vector<16xi32>,
    tpu.vector_store %arg12[%swap3A_303, %swap3A_304], %get3A_301 {strides = array<i32>} : memref<2x80xi32, #tpu.memory_space<vmem>>, vector<16xi32>,
    %get3A_306 = arith.constant 0 : i32
    %get3A_307 = arith.index_cast %get3A_306 : i32 to index
    %get3A_308 = arith.constant 64 : index
    %get3A_309 = tpu.vector_load %arg10[%get3A_307, %get3A_308] {strides = array<i32>} : memref<2x80xi32, #tpu.memory_space<vmem>>, vector<16xi32>,
    %swap3A_310 = arith.constant 0 : i32
    %swap3A_311 = arith.index_cast %swap3A_310 : i32 to index
    %swap3A_312 = arith.constant 64 : index
    %swap3A_313 = tpu.vector_load %arg12[%swap3A_311, %swap3A_312] {strides = array<i32>} : memref<2x80xi32, #tpu.memory_space<vmem>>, vector<16xi32>,
    tpu.vector_store %arg12[%swap3A_311, %swap3A_312], %get3A_309 {strides = array<i32>} : memref<2x80xi32, #tpu.memory_space<vmem>>, vector<16xi32>,
    %scan3A_314 = arith.constant 0 : i32
    %scan3A_315 = arith.constant 0 : i32
    %scan3A_316 = arith.constant 20 : i32
    %scan3A_317 = arith.addi %scan3A_315, %scan3A_316 : i32
    %scan3A_318 = arith.constant 1 : i32
    scf.for %scan3A_429 = %scan3A_315 to %scan3A_317 step %scan3A_318  : i32 {
      %mul3A_430 = arith.constant 4 : i32
      %mul3A_431 = arith.muli %scan3A_429, %mul3A_430 : i32
      %add3A_432 = arith.constant 0 : i32
      %add3A_433 = arith.addi %mul3A_431, %add3A_432 : i32
      %broadcast_in_dim3A = arith.constant 0 : i32
      %broadcast_in_dim3A_434 = vector.broadcast %broadcast_in_dim3A : i32 to vector<16xi32>
      %broadcast_in_dim3A_435 = vector.broadcast %add3A_433 : i32 to vector<16xi32>
      %gather3A_436 = tpu.vector_load_idx %arg13[%broadcast_in_dim3A_434, %broadcast_in_dim3A_435] : memref<2x80xf32, #tpu.memory_space<vmem>>[vector<16xi32>, vector<16xi32>], vector<16xf32>,
      %get3A_437 = arith.constant 0 : i32
      %get3A_438 = arith.index_cast %get3A_437 : i32 to index
      %get3A_439 = arith.index_cast %add3A_433 : i32 to index
      %get3A_440 = arith.constant 0 : index
      %get3A_441 = tpu.vector_load %arg17[%get3A_438, %get3A_439, %get3A_440] {strides = array<i32>} : memref<2x80x128xf32, #tpu.memory_space<vmem>>, vector<16xf32>,
      %mul3A_442 = arith.mulf %get3A_441, %gather3A_436 : vector<16xf32>
      %swap3A_443 = arith.constant 0 : i32
      %swap3A_444 = arith.index_cast %swap3A_443 : i32 to index
      %swap3A_445 = arith.index_cast %add3A_433 : i32 to index
      %swap3A_446 = arith.constant 0 : index
      %swap3A_447 = tpu.vector_load %arg17[%swap3A_444, %swap3A_445, %swap3A_446] {strides = array<i32>} : memref<2x80x128xf32, #tpu.memory_space<vmem>>, vector<16xf32>,
      tpu.vector_store %arg17[%swap3A_444, %swap3A_445, %swap3A_446], %mul3A_442 {strides = array<i32>} : memref<2x80x128xf32, #tpu.memory_space<vmem>>, vector<16xf32>,
      %get3A_448 = arith.constant 0 : i32
      %get3A_449 = arith.index_cast %get3A_448 : i32 to index
      %get3A_450 = arith.index_cast %add3A_433 : i32 to index
      %get3A_451 = arith.constant 16 : index
      %get3A_452 = tpu.vector_load %arg17[%get3A_449, %get3A_450, %get3A_451] {strides = array<i32>} : memref<2x80x128xf32, #tpu.memory_space<vmem>>, vector<16xf32>,
      %mul3A_453 = arith.mulf %get3A_452, %gather3A_436 : vector<16xf32>
      %swap3A_454 = arith.constant 0 : i32
      %swap3A_455 = arith.index_cast %swap3A_454 : i32 to index
      %swap3A_456 = arith.index_cast %add3A_433 : i32 to index
      %swap3A_457 = arith.constant 16 : index
      %swap3A_458 = tpu.vector_load %arg17[%swap3A_455, %swap3A_456, %swap3A_457] {strides = array<i32>} : memref<2x80x128xf32, #tpu.memory_space<vmem>>, vector<16xf32>,
      tpu.vector_store %arg17[%swap3A_455, %swap3A_456, %swap3A_457], %mul3A_453 {strides = array<i32>} : memref<2x80x128xf32, #tpu.memory_space<vmem>>, vector<16xf32>,
      %get3A_459 = arith.constant 0 : i32
      %get3A_460 = arith.index_cast %get3A_459 : i32 to index
      %get3A_461 = arith.index_cast %add3A_433 : i32 to index
      %get3A_462 = arith.constant 32 : index
      %get3A_463 = tpu.vector_load %arg17[%get3A_460, %get3A_461, %get3A_462] {strides = array<i32>} : memref<2x80x128xf32, #tpu.memory_space<vmem>>, vector<16xf32>,
      %mul3A_464 = arith.mulf %get3A_463, %gather3A_436 : vector<16xf32>
      %swap3A_465 = arith.constant 0 : i32
      %swap3A_466 = arith.index_cast %swap3A_465 : i32 to index
      %swap3A_467 = arith.index_cast %add3A_433 : i32 to index
      %swap3A_468 = arith.constant 32 : index
      %swap3A_469 = tpu.vector_load %arg17[%swap3A_466, %swap3A_467, %swap3A_468] {strides = array<i32>} : memref<2x80x128xf32, #tpu.memory_space<vmem>>, vector<16xf32>,
      tpu.vector_store %arg17[%swap3A_466, %swap3A_467, %swap3A_468], %mul3A_464 {strides = array<i32>} : memref<2x80x128xf32, #tpu.memory_space<vmem>>, vector<16xf32>,
      %get3A_470 = arith.constant 0 : i32
      %get3A_471 = arith.index_cast %get3A_470 : i32 to index
      %get3A_472 = arith.index_cast %add3A_433 : i32 to index
      %get3A_473 = arith.constant 48 : index
      %get3A_474 = tpu.vector_load %arg17[%get3A_471, %get3A_472, %get3A_473] {strides = array<i32>} : memref<2x80x128xf32, #tpu.memory_space<vmem>>, vector<16xf32>,
      %mul3A_475 = arith.mulf %get3A_474, %gather3A_436 : vector<16xf32>
      %swap3A_476 = arith.constant 0 : i32
      %swap3A_477 = arith.index_cast %swap3A_476 : i32 to index
      %swap3A_478 = arith.index_cast %add3A_433 : i32 to index
      %swap3A_479 = arith.constant 48 : index
      %swap3A_480 = tpu.vector_load %arg17[%swap3A_477, %swap3A_478, %swap3A_479] {strides = array<i32>} : memref<2x80x128xf32, #tpu.memory_space<vmem>>, vector<16xf32>,
      tpu.vector_store %arg17[%swap3A_477, %swap3A_478, %swap3A_479], %mul3A_475 {strides = array<i32>} : memref<2x80x128xf32, #tpu.memory_space<vmem>>, vector<16xf32>,
      %get3A_481 = arith.constant 0 : i32
      %get3A_482 = arith.index_cast %get3A_481 : i32 to index
      %get3A_483 = arith.index_cast %add3A_433 : i32 to index
      %get3A_484 = arith.constant 64 : index
      %get3A_485 = tpu.vector_load %arg17[%get3A_482, %get3A_483, %get3A_484] {strides = array<i32>} : memref<2x80x128xf32, #tpu.memory_space<vmem>>, vector<16xf32>,
      %mul3A_486 = arith.mulf %get3A_485, %gather3A_436 : vector<16xf32>
      %swap3A_487 = arith.constant 0 : i32
      %swap3A_488 = arith.index_cast %swap3A_487 : i32 to index
      %swap3A_489 = arith.index_cast %add3A_433 : i32 to index
      %swap3A_490 = arith.constant 64 : index
      %swap3A_491 = tpu.vector_load %arg17[%swap3A_488, %swap3A_489, %swap3A_490] {strides = array<i32>} : memref<2x80x128xf32, #tpu.memory_space<vmem>>, vector<16xf32>,
      tpu.vector_store %arg17[%swap3A_488, %swap3A_489, %swap3A_490], %mul3A_486 {strides = array<i32>} : memref<2x80x128xf32, #tpu.memory_space<vmem>>, vector<16xf32>,
      %get3A_492 = arith.constant 0 : i32
      %get3A_493 = arith.index_cast %get3A_492 : i32 to index
      %get3A_494 = arith.index_cast %add3A_433 : i32 to index
      %get3A_495 = arith.constant 80 : index
      %get3A_496 = tpu.vector_load %arg17[%get3A_493, %get3A_494, %get3A_495] {strides = array<i32>} : memref<2x80x128xf32, #tpu.memory_space<vmem>>, vector<16xf32>,
      %mul3A_497 = arith.mulf %get3A_496, %gather3A_436 : vector<16xf32>
      %swap3A_498 = arith.constant 0 : i32
      %swap3A_499 = arith.index_cast %swap3A_498 : i32 to index
      %swap3A_500 = arith.index_cast %add3A_433 : i32 to index
      %swap3A_501 = arith.constant 80 : index
      %swap3A_502 = tpu.vector_load %arg17[%swap3A_499, %swap3A_500, %swap3A_501] {strides = array<i32>} : memref<2x80x128xf32, #tpu.memory_space<vmem>>, vector<16xf32>,
      tpu.vector_store %arg17[%swap3A_499, %swap3A_500, %swap3A_501], %mul3A_497 {strides = array<i32>} : memref<2x80x128xf32, #tpu.memory_space<vmem>>, vector<16xf32>,
      %get3A_503 = arith.constant 0 : i32
      %get3A_504 = arith.index_cast %get3A_503 : i32 to index
      %get3A_505 = arith.index_cast %add3A_433 : i32 to index
      %get3A_506 = arith.constant 96 : index
      %get3A_507 = tpu.vector_load %arg17[%get3A_504, %get3A_505, %get3A_506] {strides = array<i32>} : memref<2x80x128xf32, #tpu.memory_space<vmem>>, vector<16xf32>,
      %mul3A_508 = arith.mulf %get3A_507, %gather3A_436 : vector<16xf32>
      %swap3A_509 = arith.constant 0 : i32
      %swap3A_510 = arith.index_cast %swap3A_509 : i32 to index
      %swap3A_511 = arith.index_cast %add3A_433 : i32 to index
      %swap3A_512 = arith.constant 96 : index
      %swap3A_513 = tpu.vector_load %arg17[%swap3A_510, %swap3A_511, %swap3A_512] {strides = array<i32>} : memref<2x80x128xf32, #tpu.memory_space<vmem>>, vector<16xf32>,
      tpu.vector_store %arg17[%swap3A_510, %swap3A_511, %swap3A_512], %mul3A_508 {strides = array<i32>} : memref<2x80x128xf32, #tpu.memory_space<vmem>>, vector<16xf32>,
      %get3A_514 = arith.constant 0 : i32
      %get3A_515 = arith.index_cast %get3A_514 : i32 to index
      %get3A_516 = arith.index_cast %add3A_433 : i32 to index
      %get3A_517 = arith.constant 112 : index
      %get3A_518 = tpu.vector_load %arg17[%get3A_515, %get3A_516, %get3A_517] {strides = array<i32>} : memref<2x80x128xf32, #tpu.memory_space<vmem>>, vector<16xf32>,
      %mul3A_519 = arith.mulf %get3A_518, %gather3A_436 : vector<16xf32>
      %swap3A_520 = arith.constant 0 : i32
      %swap3A_521 = arith.index_cast %swap3A_520 : i32 to index
      %swap3A_522 = arith.index_cast %add3A_433 : i32 to index
      %swap3A_523 = arith.constant 112 : index
      %swap3A_524 = tpu.vector_load %arg17[%swap3A_521, %swap3A_522, %swap3A_523] {strides = array<i32>} : memref<2x80x128xf32, #tpu.memory_space<vmem>>, vector<16xf32>,
      tpu.vector_store %arg17[%swap3A_521, %swap3A_522, %swap3A_523], %mul3A_519 {strides = array<i32>} : memref<2x80x128xf32, #tpu.memory_space<vmem>>, vector<16xf32>,
      %mul3A_525 = arith.constant 4 : i32
      %mul3A_526 = arith.muli %scan3A_429, %mul3A_525 : i32
      %add3A_527 = arith.constant 1 : i32
      %add3A_528 = arith.addi %mul3A_526, %add3A_527 : i32
      %broadcast_in_dim3A_529 = arith.constant 0 : i32
      %broadcast_in_dim3A_530 = vector.broadcast %broadcast_in_dim3A_529 : i32 to vector<16xi32>
      %broadcast_in_dim3A_531 = vector.broadcast %add3A_528 : i32 to vector<16xi32>
      %gather3A_532 = tpu.vector_load_idx %arg13[%broadcast_in_dim3A_530, %broadcast_in_dim3A_531] : memref<2x80xf32, #tpu.memory_space<vmem>>[vector<16xi32>, vector<16xi32>], vector<16xf32>,
      %get3A_533 = arith.constant 0 : i32
      %get3A_534 = arith.index_cast %get3A_533 : i32 to index
      %get3A_535 = arith.index_cast %add3A_528 : i32 to index
      %get3A_536 = arith.constant 0 : index
      %get3A_537 = tpu.vector_load %arg17[%get3A_534, %get3A_535, %get3A_536] {strides = array<i32>} : memref<2x80x128xf32, #tpu.memory_space<vmem>>, vector<16xf32>,
      %mul3A_538 = arith.mulf %get3A_537, %gather3A_532 : vector<16xf32>
      %swap3A_539 = arith.constant 0 : i32
      %swap3A_540 = arith.index_cast %swap3A_539 : i32 to index
      %swap3A_541 = arith.index_cast %add3A_528 : i32 to index
      %swap3A_542 = arith.constant 0 : index
      %swap3A_543 = tpu.vector_load %arg17[%swap3A_540, %swap3A_541, %swap3A_542] {strides = array<i32>} : memref<2x80x128xf32, #tpu.memory_space<vmem>>, vector<16xf32>,
      tpu.vector_store %arg17[%swap3A_540, %swap3A_541, %swap3A_542], %mul3A_538 {strides = array<i32>} : memref<2x80x128xf32, #tpu.memory_space<vmem>>, vector<16xf32>,
      %get3A_544 = arith.constant 0 : i32
      %get3A_545 = arith.index_cast %get3A_544 : i32 to index
      %get3A_546 = arith.index_cast %add3A_528 : i32 to index
      %get3A_547 = arith.constant 16 : index
      %get3A_548 = tpu.vector_load %arg17[%get3A_545, %get3A_546, %get3A_547] {strides = array<i32>} : memref<2x80x128xf32, #tpu.memory_space<vmem>>, vector<16xf32>,
      %mul3A_549 = arith.mulf %get3A_548, %gather3A_532 : vector<16xf32>
      %swap3A_550 = arith.constant 0 : i32
      %swap3A_551 = arith.index_cast %swap3A_550 : i32 to index
      %swap3A_552 = arith.index_cast %add3A_528 : i32 to index
      %swap3A_553 = arith.constant 16 : index
      %swap3A_554 = tpu.vector_load %arg17[%swap3A_551, %swap3A_552, %swap3A_553] {strides = array<i32>} : memref<2x80x128xf32, #tpu.memory_space<vmem>>, vector<16xf32>,
      tpu.vector_store %arg17[%swap3A_551, %swap3A_552, %swap3A_553], %mul3A_549 {strides = array<i32>} : memref<2x80x128xf32, #tpu.memory_space<vmem>>, vector<16xf32>,
      %get3A_555 = arith.constant 0 : i32
      %get3A_556 = arith.index_cast %get3A_555 : i32 to index
      %get3A_557 = arith.index_cast %add3A_528 : i32 to index
      %get3A_558 = arith.constant 32 : index
      %get3A_559 = tpu.vector_load %arg17[%get3A_556, %get3A_557, %get3A_558] {strides = array<i32>} : memref<2x80x128xf32, #tpu.memory_space<vmem>>, vector<16xf32>,
      %mul3A_560 = arith.mulf %get3A_559, %gather3A_532 : vector<16xf32>
      %swap3A_561 = arith.constant 0 : i32
      %swap3A_562 = arith.index_cast %swap3A_561 : i32 to index
      %swap3A_563 = arith.index_cast %add3A_528 : i32 to index
      %swap3A_564 = arith.constant 32 : index
      %swap3A_565 = tpu.vector_load %arg17[%swap3A_562, %swap3A_563, %swap3A_564] {strides = array<i32>} : memref<2x80x128xf32, #tpu.memory_space<vmem>>, vector<16xf32>,
      tpu.vector_store %arg17[%swap3A_562, %swap3A_563, %swap3A_564], %mul3A_560 {strides = array<i32>} : memref<2x80x128xf32, #tpu.memory_space<vmem>>, vector<16xf32>,
      %get3A_566 = arith.constant 0 : i32
      %get3A_567 = arith.index_cast %get3A_566 : i32 to index
      %get3A_568 = arith.index_cast %add3A_528 : i32 to index
      %get3A_569 = arith.constant 48 : index
      %get3A_570 = tpu.vector_load %arg17[%get3A_567, %get3A_568, %get3A_569] {strides = array<i32>} : memref<2x80x128xf32, #tpu.memory_space<vmem>>, vector<16xf32>,
      %mul3A_571 = arith.mulf %get3A_570, %gather3A_532 : vector<16xf32>
      %swap3A_572 = arith.constant 0 : i32
      %swap3A_573 = arith.index_cast %swap3A_572 : i32 to index
      %swap3A_574 = arith.index_cast %add3A_528 : i32 to index
      %swap3A_575 = arith.constant 48 : index
      %swap3A_576 = tpu.vector_load %arg17[%swap3A_573, %swap3A_574, %swap3A_575] {strides = array<i32>} : memref<2x80x128xf32, #tpu.memory_space<vmem>>, vector<16xf32>,
      tpu.vector_store %arg17[%swap3A_573, %swap3A_574, %swap3A_575], %mul3A_571 {strides = array<i32>} : memref<2x80x128xf32, #tpu.memory_space<vmem>>, vector<16xf32>,
      %get3A_577 = arith.constant 0 : i32
      %get3A_578 = arith.index_cast %get3A_577 : i32 to index
      %get3A_579 = arith.index_cast %add3A_528 : i32 to index
      %get3A_580 = arith.constant 64 : index
      %get3A_581 = tpu.vector_load %arg17[%get3A_578, %get3A_579, %get3A_580] {strides = array<i32>} : memref<2x80x128xf32, #tpu.memory_space<vmem>>, vector<16xf32>,
      %mul3A_582 = arith.mulf %get3A_581, %gather3A_532 : vector<16xf32>
      %swap3A_583 = arith.constant 0 : i32
      %swap3A_584 = arith.index_cast %swap3A_583 : i32 to index
      %swap3A_585 = arith.index_cast %add3A_528 : i32 to index
      %swap3A_586 = arith.constant 64 : index
      %swap3A_587 = tpu.vector_load %arg17[%swap3A_584, %swap3A_585, %swap3A_586] {strides = array<i32>} : memref<2x80x128xf32, #tpu.memory_space<vmem>>, vector<16xf32>,
      tpu.vector_store %arg17[%swap3A_584, %swap3A_585, %swap3A_586], %mul3A_582 {strides = array<i32>} : memref<2x80x128xf32, #tpu.memory_space<vmem>>, vector<16xf32>,
      %get3A_588 = arith.constant 0 : i32
      %get3A_589 = arith.index_cast %get3A_588 : i32 to index
      %get3A_590 = arith.index_cast %add3A_528 : i32 to index
      %get3A_591 = arith.constant 80 : index
      %get3A_592 = tpu.vector_load %arg17[%get3A_589, %get3A_590, %get3A_591] {strides = array<i32>} : memref<2x80x128xf32, #tpu.memory_space<vmem>>, vector<16xf32>,
      %mul3A_593 = arith.mulf %get3A_592, %gather3A_532 : vector<16xf32>
      %swap3A_594 = arith.constant 0 : i32
      %swap3A_595 = arith.index_cast %swap3A_594 : i32 to index
      %swap3A_596 = arith.index_cast %add3A_528 : i32 to index
      %swap3A_597 = arith.constant 80 : index
      %swap3A_598 = tpu.vector_load %arg17[%swap3A_595, %swap3A_596, %swap3A_597] {strides = array<i32>} : memref<2x80x128xf32, #tpu.memory_space<vmem>>, vector<16xf32>,
      tpu.vector_store %arg17[%swap3A_595, %swap3A_596, %swap3A_597], %mul3A_593 {strides = array<i32>} : memref<2x80x128xf32, #tpu.memory_space<vmem>>, vector<16xf32>,
      %get3A_599 = arith.constant 0 : i32
      %get3A_600 = arith.index_cast %get3A_599 : i32 to index
      %get3A_601 = arith.index_cast %add3A_528 : i32 to index
      %get3A_602 = arith.constant 96 : index
      %get3A_603 = tpu.vector_load %arg17[%get3A_600, %get3A_601, %get3A_602] {strides = array<i32>} : memref<2x80x128xf32, #tpu.memory_space<vmem>>, vector<16xf32>,
      %mul3A_604 = arith.mulf %get3A_603, %gather3A_532 : vector<16xf32>
      %swap3A_605 = arith.constant 0 : i32
      %swap3A_606 = arith.index_cast %swap3A_605 : i32 to index
      %swap3A_607 = arith.index_cast %add3A_528 : i32 to index
      %swap3A_608 = arith.constant 96 : index
      %swap3A_609 = tpu.vector_load %arg17[%swap3A_606, %swap3A_607, %swap3A_608] {strides = array<i32>} : memref<2x80x128xf32, #tpu.memory_space<vmem>>, vector<16xf32>,
      tpu.vector_store %arg17[%swap3A_606, %swap3A_607, %swap3A_608], %mul3A_604 {strides = array<i32>} : memref<2x80x128xf32, #tpu.memory_space<vmem>>, vector<16xf32>,
      %get3A_610 = arith.constant 0 : i32
      %get3A_611 = arith.index_cast %get3A_610 : i32 to index
      %get3A_612 = arith.index_cast %add3A_528 : i32 to index
      %get3A_613 = arith.constant 112 : index
      %get3A_614 = tpu.vector_load %arg17[%get3A_611, %get3A_612, %get3A_613] {strides = array<i32>} : memref<2x80x128xf32, #tpu.memory_space<vmem>>, vector<16xf32>,
      %mul3A_615 = arith.mulf %get3A_614, %gather3A_532 : vector<16xf32>
      %swap3A_616 = arith.constant 0 : i32
      %swap3A_617 = arith.index_cast %swap3A_616 : i32 to index
      %swap3A_618 = arith.index_cast %add3A_528 : i32 to index
      %swap3A_619 = arith.constant 112 : index
      %swap3A_620 = tpu.vector_load %arg17[%swap3A_617, %swap3A_618, %swap3A_619] {strides = array<i32>} : memref<2x80x128xf32, #tpu.memory_space<vmem>>, vector<16xf32>,
      tpu.vector_store %arg17[%swap3A_617, %swap3A_618, %swap3A_619], %mul3A_615 {strides = array<i32>} : memref<2x80x128xf32, #tpu.memory_space<vmem>>, vector<16xf32>,
      %mul3A_621 = arith.constant 4 : i32
      %mul3A_622 = arith.muli %scan3A_429, %mul3A_621 : i32
      %add3A_623 = arith.constant 2 : i32
      %add3A_624 = arith.addi %mul3A_622, %add3A_623 : i32
      %broadcast_in_dim3A_625 = arith.constant 0 : i32
      %broadcast_in_dim3A_626 = vector.broadcast %broadcast_in_dim3A_625 : i32 to vector<16xi32>
      %broadcast_in_dim3A_627 = vector.broadcast %add3A_624 : i32 to vector<16xi32>
      %gather3A_628 = tpu.vector_load_idx %arg13[%broadcast_in_dim3A_626, %broadcast_in_dim3A_627] : memref<2x80xf32, #tpu.memory_space<vmem>>[vector<16xi32>, vector<16xi32>], vector<16xf32>,
      %get3A_629 = arith.constant 0 : i32
      %get3A_630 = arith.index_cast %get3A_629 : i32 to index
      %get3A_631 = arith.index_cast %add3A_624 : i32 to index
      %get3A_632 = arith.constant 0 : index
      %get3A_633 = tpu.vector_load %arg17[%get3A_630, %get3A_631, %get3A_632] {strides = array<i32>} : memref<2x80x128xf32, #tpu.memory_space<vmem>>, vector<16xf32>,
      %mul3A_634 = arith.mulf %get3A_633, %gather3A_628 : vector<16xf32>
      %swap3A_635 = arith.constant 0 : i32
      %swap3A_636 = arith.index_cast %swap3A_635 : i32 to index
      %swap3A_637 = arith.index_cast %add3A_624 : i32 to index
      %swap3A_638 = arith.constant 0 : index
      %swap3A_639 = tpu.vector_load %arg17[%swap3A_636, %swap3A_637, %swap3A_638] {strides = array<i32>} : memref<2x80x128xf32, #tpu.memory_space<vmem>>, vector<16xf32>,
      tpu.vector_store %arg17[%swap3A_636, %swap3A_637, %swap3A_638], %mul3A_634 {strides = array<i32>} : memref<2x80x128xf32, #tpu.memory_space<vmem>>, vector<16xf32>,
      %get3A_640 = arith.constant 0 : i32
      %get3A_641 = arith.index_cast %get3A_640 : i32 to index
      %get3A_642 = arith.index_cast %add3A_624 : i32 to index
      %get3A_643 = arith.constant 16 : index
      %get3A_644 = tpu.vector_load %arg17[%get3A_641, %get3A_642, %get3A_643] {strides = array<i32>} : memref<2x80x128xf32, #tpu.memory_space<vmem>>, vector<16xf32>,
      %mul3A_645 = arith.mulf %get3A_644, %gather3A_628 : vector<16xf32>
      %swap3A_646 = arith.constant 0 : i32
      %swap3A_647 = arith.index_cast %swap3A_646 : i32 to index
      %swap3A_648 = arith.index_cast %add3A_624 : i32 to index
      %swap3A_649 = arith.constant 16 : index
      %swap3A_650 = tpu.vector_load %arg17[%swap3A_647, %swap3A_648, %swap3A_649] {strides = array<i32>} : memref<2x80x128xf32, #tpu.memory_space<vmem>>, vector<16xf32>,
      tpu.vector_store %arg17[%swap3A_647, %swap3A_648, %swap3A_649], %mul3A_645 {strides = array<i32>} : memref<2x80x128xf32, #tpu.memory_space<vmem>>, vector<16xf32>,
      %get3A_651 = arith.constant 0 : i32
      %get3A_652 = arith.index_cast %get3A_651 : i32 to index
      %get3A_653 = arith.index_cast %add3A_624 : i32 to index
      %get3A_654 = arith.constant 32 : index
      %get3A_655 = tpu.vector_load %arg17[%get3A_652, %get3A_653, %get3A_654] {strides = array<i32>} : memref<2x80x128xf32, #tpu.memory_space<vmem>>, vector<16xf32>,
      %mul3A_656 = arith.mulf %get3A_655, %gather3A_628 : vector<16xf32>
      %swap3A_657 = arith.constant 0 : i32
      %swap3A_658 = arith.index_cast %swap3A_657 : i32 to index
      %swap3A_659 = arith.index_cast %add3A_624 : i32 to index
      %swap3A_660 = arith.constant 32 : index
      %swap3A_661 = tpu.vector_load %arg17[%swap3A_658, %swap3A_659, %swap3A_660] {strides = array<i32>} : memref<2x80x128xf32, #tpu.memory_space<vmem>>, vector<16xf32>,
      tpu.vector_store %arg17[%swap3A_658, %swap3A_659, %swap3A_660], %mul3A_656 {strides = array<i32>} : memref<2x80x128xf32, #tpu.memory_space<vmem>>, vector<16xf32>,
      %get3A_662 = arith.constant 0 : i32
      %get3A_663 = arith.index_cast %get3A_662 : i32 to index
      %get3A_664 = arith.index_cast %add3A_624 : i32 to index
      %get3A_665 = arith.constant 48 : index
      %get3A_666 = tpu.vector_load %arg17[%get3A_663, %get3A_664, %get3A_665] {strides = array<i32>} : memref<2x80x128xf32, #tpu.memory_space<vmem>>, vector<16xf32>,
      %mul3A_667 = arith.mulf %get3A_666, %gather3A_628 : vector<16xf32>
      %swap3A_668 = arith.constant 0 : i32
      %swap3A_669 = arith.index_cast %swap3A_668 : i32 to index
      %swap3A_670 = arith.index_cast %add3A_624 : i32 to index
      %swap3A_671 = arith.constant 48 : index
      %swap3A_672 = tpu.vector_load %arg17[%swap3A_669, %swap3A_670, %swap3A_671] {strides = array<i32>} : memref<2x80x128xf32, #tpu.memory_space<vmem>>, vector<16xf32>,
      tpu.vector_store %arg17[%swap3A_669, %swap3A_670, %swap3A_671], %mul3A_667 {strides = array<i32>} : memref<2x80x128xf32, #tpu.memory_space<vmem>>, vector<16xf32>,
      %get3A_673 = arith.constant 0 : i32
      %get3A_674 = arith.index_cast %get3A_673 : i32 to index
      %get3A_675 = arith.index_cast %add3A_624 : i32 to index
      %get3A_676 = arith.constant 64 : index
      %get3A_677 = tpu.vector_load %arg17[%get3A_674, %get3A_675, %get3A_676] {strides = array<i32>} : memref<2x80x128xf32, #tpu.memory_space<vmem>>, vector<16xf32>,
      %mul3A_678 = arith.mulf %get3A_677, %gather3A_628 : vector<16xf32>
      %swap3A_679 = arith.constant 0 : i32
      %swap3A_680 = arith.index_cast %swap3A_679 : i32 to index
      %swap3A_681 = arith.index_cast %add3A_624 : i32 to index
      %swap3A_682 = arith.constant 64 : index
      %swap3A_683 = tpu.vector_load %arg17[%swap3A_680, %swap3A_681, %swap3A_682] {strides = array<i32>} : memref<2x80x128xf32, #tpu.memory_space<vmem>>, vector<16xf32>,
      tpu.vector_store %arg17[%swap3A_680, %swap3A_681, %swap3A_682], %mul3A_678 {strides = array<i32>} : memref<2x80x128xf32, #tpu.memory_space<vmem>>, vector<16xf32>,
      %get3A_684 = arith.constant 0 : i32
      %get3A_685 = arith.index_cast %get3A_684 : i32 to index
      %get3A_686 = arith.index_cast %add3A_624 : i32 to index
      %get3A_687 = arith.constant 80 : index
      %get3A_688 = tpu.vector_load %arg17[%get3A_685, %get3A_686, %get3A_687] {strides = array<i32>} : memref<2x80x128xf32, #tpu.memory_space<vmem>>, vector<16xf32>,
      %mul3A_689 = arith.mulf %get3A_688, %gather3A_628 : vector<16xf32>
      %swap3A_690 = arith.constant 0 : i32
      %swap3A_691 = arith.index_cast %swap3A_690 : i32 to index
      %swap3A_692 = arith.index_cast %add3A_624 : i32 to index
      %swap3A_693 = arith.constant 80 : index
      %swap3A_694 = tpu.vector_load %arg17[%swap3A_691, %swap3A_692, %swap3A_693] {strides = array<i32>} : memref<2x80x128xf32, #tpu.memory_space<vmem>>, vector<16xf32>,
      tpu.vector_store %arg17[%swap3A_691, %swap3A_692, %swap3A_693], %mul3A_689 {strides = array<i32>} : memref<2x80x128xf32, #tpu.memory_space<vmem>>, vector<16xf32>,
      %get3A_695 = arith.constant 0 : i32
      %get3A_696 = arith.index_cast %get3A_695 : i32 to index
      %get3A_697 = arith.index_cast %add3A_624 : i32 to index
      %get3A_698 = arith.constant 96 : index
      %get3A_699 = tpu.vector_load %arg17[%get3A_696, %get3A_697, %get3A_698] {strides = array<i32>} : memref<2x80x128xf32, #tpu.memory_space<vmem>>, vector<16xf32>,
      %mul3A_700 = arith.mulf %get3A_699, %gather3A_628 : vector<16xf32>
      %swap3A_701 = arith.constant 0 : i32
      %swap3A_702 = arith.index_cast %swap3A_701 : i32 to index
      %swap3A_703 = arith.index_cast %add3A_624 : i32 to index
      %swap3A_704 = arith.constant 96 : index
      %swap3A_705 = tpu.vector_load %arg17[%swap3A_702, %swap3A_703, %swap3A_704] {strides = array<i32>} : memref<2x80x128xf32, #tpu.memory_space<vmem>>, vector<16xf32>,
      tpu.vector_store %arg17[%swap3A_702, %swap3A_703, %swap3A_704], %mul3A_700 {strides = array<i32>} : memref<2x80x128xf32, #tpu.memory_space<vmem>>, vector<16xf32>,
      %get3A_706 = arith.constant 0 : i32
      %get3A_707 = arith.index_cast %get3A_706 : i32 to index
      %get3A_708 = arith.index_cast %add3A_624 : i32 to index
      %get3A_709 = arith.constant 112 : index
      %get3A_710 = tpu.vector_load %arg17[%get3A_707, %get3A_708, %get3A_709] {strides = array<i32>} : memref<2x80x128xf32, #tpu.memory_space<vmem>>, vector<16xf32>,
      %mul3A_711 = arith.mulf %get3A_710, %gather3A_628 : vector<16xf32>
      %swap3A_712 = arith.constant 0 : i32
      %swap3A_713 = arith.index_cast %swap3A_712 : i32 to index
      %swap3A_714 = arith.index_cast %add3A_624 : i32 to index
      %swap3A_715 = arith.constant 112 : index
      %swap3A_716 = tpu.vector_load %arg17[%swap3A_713, %swap3A_714, %swap3A_715] {strides = array<i32>} : memref<2x80x128xf32, #tpu.memory_space<vmem>>, vector<16xf32>,
      tpu.vector_store %arg17[%swap3A_713, %swap3A_714, %swap3A_715], %mul3A_711 {strides = array<i32>} : memref<2x80x128xf32, #tpu.memory_space<vmem>>, vector<16xf32>,
      %mul3A_717 = arith.constant 4 : i32
      %mul3A_718 = arith.muli %scan3A_429, %mul3A_717 : i32
      %add3A_719 = arith.constant 3 : i32
      %add3A_720 = arith.addi %mul3A_718, %add3A_719 : i32
      %broadcast_in_dim3A_721 = arith.constant 0 : i32
      %broadcast_in_dim3A_722 = vector.broadcast %broadcast_in_dim3A_721 : i32 to vector<16xi32>
      %broadcast_in_dim3A_723 = vector.broadcast %add3A_720 : i32 to vector<16xi32>
      %gather3A_724 = tpu.vector_load_idx %arg13[%broadcast_in_dim3A_722, %broadcast_in_dim3A_723] : memref<2x80xf32, #tpu.memory_space<vmem>>[vector<16xi32>, vector<16xi32>], vector<16xf32>,
      %get3A_725 = arith.constant 0 : i32
      %get3A_726 = arith.index_cast %get3A_725 : i32 to index
      %get3A_727 = arith.index_cast %add3A_720 : i32 to index
      %get3A_728 = arith.constant 0 : index
      %get3A_729 = tpu.vector_load %arg17[%get3A_726, %get3A_727, %get3A_728] {strides = array<i32>} : memref<2x80x128xf32, #tpu.memory_space<vmem>>, vector<16xf32>,
      %mul3A_730 = arith.mulf %get3A_729, %gather3A_724 : vector<16xf32>
      %swap3A_731 = arith.constant 0 : i32
      %swap3A_732 = arith.index_cast %swap3A_731 : i32 to index
      %swap3A_733 = arith.index_cast %add3A_720 : i32 to index
      %swap3A_734 = arith.constant 0 : index
      %swap3A_735 = tpu.vector_load %arg17[%swap3A_732, %swap3A_733, %swap3A_734] {strides = array<i32>} : memref<2x80x128xf32, #tpu.memory_space<vmem>>, vector<16xf32>,
      tpu.vector_store %arg17[%swap3A_732, %swap3A_733, %swap3A_734], %mul3A_730 {strides = array<i32>} : memref<2x80x128xf32, #tpu.memory_space<vmem>>, vector<16xf32>,
      %get3A_736 = arith.constant 0 : i32
      %get3A_737 = arith.index_cast %get3A_736 : i32 to index
      %get3A_738 = arith.index_cast %add3A_720 : i32 to index
      %get3A_739 = arith.constant 16 : index
      %get3A_740 = tpu.vector_load %arg17[%get3A_737, %get3A_738, %get3A_739] {strides = array<i32>} : memref<2x80x128xf32, #tpu.memory_space<vmem>>, vector<16xf32>,
      %mul3A_741 = arith.mulf %get3A_740, %gather3A_724 : vector<16xf32>
      %swap3A_742 = arith.constant 0 : i32
      %swap3A_743 = arith.index_cast %swap3A_742 : i32 to index
      %swap3A_744 = arith.index_cast %add3A_720 : i32 to index
      %swap3A_745 = arith.constant 16 : index
      %swap3A_746 = tpu.vector_load %arg17[%swap3A_743, %swap3A_744, %swap3A_745] {strides = array<i32>} : memref<2x80x128xf32, #tpu.memory_space<vmem>>, vector<16xf32>,
      tpu.vector_store %arg17[%swap3A_743, %swap3A_744, %swap3A_745], %mul3A_741 {strides = array<i32>} : memref<2x80x128xf32, #tpu.memory_space<vmem>>, vector<16xf32>,
      %get3A_747 = arith.constant 0 : i32
      %get3A_748 = arith.index_cast %get3A_747 : i32 to index
      %get3A_749 = arith.index_cast %add3A_720 : i32 to index
      %get3A_750 = arith.constant 32 : index
      %get3A_751 = tpu.vector_load %arg17[%get3A_748, %get3A_749, %get3A_750] {strides = array<i32>} : memref<2x80x128xf32, #tpu.memory_space<vmem>>, vector<16xf32>,
      %mul3A_752 = arith.mulf %get3A_751, %gather3A_724 : vector<16xf32>
      %swap3A_753 = arith.constant 0 : i32
      %swap3A_754 = arith.index_cast %swap3A_753 : i32 to index
      %swap3A_755 = arith.index_cast %add3A_720 : i32 to index
      %swap3A_756 = arith.constant 32 : index
      %swap3A_757 = tpu.vector_load %arg17[%swap3A_754, %swap3A_755, %swap3A_756] {strides = array<i32>} : memref<2x80x128xf32, #tpu.memory_space<vmem>>, vector<16xf32>,
      tpu.vector_store %arg17[%swap3A_754, %swap3A_755, %swap3A_756], %mul3A_752 {strides = array<i32>} : memref<2x80x128xf32, #tpu.memory_space<vmem>>, vector<16xf32>,
      %get3A_758 = arith.constant 0 : i32
      %get3A_759 = arith.index_cast %get3A_758 : i32 to index
      %get3A_760 = arith.index_cast %add3A_720 : i32 to index
      %get3A_761 = arith.constant 48 : index
      %get3A_762 = tpu.vector_load %arg17[%get3A_759, %get3A_760, %get3A_761] {strides = array<i32>} : memref<2x80x128xf32, #tpu.memory_space<vmem>>, vector<16xf32>,
      %mul3A_763 = arith.mulf %get3A_762, %gather3A_724 : vector<16xf32>
      %swap3A_764 = arith.constant 0 : i32
      %swap3A_765 = arith.index_cast %swap3A_764 : i32 to index
      %swap3A_766 = arith.index_cast %add3A_720 : i32 to index
      %swap3A_767 = arith.constant 48 : index
      %swap3A_768 = tpu.vector_load %arg17[%swap3A_765, %swap3A_766, %swap3A_767] {strides = array<i32>} : memref<2x80x128xf32, #tpu.memory_space<vmem>>, vector<16xf32>,
      tpu.vector_store %arg17[%swap3A_765, %swap3A_766, %swap3A_767], %mul3A_763 {strides = array<i32>} : memref<2x80x128xf32, #tpu.memory_space<vmem>>, vector<16xf32>,
      %get3A_769 = arith.constant 0 : i32
      %get3A_770 = arith.index_cast %get3A_769 : i32 to index
      %get3A_771 = arith.index_cast %add3A_720 : i32 to index
      %get3A_772 = arith.constant 64 : index
      %get3A_773 = tpu.vector_load %arg17[%get3A_770, %get3A_771, %get3A_772] {strides = array<i32>} : memref<2x80x128xf32, #tpu.memory_space<vmem>>, vector<16xf32>,
      %mul3A_774 = arith.mulf %get3A_773, %gather3A_724 : vector<16xf32>
      %swap3A_775 = arith.constant 0 : i32
      %swap3A_776 = arith.index_cast %swap3A_775 : i32 to index
      %swap3A_777 = arith.index_cast %add3A_720 : i32 to index
      %swap3A_778 = arith.constant 64 : index
      %swap3A_779 = tpu.vector_load %arg17[%swap3A_776, %swap3A_777, %swap3A_778] {strides = array<i32>} : memref<2x80x128xf32, #tpu.memory_space<vmem>>, vector<16xf32>,
      tpu.vector_store %arg17[%swap3A_776, %swap3A_777, %swap3A_778], %mul3A_774 {strides = array<i32>} : memref<2x80x128xf32, #tpu.memory_space<vmem>>, vector<16xf32>,
      %get3A_780 = arith.constant 0 : i32
      %get3A_781 = arith.index_cast %get3A_780 : i32 to index
      %get3A_782 = arith.index_cast %add3A_720 : i32 to index
      %get3A_783 = arith.constant 80 : index
      %get3A_784 = tpu.vector_load %arg17[%get3A_781, %get3A_782, %get3A_783] {strides = array<i32>} : memref<2x80x128xf32, #tpu.memory_space<vmem>>, vector<16xf32>,
      %mul3A_785 = arith.mulf %get3A_784, %gather3A_724 : vector<16xf32>
      %swap3A_786 = arith.constant 0 : i32
      %swap3A_787 = arith.index_cast %swap3A_786 : i32 to index
      %swap3A_788 = arith.index_cast %add3A_720 : i32 to index
      %swap3A_789 = arith.constant 80 : index
      %swap3A_790 = tpu.vector_load %arg17[%swap3A_787, %swap3A_788, %swap3A_789] {strides = array<i32>} : memref<2x80x128xf32, #tpu.memory_space<vmem>>, vector<16xf32>,
      tpu.vector_store %arg17[%swap3A_787, %swap3A_788, %swap3A_789], %mul3A_785 {strides = array<i32>} : memref<2x80x128xf32, #tpu.memory_space<vmem>>, vector<16xf32>,
      %get3A_791 = arith.constant 0 : i32
      %get3A_792 = arith.index_cast %get3A_791 : i32 to index
      %get3A_793 = arith.index_cast %add3A_720 : i32 to index
      %get3A_794 = arith.constant 96 : index
      %get3A_795 = tpu.vector_load %arg17[%get3A_792, %get3A_793, %get3A_794] {strides = array<i32>} : memref<2x80x128xf32, #tpu.memory_space<vmem>>, vector<16xf32>,
      %mul3A_796 = arith.mulf %get3A_795, %gather3A_724 : vector<16xf32>
      %swap3A_797 = arith.constant 0 : i32
      %swap3A_798 = arith.index_cast %swap3A_797 : i32 to index
      %swap3A_799 = arith.index_cast %add3A_720 : i32 to index
      %swap3A_800 = arith.constant 96 : index
      %swap3A_801 = tpu.vector_load %arg17[%swap3A_798, %swap3A_799, %swap3A_800] {strides = array<i32>} : memref<2x80x128xf32, #tpu.memory_space<vmem>>, vector<16xf32>,
      tpu.vector_store %arg17[%swap3A_798, %swap3A_799, %swap3A_800], %mul3A_796 {strides = array<i32>} : memref<2x80x128xf32, #tpu.memory_space<vmem>>, vector<16xf32>,
      %get3A_802 = arith.constant 0 : i32
      %get3A_803 = arith.index_cast %get3A_802 : i32 to index
      %get3A_804 = arith.index_cast %add3A_720 : i32 to index
      %get3A_805 = arith.constant 112 : index
      %get3A_806 = tpu.vector_load %arg17[%get3A_803, %get3A_804, %get3A_805] {strides = array<i32>} : memref<2x80x128xf32, #tpu.memory_space<vmem>>, vector<16xf32>,
      %mul3A_807 = arith.mulf %get3A_806, %gather3A_724 : vector<16xf32>
      %swap3A_808 = arith.constant 0 : i32
      %swap3A_809 = arith.index_cast %swap3A_808 : i32 to index
      %swap3A_810 = arith.index_cast %add3A_720 : i32 to index
      %swap3A_811 = arith.constant 112 : index
      %swap3A_812 = tpu.vector_load %arg17[%swap3A_809, %swap3A_810, %swap3A_811] {strides = array<i32>} : memref<2x80x128xf32, #tpu.memory_space<vmem>>, vector<16xf32>,
      tpu.vector_store %arg17[%swap3A_809, %swap3A_810, %swap3A_811], %mul3A_807 {strides = array<i32>} : memref<2x80x128xf32, #tpu.memory_space<vmem>>, vector<16xf32>,
    }
    %scan3A_319 = arith.constant 20 : i32
    %dma_wait3A_320 = arith.constant 1 : i32
    %dma_wait3A_321 = arith.constant 0 : i32
    %dma_wait3A_322 = arith.constant 0 : i32
    %dma_wait3A_323 = tpu.memref_slice %arg17[%dma_wait3A_320, %dma_wait3A_321, %dma_wait3A_322] : memref<2x80x128xf32, #tpu.memory_space<vmem>> -> memref<1x80x128xf32, #tpu.memory_space<vmem>>
    %dma_wait3A_324 = tpu.memref_squeeze %dma_wait3A_323 : memref<1x80x128xf32, #tpu.memory_space<vmem>> -> memref<80x128xf32, #tpu.memory_space<vmem>>
    %dma_wait3A_325 = arith.constant 0 : i32
    %dma_wait3A_326 = arith.constant 0 : i32
    %dma_wait3A_327 = tpu.memref_slice %arg7[%dma_wait3A_325, %dma_wait3A_326] : memref<10000x128xf32, #tpu.memory_space<hbm>> -> memref<80x128xf32, #tpu.memory_space<hbm>>
    %dma_wait3A_328 = arith.constant 0 : i32
    %dma_wait3A_329 = arith.constant 0 : i32
    %dma_wait3A_330 = tpu.memref_slice %arg17[%dma_wait3A_320, %dma_wait3A_328, %dma_wait3A_329] : memref<2x80x128xf32, #tpu.memory_space<vmem>> -> memref<1x80x128xf32, #tpu.memory_space<vmem>>
    %dma_wait3A_331 = tpu.memref_squeeze %dma_wait3A_330 : memref<1x80x128xf32, #tpu.memory_space<vmem>> -> memref<80x128xf32, #tpu.memory_space<vmem>>
    %dma_wait3A_332 = arith.constant 0 : i32
    %dma_wait3A_333 = arith.constant 0 : i32
    %dma_wait3A_334 = tpu.memref_slice %arg7[%dma_wait3A_332, %dma_wait3A_333] : memref<10000x128xf32, #tpu.memory_space<hbm>> -> memref<80x128xf32, #tpu.memory_space<hbm>>
    tpu.wait_dma2 semaphore(%arg22 : memref<!tpu.dma_semaphore, #tpu.memory_space<semaphore_mem>>) src(%dma_wait3A_334 : memref<80x128xf32, #tpu.memory_space<hbm>>) dst(%dma_wait3A_331 : memref<80x128xf32, #tpu.memory_space<vmem>>)
    %dma_wait3A_335 = arith.constant 1 : i32
    %dma_wait3A_336 = arith.constant 0 : i32
    %dma_wait3A_337 = tpu.memref_slice %arg13[%dma_wait3A_335, %dma_wait3A_336] : memref<2x80xf32, #tpu.memory_space<vmem>> -> memref<1x80xf32, #tpu.memory_space<vmem>>
    %dma_wait3A_338 = tpu.memref_squeeze %dma_wait3A_337 : memref<1x80xf32, #tpu.memory_space<vmem>> -> memref<80xf32, #tpu.memory_space<vmem>>
    %dma_wait3A_339 = arith.constant 0 : i32
    %dma_wait3A_340 = tpu.memref_slice %arg4[%dma_wait3A_339] : memref<10000xf32, #tpu.memory_space<hbm>> -> memref<80xf32, #tpu.memory_space<hbm>>
    %dma_wait3A_341 = arith.constant 0 : i32
    %dma_wait3A_342 = tpu.memref_slice %arg13[%dma_wait3A_335, %dma_wait3A_341] : memref<2x80xf32, #tpu.memory_space<vmem>> -> memref<1x80xf32, #tpu.memory_space<vmem>>
    %dma_wait3A_343 = tpu.memref_squeeze %dma_wait3A_342 : memref<1x80xf32, #tpu.memory_space<vmem>> -> memref<80xf32, #tpu.memory_space<vmem>>
    %dma_wait3A_344 = arith.constant 0 : i32
    %dma_wait3A_345 = tpu.memref_slice %arg4[%dma_wait3A_344] : memref<10000xf32, #tpu.memory_space<hbm>> -> memref<80xf32, #tpu.memory_space<hbm>>
    tpu.wait_dma2 semaphore(%arg22 : memref<!tpu.dma_semaphore, #tpu.memory_space<semaphore_mem>>) src(%dma_wait3A_345 : memref<80xf32, #tpu.memory_space<hbm>>) dst(%dma_wait3A_343 : memref<80xf32, #tpu.memory_space<vmem>>)
    %dma_start3A_346 = arith.constant 0 : i32
    %dma_start3A_347 = arith.constant 0 : i32
    %dma_start3A_348 = arith.constant 0 : i32
    %dma_start3A_349 = arith.constant 0 : i32
    %dma_start3A_350 = tpu.memref_slice %arg17[%dma_start3A_346, %dma_start3A_348, %dma_start3A_349] : memref<2x80x128xf32, #tpu.memory_space<vmem>> -> memref<1x80x128xf32, #tpu.memory_space<vmem>>
    %dma_start3A_351 = tpu.memref_squeeze %dma_start3A_350 : memref<1x80x128xf32, #tpu.memory_space<vmem>> -> memref<80x128xf32, #tpu.memory_space<vmem>>
    %dma_start3A_352 = arith.constant 0 : i32
    %dma_start3A_353 = tpu.memref_slice %arg12[%dma_start3A_347, %dma_start3A_352] : memref<2x80xi32, #tpu.memory_space<vmem>> -> memref<1x80xi32, #tpu.memory_space<vmem>>
    %dma_start3A_354 = tpu.memref_squeeze %dma_start3A_353 : memref<1x80xi32, #tpu.memory_space<vmem>> -> memref<80xi32, #tpu.memory_space<vmem>>
    %dma_start3A_355 = arith.constant 0 : i32
    %dma_start3A_356 = arith.constant 0 : i32
    %dma_start3A_357 = tpu.memref_slice %arg18[%dma_start3A_355, %dma_start3A_356] : memref<10240x128xf32, #tpu.memory_space<vmem_shared>> -> memref<10240x128xf32, #tpu.memory_space<vmem_shared>>
    tpu.enqueue_indirect_dma source(%dma_start3A_351 : memref<80x128xf32, #tpu.memory_space<vmem>>) target(%dma_start3A_357 : memref<10240x128xf32, #tpu.memory_space<vmem_shared>>) offsets(%dma_start3A_354 : memref<80xi32, #tpu.memory_space<vmem>>) semaphore(%arg22 : memref<!tpu.dma_semaphore, #tpu.memory_space<semaphore_mem>>) {add = true}
    %dma_start3A_358 = arith.constant 0 : i32
    %dma_start3A_359 = arith.constant 0 : i32
    %dma_start3A_360 = arith.constant 0 : i32
    %dma_start3A_361 = tpu.memref_slice %arg13[%dma_start3A_358, %dma_start3A_360] : memref<2x80xf32, #tpu.memory_space<vmem>> -> memref<1x80xf32, #tpu.memory_space<vmem>>
    %dma_start3A_362 = tpu.memref_squeeze %dma_start3A_361 : memref<1x80xf32, #tpu.memory_space<vmem>> -> memref<80xf32, #tpu.memory_space<vmem>>
    %dma_start3A_363 = arith.constant 0 : i32
    %dma_start3A_364 = tpu.memref_slice %arg12[%dma_start3A_359, %dma_start3A_363] : memref<2x80xi32, #tpu.memory_space<vmem>> -> memref<1x80xi32, #tpu.memory_space<vmem>>
    %dma_start3A_365 = tpu.memref_squeeze %dma_start3A_364 : memref<1x80xi32, #tpu.memory_space<vmem>> -> memref<80xi32, #tpu.memory_space<vmem>>
    %dma_start3A_366 = arith.constant 0 : i32
    %dma_start3A_367 = tpu.memref_slice %arg19[%dma_start3A_366] : memref<10240xf32, #tpu.memory_space<vmem_shared>> -> memref<10240xf32, #tpu.memory_space<vmem_shared>>
    tpu.enqueue_indirect_dma source(%dma_start3A_362 : memref<80xf32, #tpu.memory_space<vmem>>) target(%dma_start3A_367 : memref<10240xf32, #tpu.memory_space<vmem_shared>>) offsets(%dma_start3A_365 : memref<80xi32, #tpu.memory_space<vmem>>) semaphore(%arg22 : memref<!tpu.dma_semaphore, #tpu.memory_space<semaphore_mem>>) {add = true}
    %dma_wait3A_368 = arith.constant 0 : i32
    %dma_wait3A_369 = arith.constant 1 : i32
    %dma_wait3A_370 = arith.constant 0 : i32
    %dma_wait3A_371 = tpu.memref_slice %arg10[%dma_wait3A_369, %dma_wait3A_370] : memref<2x80xi32, #tpu.memory_space<vmem>> -> memref<1x80xi32, #tpu.memory_space<vmem>>
    %dma_wait3A_372 = tpu.memref_squeeze %dma_wait3A_371 : memref<1x80xi32, #tpu.memory_space<vmem>> -> memref<80xi32, #tpu.memory_space<vmem>>
    %dma_wait3A_373 = arith.constant 0 : i32
    %dma_wait3A_374 = tpu.memref_slice %arg2[%dma_wait3A_368, %dma_wait3A_373] : memref<4000x80xi32, #tpu.memory_space<hbm>> -> memref<1x80xi32, #tpu.memory_space<hbm>>
    %dma_wait3A_375 = tpu.memref_squeeze %dma_wait3A_374 : memref<1x80xi32, #tpu.memory_space<hbm>> -> memref<80xi32, #tpu.memory_space<hbm>>
    %dma_wait3A_376 = arith.constant 0 : i32
    %dma_wait3A_377 = tpu.memref_slice %arg10[%dma_wait3A_369, %dma_wait3A_376] : memref<2x80xi32, #tpu.memory_space<vmem>> -> memref<1x80xi32, #tpu.memory_space<vmem>>
    %dma_wait3A_378 = tpu.memref_squeeze %dma_wait3A_377 : memref<1x80xi32, #tpu.memory_space<vmem>> -> memref<80xi32, #tpu.memory_space<vmem>>
    %dma_wait3A_379 = arith.constant 0 : i32
    %dma_wait3A_380 = tpu.memref_slice %arg2[%dma_wait3A_368, %dma_wait3A_379] : memref<4000x80xi32, #tpu.memory_space<hbm>> -> memref<1x80xi32, #tpu.memory_space<hbm>>
    %dma_wait3A_381 = tpu.memref_squeeze %dma_wait3A_380 : memref<1x80xi32, #tpu.memory_space<hbm>> -> memref<80xi32, #tpu.memory_space<hbm>>
    tpu.wait_dma2 semaphore(%arg20 : memref<!tpu.dma_semaphore, #tpu.memory_space<semaphore_mem>>) src(%dma_wait3A_381 : memref<80xi32, #tpu.memory_space<hbm>>) dst(%dma_wait3A_378 : memref<80xi32, #tpu.memory_space<vmem>>)
    %dma_wait3A_382 = arith.constant 0 : i32
    %dma_wait3A_383 = arith.constant 1 : i32
    %dma_wait3A_384 = arith.constant 0 : i32
    %dma_wait3A_385 = tpu.memref_slice %arg11[%dma_wait3A_383, %dma_wait3A_384] : memref<2x80xi32, #tpu.memory_space<vmem>> -> memref<1x80xi32, #tpu.memory_space<vmem>>
    %dma_wait3A_386 = tpu.memref_squeeze %dma_wait3A_385 : memref<1x80xi32, #tpu.memory_space<vmem>> -> memref<80xi32, #tpu.memory_space<vmem>>
    %dma_wait3A_387 = arith.constant 0 : i32
    %dma_wait3A_388 = tpu.memref_slice %arg3[%dma_wait3A_382, %dma_wait3A_387] : memref<4000x80xi32, #tpu.memory_space<hbm>> -> memref<1x80xi32, #tpu.memory_space<hbm>>
    %dma_wait3A_389 = tpu.memref_squeeze %dma_wait3A_388 : memref<1x80xi32, #tpu.memory_space<hbm>> -> memref<80xi32, #tpu.memory_space<hbm>>
    %dma_wait3A_390 = arith.constant 0 : i32
    %dma_wait3A_391 = tpu.memref_slice %arg11[%dma_wait3A_383, %dma_wait3A_390] : memref<2x80xi32, #tpu.memory_space<vmem>> -> memref<1x80xi32, #tpu.memory_space<vmem>>
    %dma_wait3A_392 = tpu.memref_squeeze %dma_wait3A_391 : memref<1x80xi32, #tpu.memory_space<vmem>> -> memref<80xi32, #tpu.memory_space<vmem>>
    %dma_wait3A_393 = arith.constant 0 : i32
    %dma_wait3A_394 = tpu.memref_slice %arg3[%dma_wait3A_382, %dma_wait3A_393] : memref<4000x80xi32, #tpu.memory_space<hbm>> -> memref<1x80xi32, #tpu.memory_space<hbm>>
    %dma_wait3A_395 = tpu.memref_squeeze %dma_wait3A_394 : memref<1x80xi32, #tpu.memory_space<hbm>> -> memref<80xi32, #tpu.memory_space<hbm>>
    tpu.wait_dma2 semaphore(%arg20 : memref<!tpu.dma_semaphore, #tpu.memory_space<semaphore_mem>>) src(%dma_wait3A_395 : memref<80xi32, #tpu.memory_space<hbm>>) dst(%dma_wait3A_392 : memref<80xi32, #tpu.memory_space<vmem>>)
    %dma_wait3A_396 = arith.constant 0 : i32
    %dma_wait3A_397 = arith.constant 0 : i32
    %dma_wait3A_398 = arith.constant 0 : i32
    %dma_wait3A_399 = tpu.memref_slice %arg17[%dma_wait3A_396, %dma_wait3A_397, %dma_wait3A_398] : memref<2x80x128xf32, #tpu.memory_space<vmem>> -> memref<1x80x128xf32, #tpu.memory_space<vmem>>
    %dma_wait3A_400 = tpu.memref_squeeze %dma_wait3A_399 : memref<1x80x128xf32, #tpu.memory_space<vmem>> -> memref<80x128xf32, #tpu.memory_space<vmem>>
    %dma_wait3A_401 = arith.constant 0 : i32
    %dma_wait3A_402 = arith.constant 0 : i32
    %dma_wait3A_403 = tpu.memref_slice %arg7[%dma_wait3A_401, %dma_wait3A_402] : memref<10000x128xf32, #tpu.memory_space<hbm>> -> memref<80x128xf32, #tpu.memory_space<hbm>>
    %dma_wait3A_404 = arith.constant 0 : i32
    %dma_wait3A_405 = arith.constant 0 : i32
    %dma_wait3A_406 = tpu.memref_slice %arg17[%dma_wait3A_396, %dma_wait3A_404, %dma_wait3A_405] : memref<2x80x128xf32, #tpu.memory_space<vmem>> -> memref<1x80x128xf32, #tpu.memory_space<vmem>>
    %dma_wait3A_407 = tpu.memref_squeeze %dma_wait3A_406 : memref<1x80x128xf32, #tpu.memory_space<vmem>> -> memref<80x128xf32, #tpu.memory_space<vmem>>
    %dma_wait3A_408 = arith.constant 0 : i32
    %dma_wait3A_409 = arith.constant 0 : i32
    %dma_wait3A_410 = tpu.memref_slice %arg7[%dma_wait3A_408, %dma_wait3A_409] : memref<10000x128xf32, #tpu.memory_space<hbm>> -> memref<80x128xf32, #tpu.memory_space<hbm>>
    tpu.wait_dma2 semaphore(%arg22 : memref<!tpu.dma_semaphore, #tpu.memory_space<semaphore_mem>>) src(%dma_wait3A_410 : memref<80x128xf32, #tpu.memory_space<hbm>>) dst(%dma_wait3A_407 : memref<80x128xf32, #tpu.memory_space<vmem>>)
    %dma_wait3A_411 = arith.constant 0 : i32
    %dma_wait3A_412 = arith.constant 0 : i32
    %dma_wait3A_413 = tpu.memref_slice %arg13[%dma_wait3A_411, %dma_wait3A_412] : memref<2x80xf32, #tpu.memory_space<vmem>> -> memref<1x80xf32, #tpu.memory_space<vmem>>
    %dma_wait3A_414 = tpu.memref_squeeze %dma_wait3A_413 : memref<1x80xf32, #tpu.memory_space<vmem>> -> memref<80xf32, #tpu.memory_space<vmem>>
    %dma_wait3A_415 = arith.constant 0 : i32
    %dma_wait3A_416 = tpu.memref_slice %arg4[%dma_wait3A_415] : memref<10000xf32, #tpu.memory_space<hbm>> -> memref<80xf32, #tpu.memory_space<hbm>>
    %dma_wait3A_417 = arith.constant 0 : i32
    %dma_wait3A_418 = tpu.memref_slice %arg13[%dma_wait3A_411, %dma_wait3A_417] : memref<2x80xf32, #tpu.memory_space<vmem>> -> memref<1x80xf32, #tpu.memory_space<vmem>>
    %dma_wait3A_419 = tpu.memref_squeeze %dma_wait3A_418 : memref<1x80xf32, #tpu.memory_space<vmem>> -> memref<80xf32, #tpu.memory_space<vmem>>
    %dma_wait3A_420 = arith.constant 0 : i32
    %dma_wait3A_421 = tpu.memref_slice %arg4[%dma_wait3A_420] : memref<10000xf32, #tpu.memory_space<hbm>> -> memref<80xf32, #tpu.memory_space<hbm>>
    tpu.wait_dma2 semaphore(%arg22 : memref<!tpu.dma_semaphore, #tpu.memory_space<semaphore_mem>>) src(%dma_wait3A_421 : memref<80xf32, #tpu.memory_space<hbm>>) dst(%dma_wait3A_419 : memref<80xf32, #tpu.memory_space<vmem>>)
    %barrier3A_422 = arith.constant 0 : index
    tpu.barrier barrier_id(%barrier3A_422)
    %lt3A = arith.constant 15 : i32
    %lt3A_423 = arith.cmpi slt, %arg1, %lt3A : i32
    %convert_element_type3A = arith.extui %lt3A_423 : i1 to i32
    %cond3A = arith.constant 0 : i32
    %cond3A_424 = arith.cmpi ne, %convert_element_type3A, %cond3A : i32
    scf.if %cond3A_424 {
      %mul3A_429 = arith.constant 640 : i32
      %mul3A_430 = arith.muli %arg1, %mul3A_429 : i32
      %mul3A_431 = arith.constant 640 : i32
      %mul3A_432 = arith.muli %arg1, %mul3A_431 : i32
      "tpu.region"() ({
        %run_scoped3A_437 = tpu.sem_alloc : memref<!tpu.dma_semaphore, #tpu.memory_space<semaphore_mem>>
        %dma_start3A_438 = arith.constant 0 : i32
        %dma_start3A_439 = tpu.memref_slice %arg8[%arg0, %mul3A_432, %dma_start3A_438] : memref<2x10000x128xf32, #tpu.memory_space<hbm>> -> memref<1x640x128xf32, #tpu.memory_space<hbm>>
        %dma_start3A_440 = tpu.memref_squeeze %dma_start3A_439 : memref<1x640x128xf32, #tpu.memory_space<hbm>> -> memref<640x128xf32, #tpu.memory_space<hbm>>
        %dma_start3A_441 = arith.constant 0 : i32
        %dma_start3A_442 = tpu.memref_slice %arg18[%mul3A_430, %dma_start3A_441] : memref<10240x128xf32, #tpu.memory_space<vmem_shared>> -> memref<640x128xf32, #tpu.memory_space<vmem_shared>>
        tpu.enqueue_dma source(%dma_start3A_442 : memref<640x128xf32, #tpu.memory_space<vmem_shared>>) target(%dma_start3A_440 : memref<640x128xf32, #tpu.memory_space<hbm>>) target_semaphore(%run_scoped3A_437 : memref<!tpu.dma_semaphore, #tpu.memory_space<semaphore_mem>>)
        %dma_wait3A_443 = arith.constant 0 : i32
        %dma_wait3A_444 = tpu.memref_slice %arg8[%arg0, %mul3A_432, %dma_wait3A_443] : memref<2x10000x128xf32, #tpu.memory_space<hbm>> -> memref<1x640x128xf32, #tpu.memory_space<hbm>>
        %dma_wait3A_445 = tpu.memref_squeeze %dma_wait3A_444 : memref<1x640x128xf32, #tpu.memory_space<hbm>> -> memref<640x128xf32, #tpu.memory_space<hbm>>
        %dma_wait3A_446 = arith.constant 0 : i32
        %dma_wait3A_447 = tpu.memref_slice %arg18[%mul3A_430, %dma_wait3A_446] : memref<10240x128xf32, #tpu.memory_space<vmem_shared>> -> memref<640x128xf32, #tpu.memory_space<vmem_shared>>
        tpu.wait_dma2 semaphore(%run_scoped3A_437 : memref<!tpu.dma_semaphore, #tpu.memory_space<semaphore_mem>>) src(%dma_wait3A_447 : memref<640x128xf32, #tpu.memory_space<vmem_shared>>) dst(%dma_wait3A_445 : memref<640x128xf32, #tpu.memory_space<hbm>>)
        tpu.yield
      }) : () -> ()
      %mul3A_433 = arith.constant 640 : i32
      %mul3A_434 = arith.muli %arg1, %mul3A_433 : i32
      %mul3A_435 = arith.constant 640 : i32
      %mul3A_436 = arith.muli %arg1, %mul3A_435 : i32
      "tpu.region"() ({
        %run_scoped3A_437 = tpu.sem_alloc : memref<!tpu.dma_semaphore, #tpu.memory_space<semaphore_mem>>
        %dma_start3A_438 = tpu.memref_slice %arg9[%arg0, %mul3A_436] : memref<2x10112xf32, #tpu.memory_space<hbm>> -> memref<1x640xf32, #tpu.memory_space<hbm>>
        %dma_start3A_439 = tpu.memref_squeeze %dma_start3A_438 : memref<1x640xf32, #tpu.memory_space<hbm>> -> memref<640xf32, #tpu.memory_space<hbm>>
        %dma_start3A_440 = tpu.memref_slice %arg19[%mul3A_434] : memref<10240xf32, #tpu.memory_space<vmem_shared>> -> memref<640xf32, #tpu.memory_space<vmem_shared>>
        tpu.enqueue_dma source(%dma_start3A_440 : memref<640xf32, #tpu.memory_space<vmem_shared>>) target(%dma_start3A_439 : memref<640xf32, #tpu.memory_space<hbm>>) target_semaphore(%run_scoped3A_437 : memref<!tpu.dma_semaphore, #tpu.memory_space<semaphore_mem>>)
        %dma_wait3A_441 = tpu.memref_slice %arg9[%arg0, %mul3A_436] : memref<2x10112xf32, #tpu.memory_space<hbm>> -> memref<1x640xf32, #tpu.memory_space<hbm>>
        %dma_wait3A_442 = tpu.memref_squeeze %dma_wait3A_441 : memref<1x640xf32, #tpu.memory_space<hbm>> -> memref<640xf32, #tpu.memory_space<hbm>>
        %dma_wait3A_443 = tpu.memref_slice %arg19[%mul3A_434] : memref<10240xf32, #tpu.memory_space<vmem_shared>> -> memref<640xf32, #tpu.memory_space<vmem_shared>>
        tpu.wait_dma2 semaphore(%run_scoped3A_437 : memref<!tpu.dma_semaphore, #tpu.memory_space<semaphore_mem>>) src(%dma_wait3A_443 : memref<640xf32, #tpu.memory_space<vmem_shared>>) dst(%dma_wait3A_442 : memref<640xf32, #tpu.memory_space<hbm>>)
        tpu.yield
      }) : () -> ()
    } else {
    }
    %eq3A = arith.constant 15 : i32
    %eq3A_425 = arith.cmpi eq, %arg1, %eq3A : i32
    %convert_element_type3A_426 = arith.extui %eq3A_425 : i1 to i32
    %cond3A_427 = arith.constant 0 : i32
    %cond3A_428 = arith.cmpi ne, %convert_element_type3A_426, %cond3A_427 : i32
    scf.if %cond3A_428 {
      "tpu.region"() ({
        %run_scoped3A_429 = tpu.sem_alloc : memref<!tpu.dma_semaphore, #tpu.memory_space<semaphore_mem>>
        %dma_start3A_430 = arith.constant 9600 : i32
        %dma_start3A_431 = arith.constant 0 : i32
        %dma_start3A_432 = tpu.memref_slice %arg8[%arg0, %dma_start3A_430, %dma_start3A_431] : memref<2x10000x128xf32, #tpu.memory_space<hbm>> -> memref<1x400x128xf32, #tpu.memory_space<hbm>>
        %dma_start3A_433 = tpu.memref_squeeze %dma_start3A_432 : memref<1x400x128xf32, #tpu.memory_space<hbm>> -> memref<400x128xf32, #tpu.memory_space<hbm>>
        %dma_start3A_434 = arith.constant 9600 : i32
        %dma_start3A_435 = arith.constant 0 : i32
        %dma_start3A_436 = tpu.memref_slice %arg18[%dma_start3A_434, %dma_start3A_435] : memref<10240x128xf32, #tpu.memory_space<vmem_shared>> -> memref<400x128xf32, #tpu.memory_space<vmem_shared>>
        tpu.enqueue_dma source(%dma_start3A_436 : memref<400x128xf32, #tpu.memory_space<vmem_shared>>) target(%dma_start3A_433 : memref<400x128xf32, #tpu.memory_space<hbm>>) target_semaphore(%run_scoped3A_429 : memref<!tpu.dma_semaphore, #tpu.memory_space<semaphore_mem>>)
        %dma_wait3A_437 = arith.constant 9600 : i32
        %dma_wait3A_438 = arith.constant 0 : i32
        %dma_wait3A_439 = tpu.memref_slice %arg8[%arg0, %dma_wait3A_437, %dma_wait3A_438] : memref<2x10000x128xf32, #tpu.memory_space<hbm>> -> memref<1x400x128xf32, #tpu.memory_space<hbm>>
        %dma_wait3A_440 = tpu.memref_squeeze %dma_wait3A_439 : memref<1x400x128xf32, #tpu.memory_space<hbm>> -> memref<400x128xf32, #tpu.memory_space<hbm>>
        %dma_wait3A_441 = arith.constant 9600 : i32
        %dma_wait3A_442 = arith.constant 0 : i32
        %dma_wait3A_443 = tpu.memref_slice %arg18[%dma_wait3A_441, %dma_wait3A_442] : memref<10240x128xf32, #tpu.memory_space<vmem_shared>> -> memref<400x128xf32, #tpu.memory_space<vmem_shared>>
        tpu.wait_dma2 semaphore(%run_scoped3A_429 : memref<!tpu.dma_semaphore, #tpu.memory_space<semaphore_mem>>) src(%dma_wait3A_443 : memref<400x128xf32, #tpu.memory_space<vmem_shared>>) dst(%dma_wait3A_440 : memref<400x128xf32, #tpu.memory_space<hbm>>)
        tpu.yield
      }) : () -> ()
      "tpu.region"() ({
        %run_scoped3A_429 = tpu.sem_alloc : memref<!tpu.dma_semaphore, #tpu.memory_space<semaphore_mem>>
        %dma_start3A_430 = arith.constant 9600 : i32
        %dma_start3A_431 = tpu.memref_slice %arg9[%arg0, %dma_start3A_430] : memref<2x10112xf32, #tpu.memory_space<hbm>> -> memref<1x512xf32, #tpu.memory_space<hbm>>
        %dma_start3A_432 = tpu.memref_squeeze %dma_start3A_431 : memref<1x512xf32, #tpu.memory_space<hbm>> -> memref<512xf32, #tpu.memory_space<hbm>>
        %dma_start3A_433 = arith.constant 9600 : i32
        %dma_start3A_434 = tpu.memref_slice %arg19[%dma_start3A_433] : memref<10240xf32, #tpu.memory_space<vmem_shared>> -> memref<512xf32, #tpu.memory_space<vmem_shared>>
        tpu.enqueue_dma source(%dma_start3A_434 : memref<512xf32, #tpu.memory_space<vmem_shared>>) target(%dma_start3A_432 : memref<512xf32, #tpu.memory_space<hbm>>) target_semaphore(%run_scoped3A_429 : memref<!tpu.dma_semaphore, #tpu.memory_space<semaphore_mem>>)
        %dma_wait3A_435 = arith.constant 9600 : i32
        %dma_wait3A_436 = tpu.memref_slice %arg9[%arg0, %dma_wait3A_435] : memref<2x10112xf32, #tpu.memory_space<hbm>> -> memref<1x512xf32, #tpu.memory_space<hbm>>
        %dma_wait3A_437 = tpu.memref_squeeze %dma_wait3A_436 : memref<1x512xf32, #tpu.memory_space<hbm>> -> memref<512xf32, #tpu.memory_space<hbm>>
        %dma_wait3A_438 = arith.constant 9600 : i32
        %dma_wait3A_439 = tpu.memref_slice %arg19[%dma_wait3A_438] : memref<10240xf32, #tpu.memory_space<vmem_shared>> -> memref<512xf32, #tpu.memory_space<vmem_shared>>
        tpu.wait_dma2 semaphore(%run_scoped3A_429 : memref<!tpu.dma_semaphore, #tpu.memory_space<semaphore_mem>>) src(%dma_wait3A_439 : memref<512xf32, #tpu.memory_space<vmem_shared>>) dst(%dma_wait3A_437 : memref<512xf32, #tpu.memory_space<hbm>>)
        tpu.yield
      }) : () -> ()
    } else {
    }
    return
  }
}

module attributes {stable_mosaic.version = 14 : i64} {
  func.func @_prep_body(%arg0: memref<10000x128xf32, #tpu.memory_space<vmem>>, %arg1: memref<128x128xf32, #tpu.memory_space<vmem>>, %arg2: memref<1x128xf32, #tpu.memory_space<vmem>>, %arg3: memref<128x1xf32, #tpu.memory_space<vmem>>, %arg4: memref<128x1xf32, #tpu.memory_space<vmem>>, %arg5: memref<10000x128xf32, #tpu.memory_space<vmem>>, %arg6: memref<10000x1xf32, #tpu.memory_space<vmem>>, %arg7: memref<10000x1xf32, #tpu.memory_space<vmem>>, %arg8: memref<1x16xf32, #tpu.memory_space<vmem>>) attributes {dimension_semantics = [], scalar_prefetch = 0 : i64, scratch_operands = 0 : i64, tpu.core_type = #tpu.core_type<tc>} {
    %get3A = arith.constant 0 : index
    %get3A_0 = arith.constant 0 : index
    %get3A_1 = vector.load %arg0[%get3A, %get3A_0] : memref<10000x128xf32, #tpu.memory_space<vmem>>, vector<10000x128xf32>
    %get3A_2 = arith.constant 0 : index
    %get3A_3 = arith.constant 0 : index
    %get3A_4 = vector.load %arg1[%get3A_2, %get3A_3] : memref<128x128xf32, #tpu.memory_space<vmem>>, vector<128x128xf32>
    %dot_general3A = arith.constant dense<0.000000e+00> : vector<10000x128xf32>
    %dot_general3A_5 = tpu.matmul %get3A_1, %get3A_4, %dot_general3A {dimension_numbers = #tpu.dot_dimension_numbers<[1], [0], [0], [1], [0, 0, 1, 1], [], []>, transpose_lhs_hint = false} : vector<10000x128xf32>, vector<128x128xf32>, vector<10000x128xf32> -> vector<10000x128xf32>
    %get3A_6 = arith.constant 0 : index
    %get3A_7 = arith.constant 0 : index
    %get3A_8 = vector.load %arg2[%get3A_6, %get3A_7] : memref<1x128xf32, #tpu.memory_space<vmem>>, vector<1x128xf32>
    %add3A = vector.broadcast %get3A_8 : vector<1x128xf32> to vector<10000x128xf32>
    %add3A_9 = arith.addf %dot_general3A_5, %add3A : vector<10000x128xf32>
    %swap3A = arith.constant 0 : index
    %swap3A_10 = arith.constant 0 : index
    %swap3A_11 = vector.load %arg5[%swap3A, %swap3A_10] : memref<10000x128xf32, #tpu.memory_space<vmem>>, vector<10000x128xf32>
    tpu.vector_store %arg5[%swap3A, %swap3A_10], %add3A_9 {strides = array<i32>} : memref<10000x128xf32, #tpu.memory_space<vmem>>, vector<10000x128xf32>,
    %get3A_12 = arith.constant 0 : index
    %get3A_13 = arith.constant 0 : index
    %get3A_14 = vector.load %arg3[%get3A_12, %get3A_13] : memref<128x1xf32, #tpu.memory_space<vmem>>, vector<128x1xf32>
    %dot_general3A_15 = arith.constant dense<0.000000e+00> : vector<10000x1xf32>
    %dot_general3A_16 = tpu.matmul %add3A_9, %get3A_14, %dot_general3A_15 {dimension_numbers = #tpu.dot_dimension_numbers<[1], [0], [0], [1], [0, 0, 1, 1], [], []>, transpose_lhs_hint = false} : vector<10000x128xf32>, vector<128x1xf32>, vector<10000x1xf32> -> vector<10000x1xf32>
    %get3A_17 = arith.constant 0 : index
    %get3A_18 = arith.constant 0 : index
    %get3A_19 = vector.load %arg4[%get3A_17, %get3A_18] : memref<128x1xf32, #tpu.memory_space<vmem>>, vector<128x1xf32>
    %dot_general3A_20 = arith.constant dense<0.000000e+00> : vector<10000x1xf32>
    %dot_general3A_21 = tpu.matmul %add3A_9, %get3A_19, %dot_general3A_20 {dimension_numbers = #tpu.dot_dimension_numbers<[1], [0], [0], [1], [0, 0, 1, 1], [], []>, transpose_lhs_hint = false} : vector<10000x128xf32>, vector<128x1xf32>, vector<10000x1xf32> -> vector<10000x1xf32>
    %swap3A_22 = arith.constant 0 : index
    %swap3A_23 = arith.constant 0 : index
    %swap3A_24 = vector.load %arg6[%swap3A_22, %swap3A_23] : memref<10000x1xf32, #tpu.memory_space<vmem>>, vector<10000x1xf32>
    tpu.vector_store %arg6[%swap3A_22, %swap3A_23], %dot_general3A_16 {strides = array<i32>} : memref<10000x1xf32, #tpu.memory_space<vmem>>, vector<10000x1xf32>,
    %swap3A_25 = arith.constant 0 : index
    %swap3A_26 = arith.constant 0 : index
    %swap3A_27 = vector.load %arg7[%swap3A_25, %swap3A_26] : memref<10000x1xf32, #tpu.memory_space<vmem>>, vector<10000x1xf32>
    tpu.vector_store %arg7[%swap3A_25, %swap3A_26], %dot_general3A_21 {strides = array<i32>} : memref<10000x1xf32, #tpu.memory_space<vmem>>, vector<10000x1xf32>,
    %reduce_max3A = vector.shape_cast %dot_general3A_16 : vector<10000x1xf32> to vector<1x10000x1xf32>
    %reduce_max3A_28 = arith.constant dense<0xFF800000> : vector<1xf32>
    %reduce_max3A_29 = vector.multi_reduction <maximumf>, %reduce_max3A, %reduce_max3A_28 [1, 2] : vector<1x10000x1xf32> to vector<1xf32>
    %reduce_max3A_30 = vector.shape_cast %reduce_max3A_29 : vector<1xf32> to vector<1x1x1xf32>
    %reduce_max3A_31 = vector.extract %reduce_max3A_30[0, 0, 0] : f32 from vector<1x1x1xf32>
    %reduce_max3A_32 = vector.shape_cast %dot_general3A_21 : vector<10000x1xf32> to vector<1x10000x1xf32>
    %reduce_max3A_33 = arith.constant dense<0xFF800000> : vector<1xf32>
    %reduce_max3A_34 = vector.multi_reduction <maximumf>, %reduce_max3A_32, %reduce_max3A_33 [1, 2] : vector<1x10000x1xf32> to vector<1xf32>
    %reduce_max3A_35 = vector.shape_cast %reduce_max3A_34 : vector<1xf32> to vector<1x1x1xf32>
    %reduce_max3A_36 = vector.extract %reduce_max3A_35[0, 0, 0] : f32 from vector<1x1x1xf32>
    %add3A_37 = arith.addf %reduce_max3A_31, %reduce_max3A_36 : f32
    %max3A = arith.constant 0.000000e+00 : f32
    %max3A_38 = arith.maximumf %add3A_37, %max3A : f32
    %broadcast_in_dim3A = arith.constant 0.000000e+00 : f32
    %broadcast_in_dim3A_39 = vector.broadcast %broadcast_in_dim3A : f32 to vector<1x16xf32>
    %add3A_40 = vector.broadcast %max3A_38 : f32 to vector<1x16xf32>
    %add3A_41 = arith.addf %broadcast_in_dim3A_39, %add3A_40 : vector<1x16xf32>
    %swap3A_42 = arith.constant 0 : index
    %swap3A_43 = arith.constant 0 : index
    %swap3A_44 = vector.load %arg8[%swap3A_42, %swap3A_43] : memref<1x16xf32, #tpu.memory_space<vmem>>, vector<1x16xf32>
    tpu.vector_store %arg8[%swap3A_42, %swap3A_43], %add3A_41 {strides = array<i32>} : memref<1x16xf32, #tpu.memory_space<vmem>>, vector<1x16xf32>,
    return
  }
}

module attributes {stable_mosaic.version = 14 : i64} {
  func.func @_combine_body(%arg0: memref<2x10000x128xf32, #tpu.memory_space<vmem>>, %arg1: memref<2x10000x1xf32, #tpu.memory_space<vmem>>, %arg2: memref<10000x128xf32, #tpu.memory_space<vmem>>) attributes {dimension_semantics = [], scalar_prefetch = 0 : i64, scratch_operands = 0 : i64, tpu.core_type = #tpu.core_type<tc>} {
    %get3A = arith.constant 0 : index
    %get3A_0 = arith.constant 0 : index
    %get3A_1 = arith.constant 0 : index
    %get3A_2 = vector.load %arg0[%get3A, %get3A_0, %get3A_1] : memref<2x10000x128xf32, #tpu.memory_space<vmem>>, vector<1x10000x128xf32>
    %get3A_3 = vector.shape_cast %get3A_2 : vector<1x10000x128xf32> to vector<10000x128xf32>
    %get3A_4 = arith.constant 1 : index
    %get3A_5 = arith.constant 0 : index
    %get3A_6 = arith.constant 0 : index
    %get3A_7 = vector.load %arg0[%get3A_4, %get3A_5, %get3A_6] : memref<2x10000x128xf32, #tpu.memory_space<vmem>>, vector<1x10000x128xf32>
    %get3A_8 = vector.shape_cast %get3A_7 : vector<1x10000x128xf32> to vector<10000x128xf32>
    %add3A = arith.addf %get3A_3, %get3A_8 : vector<10000x128xf32>
    %get3A_9 = arith.constant 0 : index
    %get3A_10 = arith.constant 0 : index
    %get3A_11 = arith.constant 0 : index
    %get3A_12 = vector.load %arg1[%get3A_9, %get3A_10, %get3A_11] : memref<2x10000x1xf32, #tpu.memory_space<vmem>>, vector<1x10000x1xf32>
    %get3A_13 = vector.shape_cast %get3A_12 : vector<1x10000x1xf32> to vector<10000x1xf32>
    %get3A_14 = arith.constant 1 : index
    %get3A_15 = arith.constant 0 : index
    %get3A_16 = arith.constant 0 : index
    %get3A_17 = vector.load %arg1[%get3A_14, %get3A_15, %get3A_16] : memref<2x10000x1xf32, #tpu.memory_space<vmem>>, vector<1x10000x1xf32>
    %get3A_18 = vector.shape_cast %get3A_17 : vector<1x10000x1xf32> to vector<10000x1xf32>
    %add3A_19 = arith.addf %get3A_13, %get3A_18 : vector<10000x1xf32>
    %gt3A = arith.constant 0.000000e+00 : f32
    %gt3A_20 = vector.broadcast %gt3A : f32 to vector<10000x1xf32>
    %gt3A_21 = arith.cmpf ogt, %add3A_19, %gt3A_20 : vector<10000x1xf32>
    %div3A = vector.broadcast %add3A_19 : vector<10000x1xf32> to vector<10000x128xf32>
    %div3A_22 = arith.divf %add3A, %div3A : vector<10000x128xf32>
    %jit3A = arith.constant 0.000000e+00 : f32
    %broadcast_in_dim3A = vector.shape_cast %gt3A_21 : vector<10000x1xi1> to vector<10000x1xi1>
    %broadcast_in_dim3A_23 = vector.broadcast %broadcast_in_dim3A : vector<10000x1xi1> to vector<10000x128xi1>
    %broadcast_in_dim3A_24 = vector.broadcast %jit3A : f32 to vector<10000x128xf32>
    %select_n3A = arith.select %broadcast_in_dim3A_23, %div3A_22, %broadcast_in_dim3A_24 : vector<10000x128xi1>, vector<10000x128xf32>
    %swap3A = arith.constant 0 : index
    %swap3A_25 = arith.constant 0 : index
    %swap3A_26 = vector.load %arg2[%swap3A, %swap3A_25] : memref<10000x128xf32, #tpu.memory_space<vmem>>, vector<10000x128xf32>
    tpu.vector_store %arg2[%swap3A, %swap3A_25], %select_n3A {strides = array<i32>} : memref<10000x128xf32, #tpu.memory_space<vmem>>, vector<10000x128xf32>,
    return
  }
}

</mosaic_0001>

<sc_bundles>
// kernel: kernel.5.cloned.1.call-start
scs
__scs_entry_jumppad:
0x0: {  	(pc) =	sbr.rel $0x88, $3  }
0x1: {  	(tag) =	ssettag $0x0;
	lr =	simm.s32 $0x1  }
0x2: {  	[smem:$0x3F9A] =	sst lr;
	_ =	strace $0xD0000000  }
0x3: {  	_ = 	snop  }
0x4: {  	_ = 	snop  }
0x5: {  	_ = 	snop  }
0x6: {  	_ = 	snop  }
0x7: {  	_ = 	snop  }
__scs_overlays_trampoline_lowered:
0x8: {  	[smem:$0x3FA9] =	sst s0  }
0x9: {  	[smem:$0x3FAA] =	sst s1  }
0xa: {  	[smem:$0x3FAB] =	sst s2  }
0xb: {  	[smem:$0x3FAC] =	sst s3  }
0xc: {  	[smem:$0x3FAD] =	sst s4  }
0xd: {  	[smem:$0x3FAE] =	sst s5  }
0xe: {  	[smem:$0x3FAF] =	sst s6  }
0xf: {  	[smem:$0x3FB0] =	sst s7  }
0x10: {  	[smem:$0x3FB1] =	sst s8  }
0x11: {  	[smem:$0x3FB2] =	sst s9;
	s0 =	simm.s32 @!p0 $0x0  }
0x12: {  	s1 =	sld [smem:$0x3F98];
	s0 =	simm.s32 @p0 $0x1  }
0x13: {  	[smem:$0x3FB3] =	sst s0;
	s0 =	simm.s32 @!p1 $0x0  }
0x14: {  	s2 =	sld [smem:$0x3F97];
	s0 =	simm.s32 @p1 $0x1  }
0x15: {  	[smem:$0x3FB4] =	sst s0;
	s0 =	simm.s32 @!p2 $0x0  }
0x16: {  	s3 =	sld [smem:$0x3FDB];
	s0 =	simm.s32 @p2 $0x1  }
0x17: {  	s4 =	simm.s32 $0x1BF5;
	[smem:$0x3FB6] =	sst s0  }
0x18: {  	s0 =	sld [smem:$0x3F99];
	_ =	swait.ge [sflag:s4], $0x0  }
0x19: {  	s7 =	sld [smem:$0x3F9A]  }
0x1a: {  	s8 =	sadd.s32 $0xFFFFE003, lr  }
0x1b: {  	s9 =	sadd.s32 $0xFFFFFEF7, lr;
	s5 =	simm.s32 $0xFFFFFFFF;
	p2 =	slt.u32 s8, $0xFFFFF086  }
0x1c: {  	p1 =	slt.u32 s9, $0xF7A;
	s5 =	simm.s32 @!p2 $0x0  }
0x1d: {  	s5 =	simm.s32 @p1 $0x1;
	p0 =	seq.s32 s7, s2  }
0x1e: {  	s7 =	smul.u32 @!p0 $0xF7A, s2;
	p2 =	seq.s32 @!p0 s5, $0x0  }
0x1f: {  	s9 =	smul.u32 $0xF7A, s1;
	s8 =	simm.s32 @!p0 $0x1BF5;
	p2 =	por !p2, p0  }
0x20: {  	[sflag:s8] =	ssyncset.s32 @!p0 $0xFFFFF086;
	s6 =	sadd.s32 @!p0 s3, s7;
	s7 =	simm.s32 @!p0 $0x108  }
0x21: {  	s3 =	sadd.s32 s3, s9;
	s6 =	sadd.s32 @!p0 $0x88, s6;
	s7 =	simm.s32 @p2 $0x1082  }
0x22: {  	[simem:s7], [sflag:s8] =	dma.local @!p0 [hbm:s6], $0xF7A  }
0x23: {  	s9 =	sor.u32 $0xD0000000, s2;
	s6 =	simm.s32 $0x108;
	_ =	swait.ge @!p0 [sflag:s8], $0x0  }
0x24: {  	s3 =	sadd.s32 $0x88, s3;
	s6 =	simm.s32 @!p1 $0x1082;
	[sflag:s4] =	ssyncset.s32 $0xFFFFF086  }
0x25: {  	[simem:s6], [sflag:s4] =	dma.local [hbm:s3], $0xF7A  }
0x26: {  	[smem:$0x3F9A] =	sst s1;
	(tag) =	ssettag s2;
	_ =	strace s9  }
0x27: {  	s1 =	sld [smem:$0x3FAA]  }
0x28: {  	s2 =	sld [smem:$0x3FAB]  }
0x29: {  	s4 =	sld [smem:$0x3FAD]  }
0x2a: {  	p0 =	seq.s32 s5, $0x0;
	s5 =	sld [smem:$0x3FAE]  }
0x2b: {  	s6 =	sld [smem:$0x3FAF]  }
0x2c: {  	s7 =	sld [smem:$0x3FB0]  }
0x2d: {  	s3 =	simm.s32 $0x108;
	s8 =	sld [smem:$0x3FB1]  }
0x2e: {  	s3 =	simm.s32 @!p0 $0x1082;
	s9 =	sld [smem:$0x3FB2]  }
0x2f: {  	lr =	sadd.s32 s0, s3;
	s0 =	sld [smem:$0x3FA9]  }
0x30: {  	s3 =	sld [smem:$0x3FAC]  }
0x31: {  	[smem:$0x3FB5] =	sst s10  }
0x32: {  	s10 =	sld [smem:$0x3FB3];
	_ =	sdelay $0x3  }
0x33: {  	p0 =	seq.s32 s10, $0x1;
	s10 =	sld [smem:$0x3FB5];
	_ =	sdelay $0x3  }
0x34: {  	[smem:$0x3FB5] =	sst s10  }
0x35: {  	s10 =	sld [smem:$0x3FB4];
	_ =	sdelay $0x3  }
0x36: {  	p1 =	seq.s32 s10, $0x1;
	s10 =	sld [smem:$0x3FB5];
	_ =	sdelay $0x3  }
0x37: {  	[smem:$0x3FB5] =	sst s10  }
0x38: {  	s10 =	sld [smem:$0x3FB6]  }
0x39: {  	_ = 	snop;
	(pc) =	sbr.ind lr, $3  }
0x3a: {  	_ = 	snop  }
0x3b: {  	_ = 	snop  }
0x3c: {  	p2 =	seq.s32 s10, $0x1;
	s10 =	sld [smem:$0x3FB5]  }
0x3d: {  	_ =	shalt  }
0x3e: {  	_ =	shalt  }
0x3f: {  	_ =	shalt  }
0x40: {  	_ =	shalt  }
0x41: {  	_ =	shalt  }
0x42: {  	_ =	shalt  }
0x43: {  	_ =	shalt  }
0x44: {  	_ =	shalt  }
0x45: {  	_ =	shalt  }
0x46: {  	_ =	shalt  }
0x47: {  	_ =	shalt  }
0x48: {  	_ =	shalt  }
0x49: {  	_ =	shalt  }
0x4a: {  	_ =	shalt  }
0x4b: {  	_ =	shalt  }
0x4c: {  	_ =	shalt  }
0x4d: {  	_ =	shalt  }
0x4e: {  	_ =	shalt  }
0x4f: {  	_ =	shalt  }
0x50: {  	_ =	shalt  }
0x51: {  	_ =	shalt  }
0x52: {  	_ =	shalt  }
0x53: {  	_ =	shalt  }
0x54: {  	_ =	shalt  }
0x55: {  	_ =	shalt  }
0x56: {  	_ =	shalt  }
0x57: {  	_ =	shalt  }
0x58: {  	_ =	shalt  }
0x59: {  	_ =	shalt  }
0x5a: {  	_ =	shalt  }
0x5b: {  	_ =	shalt  }
0x5c: {  	_ =	shalt  }
0x5d: {  	_ =	shalt  }
0x5e: {  	_ =	shalt  }
0x5f: {  	_ =	shalt  }
0x60: {  	_ =	shalt  }
0x61: {  	_ =	shalt  }
0x62: {  	_ =	shalt  }
0x63: {  	_ =	shalt  }
0x64: {  	_ =	shalt  }
0x65: {  	_ =	shalt  }
0x66: {  	_ =	shalt  }
0x67: {  	_ =	shalt  }
0x68: {  	_ =	shalt  }
0x69: {  	_ =	shalt  }
0x6a: {  	_ =	shalt  }
0x6b: {  	_ =	shalt  }
0x6c: {  	_ =	shalt  }
0x6d: {  	_ =	shalt  }
0x6e: {  	_ =	shalt  }
0x6f: {  	_ =	shalt  }
0x70: {  	_ =	shalt  }
0x71: {  	_ =	shalt  }
0x72: {  	_ =	shalt  }
0x73: {  	_ =	shalt  }
0x74: {  	_ =	shalt  }
0x75: {  	_ =	shalt  }
0x76: {  	_ =	shalt  }
0x77: {  	_ =	shalt  }
0x78: {  	_ =	shalt  }
0x79: {  	_ =	shalt  }
0x7a: {  	_ =	shalt  }
0x7b: {  	_ =	shalt  }
0x7c: {  	_ =	shalt  }
0x7d: {  	_ =	shalt  }
0x7e: {  	_ =	shalt  }
0x7f: {  	_ =	shalt  }
0x80: {  	_ =	shalt  }
0x81: {  	_ =	shalt  }
0x82: {  	_ =	shalt  }
0x83: {  	_ =	shalt  }
0x84: {  	_ =	shalt  }
0x85: {  	_ =	shalt  }
0x86: {  	_ =	shalt  }
0x87: {  	_ =	shalt  }
.Lfunc_end0:
.L_simem_size_0:
called_computation_lowered:
.L_overlay_start_0:
0x88: {  	s2 =	sld [smem:$0x3FD9]  }
0x89: {  	s3 =	sld [smem:$0x3FFE];
	_ =	sdelay $0x1  }
0x8a: {  	s1 =	srdreg.scid  }
0x8b: {  	s0 =	sand.u32 $0x1, s1  }
0x8c: {  	s17 =	sshll.u32 s0, $0xA;
	s2 =	sadd.s32 s3, s2  }
0x8d: {  	s2 =	sadd.s32 s2, s17  }
0x8e: {  	[smem:$0x3FC1] =	sst s2  }
0x8f: {  	_ = 	snop  }
0x90: {  	s2 =	sld [smem:$0x3FC8]  }
0x91: {  	s18 =	sld [smem:$0x3FC7]  }
0x92: {  	s4 =	sld [smem:$0x3FD0];
	(tm) =	ssettm $0x1  }
0x93: {  	s5 =	sld [smem:$0x3FFB];
	_ =	sdelay $0x3  }
0x94: {  	_ =	strace s5  }
0x95: {  	s5 =	sld [smem:$0x3FFC];
	_ =	sdelay $0x3  }
0x96: {  	_ =	strace s5  }
0x97: {  	s5 =	sld [smem:$0x3FFD];
	_ =	sdelay $0x3  }
0x98: {  	_ =	strace s5  }
0x99: {  	_ =	strace $0x8FFFFFFF  }
0x9a: {  	s19 =	sld [smem:$0x3FDB];
	_ =	sdelay $0x1  }
0x9b: {  	s6 =	simm.s32 $_scs_section_size  }
0x9c: {  	s7 =	simm.s32 $_size__tile_overlayer_lowered;
	s8 =	simm.s32 $_tile_overlayer_lowered  }
0x9d: {  	s22 =	simm.s32 $0x1BFF;
	s21 =	sshll.u32 s8, $0x1;
	s5 =	sadd.s32 s6, s19  }
0x9e: {  	s9 =	simm.s32 $0x0;
	s20 =	sshll.u32 s7, $0x1;
	s7 =	sadd.s32 s21, s5  }
0x9f: {  	[timem:s9], [sflag:s22] =	dma.local [hbm:s7], s20  }
0xa0: {  	_ =	swait.ge [sflag:s22], s20  }
0xa1: {  	s6 =	ssub.s32 $0x0, s20;
	[sflag:s22] =	ssyncset.done $0x0  }
0xa2: {  	[sflag:s22] =	ssyncadd.s32 s6;
	_ =	sdelay $0x1  }
0xa3: {  	s23 =	simm.s32 $0x1B8B  }
0xa4: {  	_ =	swait.ge [sflag:s23], $0x1  }
0xa5: {  	[sflag:s23] =	ssyncset.done $0x0  }
0xa6: {  	s25 =	simm.s32 $0x1B8E;
	s24 =	sld [smem:$0x3FFE];
	[sflag:s23] =	ssyncadd.s32 $0xFFFFFFFF  }
0xa7: {  	s26 =	simm.s32 $execute0_lowered;
	[smem:$0x3FD2] =	sst s25  }
0xa8: {  	s7 =	sshll.u32 s26, $0x1;
	_ =	strace $0x80000046;
	[dreg:$0x1] =	wrdreg $0xFFFFFFFF  }
0xa9: {  	s28 =	simm.s32 $_size_execute0_lowered;
	s5 =	sadd.s32 s5, s7;
	[dreg:$0x0] =	wrdreg $0x0  }
0xaa: {  	s7 =	sshll.u32 s28, $0x1;
	[dreg:$0x2] =	wrdreg s5  }
0xab: {  	[dreg:$0x3] =	wrdreg s7  }
0xac: {  	[dreg:$0x4] =	wrdreg $0xC0  }
0xad: {  	_ =	task [dreg:s9], $0x5FFFF  }
0xae: {  	[dreg:$0x1] =	wrdreg $0xFFFFFFFF  }
0xaf: {  	[dreg:$0x0] =	wrdreg $0x60  }
0xb0: {  	[dreg:$0x2] =	wrdreg s2  }
0xb1: {  	[dreg:$0x3] =	wrdreg s18  }
0xb2: {  	[dreg:$0x4] =	wrdreg s24  }
0xb3: {  	[dreg:$0x5] =	wrdreg s4  }
0xb4: {  	[dreg:$0x6] =	wrdreg $0xA0B00  }
0xb5: {  	[dreg:$0x7] =	wrdreg $0x1E0B00  }
0xb6: {  	[dreg:$0x8] =	wrdreg $0x9  }
0xb7: {  	_ =	task.clear_ibuf [dreg:s9], $0x9FFFF;
	_ =	strace $0x90000046  }
0xb8: {  	s29 =	simm.s32 $0x9;
	_ =	strace $0x80000048  }
0xb9: {  	_ =	swait.ge [sflag:s29], $0x1  }
0xba: {  	[sflag:s29] =	ssyncadd.s32 $0xFFFFFFFF  }
0xbb: {  	_ =	strace $0x90000048  }
0xbc: {  	_ =	sfence  }
0xbd: {  	s30 =	sld [smem:$0x0];
	_ =	sdelay $0x2  }
0xbe: {  	s31 =	sshll.u32 s1, $0xD;
	s1 =	sshrl.u32 s1, $0x2  }
0xbf: {  	s3 =	sand.u32 $0x4000, s31;
	s1 =	sadd.s32 s1, s30  }
0xc0: {  	s0 =	sor.u32 s3, s0;
	s1 =	sshll.u32 s1, $0x11  }
0xc1: {  	s0 =	sor.u32 s1, s0  }
0xc2: {  	s0 =	sadd.s32 $0x8F2B, s0  }
0xc3: {  	[sflag:s0] =	ssyncadd.remote.s32 $0x1  }
0xc4: {  	_ =	sfence.sel $0xFFFF  }
0xc5: {  	[dreg:$0x0] =	wrdreg $0xFFFFFFFF;
	(pc) =	sbr.abs _section_cstart, $3  }
0xc6: {  	[dreg:$0x1] =	wrdreg $0xFFFFFFFF  }
0xc7: {  	_ =	task.clear_ibuf [dreg:s9], $0x2FFFF;
	_ =	strace $0x9FFFFFFF  }
0xc8: {  	(tm) =	ssettm $0x7FFFFFFF  }
0xc9: {  	_ =	shalt  }
tec
execute0_lowered:
.L_overlay_start_1:
0x0: {  	(tag) =	ssettag $0x1  }
0x1: {  	s1 =	rddreg [dreg:$0x0]  }
0x2: {  	s2 =	rddreg [dreg:$0x1]  }
0x3: {  	s0 =	rddreg [dreg:$0x2]  }
0x4: {  	s3 =	rddreg [dreg:$0x3]  }
0x5: {  	s4 =	rddreg [dreg:$0x4]  }
0x6: {  	s5 =	rddreg [dreg:$0x5];
	s6 =	simm.s32 $0x0;
	s17 =	srdreg.scid  }
0x7: {  	s18 =	stileid.u32;
	s28 =	simm.s32 $0x2;
	s29 =	simm.s32 $0x140  }
0x8: {  	s30 =	simm.s32 $0x190;
	s31 =	simm.s32 $0x230;
	[smem:$0x7FF] =	sst s6  }
0x9: {  	s7 =	sadd.s32 $0xC00, s0;
	s16 =	sadd.s32 $0x1200, s0;
	s8 =	sadd.s32 $0xA00, s0  }
0xa: {  	s10 =	smul.u32 $0x280, s18;
	_ =	strace $0x80000047;
	[dreg:$0x7] =	wrdreg s7  }
0xb: {  	s12 =	sshll.u32 s18, $0x1;
	s13 =	smul.u32 $0x14000, s18;
	[dreg:$0x8] =	wrdreg s16  }
0xc: {  	p0 =	seq.s32 s18, $0xF;
	s18 =	simm.s32 $0x2990;
	[dreg:$0x9] =	wrdreg s8  }
0xd: {  	s7 =	sand.u32 $0x1, s17;
	s8 =	sadd.s32 $0x2200, s0;
	s0 =	sadd.s32 $0x1800, s0  }
0xe: {  	s9 =	ssub.s32 $0x2, s7;
	s25 =	sadd.s32 s13, s4;
	s19 =	sor.u32 $0x50, s10  }
0xf: {  	s14 =	sadd.s32 $0xA0, s10;
	s17 =	smul.u32 $0x138800, s7;
	s23 =	sadd.s32 $0xF0, s10  }
0x10: {  	s11 =	sshrl.u32 s9, $0x1;
	s15 =	sshll.u32 s19, $0x7;
	s16 =	sshll.u32 s14, $0x7  }
0x11: {  	s21 =	sadd.s32 s14, s5;
	[dreg:$0xa] =	wrdreg s25;
	s11 =	ssub.s32 s9, s11  }
0x12: {  	s9 =	sor.u32 s7, s12;
	s15 =	sadd.s32 s15, s4;
	s12 =	sadd.s32 s19, s5  }
0x13: {  	s20 =	sadd.s32 s16, s4;
	[dreg:$0xe] =	wrdreg s21;
	s22 =	sadd.s32 s13, s17  }
0x14: {  	s7 =	smul.u32 $0x2780, s7;
	s24 =	sshrl.u32 s17, $0x3;
	[dreg:$0xb] =	wrdreg s15  }
0x15: {  	s16 =	sadd.s32 $0x140, s10;
	s17 =	sadd.s32 s23, s5;
	[dreg:$0xc] =	wrdreg s12  }
0x16: {  	s21 =	sadd.s32 $0x1E0, s10;
	[dreg:$0xd] =	wrdreg s20;
	s12 =	sshrl.u32 s22, $0x3  }
0x17: {  	s14 =	sadd.s32 s8, s24;
	s15 =	sshll.u32 s23, $0x7;
	[dreg:$0x12] =	wrdreg s17  }
0x18: {  	s19 =	sshll.u32 s16, $0x7;
	s20 =	sadd.s32 $0x190, s10;
	s23 =	sshll.u32 s21, $0x7  }
0x19: {  	s13 =	smul.u32 $0x2710, s9;
	s12 =	sadd.s32 s8, s12;
	s26 =	sadd.s32 s10, s7  }
0x1a: {  	s7 =	sshrl.u32 s7, $0x3;
	s8 =	sadd.s32 s15, s4;
	[dreg:$0xf] =	wrdreg s12  }
0x1b: {  	s22 =	sshll.u32 s20, $0x7;
	s24 =	sadd.s32 s20, s5;
	[dreg:$0x11] =	wrdreg s8  }
0x1c: {  	s15 =	sadd.s32 s10, s5;
	s12 =	sshrl.u32 s26, $0x3;
	[dreg:$0x16] =	wrdreg s24  }
0x1d: {  	s8 =	sadd.s32 s19, s4;
	s26 =	sadd.s32 s23, s4;
	[dreg:$0x18] =	wrdreg s15  }
0x1e: {  	s19 =	smul.u32 $0x4E2, s9;
	s20 =	sshrl.u32 s13, $0x3;
	[dreg:$0x13] =	wrdreg s8  }
0x1f: {  	s9 =	smul.u32 $0x7D, s9;
	s24 =	sadd.s32 $0x25800, s14;
	[dreg:$0x17] =	wrdreg s26  }
0x20: {  	s12 =	sadd.s32 s0, s12;
	s0 =	sadd.s32 s0, s7;
	[smem:$0x7F9] =	sst s24  }
0x21: {  	s7 =	sadd.s32 s16, s5;
	s8 =	sadd.s32 $0x230, s10;
	[dreg:$0x10] =	wrdreg s12  }
0x22: {  	s16 =	sadd.s32 s21, s5;
	s26 =	smax.u32 s11, $0x1;
	[dreg:$0x14] =	wrdreg s7  }
0x23: {  	s24 =	simm.s32 $0xF0;
	s7 =	sadd.s32 s22, s4;
	[dreg:$0x19] =	wrdreg s16  }
0x24: {  	s17 =	sshll.u32 s8, $0x7;
	s21 =	sadd.s32 s1, s19;
	s22 =	sadd.s32 s2, s19  }
0x25: {  	s0 =	sadd.s32 $0x4B0, s0;
	[smem:$0x7FB] =	sst s26;
	s16 =	simm.s32 $0x280  }
0x26: {  	s19 =	simm.s32 $0x78B0;
	s26 =	simm.s32 $0x1;
	[dreg:$0x15] =	wrdreg s7  }
0x27: {  	s10 =	sadd.s32 s17, s4;
	s7 =	sadd.s32 s8, s5;
	[dreg:$0x1c] =	wrdreg s21  }
0x28: {  	[dreg:$0x1d] =	wrdreg s22;
	s8 =	sadd.s32 $0x2, s9;
	s9 =	sadd.s32 $0x3, s9  }
0x29: {  	[smem:$0x7FA] =	sst s0;
	s0 =	sadd.s32 $0x12C000, s4;
	s17 =	simm.s32 $0x4  }
0x2a: {  	s21 =	simm.s32 $0xA0;
	s22 =	simm.s32 $0x50;
	[dreg:$0x1a] =	wrdreg s10  }
0x2b: {  	[dreg:$0x1b] =	wrdreg s7;
	s7 =	sadd.s32 $0xA, s20;
	s0 =	sshrl.u32 @p0 s0, $0x3  }
0x2c: {  	s20 =	simm.s32 $0x1E0;
	s23 =	sadd.s32 s1, s7;
	[smem:$0x7FC] =	sst s0  }
0x2d: {  	s7 =	sadd.s32 s2, s7;
	s0 =	sadd.s32 $0x2580, s5;
	[dreg:$0x1e] =	wrdreg s23  }
0x2e: {  	[dreg:$0x1f] =	wrdreg s7;
	s0 =	sshrl.u32 @p0 s0, $0x3;
	s23 =	simm.s32 $0x50B0  }
0x2f: {  	s7 =	simm.s32 $0x0;
	[smem:$0x7FD] =	sst s0;
	s0 =	simm.s32 $0x3  }
.LBB2_1:
0x30: {  	s10 =	rddreg [dreg:$0x7]  }
0x31: {  	[tilespmem:s16], [sflag:$0x4] =	stream.linear.gather [hbm4b:s10+s6], $0x2710, $0x38;
	[tilespmem:$0x1E330] =	vst v63  }
0x32: {  	_ =	swait.ge [sflag:s17], $0x2710  }
0x33: {  	[sflag:s17] =	ssyncset.done $0x0  }
0x34: {  	s13 =	rddreg [dreg:$0x8];
	[sflag:s17] =	ssyncadd.s32 $0xFFFFD8F0  }
0x35: {  	[tilespmem:s18], [sflag:$0x4] =	stream.linear.gather [hbm4b:s13+s6], $0x2710, $0x38;
	[tilespmem:$0x1E330] =	vst v63  }
0x36: {  	_ =	swait.ge [sflag:s17], $0x2710  }
0x37: {  	[sflag:s17] =	ssyncset.done $0x0  }
0x38: {  	s11 =	simm.s32 $0x50A0;
	s14 =	rddreg [dreg:$0x9];
	[sflag:s17] =	ssyncadd.s32 $0xFFFFD8F0  }
0x39: {  	[tilespmem:s11], [sflag:$0x4] =	stream.linear.gather [hbm4b:s14+s6], $0x10, $0x38;
	[tilespmem:$0x1E330] =	vst v63  }
0x3a: {  	_ =	swait.ge [sflag:s17], $0x10  }
0x3b: {  	[sflag:s17] =	ssyncset.done $0x0  }
0x3c: {  	[sflag:s17] =	ssyncadd.s32 $0xFFFFFFF0  }
0x3d: {  	v0 =	vld [tilespmem:$0x50A0];
	_ =	sdelay $0x4  }
0x3e: {  	v1 =	vmul.f32 $0.0e+00, v0  }
0x3f: {  	s10 =	simm.s32 $0x0;
	s11 =	simm.s32 $0x200  }
.LBB2_2:
0x40: {  	p1 =	sne.s32 s11, $0x9E00;
	[tilespmem:s10+$0x7920] =	vst v1  }
0x41: {  	[tilespmem:s10+$0x78B0] =	vst v1  }
0x42: {  	[tilespmem:s10+$0x78C0] =	vst v1  }
.Ltmp0:
0x43: {  	[tilespmem:s10+$0x78D0] =	vst v1;
	(pc) =	sbr.rel @p1 .LBB2_2-.Ltmp0, $4  }
0x44: {  	[tilespmem:s10+$0x78E0] =	vst v1  }
0x45: {  	[tilespmem:s10+$0x78F0] =	vst v1  }
0x46: {  	[tilespmem:s10+$0x7900] =	vst v1  }
0x47: {  	[tilespmem:s10+$0x7910] =	vst v1;
	s10 =	sshra.s32 s11, $0x2;
	s11 =	sadd.s32 $0x200, s11  }
0x48: {  	[tilespmem:s10+$0x7920] =	vst v1  }
0x49: {  	[tilespmem:s10+$0x78B0] =	vst v1  }
0x4a: {  	[tilespmem:s10+$0x78C0] =	vst v1  }
0x4b: {  	[tilespmem:s10+$0x78D0] =	vst v1  }
0x4c: {  	[tilespmem:s10+$0x78E0] =	vst v1  }
0x4d: {  	[tilespmem:s10+$0x78F0] =	vst v1  }
0x4e: {  	[tilespmem:s10+$0x7900] =	vst v1  }
0x4f: {  	[tilespmem:s10+$0x7910] =	vst v1  }
0x50: {  	[tilespmem:$0x1E0] =	vst v1  }
0x51: {  	[tilespmem:$0x1F0] =	vst v1  }
0x52: {  	[tilespmem:$0x200] =	vst v1  }
0x53: {  	[tilespmem:$0x210] =	vst v1  }
0x54: {  	[tilespmem:$0x220] =	vst v1  }
0x55: {  	[spmem:s25] =	stream.linear.scatter [tilespmem:s19], [sflag:$0x4], $0x2800, $0x38;
	[tilespmem:$0x1E330] =	vst v63  }
0x56: {  	_ =	swait.ge [sflag:s17], $0x2800  }
0x57: {  	[sflag:s17] =	ssyncset.done $0x0  }
0x58: {  	[sflag:s17] =	ssyncadd.s32 $0xFFFFD800  }
0x59: {  	[spmem:s15] =	stream.linear.scatter [tilespmem:s20], [sflag:$0x4], $0x50, $0x38;
	[tilespmem:$0x1E330] =	vst v63  }
0x5a: {  	_ =	swait.ge [sflag:s17], $0x50  }
0x5b: {  	[sflag:s17] =	ssyncset.done $0x0  }
0x5c: {  	s12 =	rddreg [dreg:$0xb];
	[sflag:s17] =	ssyncadd.s32 $0xFFFFFFB0  }
0x5d: {  	[spmem:s12] =	stream.linear.scatter [tilespmem:s19], [sflag:$0x4], $0x2800, $0x38;
	[tilespmem:$0x1E330] =	vst v63  }
0x5e: {  	_ =	swait.ge [sflag:s17], $0x2800  }
0x5f: {  	[sflag:s17] =	ssyncset.done $0x0  }
0x60: {  	s13 =	rddreg [dreg:$0xc];
	[sflag:s17] =	ssyncadd.s32 $0xFFFFD800  }
0x61: {  	[spmem:s13] =	stream.linear.scatter [tilespmem:s20], [sflag:$0x4], $0x50, $0x38;
	[tilespmem:$0x1E330] =	vst v63  }
0x62: {  	_ =	swait.ge [sflag:s17], $0x50  }
0x63: {  	[sflag:s17] =	ssyncset.done $0x0  }
0x64: {  	s14 =	rddreg [dreg:$0xd];
	[sflag:s17] =	ssyncadd.s32 $0xFFFFFFB0  }
0x65: {  	[spmem:s14] =	stream.linear.scatter [tilespmem:s19], [sflag:$0x4], $0x2800, $0x38;
	[tilespmem:$0x1E330] =	vst v63  }
0x66: {  	_ =	swait.ge [sflag:s17], $0x2800  }
0x67: {  	[sflag:s17] =	ssyncset.done $0x0  }
0x68: {  	s15 =	rddreg [dreg:$0xe];
	[sflag:s17] =	ssyncadd.s32 $0xFFFFD800  }
0x69: {  	[spmem:s15] =	stream.linear.scatter [tilespmem:s20], [sflag:$0x4], $0x50, $0x38;
	[tilespmem:$0x1E330] =	vst v63  }
0x6a: {  	_ =	swait.ge [sflag:s17], $0x50  }
0x6b: {  	[sflag:s17] =	ssyncset.done $0x0  }
0x6c: {  	s25 =	rddreg [dreg:$0x11];
	[sflag:s17] =	ssyncadd.s32 $0xFFFFFFB0  }
0x6d: {  	[spmem:s25] =	stream.linear.scatter [tilespmem:s19], [sflag:$0x4], $0x2800, $0x38;
	[tilespmem:$0x1E330] =	vst v63  }
0x6e: {  	_ =	swait.ge [sflag:s17], $0x2800  }
0x6f: {  	[sflag:s17] =	ssyncset.done $0x0  }
0x70: {  	s11 =	rddreg [dreg:$0x12];
	[sflag:s17] =	ssyncadd.s32 $0xFFFFD800  }
0x71: {  	[spmem:s11] =	stream.linear.scatter [tilespmem:s20], [sflag:$0x4], $0x50, $0x38;
	[tilespmem:$0x1E330] =	vst v63  }
0x72: {  	_ =	swait.ge [sflag:s17], $0x50  }
0x73: {  	[sflag:s17] =	ssyncset.done $0x0  }
0x74: {  	s12 =	rddreg [dreg:$0x13];
	[sflag:s17] =	ssyncadd.s32 $0xFFFFFFB0  }
0x75: {  	[spmem:s12] =	stream.linear.scatter [tilespmem:s19], [sflag:$0x4], $0x2800, $0x38;
	[tilespmem:$0x1E330] =	vst v63  }
0x76: {  	_ =	swait.ge [sflag:s17], $0x2800  }
0x77: {  	[sflag:s17] =	ssyncset.done $0x0  }
0x78: {  	s13 =	rddreg [dreg:$0x14];
	[sflag:s17] =	ssyncadd.s32 $0xFFFFD800  }
0x79: {  	[spmem:s13] =	stream.linear.scatter [tilespmem:s20], [sflag:$0x4], $0x50, $0x38;
	[tilespmem:$0x1E330] =	vst v63  }
0x7a: {  	_ =	swait.ge [sflag:s17], $0x50  }
0x7b: {  	[sflag:s17] =	ssyncset.done $0x0  }
0x7c: {  	s14 =	rddreg [dreg:$0x15];
	[sflag:s17] =	ssyncadd.s32 $0xFFFFFFB0  }
0x7d: {  	[spmem:s14] =	stream.linear.scatter [tilespmem:s19], [sflag:$0x4], $0x2800, $0x38;
	[tilespmem:$0x1E330] =	vst v63  }
0x7e: {  	_ =	swait.ge [sflag:s17], $0x2800  }
0x7f: {  	[sflag:s17] =	ssyncset.done $0x0  }
0x80: {  	s15 =	rddreg [dreg:$0x16];
	[sflag:s17] =	ssyncadd.s32 $0xFFFFD800  }
0x81: {  	[spmem:s15] =	stream.linear.scatter [tilespmem:s20], [sflag:$0x4], $0x50, $0x38;
	[tilespmem:$0x1E330] =	vst v63  }
0x82: {  	_ =	swait.ge [sflag:s17], $0x50  }
0x83: {  	[sflag:s17] =	ssyncset.done $0x0  }
0x84: {  	s25 =	rddreg [dreg:$0x17];
	[sflag:s17] =	ssyncadd.s32 $0xFFFFFFB0  }
0x85: {  	[spmem:s25] =	stream.linear.scatter [tilespmem:s19], [sflag:$0x4], $0x2800, $0x38;
	[tilespmem:$0x1E330] =	vst v63  }
0x86: {  	_ =	swait.ge [sflag:s17], $0x2800  }
0x87: {  	[sflag:s17] =	ssyncset.done $0x0  }
0x88: {  	s11 =	rddreg [dreg:$0x19];
	[sflag:s17] =	ssyncadd.s32 $0xFFFFD800  }
0x89: {  	[spmem:s11] =	stream.linear.scatter [tilespmem:s20], [sflag:$0x4], $0x50, $0x38;
	[tilespmem:$0x1E330] =	vst v63  }
0x8a: {  	_ =	swait.ge [sflag:s17], $0x50  }
0x8b: {  	[sflag:s17] =	ssyncset.done $0x0  }
0x8c: {  	s12 =	rddreg [dreg:$0x1a];
	[sflag:s17] =	ssyncadd.s32 $0xFFFFFFB0  }
0x8d: {  	[spmem:s12] =	stream.linear.scatter [tilespmem:s19], [sflag:$0x4], $0x2800, $0x38;
	[tilespmem:$0x1E330] =	vst v63  }
0x8e: {  	_ =	swait.ge [sflag:s17], $0x2800  }
0x8f: {  	[sflag:s17] =	ssyncset.done $0x0  }
0x90: {  	s13 =	rddreg [dreg:$0x1b];
	[sflag:s17] =	ssyncadd.s32 $0xFFFFD800  }
0x91: {  	[spmem:s13] =	stream.linear.scatter [tilespmem:s20], [sflag:$0x4], $0x50, $0x38;
	[tilespmem:$0x1E330] =	vst v63  }
0x92: {  	_ =	swait.ge [sflag:s17], $0x50  }
0x93: {  	[sflag:s17] =	ssyncset.done $0x0  }
0x94: {  	[sflag:s17] =	ssyncadd.s32 $0xFFFFFFB0  }
0x95: {  	[bflag:$0x0] =	sbarrier.arrive $0xFFFF  }
0x96: {  	s10 =	simm.s32 $0x0;
	s11 =	rddreg [dreg:$0x1c]  }
0x97: {  	[tilespmem:s10], [sflag:$0x4] =	stream.linear.gather [hbm4b:s11+s10], $0x50, $0x38;
	[tilespmem:$0x1E330] =	vst v63  }
0x98: {  	_ =	swait.ge [sflag:s17], $0x50  }
0x99: {  	[sflag:s17] =	ssyncset.done $0x0  }
0x9a: {  	s14 =	rddreg [dreg:$0x1d];
	[sflag:s17] =	ssyncadd.s32 $0xFFFFFFB0  }
0x9b: {  	[tilespmem:s21], [sflag:$0x4] =	stream.linear.gather [hbm4b:s14+s10], $0x50, $0x38;
	[tilespmem:$0x1E330] =	vst v63  }
0x9c: {  	_ =	swait.ge [sflag:s17], $0x50  }
0x9d: {  	[sflag:s17] =	ssyncset.done $0x0  }
0x9e: {  	[sflag:s17] =	ssyncadd.s32 $0xFFFFFFB0  }
0x9f: {  	v1 =	vld [tilespmem:$0x0]  }
0xa0: {  	v2 =	vld [tilespmem:$0xA0];
	_ =	sdelay $0x6  }
0xa1: {  	v1 =	vld.idx.msk [tilespmem:v1+s16+$0x0], $0xffff  }
0xa2: {  	v2 =	vld.idx.msk [tilespmem:v2+s18+$0x0], $0xffff;
	_ =	sdelay $0x4  }
0xa3: {  	v1 =	vadd.f32 v2, v1;
	_ =	sdelay $0x1  }
0xa4: {  	v2 =	vmul.f32 $2.000000030e-01, v1;
	_ =	sdelay $0x1  }
0xa5: {  	v1 =	vmax.f32 v1, v2  }
0xa6: {  	v1 =	vsub.f32 v1, v0;
	_ =	sdelay $0x1  }
0xa7: {  	v1 =	vmul.f32 $1.442695020e+00, v1;
	_ =	sdelay $0x1  }
0xa8: {  	(erf) = vpow2.f32 v1;
	_ =	sdelay $0x2  }
0xa9: {  	v1 =	vld [tilespmem:$0x10]  }
0xaa: {  	v2 =	vld [tilespmem:$0xB0];
	_ =	sdelay $0x4  }
0xab: {  	v3 =	vpop (erf)  }
0xac: {  	[tilespmem:$0x1E0] =	vst v3  }
0xad: {  	v1 =	vld.idx.msk [tilespmem:v1+s16+$0x0], $0xffff  }
0xae: {  	v2 =	vld.idx.msk [tilespmem:v2+s18+$0x0], $0xffff;
	_ =	sdelay $0x4  }
0xaf: {  	v1 =	vadd.f32 v2, v1;
	_ =	sdelay $0x1  }
0xb0: {  	v2 =	vmul.f32 $2.000000030e-01, v1;
	_ =	sdelay $0x1  }
0xb1: {  	v1 =	vmax.f32 v1, v2  }
0xb2: {  	v1 =	vsub.f32 v1, v0;
	_ =	sdelay $0x1  }
0xb3: {  	v1 =	vmul.f32 $1.442695020e+00, v1;
	_ =	sdelay $0x1  }
0xb4: {  	(erf) = vpow2.f32 v1;
	_ =	sdelay $0x2  }
0xb5: {  	v1 =	vld [tilespmem:$0x20]  }
0xb6: {  	v2 =	vld [tilespmem:$0xC0];
	_ =	sdelay $0x4  }
0xb7: {  	v3 =	vpop (erf)  }
0xb8: {  	[tilespmem:$0x1F0] =	vst v3  }
0xb9: {  	v1 =	vld.idx.msk [tilespmem:v1+s16+$0x0], $0xffff  }
0xba: {  	v2 =	vld.idx.msk [tilespmem:v2+s18+$0x0], $0xffff;
	_ =	sdelay $0x4  }
0xbb: {  	v1 =	vadd.f32 v2, v1;
	_ =	sdelay $0x1  }
0xbc: {  	v2 =	vmul.f32 $2.000000030e-01, v1;
	_ =	sdelay $0x1  }
0xbd: {  	v1 =	vmax.f32 v1, v2  }
0xbe: {  	v1 =	vsub.f32 v1, v0;
	_ =	sdelay $0x1  }
0xbf: {  	v1 =	vmul.f32 $1.442695020e+00, v1;
	_ =	sdelay $0x1  }
0xc0: {  	(erf) = vpow2.f32 v1;
	_ =	sdelay $0x2  }
0xc1: {  	v1 =	vld [tilespmem:$0x30]  }
0xc2: {  	v2 =	vld [tilespmem:$0xD0];
	_ =	sdelay $0x4  }
0xc3: {  	v3 =	vpop (erf)  }
0xc4: {  	[tilespmem:$0x200] =	vst v3  }
0xc5: {  	v1 =	vld.idx.msk [tilespmem:v1+s16+$0x0], $0xffff  }
0xc6: {  	v2 =	vld.idx.msk [tilespmem:v2+s18+$0x0], $0xffff;
	_ =	sdelay $0x4  }
0xc7: {  	v1 =	vadd.f32 v2, v1;
	_ =	sdelay $0x1  }
0xc8: {  	v2 =	vmul.f32 $2.000000030e-01, v1;
	_ =	sdelay $0x1  }
0xc9: {  	v1 =	vmax.f32 v1, v2  }
0xca: {  	v1 =	vsub.f32 v1, v0;
	_ =	sdelay $0x1  }
0xcb: {  	v1 =	vmul.f32 $1.442695020e+00, v1;
	_ =	sdelay $0x1  }
0xcc: {  	(erf) = vpow2.f32 v1;
	_ =	sdelay $0x2  }
0xcd: {  	v1 =	vld [tilespmem:$0x40]  }
0xce: {  	v2 =	vld [tilespmem:$0xE0];
	_ =	sdelay $0x4  }
0xcf: {  	v3 =	vpop (erf)  }
0xd0: {  	[tilespmem:$0x210] =	vst v3  }
0xd1: {  	v1 =	vld.idx.msk [tilespmem:v1+s16+$0x0], $0xffff  }
0xd2: {  	v2 =	vld.idx.msk [tilespmem:v2+s18+$0x0], $0xffff;
	_ =	sdelay $0x4  }
0xd3: {  	v1 =	vadd.f32 v2, v1;
	_ =	sdelay $0x1  }
0xd4: {  	v2 =	vmul.f32 $2.000000030e-01, v1;
	_ =	sdelay $0x1  }
0xd5: {  	v1 =	vmax.f32 v1, v2  }
0xd6: {  	v1 =	vsub.f32 v1, v0;
	_ =	sdelay $0x1  }
0xd7: {  	v1 =	vmul.f32 $1.442695020e+00, v1;
	_ =	sdelay $0x1  }
0xd8: {  	(erf) = vpow2.f32 v1;
	_ =	sdelay $0x8  }
0xd9: {  	v1 =	vpop (erf)  }
0xda: {  	[tilespmem:$0x220] =	vst v1  }
0xdb: {  	[tilespmem:s23], [sflag:$0x2] =	stream.indirect.gather [hbm4b:s3+s22], $0x80, s21, s22, $0xb8;
	[tilespmem:$0x1E330] =	vst v63  }
0xdc: {  	s15 =	rddreg [dreg:$0x1e]  }
0xdd: {  	[tilespmem:s22], [sflag:$0x1] =	stream.linear.gather [hbm4b:s15+s10], $0x50, $0x38;
	[tilespmem:$0x1E330] =	vst v63  }
0xde: {  	s25 =	rddreg [dreg:$0x1f]  }
0xdf: {  	[tilespmem:s24], [sflag:$0x1] =	stream.linear.gather [hbm4b:s25+s10], $0x50, $0x38;
	[tilespmem:$0x1E330] =	vst v63  }
.LBB2_4:
0xe0: {  	p1 =	seq.s32 s10, $0x0  }
0xe1: {  	s11 =	simm.s32 @!p1 $0x3  }
0xe2: {  	_ =	swait.ge @!p1 [sflag:s11], $0x2800  }
0xe3: {  	[sflag:s11] =	ssyncset.done @!p1 $0x0  }
0xe4: {  	[sflag:s11] =	ssyncadd.s32 @!p1 $0xFFFFD800  }
0xe5: {  	_ =	swait.ge @!p1 [sflag:s11], $0x50  }
0xe6: {  	[sflag:s11] =	ssyncset.done @!p1 $0x0  }
0xe7: {  	[sflag:s11] =	ssyncadd.s32 @!p1 $0xFFFFFFB0  }
0xe8: {  	_ =	swait.ge [sflag:s26], $0x50  }
0xe9: {  	[sflag:s26] =	ssyncset.done $0x0  }
0xea: {  	[sflag:s26] =	ssyncadd.s32 $0xFFFFFFB0  }
0xeb: {  	_ =	swait.ge [sflag:s26], $0x50  }
0xec: {  	[sflag:s26] =	ssyncset.done $0x0  }
0xed: {  	[sflag:s26] =	ssyncadd.s32 $0xFFFFFFB0  }
0xee: {  	[tilespmem:s19], [sflag:$0x2] =	stream.indirect.gather [hbm4b:s3+s22], $0x80, s24, s22, $0xb8;
	[tilespmem:$0x1E330] =	vst v63  }
0xef: {  	_ =	swait.ge [sflag:s28], $0x2800  }
0xf0: {  	[sflag:s28] =	ssyncset.done $0x0  }
0xf1: {  	[sflag:s28] =	ssyncadd.s32 $0xFFFFD800  }
0xf2: {  	v1 =	vld [tilespmem:$0x0];
	_ =	sdelay $0x1  }
0xf3: {  	v2 =	vld [tilespmem:$0x10]  }
0xf4: {  	s14 =	simm.s32 $0x0;
	v3 =	vld [tilespmem:$0x20]  }
0xf5: {  	v6 =	vmov s14;
	v4 =	vld [tilespmem:$0x30]  }
0xf6: {  	v5 =	vld [tilespmem:$0x40];
	[tilespmem:$0x140] =	vst v1;
	v1 =	vand.u32 $0xFFFFFFFC, v6  }
0xf7: {  	v1 =	vbroadcast v1, $0x0  }
0xf8: {  	[tilespmem:$0x150] =	vst v2  }
0xf9: {  	[tilespmem:$0x160] =	vst v3  }
0xfa: {  	[tilespmem:$0x170] =	vst v4  }
0xfb: {  	s13 =	simm.s32 $0x51B0;
	[tilespmem:$0x180] =	vst v5  }
0xfc: {  	v3 =	vld [tilespmem:s13+$0xFFFFFF70]  }
0xfd: {  	v1 =	vld.idx.msk [tilespmem:v1+s20+$0x0], $0xffff  }
0xfe: {  	v4 =	vld [tilespmem:s13+$0xFFFFFF00]  }
0xff: {  	v5 =	vld [tilespmem:s13+$0xFFFFFF20]  }
0x100: {  	v6 =	vld [tilespmem:s13+$0xFFFFFF30]  }
0x101: {  	v2 =	vld [tilespmem:s13+$0xFFFFFF50]  }
0x102: {  	v8 =	vld [tilespmem:s13+$0xFFFFFF10];
	v3 =	vmul.f32 v3, v1  }
0x103: {  	s15 =	simm.s32 $0x1;
	v7 =	vld [tilespmem:s13+$0xFFFFFF60];
	v4 =	vmul.f32 v4, v1  }
0x104: {  	v9 =	vld [tilespmem:s13+$0xFFFFFF40];
	v5 =	vmul.f32 v5, v1;
	[tilespmem:s13+$0xFFFFFF70] =	vst v3;
	v3 =	vmov s15  }
0x105: {  	v6 =	vmul.f32 v6, v1;
	[tilespmem:s13+$0xFFFFFF00] =	vst v4;
	v3 =	vand.u32 $0xFFFFFFFD, v3  }
0x106: {  	v2 =	vmul.f32 v2, v1;
	[tilespmem:s13+$0xFFFFFF20] =	vst v5;
	v3 =	vbroadcast v3, $0x0  }
0x107: {  	v4 =	vmul.f32 v8, v1;
	[tilespmem:s13+$0xFFFFFF30] =	vst v6  }
0x108: {  	v5 =	vmul.f32 v7, v1;
	[tilespmem:s13+$0xFFFFFF50] =	vst v2  }
0x109: {  	v1 =	vmul.f32 v9, v1;
	[tilespmem:s13+$0xFFFFFF10] =	vst v4  }
0x10a: {  	[tilespmem:s13+$0xFFFFFF60] =	vst v5  }
0x10b: {  	[tilespmem:s13+$0xFFFFFF40] =	vst v1;
	v1 =	vld [tilespmem:s13+$0xFFFFFF80]  }
0x10c: {  	v3 =	vld.idx.msk [tilespmem:v3+s20+$0x0], $0xffff  }
0x10d: {  	v2 =	vld [tilespmem:s13+$0xFFFFFFA0]  }
0x10e: {  	v4 =	vld [tilespmem:s13+$0xFFFFFF90]  }
0x10f: {  	v5 =	vld [tilespmem:s13+$0xFFFFFFD0]  }
0x110: {  	v6 =	vld [tilespmem:s13+$0xFFFFFFE0]  }
0x111: {  	v7 =	vld [tilespmem:s13+$0xFFFFFFF0];
	v1 =	vmul.f32 v1, v3  }
0x112: {  	s25 =	simm.s32 $0x2;
	v8 =	vld [tilespmem:s13+$0xFFFFFFB0];
	v2 =	vmul.f32 v2, v3  }
0x113: {  	v63 =	vld [tilespmem:s13+$0xFFFFFFC0];
	v4 =	vmul.f32 v4, v3;
	[tilespmem:s13+$0xFFFFFF80] =	vst v1;
	v1 =	vmov s25  }
0x114: {  	v5 =	vmul.f32 v5, v3;
	[tilespmem:s13+$0xFFFFFFA0] =	vst v2;
	v1 =	vand.u32 $0xFFFFFFFE, v1  }
0x115: {  	v2 =	vmul.f32 v6, v3;
	[tilespmem:s13+$0xFFFFFF90] =	vst v4;
	v6 =	vld [tilespmem:s13+$0x0];
	v10 =	vbroadcast v1, $0x0  }
0x116: {  	v4 =	vmul.f32 v7, v3;
	[tilespmem:s13+$0xFFFFFFD0] =	vst v5;
	v7 =	vld [tilespmem:s13+$0x30]  }
0x117: {  	v5 =	vmul.f32 v8, v3;
	v1 =	vld [tilespmem:s13+$0x40];
	[tilespmem:s13+$0xFFFFFFE0] =	vst v2  }
0x118: {  	v3 =	vmul.f32 v63, v3;
	v2 =	vld [tilespmem:s13+$0x70];
	[tilespmem:s13+$0xFFFFFFF0] =	vst v4  }
0x119: {  	[tilespmem:s13+$0xFFFFFFB0] =	vst v5;
	v4 =	vld [tilespmem:s13+$0x20]  }
0x11a: {  	s12 =	sshll.u32 s10, $0x1;
	[tilespmem:s13+$0xFFFFFFC0] =	vst v3;
	v5 =	vld [tilespmem:s13+$0x10]  }
0x11b: {  	s14 =	simm.s32 $0x3;
	s11 =	simm.s32 $0x51B0;
	s15 =	simm.s32 $0x7;
	v3 =	vld.idx.msk [tilespmem:v10+s20+$0x0], $0xffff  }
.LBB2_5:
0x11c: {  	p1 =	sne.s32 s15, $0x4F  }
0x11d: {  	v8 =	vld [tilespmem:s13+$0x50];
	s11 =	sadd.s32 $0x200, s11;
	s25 =	smov.u32 s15;
	s15 =	sadd.s32 $0x4, s15  }
0x11e: {  	v9 =	vld [tilespmem:s13+$0x60];
	_ =	sdelay $0x1  }
0x11f: {  	v6 =	vmul.f32 v6, v3;
	v5 =	vmul.f32 v5, v3  }
0x120: {  	v4 =	vmul.f32 v4, v3;
	v7 =	vmul.f32 v7, v3  }
0x121: {  	v1 =	vmul.f32 v1, v3;
	v2 =	vmul.f32 v2, v3;
	[tilespmem:s13+$0x0] =	vst v6  }
0x122: {  	[tilespmem:s13+$0x20] =	vst v4;
	v4 =	vmul.f32 v8, v3;
	v3 =	vmul.f32 v9, v3  }
0x123: {  	[tilespmem:s13+$0x30] =	vst v7;
	v6 =	vld [tilespmem:s13+$0x80]  }
0x124: {  	[tilespmem:s13+$0x60] =	vst v3;
	v3 =	vmov s14;
	v7 =	vld [tilespmem:s13+$0xD0];
	s14 =	smov.u32 s25  }
0x125: {  	[tilespmem:s13+$0x50] =	vst v4;
	v4 =	vld [tilespmem:s13+$0xE0]  }
0x126: {  	[tilespmem:s13+$0x40] =	vst v1;
	v8 =	vld [tilespmem:s13+$0xB0]  }
0x127: {  	v1 =	vld [tilespmem:s11+$0x40];
	[tilespmem:s13+$0x70] =	vst v2  }
0x128: {  	v2 =	vld [tilespmem:s11+$0x70];
	[tilespmem:s13+$0x10] =	vst v5  }
0x129: {  	v3 =	vld.idx.msk [tilespmem:v3+s20+$0x0], $0xffff  }
0x12a: {  	v5 =	vld [tilespmem:s13+$0x90]  }
0x12b: {  	v9 =	vld [tilespmem:s13+$0xA0]  }
0x12c: {  	v10 =	vld [tilespmem:s13+$0xC0]  }
0x12d: {  	v11 =	vld [tilespmem:s13+$0xF0];
	_ =	sdelay $0x1  }
0x12e: {  	v6 =	vmul.f32 v6, v3;
	v5 =	vmul.f32 v5, v3  }
0x12f: {  	s25 =	sadd.s32 $0xFFFFFFFD, s14;
	v8 =	vmul.f32 v8, v3;
	v9 =	vmul.f32 v9, v3  }
0x130: {  	v12 =	vmov s25;
	v7 =	vmul.f32 v7, v3;
	[tilespmem:s13+$0x80] =	vst v6;
	v6 =	vmul.f32 v10, v3  }
0x131: {  	v4 =	vmul.f32 v4, v3;
	v10 =	vand.u32 $0xFFFFFFFC, v12;
	[tilespmem:s13+$0x90] =	vst v5;
	v3 =	vmul.f32 v11, v3  }
0x132: {  	v5 =	vbroadcast v10, $0x0;
	[tilespmem:s13+$0xA0] =	vst v9  }
0x133: {  	[tilespmem:s13+$0xD0] =	vst v7  }
0x134: {  	v7 =	vld [tilespmem:s11+$0xFFFFFF50];
	[tilespmem:s13+$0xB0] =	vst v8  }
0x135: {  	v8 =	vld [tilespmem:s11+$0xFFFFFF30];
	[tilespmem:s13+$0xC0] =	vst v6  }
0x136: {  	v6 =	vld [tilespmem:s11+$0xFFFFFF60];
	[tilespmem:s13+$0xE0] =	vst v4  }
0x137: {  	v4 =	vld [tilespmem:s11+$0xFFFFFF70];
	[tilespmem:s13+$0xF0] =	vst v3;
	s13 =	smov.u32 s11  }
0x138: {  	v3 =	vld.idx.msk [tilespmem:v5+s20+$0x0], $0xffff  }
0x139: {  	v5 =	vld [tilespmem:s11+$0xFFFFFF00]  }
0x13a: {  	v9 =	vld [tilespmem:s11+$0xFFFFFF20]  }
0x13b: {  	v10 =	vld [tilespmem:s11+$0xFFFFFF10]  }
0x13c: {  	v11 =	vld [tilespmem:s11+$0xFFFFFF40];
	_ =	sdelay $0x1  }
0x13d: {  	v4 =	vmul.f32 v4, v3;
	v5 =	vmul.f32 v5, v3  }
0x13e: {  	s25 =	sadd.s32 $0xFFFFFFFE, s14;
	v6 =	vmul.f32 v6, v3;
	v9 =	vmul.f32 v9, v3  }
0x13f: {  	v8 =	vmul.f32 v8, v3;
	v10 =	vmul.f32 v10, v3;
	[tilespmem:s11+$0xFFFFFF70] =	vst v4;
	v4 =	vmov s25  }
0x140: {  	[tilespmem:s11+$0xFFFFFF00] =	vst v5;
	v5 =	vmul.f32 v11, v3;
	v3 =	vmul.f32 v7, v3;
	v4 =	vand.u32 $0xFFFFFFFD, v4  }
0x141: {  	[tilespmem:s11+$0xFFFFFF20] =	vst v9;
	v4 =	vbroadcast v4, $0x0  }
0x142: {  	[tilespmem:s11+$0xFFFFFF30] =	vst v8  }
0x143: {  	[tilespmem:s11+$0xFFFFFF50] =	vst v3;
	v3 =	vld [tilespmem:s11+$0xFFFFFFF0]  }
0x144: {  	[tilespmem:s11+$0xFFFFFF10] =	vst v10;
	v7 =	vld [tilespmem:s11+$0xFFFFFFD0]  }
0x145: {  	[tilespmem:s11+$0xFFFFFF60] =	vst v6;
	v6 =	vld [tilespmem:s11+$0xFFFFFFB0]  }
0x146: {  	[tilespmem:s11+$0xFFFFFF40] =	vst v5;
	v5 =	vld [tilespmem:s11+$0xFFFFFF90]  }
0x147: {  	v4 =	vld.idx.msk [tilespmem:v4+s20+$0x0], $0xffff  }
0x148: {  	v8 =	vld [tilespmem:s11+$0xFFFFFF80]  }
0x149: {  	v9 =	vld [tilespmem:s11+$0xFFFFFFA0]  }
0x14a: {  	v10 =	vld [tilespmem:s11+$0xFFFFFFC0]  }
0x14b: {  	v11 =	vld [tilespmem:s11+$0xFFFFFFE0];
	_ =	sdelay $0x1  }
0x14c: {  	v5 =	vmul.f32 v5, v4;
	v8 =	vmul.f32 v8, v4  }
0x14d: {  	s25 =	sadd.s32 $0xFFFFFFFF, s14;
	v6 =	vmul.f32 v6, v4;
	v9 =	vmul.f32 v9, v4  }
0x14e: {  	v7 =	vmul.f32 v7, v4;
	[tilespmem:s11+$0xFFFFFF80] =	vst v8;
	v8 =	vmul.f32 v10, v4;
	v10 =	vmov s25  }
0x14f: {  	v3 =	vmul.f32 v3, v4;
	[tilespmem:s11+$0xFFFFFFA0] =	vst v9;
	v9 =	vmul.f32 v11, v4;
	v4 =	vand.u32 $0xFFFFFFFE, v10  }
0x150: {  	[tilespmem:s11+$0xFFFFFF90] =	vst v5;
	v5 =	vbroadcast v4, $0x0  }
0x151: {  	[tilespmem:s11+$0xFFFFFFD0] =	vst v7  }
0x152: {  	[tilespmem:s11+$0xFFFFFFE0] =	vst v9  }
0x153: {  	[tilespmem:s11+$0xFFFFFFB0] =	vst v6  }
.Ltmp1:
0x154: {  	[tilespmem:s11+$0xFFFFFFF0] =	vst v3;
	v4 =	vld [tilespmem:s11+$0x20];
	(pc) =	sbr.rel @p1 .LBB2_5-.Ltmp1, $4  }
0x155: {  	[tilespmem:s11+$0xFFFFFFC0] =	vst v8;
	v6 =	vld [tilespmem:s11+$0x0]  }
0x156: {  	v3 =	vld.idx.msk [tilespmem:v5+s20+$0x0], $0xffff  }
0x157: {  	v5 =	vld [tilespmem:s11+$0x10]  }
0x158: {  	v7 =	vld [tilespmem:s11+$0x30]  }
0x159: {  	v8 =	vld [tilespmem:s13+$0x60];
	_ =	sdelay $0x1  }
0x15a: {  	v6 =	vmul.f32 v6, v3  }
0x15b: {  	v9 =	vld [tilespmem:s13+$0x50];
	v4 =	vmul.f32 v4, v3  }
0x15c: {  	v1 =	vmul.f32 v1, v3;
	[tilespmem:s13+$0x0] =	vst v6  }
0x15d: {  	[tilespmem:s13+$0x20] =	vst v4;
	v4 =	vmul.f32 v8, v3  }
0x15e: {  	v2 =	vmul.f32 v2, v3;
	[tilespmem:s13+$0x40] =	vst v1  }
0x15f: {  	v7 =	vmul.f32 v7, v3;
	[tilespmem:s13+$0x60] =	vst v4;
	v4 =	vmov s14  }
0x160: {  	[tilespmem:s13+$0x70] =	vst v2;
	v6 =	vmul.f32 v9, v3  }
0x161: {  	v3 =	vmul.f32 v5, v3;
	[tilespmem:s13+$0x30] =	vst v7  }
0x162: {  	[tilespmem:s13+$0x50] =	vst v6  }
0x163: {  	v7 =	vld [tilespmem:s13+$0x80];
	[tilespmem:s13+$0x10] =	vst v3  }
0x164: {  	v1 =	vld.idx.msk [tilespmem:v4+s20+$0x0], $0xffff  }
0x165: {  	v2 =	vld [tilespmem:s13+$0x90]  }
0x166: {  	v3 =	vld [tilespmem:s13+$0xA0]  }
0x167: {  	v4 =	vld [tilespmem:s13+$0xD0]  }
0x168: {  	v5 =	vld [tilespmem:s13+$0xB0]  }
0x169: {  	v6 =	vld [tilespmem:s13+$0xC0];
	v7 =	vmul.f32 v7, v1  }
0x16a: {  	v8 =	vld [tilespmem:s13+$0xE0];
	v2 =	vmul.f32 v2, v1  }
0x16b: {  	v61 =	vld [tilespmem:s13+$0xF0];
	v3 =	vmul.f32 v3, v1;
	[tilespmem:s13+$0x80] =	vst v7  }
0x16c: {  	v4 =	vmul.f32 v4, v1;
	[tilespmem:s13+$0x90] =	vst v2  }
0x16d: {  	v2 =	vmul.f32 v5, v1;
	[tilespmem:s13+$0xA0] =	vst v3  }
0x16e: {  	v3 =	vmul.f32 v6, v1;
	[tilespmem:s13+$0xD0] =	vst v4  }
0x16f: {  	v4 =	vmul.f32 v8, v1;
	[tilespmem:s13+$0xB0] =	vst v2  }
0x170: {  	v1 =	vmul.f32 v61, v1;
	[tilespmem:s13+$0xC0] =	vst v3  }
0x171: {  	[tilespmem:s13+$0xE0] =	vst v4  }
0x172: {  	s11 =	sadd.s32 s12, s8;
	[tilespmem:s13+$0xF0] =	vst v1  }
0x173: {  	[spmem:s4] =	stream.indirect.scatter.add.f32 [tilespmem:s23], [sflag:$0x3], $0x80, s29, s22, $0xb8;
	[tilespmem:$0x1E330] =	vst v63  }
0x174: {  	s11 =	smul.u32 $0xA, s11  }
0x175: {  	[spmem:s5] =	stream.indirect.scatter.add.f32 [tilespmem:s20], [sflag:$0x3], $0x1, s29, s22, $0xb8;
	[tilespmem:$0x1E330] =	vst v63  }
0x176: {  	s25 =	sadd.s32 s1, s11  }
0x177: {  	[tilespmem:s6], [sflag:$0x1] =	stream.linear.gather [hbm4b:s25+s6], $0x50, $0x38;
	[tilespmem:$0x1E330] =	vst v63  }
0x178: {  	s11 =	sadd.s32 s2, s11  }
0x179: {  	[tilespmem:s21], [sflag:$0x1] =	stream.linear.gather [hbm4b:s11+s6], $0x50, $0x38;
	[tilespmem:$0x1E330] =	vst v63  }
0x17a: {  	v1 =	vld [tilespmem:$0x50]  }
0x17b: {  	v2 =	vld [tilespmem:$0xF0];
	_ =	sdelay $0x6  }
0x17c: {  	v1 =	vld.idx.msk [tilespmem:v1+s16+$0x0], $0xffff  }
0x17d: {  	v2 =	vld.idx.msk [tilespmem:v2+s18+$0x0], $0xffff;
	_ =	sdelay $0x4  }
0x17e: {  	v1 =	vadd.f32 v2, v1;
	_ =	sdelay $0x1  }
0x17f: {  	v2 =	vmul.f32 $2.000000030e-01, v1;
	_ =	sdelay $0x1  }
0x180: {  	v1 =	vmax.f32 v1, v2  }
0x181: {  	v1 =	vsub.f32 v1, v0;
	_ =	sdelay $0x1  }
0x182: {  	v1 =	vmul.f32 $1.442695020e+00, v1;
	_ =	sdelay $0x1  }
0x183: {  	(erf) = vpow2.f32 v1;
	_ =	sdelay $0x2  }
0x184: {  	v1 =	vld [tilespmem:$0x60]  }
0x185: {  	v2 =	vld [tilespmem:$0x100];
	_ =	sdelay $0x4  }
0x186: {  	v3 =	vpop (erf)  }
0x187: {  	[tilespmem:$0x230] =	vst v3  }
0x188: {  	v1 =	vld.idx.msk [tilespmem:v1+s16+$0x0], $0xffff  }
0x189: {  	v2 =	vld.idx.msk [tilespmem:v2+s18+$0x0], $0xffff;
	_ =	sdelay $0x4  }
0x18a: {  	v1 =	vadd.f32 v2, v1;
	_ =	sdelay $0x1  }
0x18b: {  	v2 =	vmul.f32 $2.000000030e-01, v1;
	_ =	sdelay $0x1  }
0x18c: {  	v1 =	vmax.f32 v1, v2  }
0x18d: {  	v1 =	vsub.f32 v1, v0;
	_ =	sdelay $0x1  }
0x18e: {  	v1 =	vmul.f32 $1.442695020e+00, v1;
	_ =	sdelay $0x1  }
0x18f: {  	(erf) = vpow2.f32 v1;
	_ =	sdelay $0x2  }
0x190: {  	v1 =	vld [tilespmem:$0x70]  }
0x191: {  	v2 =	vld [tilespmem:$0x110];
	_ =	sdelay $0x4  }
0x192: {  	v3 =	vpop (erf)  }
0x193: {  	[tilespmem:$0x240] =	vst v3  }
0x194: {  	v1 =	vld.idx.msk [tilespmem:v1+s16+$0x0], $0xffff  }
0x195: {  	v2 =	vld.idx.msk [tilespmem:v2+s18+$0x0], $0xffff;
	_ =	sdelay $0x4  }
0x196: {  	v1 =	vadd.f32 v2, v1;
	_ =	sdelay $0x1  }
0x197: {  	v2 =	vmul.f32 $2.000000030e-01, v1;
	_ =	sdelay $0x1  }
0x198: {  	v1 =	vmax.f32 v1, v2  }
0x199: {  	v1 =	vsub.f32 v1, v0;
	_ =	sdelay $0x1  }
0x19a: {  	v1 =	vmul.f32 $1.442695020e+00, v1;
	_ =	sdelay $0x1  }
0x19b: {  	(erf) = vpow2.f32 v1;
	_ =	sdelay $0x2  }
0x19c: {  	v1 =	vld [tilespmem:$0x80]  }
0x19d: {  	v2 =	vld [tilespmem:$0x120];
	_ =	sdelay $0x4  }
0x19e: {  	v3 =	vpop (erf)  }
0x19f: {  	[tilespmem:$0x250] =	vst v3  }
0x1a0: {  	v1 =	vld.idx.msk [tilespmem:v1+s16+$0x0], $0xffff  }
0x1a1: {  	v2 =	vld.idx.msk [tilespmem:v2+s18+$0x0], $0xffff;
	_ =	sdelay $0x4  }
0x1a2: {  	v1 =	vadd.f32 v2, v1;
	_ =	sdelay $0x1  }
0x1a3: {  	v2 =	vmul.f32 $2.000000030e-01, v1;
	_ =	sdelay $0x1  }
0x1a4: {  	v1 =	vmax.f32 v1, v2  }
0x1a5: {  	v1 =	vsub.f32 v1, v0;
	_ =	sdelay $0x1  }
0x1a6: {  	v1 =	vmul.f32 $1.442695020e+00, v1;
	_ =	sdelay $0x1  }
0x1a7: {  	(erf) = vpow2.f32 v1;
	_ =	sdelay $0x2  }
0x1a8: {  	v1 =	vld [tilespmem:$0x90]  }
0x1a9: {  	v2 =	vld [tilespmem:$0x130];
	_ =	sdelay $0x4  }
0x1aa: {  	v3 =	vpop (erf)  }
0x1ab: {  	[tilespmem:$0x260] =	vst v3  }
0x1ac: {  	v1 =	vld.idx.msk [tilespmem:v1+s16+$0x0], $0xffff  }
0x1ad: {  	v2 =	vld.idx.msk [tilespmem:v2+s18+$0x0], $0xffff;
	_ =	sdelay $0x4  }
0x1ae: {  	v1 =	vadd.f32 v2, v1;
	_ =	sdelay $0x1  }
0x1af: {  	v2 =	vmul.f32 $2.000000030e-01, v1;
	_ =	sdelay $0x1  }
0x1b0: {  	v1 =	vmax.f32 v1, v2  }
0x1b1: {  	v1 =	vsub.f32 v1, v0;
	_ =	sdelay $0x1  }
0x1b2: {  	v1 =	vmul.f32 $1.442695020e+00, v1;
	_ =	sdelay $0x1  }
0x1b3: {  	(erf) = vpow2.f32 v1;
	_ =	sdelay $0x8  }
0x1b4: {  	v1 =	vpop (erf)  }
0x1b5: {  	s14 =	simm.s32 $0x3;
	[tilespmem:$0x270] =	vst v1  }
0x1b6: {  	_ =	swait.ge [sflag:s14], $0x2800  }
0x1b7: {  	[sflag:s14] =	ssyncset.done $0x0  }
0x1b8: {  	[sflag:s14] =	ssyncadd.s32 $0xFFFFD800  }
0x1b9: {  	_ =	swait.ge [sflag:s14], $0x50  }
0x1ba: {  	[sflag:s14] =	ssyncset.done $0x0  }
0x1bb: {  	[sflag:s14] =	ssyncadd.s32 $0xFFFFFFB0  }
0x1bc: {  	_ =	swait.ge [sflag:s26], $0x50  }
0x1bd: {  	[sflag:s26] =	ssyncset.done $0x0  }
0x1be: {  	[sflag:s26] =	ssyncadd.s32 $0xFFFFFFB0  }
0x1bf: {  	_ =	swait.ge [sflag:s26], $0x50  }
0x1c0: {  	[sflag:s26] =	ssyncset.done $0x0  }
0x1c1: {  	[sflag:s26] =	ssyncadd.s32 $0xFFFFFFB0  }
0x1c2: {  	[tilespmem:s23], [sflag:$0x2] =	stream.indirect.gather [hbm4b:s3+s22], $0x80, s21, s22, $0xb8;
	[tilespmem:$0x1E330] =	vst v63  }
0x1c3: {  	_ =	swait.ge [sflag:s28], $0x2800  }
0x1c4: {  	[sflag:s28] =	ssyncset.done $0x0  }
0x1c5: {  	[sflag:s28] =	ssyncadd.s32 $0xFFFFD800  }
0x1c6: {  	v1 =	vld [tilespmem:$0x50];
	_ =	sdelay $0x1  }
0x1c7: {  	v2 =	vld [tilespmem:$0x60]  }
0x1c8: {  	v3 =	vld [tilespmem:$0x70]  }
0x1c9: {  	s13 =	simm.s32 $0x0;
	v4 =	vld [tilespmem:$0x80]  }
0x1ca: {  	v5 =	vld [tilespmem:$0x90];
	[tilespmem:$0x190] =	vst v1;
	v1 =	vmov s13  }
0x1cb: {  	v1 =	vand.u32 $0x7C, v1  }
0x1cc: {  	[tilespmem:$0x1A0] =	vst v2;
	v1 =	vadd.s32 $0x50, v1  }
0x1cd: {  	[tilespmem:$0x1B0] =	vst v3  }
0x1ce: {  	[tilespmem:$0x1C0] =	vst v4  }
0x1cf: {  	[tilespmem:$0x1D0] =	vst v5;
	s13 =	simm.s32 $0x7AA0  }
0x1d0: {  	v3 =	vld [tilespmem:s13+$0xFFFFFE80]  }
0x1d1: {  	v1 =	vld.idx.msk [tilespmem:v1+s20+$0x0], $0xffff  }
0x1d2: {  	v4 =	vld [tilespmem:s13+$0xFFFFFE10]  }
0x1d3: {  	v5 =	vld [tilespmem:s13+$0xFFFFFE30]  }
0x1d4: {  	v6 =	vld [tilespmem:s13+$0xFFFFFE40]  }
0x1d5: {  	v2 =	vld [tilespmem:s13+$0xFFFFFE60]  }
0x1d6: {  	v8 =	vld [tilespmem:s13+$0xFFFFFE20];
	v3 =	vmul.f32 v3, v1  }
0x1d7: {  	v7 =	vld [tilespmem:s13+$0xFFFFFE70];
	v4 =	vmul.f32 v4, v1  }
0x1d8: {  	s15 =	simm.s32 $0x1;
	v62 =	vld [tilespmem:s13+$0xFFFFFE50];
	v5 =	vmul.f32 v5, v1;
	[tilespmem:s13+$0xFFFFFE80] =	vst v3  }
0x1d9: {  	v3 =	vmul.f32 v6, v1;
	[tilespmem:s13+$0xFFFFFE10] =	vst v4;
	v4 =	vmov s15  }
0x1da: {  	v2 =	vmul.f32 v2, v1;
	[tilespmem:s13+$0xFFFFFE30] =	vst v5;
	v4 =	vand.u32 $0x7D, v4  }
0x1db: {  	v5 =	vmul.f32 v8, v1;
	[tilespmem:s13+$0xFFFFFE40] =	vst v3;
	v3 =	vadd.s32 $0x50, v4  }
0x1dc: {  	[tilespmem:s13+$0xFFFFFE60] =	vst v2;
	v4 =	vmul.f32 v7, v1  }
0x1dd: {  	v1 =	vmul.f32 v62, v1;
	[tilespmem:s13+$0xFFFFFE20] =	vst v5  }
0x1de: {  	[tilespmem:s13+$0xFFFFFE70] =	vst v4  }
0x1df: {  	[tilespmem:s13+$0xFFFFFE50] =	vst v1;
	v1 =	vld [tilespmem:s13+$0xFFFFFE90]  }
0x1e0: {  	v3 =	vld.idx.msk [tilespmem:v3+s20+$0x0], $0xffff  }
0x1e1: {  	v2 =	vld [tilespmem:s13+$0xFFFFFEC0]  }
0x1e2: {  	v4 =	vld [tilespmem:s13+$0xFFFFFEE0]  }
0x1e3: {  	v5 =	vld [tilespmem:s13+$0xFFFFFEB0]  }
0x1e4: {  	v6 =	vld [tilespmem:s13+$0xFFFFFF00]  }
0x1e5: {  	v7 =	vld [tilespmem:s13+$0xFFFFFEA0];
	v1 =	vmul.f32 v1, v3  }
0x1e6: {  	v8 =	vld [tilespmem:s13+$0xFFFFFEF0];
	v2 =	vmul.f32 v2, v3  }
0x1e7: {  	s25 =	simm.s32 $0x2;
	v63 =	vld [tilespmem:s13+$0xFFFFFED0];
	[tilespmem:s13+$0xFFFFFE90] =	vst v1;
	v1 =	vmul.f32 v4, v3  }
0x1e8: {  	v4 =	vmul.f32 v5, v3;
	[tilespmem:s13+$0xFFFFFEC0] =	vst v2;
	v2 =	vmov s25  }
0x1e9: {  	v5 =	vmul.f32 v6, v3;
	[tilespmem:s13+$0xFFFFFEE0] =	vst v1;
	v1 =	vand.u32 $0x7E, v2  }
0x1ea: {  	v6 =	vmul.f32 v7, v3;
	[tilespmem:s13+$0xFFFFFEB0] =	vst v4;
	v2 =	vld [tilespmem:s13+$0xFFFFFF80];
	v7 =	vadd.s32 $0x50, v1  }
0x1eb: {  	v4 =	vmul.f32 v8, v3;
	[tilespmem:s13+$0xFFFFFF00] =	vst v5;
	v5 =	vld [tilespmem:s13+$0xFFFFFF10]  }
0x1ec: {  	v3 =	vmul.f32 v63, v3;
	[tilespmem:s13+$0xFFFFFEA0] =	vst v6;
	v6 =	vld [tilespmem:s13+$0xFFFFFF60]  }
0x1ed: {  	v1 =	vld [tilespmem:s13+$0xFFFFFF50];
	[tilespmem:s13+$0xFFFFFEF0] =	vst v4  }
0x1ee: {  	v4 =	vld [tilespmem:s13+$0xFFFFFF30];
	[tilespmem:s13+$0xFFFFFED0] =	vst v3  }
0x1ef: {  	v3 =	vld.idx.msk [tilespmem:v7+s20+$0x0], $0xffff  }
0x1f0: {  	s11 =	simm.s32 $0x7AA0;
	s15 =	simm.s32 $0x7;
	v7 =	vld [tilespmem:s13+$0xFFFFFF20]  }
.LBB2_7:
0x1f1: {  	p1 =	sne.s32 s15, $0x4F  }
0x1f2: {  	v8 =	vld [tilespmem:s13+$0xFFFFFF40];
	s11 =	sadd.s32 $0x200, s11;
	s25 =	smov.u32 s15;
	s15 =	sadd.s32 $0x4, s15  }
0x1f3: {  	v9 =	vld [tilespmem:s13+$0xFFFFFF70];
	_ =	sdelay $0x1  }
0x1f4: {  	v5 =	vmul.f32 v5, v3;
	v7 =	vmul.f32 v7, v3  }
0x1f5: {  	v4 =	vmul.f32 v4, v3;
	v6 =	vmul.f32 v6, v3  }
0x1f6: {  	v1 =	vmul.f32 v1, v3;
	v2 =	vmul.f32 v2, v3;
	[tilespmem:s13+$0xFFFFFF10] =	vst v5  }
0x1f7: {  	v5 =	vmov s14;
	s14 =	smov.u32 s25;
	[tilespmem:s13+$0xFFFFFF30] =	vst v4;
	v4 =	vmul.f32 v8, v3;
	v3 =	vmul.f32 v9, v3  }
0x1f8: {  	v5 =	vand.u32 $0x7F, v5;
	[tilespmem:s13+$0xFFFFFF20] =	vst v7;
	v7 =	vld [tilespmem:s13+$0xFFFFFFF0]  }
0x1f9: {  	v5 =	vadd.s32 $0x50, v5;
	[tilespmem:s13+$0xFFFFFF60] =	vst v6;
	v6 =	vld [tilespmem:s13+$0xFFFFFF90]  }
0x1fa: {  	[tilespmem:s13+$0xFFFFFF40] =	vst v4;
	v4 =	vld [tilespmem:s13+$0xFFFFFFD0]  }
0x1fb: {  	[tilespmem:s13+$0xFFFFFF50] =	vst v1;
	v8 =	vld [tilespmem:s13+$0xFFFFFFC0]  }
0x1fc: {  	v1 =	vld [tilespmem:s11+$0xFFFFFF50];
	[tilespmem:s13+$0xFFFFFF80] =	vst v2  }
0x1fd: {  	v2 =	vld [tilespmem:s11+$0xFFFFFF80];
	[tilespmem:s13+$0xFFFFFF70] =	vst v3  }
0x1fe: {  	v3 =	vld.idx.msk [tilespmem:v5+s20+$0x0], $0xffff  }
0x1ff: {  	v5 =	vld [tilespmem:s13+$0xFFFFFFA0]  }
0x200: {  	v9 =	vld [tilespmem:s13+$0xFFFFFFB0]  }
0x201: {  	v10 =	vld [tilespmem:s13+$0xFFFFFFE0]  }
0x202: {  	v11 =	vld [tilespmem:s13+$0x0];
	_ =	sdelay $0x1  }
0x203: {  	v6 =	vmul.f32 v6, v3;
	v5 =	vmul.f32 v5, v3  }
0x204: {  	v8 =	vmul.f32 v8, v3;
	v9 =	vmul.f32 v9, v3  }
0x205: {  	s25 =	sadd.s32 $0xFFFFFFFD, s14;
	v4 =	vmul.f32 v4, v3;
	[tilespmem:s13+$0xFFFFFF90] =	vst v6;
	v6 =	vmul.f32 v10, v3  }
0x206: {  	v7 =	vmul.f32 v7, v3;
	v10 =	vmov s25;
	[tilespmem:s13+$0xFFFFFFC0] =	vst v8;
	v3 =	vmul.f32 v11, v3  }
0x207: {  	v8 =	vand.u32 $0x7C, v10;
	[tilespmem:s13+$0xFFFFFFE0] =	vst v6  }
0x208: {  	v6 =	vadd.s32 $0x50, v8;
	[tilespmem:s13+$0xFFFFFFD0] =	vst v4  }
0x209: {  	v4 =	vld [tilespmem:s11+$0xFFFFFE60];
	[tilespmem:s13+$0xFFFFFFA0] =	vst v5  }
0x20a: {  	v5 =	vld [tilespmem:s11+$0xFFFFFE40];
	[tilespmem:s13+$0x0] =	vst v3  }
0x20b: {  	v3 =	vld [tilespmem:s11+$0xFFFFFE70];
	[tilespmem:s13+$0xFFFFFFB0] =	vst v9  }
0x20c: {  	v8 =	vld [tilespmem:s11+$0xFFFFFE80];
	[tilespmem:s13+$0xFFFFFFF0] =	vst v7;
	s13 =	smov.u32 s11  }
0x20d: {  	v6 =	vld.idx.msk [tilespmem:v6+s20+$0x0], $0xffff  }
0x20e: {  	v7 =	vld [tilespmem:s11+$0xFFFFFE10]  }
0x20f: {  	v9 =	vld [tilespmem:s11+$0xFFFFFE30]  }
0x210: {  	v10 =	vld [tilespmem:s11+$0xFFFFFE20]  }
0x211: {  	v11 =	vld [tilespmem:s11+$0xFFFFFE50];
	_ =	sdelay $0x1  }
0x212: {  	v8 =	vmul.f32 v8, v6;
	v7 =	vmul.f32 v7, v6  }
0x213: {  	v3 =	vmul.f32 v3, v6;
	v9 =	vmul.f32 v9, v6  }
0x214: {  	s25 =	sadd.s32 $0xFFFFFFFE, s14;
	v5 =	vmul.f32 v5, v6;
	v10 =	vmul.f32 v10, v6;
	[tilespmem:s11+$0xFFFFFE80] =	vst v8  }
0x215: {  	v4 =	vmul.f32 v4, v6;
	[tilespmem:s11+$0xFFFFFE10] =	vst v7;
	v7 =	vmul.f32 v11, v6;
	v6 =	vmov s25  }
0x216: {  	[tilespmem:s11+$0xFFFFFE30] =	vst v9;
	v6 =	vand.u32 $0x7D, v6  }
0x217: {  	[tilespmem:s11+$0xFFFFFE40] =	vst v5;
	v5 =	vadd.s32 $0x50, v6  }
0x218: {  	[tilespmem:s11+$0xFFFFFE60] =	vst v4;
	v4 =	vld [tilespmem:s11+$0xFFFFFF00]  }
0x219: {  	[tilespmem:s11+$0xFFFFFE20] =	vst v10;
	v6 =	vld [tilespmem:s11+$0xFFFFFEE0]  }
0x21a: {  	[tilespmem:s11+$0xFFFFFE70] =	vst v3;
	v3 =	vld [tilespmem:s11+$0xFFFFFEC0]  }
0x21b: {  	[tilespmem:s11+$0xFFFFFE50] =	vst v7;
	v7 =	vld [tilespmem:s11+$0xFFFFFEA0]  }
0x21c: {  	v5 =	vld.idx.msk [tilespmem:v5+s20+$0x0], $0xffff  }
0x21d: {  	v8 =	vld [tilespmem:s11+$0xFFFFFE90]  }
0x21e: {  	v9 =	vld [tilespmem:s11+$0xFFFFFEB0]  }
0x21f: {  	v10 =	vld [tilespmem:s11+$0xFFFFFED0]  }
0x220: {  	v11 =	vld [tilespmem:s11+$0xFFFFFEF0];
	_ =	sdelay $0x1  }
0x221: {  	v7 =	vmul.f32 v7, v5;
	v8 =	vmul.f32 v8, v5  }
0x222: {  	v3 =	vmul.f32 v3, v5;
	v9 =	vmul.f32 v9, v5  }
0x223: {  	s25 =	sadd.s32 $0xFFFFFFFF, s14;
	v6 =	vmul.f32 v6, v5;
	[tilespmem:s11+$0xFFFFFE90] =	vst v8;
	v8 =	vmul.f32 v10, v5  }
0x224: {  	v4 =	vmul.f32 v4, v5;
	[tilespmem:s11+$0xFFFFFEC0] =	vst v3;
	v3 =	vmul.f32 v11, v5;
	v5 =	vmov s25  }
0x225: {  	[tilespmem:s11+$0xFFFFFEE0] =	vst v6;
	v5 =	vand.u32 $0x7E, v5  }
0x226: {  	[tilespmem:s11+$0xFFFFFEB0] =	vst v9;
	v6 =	vadd.s32 $0x50, v5  }
0x227: {  	[tilespmem:s11+$0xFFFFFF00] =	vst v4  }
0x228: {  	[tilespmem:s11+$0xFFFFFEA0] =	vst v7  }
.Ltmp2:
0x229: {  	[tilespmem:s11+$0xFFFFFEF0] =	vst v3;
	v4 =	vld [tilespmem:s11+$0xFFFFFF30];
	(pc) =	sbr.rel @p1 .LBB2_7-.Ltmp2, $4  }
0x22a: {  	[tilespmem:s11+$0xFFFFFED0] =	vst v8;
	v5 =	vld [tilespmem:s11+$0xFFFFFF10]  }
0x22b: {  	v3 =	vld.idx.msk [tilespmem:v6+s20+$0x0], $0xffff  }
0x22c: {  	v7 =	vld [tilespmem:s11+$0xFFFFFF20]  }
0x22d: {  	v6 =	vld [tilespmem:s11+$0xFFFFFF60]  }
0x22e: {  	_ =	sdelay $0x1  }
0x22f: {  	v5 =	vmul.f32 v5, v3  }
0x230: {  	v8 =	vld [tilespmem:s13+$0xFFFFFF40];
	v4 =	vmul.f32 v4, v3  }
0x231: {  	v9 =	vld [tilespmem:s13+$0xFFFFFF70];
	v1 =	vmul.f32 v1, v3;
	[tilespmem:s13+$0xFFFFFF10] =	vst v5  }
0x232: {  	v55 =	vmov s14;
	v2 =	vmul.f32 v2, v3;
	[tilespmem:s13+$0xFFFFFF30] =	vst v4  }
0x233: {  	v7 =	vmul.f32 v7, v3;
	v4 =	vand.u32 $0x7F, v55;
	[tilespmem:s13+$0xFFFFFF50] =	vst v1  }
0x234: {  	v54 =	vmul.f32 v6, v3;
	[tilespmem:s13+$0xFFFFFF80] =	vst v2;
	v4 =	vadd.s32 $0x50, v4  }
0x235: {  	v56 =	vmul.f32 v8, v3;
	[tilespmem:s13+$0xFFFFFF20] =	vst v7  }
0x236: {  	v3 =	vmul.f32 v9, v3;
	[tilespmem:s13+$0xFFFFFF60] =	vst v54  }
0x237: {  	[tilespmem:s13+$0xFFFFFF40] =	vst v56  }
0x238: {  	v57 =	vld [tilespmem:s13+$0xFFFFFF90];
	[tilespmem:s13+$0xFFFFFF70] =	vst v3  }
0x239: {  	v1 =	vld.idx.msk [tilespmem:v4+s20+$0x0], $0xffff  }
0x23a: {  	v2 =	vld [tilespmem:s13+$0xFFFFFFC0]  }
0x23b: {  	v3 =	vld [tilespmem:s13+$0xFFFFFFE0]  }
0x23c: {  	v58 =	vld [tilespmem:s13+$0xFFFFFFD0]  }
0x23d: {  	v61 =	vld [tilespmem:s13+$0xFFFFFFB0]  }
0x23e: {  	v59 =	vld [tilespmem:s13+$0xFFFFFFA0];
	v5 =	vmul.f32 v57, v1  }
0x23f: {  	v60 =	vld [tilespmem:s13+$0x0];
	v2 =	vmul.f32 v2, v1  }
0x240: {  	v62 =	vld [tilespmem:s13+$0xFFFFFFF0];
	v3 =	vmul.f32 v3, v1;
	[tilespmem:s13+$0xFFFFFF90] =	vst v5  }
0x241: {  	v4 =	vmul.f32 v58, v1;
	[tilespmem:s13+$0xFFFFFFC0] =	vst v2  }
0x242: {  	v63 =	vmul.f32 v61, v1;
	[tilespmem:s13+$0xFFFFFFE0] =	vst v3  }
0x243: {  	v2 =	vmul.f32 v59, v1;
	[tilespmem:s13+$0xFFFFFFD0] =	vst v4  }
0x244: {  	v3 =	vmul.f32 v60, v1;
	[tilespmem:s13+$0xFFFFFFB0] =	vst v63  }
0x245: {  	v1 =	vmul.f32 v62, v1;
	[tilespmem:s13+$0xFFFFFFA0] =	vst v2  }
0x246: {  	s11 =	smin.u32 s12, $0x79;
	[tilespmem:s13+$0x0] =	vst v3  }
0x247: {  	s11 =	sadd.s32 s11, s9;
	[tilespmem:s13+$0xFFFFFFF0] =	vst v1  }
0x248: {  	[spmem:s4] =	stream.indirect.scatter.add.f32 [tilespmem:s19], [sflag:$0x3], $0x80, s30, s22, $0xb8;
	[tilespmem:$0x1E330] =	vst v63  }
0x249: {  	s11 =	smul.u32 $0xA, s11  }
0x24a: {  	[spmem:s5] =	stream.indirect.scatter.add.f32 [tilespmem:s31], [sflag:$0x3], $0x1, s30, s22, $0xb8;
	[tilespmem:$0x1E330] =	vst v63  }
0x24b: {  	s25 =	sadd.s32 s1, s11  }
0x24c: {  	[tilespmem:s22], [sflag:$0x1] =	stream.linear.gather [hbm4b:s25+s6], $0x50, $0x38;
	[tilespmem:$0x1E330] =	vst v63  }
0x24d: {  	s11 =	sadd.s32 s2, s11  }
0x24e: {  	[tilespmem:s24], [sflag:$0x1] =	stream.linear.gather [hbm4b:s11+s6], $0x50, $0x38;
	[tilespmem:$0x1E330] =	vst v63  }
0x24f: {  	v1 =	vld [tilespmem:$0x0]  }
0x250: {  	v2 =	vld [tilespmem:$0xA0];
	_ =	sdelay $0x6  }
0x251: {  	v1 =	vld.idx.msk [tilespmem:v1+s16+$0x0], $0xffff  }
0x252: {  	v2 =	vld.idx.msk [tilespmem:v2+s18+$0x0], $0xffff;
	_ =	sdelay $0x4  }
0x253: {  	v1 =	vadd.f32 v2, v1;
	_ =	sdelay $0x1  }
0x254: {  	v2 =	vmul.f32 $2.000000030e-01, v1;
	_ =	sdelay $0x1  }
0x255: {  	v1 =	vmax.f32 v1, v2  }
0x256: {  	v1 =	vsub.f32 v1, v0;
	_ =	sdelay $0x1  }
0x257: {  	v1 =	vmul.f32 $1.442695020e+00, v1;
	_ =	sdelay $0x1  }
0x258: {  	(erf) = vpow2.f32 v1;
	_ =	sdelay $0x2  }
0x259: {  	v1 =	vld [tilespmem:$0x10]  }
0x25a: {  	v2 =	vld [tilespmem:$0xB0];
	_ =	sdelay $0x4  }
0x25b: {  	v3 =	vpop (erf)  }
0x25c: {  	[tilespmem:$0x1E0] =	vst v3  }
0x25d: {  	v1 =	vld.idx.msk [tilespmem:v1+s16+$0x0], $0xffff  }
0x25e: {  	v2 =	vld.idx.msk [tilespmem:v2+s18+$0x0], $0xffff;
	_ =	sdelay $0x4  }
0x25f: {  	v1 =	vadd.f32 v2, v1;
	_ =	sdelay $0x1  }
0x260: {  	v2 =	vmul.f32 $2.000000030e-01, v1;
	_ =	sdelay $0x1  }
0x261: {  	v1 =	vmax.f32 v1, v2  }
0x262: {  	v1 =	vsub.f32 v1, v0;
	_ =	sdelay $0x1  }
0x263: {  	v1 =	vmul.f32 $1.442695020e+00, v1;
	_ =	sdelay $0x1  }
0x264: {  	(erf) = vpow2.f32 v1;
	_ =	sdelay $0x2  }
0x265: {  	v1 =	vld [tilespmem:$0x20]  }
0x266: {  	v2 =	vld [tilespmem:$0xC0];
	_ =	sdelay $0x4  }
0x267: {  	v3 =	vpop (erf)  }
0x268: {  	[tilespmem:$0x1F0] =	vst v3  }
0x269: {  	v1 =	vld.idx.msk [tilespmem:v1+s16+$0x0], $0xffff  }
0x26a: {  	v2 =	vld.idx.msk [tilespmem:v2+s18+$0x0], $0xffff;
	_ =	sdelay $0x4  }
0x26b: {  	v1 =	vadd.f32 v2, v1;
	_ =	sdelay $0x1  }
0x26c: {  	v2 =	vmul.f32 $2.000000030e-01, v1;
	_ =	sdelay $0x1  }
0x26d: {  	v1 =	vmax.f32 v1, v2  }
0x26e: {  	v1 =	vsub.f32 v1, v0;
	_ =	sdelay $0x1  }
0x26f: {  	v1 =	vmul.f32 $1.442695020e+00, v1;
	_ =	sdelay $0x1  }
0x270: {  	(erf) = vpow2.f32 v1;
	_ =	sdelay $0x2  }
0x271: {  	v1 =	vld [tilespmem:$0x30]  }
0x272: {  	v2 =	vld [tilespmem:$0xD0];
	_ =	sdelay $0x4  }
0x273: {  	v3 =	vpop (erf)  }
0x274: {  	[tilespmem:$0x200] =	vst v3  }
0x275: {  	v1 =	vld.idx.msk [tilespmem:v1+s16+$0x0], $0xffff  }
0x276: {  	v2 =	vld.idx.msk [tilespmem:v2+s18+$0x0], $0xffff;
	_ =	sdelay $0x4  }
0x277: {  	v1 =	vadd.f32 v2, v1;
	_ =	sdelay $0x1  }
0x278: {  	v2 =	vmul.f32 $2.000000030e-01, v1;
	_ =	sdelay $0x1  }
0x279: {  	v1 =	vmax.f32 v1, v2  }
0x27a: {  	v1 =	vsub.f32 v1, v0;
	_ =	sdelay $0x1  }
0x27b: {  	v1 =	vmul.f32 $1.442695020e+00, v1;
	_ =	sdelay $0x1  }
0x27c: {  	(erf) = vpow2.f32 v1;
	_ =	sdelay $0x2  }
0x27d: {  	v1 =	vld [tilespmem:$0x40]  }
0x27e: {  	v2 =	vld [tilespmem:$0xE0];
	_ =	sdelay $0x4  }
0x27f: {  	v3 =	vpop (erf)  }
0x280: {  	[tilespmem:$0x210] =	vst v3  }
0x281: {  	v1 =	vld.idx.msk [tilespmem:v1+s16+$0x0], $0xffff  }
0x282: {  	v2 =	vld.idx.msk [tilespmem:v2+s18+$0x0], $0xffff;
	_ =	sdelay $0x4  }
0x283: {  	v1 =	vadd.f32 v2, v1;
	_ =	sdelay $0x1  }
0x284: {  	v2 =	vmul.f32 $2.000000030e-01, v1;
	_ =	sdelay $0x1  }
0x285: {  	v1 =	vmax.f32 v1, v2  }
0x286: {  	v1 =	vsub.f32 v1, v0;
	_ =	sdelay $0x1  }
0x287: {  	v1 =	vmul.f32 $1.442695020e+00, v1;
	_ =	sdelay $0x1  }
0x288: {  	(erf) = vpow2.f32 v1;
	_ =	sdelay $0x3  }
0x289: {  	s10 =	sadd.s32 $0x1, s10  }
0x28a: {  	p1 =	sne.s32 s10, $0x3E  }
.Ltmp3:
0x28b: {  	_ = 	snop;
	(pc) =	sbr.rel @p1 .LBB2_4-.Ltmp3, $3  }
0x28c: {  	_ =	sdelay $0x1  }
0x28d: {  	v1 =	vpop (erf)  }
0x28e: {  	[tilespmem:$0x220] =	vst v1  }
0x28f: {  	_ =	swait.ge [sflag:s28], $0x2800  }
0x290: {  	[sflag:s28] =	ssyncset.done $0x0  }
0x291: {  	[sflag:s28] =	ssyncadd.s32 $0xFFFFD800  }
0x292: {  	v0 =	vld [tilespmem:$0x0];
	_ =	sdelay $0x1  }
0x293: {  	v1 =	vld [tilespmem:$0x10]  }
0x294: {  	s10 =	simm.s32 $0x0;
	v2 =	vld [tilespmem:$0x20]  }
0x295: {  	v5 =	vmov s10;
	v3 =	vld [tilespmem:$0x30]  }
0x296: {  	v4 =	vld [tilespmem:$0x40];
	[tilespmem:$0x140] =	vst v0;
	v0 =	vand.u32 $0xFFFFFFFC, v5  }
0x297: {  	v0 =	vbroadcast v0, $0x0  }
0x298: {  	[tilespmem:$0x150] =	vst v1  }
0x299: {  	[tilespmem:$0x160] =	vst v2  }
0x29a: {  	[tilespmem:$0x170] =	vst v3  }
0x29b: {  	s10 =	simm.s32 $0x51B0;
	[tilespmem:$0x180] =	vst v4  }
0x29c: {  	v2 =	vld [tilespmem:s10+$0xFFFFFF70]  }
0x29d: {  	v0 =	vld.idx.msk [tilespmem:v0+s20+$0x0], $0xffff  }
0x29e: {  	v3 =	vld [tilespmem:s10+$0xFFFFFF00]  }
0x29f: {  	v4 =	vld [tilespmem:s10+$0xFFFFFF20]  }
0x2a0: {  	v5 =	vld [tilespmem:s10+$0xFFFFFF30]  }
0x2a1: {  	v1 =	vld [tilespmem:s10+$0xFFFFFF50]  }
0x2a2: {  	v7 =	vld [tilespmem:s10+$0xFFFFFF10];
	v2 =	vmul.f32 v2, v0  }
0x2a3: {  	s11 =	simm.s32 $0x1;
	v6 =	vld [tilespmem:s10+$0xFFFFFF60];
	v3 =	vmul.f32 v3, v0  }
0x2a4: {  	v8 =	vld [tilespmem:s10+$0xFFFFFF40];
	v4 =	vmul.f32 v4, v0;
	[tilespmem:s10+$0xFFFFFF70] =	vst v2;
	v2 =	vmov s11  }
0x2a5: {  	v5 =	vmul.f32 v5, v0;
	[tilespmem:s10+$0xFFFFFF00] =	vst v3;
	v2 =	vand.u32 $0xFFFFFFFD, v2  }
0x2a6: {  	v1 =	vmul.f32 v1, v0;
	[tilespmem:s10+$0xFFFFFF20] =	vst v4;
	v2 =	vbroadcast v2, $0x0  }
0x2a7: {  	v3 =	vmul.f32 v7, v0;
	[tilespmem:s10+$0xFFFFFF30] =	vst v5  }
0x2a8: {  	v4 =	vmul.f32 v6, v0;
	[tilespmem:s10+$0xFFFFFF50] =	vst v1  }
0x2a9: {  	v0 =	vmul.f32 v8, v0;
	[tilespmem:s10+$0xFFFFFF10] =	vst v3  }
0x2aa: {  	[tilespmem:s10+$0xFFFFFF60] =	vst v4  }
0x2ab: {  	[tilespmem:s10+$0xFFFFFF40] =	vst v0;
	v0 =	vld [tilespmem:s10+$0xFFFFFF80]  }
0x2ac: {  	v2 =	vld.idx.msk [tilespmem:v2+s20+$0x0], $0xffff  }
0x2ad: {  	v1 =	vld [tilespmem:s10+$0xFFFFFFA0]  }
0x2ae: {  	v3 =	vld [tilespmem:s10+$0xFFFFFF90]  }
0x2af: {  	v4 =	vld [tilespmem:s10+$0xFFFFFFD0]  }
0x2b0: {  	v5 =	vld [tilespmem:s10+$0xFFFFFFE0]  }
0x2b1: {  	v6 =	vld [tilespmem:s10+$0xFFFFFFF0];
	v0 =	vmul.f32 v0, v2  }
0x2b2: {  	s25 =	simm.s32 $0x2;
	v7 =	vld [tilespmem:s10+$0xFFFFFFB0];
	v1 =	vmul.f32 v1, v2  }
0x2b3: {  	v8 =	vld [tilespmem:s10+$0xFFFFFFC0];
	v3 =	vmul.f32 v3, v2;
	[tilespmem:s10+$0xFFFFFF80] =	vst v0;
	v0 =	vmov s25  }
0x2b4: {  	v4 =	vmul.f32 v4, v2;
	[tilespmem:s10+$0xFFFFFFA0] =	vst v1;
	v0 =	vand.u32 $0xFFFFFFFE, v0  }
0x2b5: {  	v1 =	vmul.f32 v5, v2;
	[tilespmem:s10+$0xFFFFFF90] =	vst v3;
	v3 =	vbroadcast v0, $0x0  }
0x2b6: {  	v5 =	vmul.f32 v6, v2;
	[tilespmem:s10+$0xFFFFFFD0] =	vst v4;
	v6 =	vld [tilespmem:s10+$0x30]  }
0x2b7: {  	v4 =	vmul.f32 v7, v2;
	v0 =	vld [tilespmem:s10+$0x40];
	[tilespmem:s10+$0xFFFFFFE0] =	vst v1  }
0x2b8: {  	v2 =	vmul.f32 v8, v2;
	v1 =	vld [tilespmem:s10+$0x70];
	[tilespmem:s10+$0xFFFFFFF0] =	vst v5  }
0x2b9: {  	[tilespmem:s10+$0xFFFFFFB0] =	vst v4;
	v4 =	vld [tilespmem:s10+$0x20]  }
0x2ba: {  	[tilespmem:s10+$0xFFFFFFC0] =	vst v2;
	v5 =	vld [tilespmem:s10+$0x0]  }
0x2bb: {  	v2 =	vld.idx.msk [tilespmem:v3+s20+$0x0], $0xffff  }
0x2bc: {  	s12 =	simm.s32 $0x3;
	s13 =	simm.s32 $0x51B0;
	s11 =	simm.s32 $0x7;
	v3 =	vld [tilespmem:s10+$0x10]  }
.LBB2_10:
0x2bd: {  	p1 =	sne.s32 s11, $0x4F  }
0x2be: {  	v7 =	vld [tilespmem:s10+$0x50];
	s13 =	sadd.s32 $0x200, s13;
	s14 =	smov.u32 s11;
	s11 =	sadd.s32 $0x4, s11  }
0x2bf: {  	v8 =	vld [tilespmem:s10+$0x60];
	_ =	sdelay $0x1  }
0x2c0: {  	v5 =	vmul.f32 v5, v2;
	v3 =	vmul.f32 v3, v2  }
0x2c1: {  	v4 =	vmul.f32 v4, v2;
	v6 =	vmul.f32 v6, v2  }
0x2c2: {  	v0 =	vmul.f32 v0, v2;
	v1 =	vmul.f32 v1, v2;
	[tilespmem:s10+$0x0] =	vst v5  }
0x2c3: {  	[tilespmem:s10+$0x20] =	vst v4;
	v4 =	vmul.f32 v7, v2;
	v2 =	vmul.f32 v8, v2  }
0x2c4: {  	[tilespmem:s10+$0x30] =	vst v6;
	v5 =	vld [tilespmem:s10+$0x80]  }
0x2c5: {  	[tilespmem:s10+$0x60] =	vst v2;
	v2 =	vmov s12;
	v6 =	vld [tilespmem:s10+$0xD0];
	s12 =	smov.u32 s14  }
0x2c6: {  	[tilespmem:s10+$0x50] =	vst v4;
	v4 =	vld [tilespmem:s10+$0xE0]  }
0x2c7: {  	[tilespmem:s10+$0x40] =	vst v0;
	v7 =	vld [tilespmem:s10+$0xB0]  }
0x2c8: {  	v0 =	vld [tilespmem:s13+$0x40];
	[tilespmem:s10+$0x70] =	vst v1  }
0x2c9: {  	v1 =	vld [tilespmem:s13+$0x70];
	[tilespmem:s10+$0x10] =	vst v3  }
0x2ca: {  	v2 =	vld.idx.msk [tilespmem:v2+s20+$0x0], $0xffff  }
0x2cb: {  	v3 =	vld [tilespmem:s10+$0x90]  }
0x2cc: {  	v8 =	vld [tilespmem:s10+$0xA0]  }
0x2cd: {  	v9 =	vld [tilespmem:s10+$0xC0]  }
0x2ce: {  	v10 =	vld [tilespmem:s10+$0xF0];
	_ =	sdelay $0x1  }
0x2cf: {  	v5 =	vmul.f32 v5, v2;
	v3 =	vmul.f32 v3, v2  }
0x2d0: {  	s14 =	sadd.s32 $0xFFFFFFFD, s12;
	v7 =	vmul.f32 v7, v2;
	v8 =	vmul.f32 v8, v2  }
0x2d1: {  	v11 =	vmov s14;
	v6 =	vmul.f32 v6, v2;
	[tilespmem:s10+$0x80] =	vst v5;
	v5 =	vmul.f32 v9, v2  }
0x2d2: {  	v9 =	vand.u32 $0xFFFFFFFC, v11;
	[tilespmem:s10+$0x90] =	vst v3;
	v3 =	vmul.f32 v4, v2;
	v2 =	vmul.f32 v10, v2  }
0x2d3: {  	v4 =	vbroadcast v9, $0x0;
	[tilespmem:s10+$0xA0] =	vst v8  }
0x2d4: {  	[tilespmem:s10+$0xD0] =	vst v6  }
0x2d5: {  	v6 =	vld [tilespmem:s13+$0xFFFFFF50];
	[tilespmem:s10+$0xB0] =	vst v7  }
0x2d6: {  	v7 =	vld [tilespmem:s13+$0xFFFFFF30];
	[tilespmem:s10+$0xC0] =	vst v5  }
0x2d7: {  	v5 =	vld [tilespmem:s13+$0xFFFFFF60];
	[tilespmem:s10+$0xE0] =	vst v3  }
0x2d8: {  	v3 =	vld [tilespmem:s13+$0xFFFFFF70];
	[tilespmem:s10+$0xF0] =	vst v2;
	s10 =	smov.u32 s13  }
0x2d9: {  	v2 =	vld.idx.msk [tilespmem:v4+s20+$0x0], $0xffff  }
0x2da: {  	v4 =	vld [tilespmem:s13+$0xFFFFFF00]  }
0x2db: {  	v8 =	vld [tilespmem:s13+$0xFFFFFF20]  }
0x2dc: {  	v9 =	vld [tilespmem:s13+$0xFFFFFF10]  }
0x2dd: {  	v10 =	vld [tilespmem:s13+$0xFFFFFF40];
	_ =	sdelay $0x1  }
0x2de: {  	v3 =	vmul.f32 v3, v2;
	v4 =	vmul.f32 v4, v2  }
0x2df: {  	s14 =	sadd.s32 $0xFFFFFFFE, s12;
	v5 =	vmul.f32 v5, v2;
	v8 =	vmul.f32 v8, v2  }
0x2e0: {  	v7 =	vmul.f32 v7, v2;
	v9 =	vmul.f32 v9, v2;
	[tilespmem:s13+$0xFFFFFF70] =	vst v3;
	v3 =	vmov s14  }
0x2e1: {  	[tilespmem:s13+$0xFFFFFF00] =	vst v4;
	v4 =	vmul.f32 v10, v2;
	v2 =	vmul.f32 v6, v2;
	v3 =	vand.u32 $0xFFFFFFFD, v3  }
0x2e2: {  	[tilespmem:s13+$0xFFFFFF20] =	vst v8;
	v3 =	vbroadcast v3, $0x0  }
0x2e3: {  	[tilespmem:s13+$0xFFFFFF30] =	vst v7  }
0x2e4: {  	[tilespmem:s13+$0xFFFFFF50] =	vst v2;
	v2 =	vld [tilespmem:s13+$0xFFFFFFF0]  }
0x2e5: {  	[tilespmem:s13+$0xFFFFFF10] =	vst v9;
	v6 =	vld [tilespmem:s13+$0xFFFFFFD0]  }
0x2e6: {  	[tilespmem:s13+$0xFFFFFF60] =	vst v5;
	v5 =	vld [tilespmem:s13+$0xFFFFFFB0]  }
0x2e7: {  	[tilespmem:s13+$0xFFFFFF40] =	vst v4;
	v4 =	vld [tilespmem:s13+$0xFFFFFF90]  }
0x2e8: {  	v3 =	vld.idx.msk [tilespmem:v3+s20+$0x0], $0xffff  }
0x2e9: {  	v7 =	vld [tilespmem:s13+$0xFFFFFF80]  }
0x2ea: {  	v8 =	vld [tilespmem:s13+$0xFFFFFFA0]  }
0x2eb: {  	v9 =	vld [tilespmem:s13+$0xFFFFFFC0]  }
0x2ec: {  	v10 =	vld [tilespmem:s13+$0xFFFFFFE0];
	_ =	sdelay $0x1  }
0x2ed: {  	v4 =	vmul.f32 v4, v3;
	v7 =	vmul.f32 v7, v3  }
0x2ee: {  	s14 =	sadd.s32 $0xFFFFFFFF, s12;
	v5 =	vmul.f32 v5, v3;
	v8 =	vmul.f32 v8, v3  }
0x2ef: {  	v6 =	vmul.f32 v6, v3;
	[tilespmem:s13+$0xFFFFFF80] =	vst v7;
	v7 =	vmul.f32 v9, v3;
	v9 =	vmov s14  }
0x2f0: {  	v2 =	vmul.f32 v2, v3;
	[tilespmem:s13+$0xFFFFFFA0] =	vst v8;
	v8 =	vmul.f32 v10, v3;
	v3 =	vand.u32 $0xFFFFFFFE, v9  }
0x2f1: {  	[tilespmem:s13+$0xFFFFFF90] =	vst v4;
	v3 =	vbroadcast v3, $0x0  }
0x2f2: {  	[tilespmem:s13+$0xFFFFFFD0] =	vst v6  }
0x2f3: {  	[tilespmem:s13+$0xFFFFFFE0] =	vst v8  }
0x2f4: {  	[tilespmem:s13+$0xFFFFFFB0] =	vst v5  }
.Ltmp4:
0x2f5: {  	[tilespmem:s13+$0xFFFFFFF0] =	vst v2;
	v4 =	vld [tilespmem:s13+$0x20];
	(pc) =	sbr.rel @p1 .LBB2_10-.Ltmp4, $4  }
0x2f6: {  	[tilespmem:s13+$0xFFFFFFC0] =	vst v7;
	v5 =	vld [tilespmem:s13+$0x0]  }
0x2f7: {  	v2 =	vld.idx.msk [tilespmem:v3+s20+$0x0], $0xffff  }
0x2f8: {  	v3 =	vld [tilespmem:s13+$0x10]  }
0x2f9: {  	v6 =	vld [tilespmem:s13+$0x30]  }
0x2fa: {  	_ =	sdelay $0x1  }
0x2fb: {  	v5 =	vmul.f32 v5, v2  }
0x2fc: {  	v7 =	vld [tilespmem:s10+$0x60];
	v4 =	vmul.f32 v4, v2  }
0x2fd: {  	v8 =	vld [tilespmem:s10+$0x50];
	v0 =	vmul.f32 v0, v2;
	[tilespmem:s10+$0x0] =	vst v5  }
0x2fe: {  	v1 =	vmul.f32 v1, v2;
	[tilespmem:s10+$0x20] =	vst v4  }
0x2ff: {  	v53 =	vmul.f32 v3, v2;
	[tilespmem:s10+$0x40] =	vst v0  }
0x300: {  	v52 =	vmov s12;
	v6 =	vmul.f32 v6, v2;
	[tilespmem:s10+$0x70] =	vst v1  }
0x301: {  	v49 =	vmul.f32 v7, v2;
	[tilespmem:s10+$0x10] =	vst v53  }
0x302: {  	v50 =	vmul.f32 v8, v2;
	[tilespmem:s10+$0x30] =	vst v6  }
0x303: {  	[tilespmem:s10+$0x60] =	vst v49  }
0x304: {  	v51 =	vld [tilespmem:s10+$0x80];
	[tilespmem:s10+$0x50] =	vst v50  }
0x305: {  	v0 =	vld.idx.msk [tilespmem:v52+s20+$0x0], $0xffff  }
0x306: {  	v54 =	vld [tilespmem:s10+$0x90]  }
0x307: {  	v55 =	vld [tilespmem:s10+$0xA0]  }
0x308: {  	v56 =	vld [tilespmem:s10+$0xD0]  }
0x309: {  	v57 =	vld [tilespmem:s10+$0xB0]  }
0x30a: {  	v58 =	vld [tilespmem:s10+$0xC0];
	v6 =	vmul.f32 v51, v0  }
0x30b: {  	v59 =	vld [tilespmem:s10+$0xE0];
	v1 =	vmul.f32 v54, v0  }
0x30c: {  	v60 =	vld [tilespmem:s10+$0xF0];
	v2 =	vmul.f32 v55, v0;
	[tilespmem:s10+$0x80] =	vst v6  }
0x30d: {  	v3 =	vmul.f32 v56, v0;
	[tilespmem:s10+$0x90] =	vst v1  }
0x30e: {  	v61 =	vmul.f32 v57, v0;
	[tilespmem:s10+$0xA0] =	vst v2  }
0x30f: {  	v62 =	vmul.f32 v58, v0;
	[tilespmem:s10+$0xD0] =	vst v3  }
0x310: {  	v63 =	vmul.f32 v59, v0;
	[tilespmem:s10+$0xB0] =	vst v61  }
0x311: {  	v0 =	vmul.f32 v60, v0;
	[tilespmem:s10+$0xC0] =	vst v62  }
0x312: {  	[tilespmem:s10+$0xE0] =	vst v63  }
0x313: {  	[tilespmem:s10+$0xF0] =	vst v0  }
0x314: {  	_ =	swait.ge [sflag:s0], $0x2800  }
0x315: {  	[sflag:s0] =	ssyncset.done $0x0  }
0x316: {  	[sflag:s0] =	ssyncadd.s32 $0xFFFFD800  }
0x317: {  	_ =	swait.ge [sflag:s0], $0x50  }
0x318: {  	[sflag:s0] =	ssyncset.done $0x0  }
0x319: {  	[sflag:s0] =	ssyncadd.s32 $0xFFFFFFB0  }
0x31a: {  	[spmem:s4] =	stream.indirect.scatter.add.f32 [tilespmem:s23], [sflag:$0x3], $0x80, s29, s22, $0xb8;
	[tilespmem:$0x1E330] =	vst v63  }
0x31b: {  	_ = 	snop  }
0x31c: {  	[spmem:s5] =	stream.indirect.scatter.add.f32 [tilespmem:s20], [sflag:$0x3], $0x1, s29, s22, $0xb8;
	[tilespmem:$0x1E330] =	vst v63  }
0x31d: {  	_ =	swait.ge [sflag:s26], $0x50  }
0x31e: {  	[sflag:s26] =	ssyncset.done $0x0  }
0x31f: {  	[sflag:s26] =	ssyncadd.s32 $0xFFFFFFB0  }
0x320: {  	_ =	swait.ge [sflag:s26], $0x50  }
0x321: {  	[sflag:s26] =	ssyncset.done $0x0  }
0x322: {  	[sflag:s26] =	ssyncadd.s32 $0xFFFFFFB0  }
0x323: {  	_ =	swait.ge [sflag:s0], $0x2800  }
0x324: {  	[sflag:s0] =	ssyncset.done $0x0  }
0x325: {  	[sflag:s0] =	ssyncadd.s32 $0xFFFFD800  }
0x326: {  	_ =	swait.ge [sflag:s0], $0x50  }
0x327: {  	[sflag:s0] =	ssyncset.done $0x0  }
0x328: {  	[sflag:s0] =	ssyncadd.s32 $0xFFFFFFB0  }
0x329: {  	[bflag:$0x0] =	sbarrier.arrive $0xFFFF  }
0x32a: {  	s11 =	sld [smem:$0x7F9]  }
0x32b: {  	s12 =	sld [smem:$0x7FC];
	_ =	sdelay $0x1  }
0x32c: {  	s10 =	simm.s32 @p0 $0x1FC4  }
0x32d: {  	[hbm:s11], [sflag:s10] =	dma.local @p0 [spmem:s12], $0x1900  }
0x32e: {  	s11 =	simm.s32 @p0 $0x4  }
0x32f: {  	_ =	swait.ge @p0 [sflag:s11], $0x1900  }
0x330: {  	s12 =	sld [smem:$0x7FA]  }
0x331: {  	s13 =	sld [smem:$0x7FD]  }
0x332: {  	[sflag:s11] =	ssyncset.done @p0 $0x0  }
0x333: {  	[sflag:s11] =	ssyncadd.s32 @p0 $0xFFFFE700  }
0x334: {  	[hbm:s12], [sflag:s10] =	dma.local @p0 [spmem:s13], $0x40  }
0x335: {  	s10 =	stileid.u32  }
0x336: {  	_ =	swait.ge @p0 [sflag:s11], $0x40;
	s10 =	sshll.u32 @!p0 s10, $0x6  }
0x337: {  	[sflag:s11] =	ssyncset.done @p0 $0x0;
	s10 =	sor.u32 @!p0 $0x1C04, s10;
	s25 =	rddreg [dreg:$0xa]  }
0x338: {  	s12 =	rddreg [dreg:$0xf];
	[sflag:s11] =	ssyncadd.s32 @p0 $0xFFFFFFC0;
	s11 =	sshrl.u32 @!p0 s25, $0x3  }
0x339: {  	[hbm:s12], [sflag:s10] =	dma.local @!p0 [spmem:s11], $0x2800  }
0x33a: {  	s11 =	simm.s32 @!p0 $0x4  }
0x33b: {  	_ =	swait.ge @!p0 [sflag:s11], $0x2800  }
0x33c: {  	[sflag:s11] =	ssyncset.done @!p0 $0x0;
	s15 =	rddreg [dreg:$0x18]  }
0x33d: {  	s13 =	rddreg [dreg:$0x10];
	[sflag:s11] =	ssyncadd.s32 @!p0 $0xFFFFD800;
	s12 =	sshrl.u32 @!p0 s15, $0x3  }
0x33e: {  	[hbm:s13], [sflag:s10] =	dma.local @!p0 [spmem:s12], $0x50  }
0x33f: {  	_ =	swait.ge @!p0 [sflag:s11], $0x50  }
0x340: {  	s14 =	sld [smem:$0x7FB];
	_ =	sdelay $0x1  }
0x341: {  	s7 =	sadd.s32 $0x1, s7  }
0x342: {  	p1 =	sne.s32 s7, s14  }
.Ltmp5:
0x343: {  	_ = 	snop;
	(pc) =	sbr.rel @p1 .LBB2_1-.Ltmp5, $3  }
0x344: {  	_ =	sdelay $0x1  }
0x345: {  	[sflag:s11] =	ssyncset.done @!p0 $0x0  }
0x346: {  	[sflag:s11] =	ssyncadd.s32 @!p0 $0xFFFFFFB0  }
0x347: {  	_ =	sfence.sel $0x180000  }
0x348: {  	[bflag:$0x0] =	sbarrier.arrive $0xFFFF  }
0x349: {  	_ =	strace $0x90000047  }
0x34a: {  	s0 =	stileid.u32;
	[bflag:$0x2] =	sbarrier.arrive $0xFFFF  }
0x34b: {  	p0 =	sne.s32 s0, $0x0;
	s0 =	rddreg [dreg:$0x6]  }
0x34c: {  	s0 =	sadd.s32 @!p0 $0x100000, s0  }
0x34d: {  	[sflag:s0] =	ssyncadd.tile.s32 @!p0 $0x1;
	_ =	shalt  }
.Lfunc_end2:
_tile_overlayer_lowered:
.L_overlay_start_2:
0x34e: {  	(tag) =	ssettag $0x2  }
0x34f: {  	s0 =	rddreg [dreg:$0x0];
	s2 =	stileid.u32  }
0x350: {  	s1 =	rddreg [dreg:$0x1];
	p0 =	sne.s32 s2, $0x0  }
0x351: {  	s3 =	rddreg [dreg:$0x2];
	[bflag:$0x3] =	sbarrier.arrive $0xFFFF;
	s2 =	simm.s32 @!p0 $0x1C04  }
0x352: {  	[timem:s3], [sflag:s2] =	dma.local @!p0 [hbm:s0], s1  }
0x353: {  	s0 =	simm.s32 @!p0 $0x4  }
0x354: {  	_ =	swait.ge @!p0 [sflag:s0], s1  }
0x355: {  	s1 =	ssub.s32 @!p0 $0x0, s1;
	[sflag:s0] =	ssyncset.done @!p0 $0x0  }
0x356: {  	[sflag:s0] =	ssyncadd.s32 @!p0 s1  }
0x357: {  	[bflag:$0x3] =	sbarrier.arrive $0xFFFF  }
0x358: {  	_ =	shalt  }

</sc_bundles>
